<compile_context>
chip_gen: v7x
topology: tpu7x:2x2x1
jax: 0.10.2.dev20260603
libtpu: 0.0.44.dev20260713+nightly
codegen_flags: <defaults>
</compile_context>

<pallas_src>
import functools

import jax
import jax.numpy as jnp
from jax import lax
from jax.experimental import pallas as pl
from jax.experimental.pallas import tpu as pltpu
from jax.experimental.pallas import tpu_sc as plsc

B = 16384
D = 200
L = 16
NC, NS = 2, 16
NW = NC * NS
RPW = B // NW
NSPLIT = 2
CPW = RPW // NSPLIT
GPC = CPW // L


def _sc_body(xt_hbm, out_hbm, buf_a, buf_b, obuf, sem_a, sem_b):
    cid = lax.axis_index("c")
    sid = lax.axis_index("s")
    wid = sid * NC + cid
    base = wid * RPW

    bufs = (buf_a, buf_b)
    cps = [
        pltpu.async_copy(
            xt_hbm.at[:, pl.ds(base + ci * CPW, CPW)], bufs[ci], (sem_a, sem_b)[ci]
        )
        for ci in range(NSPLIT)
    ]

    lane = lax.broadcasted_iota(jnp.int32, (L,), 0)
    uzero = jnp.zeros((L,), jnp.uint32)
    uone = jnp.ones((L,), jnp.uint32)

    def make_grp(buf, obuf_base):
        def grp(g, carry):
            r0 = g * L
            acc = [uzero, uzero, uzero, uzero]
            for c in range(D):
                v = plsc.bitcast(buf[c, pl.ds(r0, L)], jnp.uint32)
                acc[c % 4] = acc[c % 4] + jnp.minimum(v << 1, uone)
            cnt = plsc.bitcast((acc[0] + acc[1]) + (acc[2] + acc[3]), jnp.int32)
            idx_c = jnp.maximum(cnt - 1, 0)
            obuf[pl.ds(obuf_base + r0, L)] = plsc.load_gather(
                buf, [idx_c, r0 + lane]
            )
            return carry

        return grp

    for ci in range(NSPLIT):
        cps[ci].wait()
        lax.fori_loop(0, GPC, make_grp(bufs[ci], ci * CPW), 0)

    pltpu.sync_copy(obuf, out_hbm.at[pl.ds(base, RPW)])


@jax.jit
def kernel(x):
    mesh = plsc.VectorSubcoreMesh(core_axis_name="c", subcore_axis_name="s")
    f = functools.partial(
        pl.kernel,
        out_type=jax.ShapeDtypeStruct((B,), jnp.float32),
        mesh=mesh,
        scratch_types=[
            pltpu.VMEM((D, CPW), jnp.float32),
            pltpu.VMEM((D, CPW), jnp.float32),
            pltpu.VMEM((RPW,), jnp.float32),
            pltpu.SemaphoreType.DMA,
            pltpu.SemaphoreType.DMA,
        ],
        compiler_params=pltpu.CompilerParams(needs_layout_passes=False),
    )(_sc_body)
    return f(x.T)

# --- scband reference (transcript-rebuilt; emitter-appended) ---
"""Pipeline reference for scband-wrapper-pick-last-non-zeros-3762391351836 (READ-ONLY COPY).

The authoritative reference and input builder live on the scoring server;
editing this copy changes nothing except your own understanding.
"""

import jax, jax.numpy as jnp
import numpy as np

PAD_IDX = 0

def setup_inputs(seed: int = 0) -> dict:
    key = jax.random.key(seed)
    x = jax.random.normal(key, (16384, 200), dtype=jnp.float32)
    return {"x": x}

def reference(x):
    # lengths = number of non-pad elements per row
    lengths = jnp.sum((x != PAD_IDX).astype(jnp.int32), axis=1)
    last_indices = (lengths - 1).astype(jnp.int32)
    batch_size = x.shape[0]
    out = x[jnp.arange(batch_size), last_indices]
    return out

if __name__ == "__main__":
    import jax
    _d = setup_inputs()
    print(jax.jit(kernel)(*tuple(_d.values())))

</pallas_src>

<mosaic_0001>
#map = affine_map<(d0, d1) -> (0, 0)>
#map1 = affine_map<(d0, d1) -> (0)>
module attributes {stable_mosaic.version = 14 : i64} {
  func.func @_sc_body(%arg0: i32, %arg1: i32, %arg2: memref<200x16384xf32, #tpu.memory_space<hbm>>, %arg3: memref<16384xf32, #tpu.memory_space<hbm>>, %arg4: memref<200x256xf32, #tpu.memory_space<vmem>>, %arg5: memref<200x256xf32, #tpu.memory_space<vmem>>, %arg6: memref<512xf32, #tpu.memory_space<vmem>>, %arg7: memref<!tpu.dma_semaphore, #tpu.memory_space<semaphore_mem>>, %arg8: memref<!tpu.dma_semaphore, #tpu.memory_space<semaphore_mem>>) attributes {dimension_semantics = [#tpu.dimension_semantics<core_parallel>, #tpu.dimension_semantics<subcore_parallel>], iteration_bounds = array<i64: 2, 16>, scalar_prefetch = 0 : i64, scratch_operands = 5 : i64, tpu.core_type = #tpu.core_type<sc_vector_subcore>, window_params = [{transform_indices = #map}, {transform_indices = #map1}]} {
    %mul3A = arith.constant 2 : i32
    %mul3A_0 = arith.muli %arg1, %mul3A : i32
    %add3A = arith.addi %mul3A_0, %arg0 : i32
    %mul3A_1 = arith.constant 512 : i32
    %mul3A_2 = arith.muli %add3A, %mul3A_1 : i32
    %add3A_3 = arith.constant 0 : i32
    %add3A_4 = arith.addi %mul3A_2, %add3A_3 : i32
    %dma_start3A = arith.constant 0 : i32
    %dma_start3A_5 = tpu.memref_slice %arg2[%dma_start3A, %add3A_4] : memref<200x16384xf32, #tpu.memory_space<hbm>> -> memref<200x256xf32, #tpu.memory_space<hbm>>
    %dma_start3A_6 = arith.constant 0 : i32
    %dma_start3A_7 = tpu.memref_slice %arg2[%dma_start3A_6, %add3A_4] : memref<200x16384xf32, #tpu.memory_space<hbm>> -> memref<200x256xf32, #tpu.memory_space<hbm>>
    tpu.enqueue_dma source(%dma_start3A_7 : memref<200x256xf32, #tpu.memory_space<hbm>>) target(%arg4 : memref<200x256xf32, #tpu.memory_space<vmem>>) target_semaphore(%arg7 : memref<!tpu.dma_semaphore, #tpu.memory_space<semaphore_mem>>)
    %add3A_8 = arith.constant 256 : i32
    %add3A_9 = arith.addi %mul3A_2, %add3A_8 : i32
    %dma_start3A_10 = arith.constant 0 : i32
    %dma_start3A_11 = tpu.memref_slice %arg2[%dma_start3A_10, %add3A_9] : memref<200x16384xf32, #tpu.memory_space<hbm>> -> memref<200x256xf32, #tpu.memory_space<hbm>>
    %dma_start3A_12 = arith.constant 0 : i32
    %dma_start3A_13 = tpu.memref_slice %arg2[%dma_start3A_12, %add3A_9] : memref<200x16384xf32, #tpu.memory_space<hbm>> -> memref<200x256xf32, #tpu.memory_space<hbm>>
    tpu.enqueue_dma source(%dma_start3A_13 : memref<200x256xf32, #tpu.memory_space<hbm>>) target(%arg5 : memref<200x256xf32, #tpu.memory_space<vmem>>) target_semaphore(%arg8 : memref<!tpu.dma_semaphore, #tpu.memory_space<semaphore_mem>>)
    %iota3A = tpu.iota {dimensions = array<i32: 0>} : vector<16xi32>
    %broadcast_in_dim3A = arith.constant 0 : i32
    %broadcast_in_dim3A_14 = vector.broadcast %broadcast_in_dim3A : i32 to vector<16xi32>
    %broadcast_in_dim3A_15 = arith.constant 1 : i32
    %broadcast_in_dim3A_16 = vector.broadcast %broadcast_in_dim3A_15 : i32 to vector<16xi32>
    %dma_wait3A = arith.constant 0 : i32
    %dma_wait3A_17 = tpu.memref_slice %arg2[%dma_wait3A, %add3A_4] : memref<200x16384xf32, #tpu.memory_space<hbm>> -> memref<200x256xf32, #tpu.memory_space<hbm>>
    %dma_wait3A_18 = arith.constant 0 : i32
    %dma_wait3A_19 = tpu.memref_slice %arg2[%dma_wait3A_18, %add3A_4] : memref<200x16384xf32, #tpu.memory_space<hbm>> -> memref<200x256xf32, #tpu.memory_space<hbm>>
    tpu.wait_dma2 semaphore(%arg7 : memref<!tpu.dma_semaphore, #tpu.memory_space<semaphore_mem>>) src(%dma_wait3A_19 : memref<200x256xf32, #tpu.memory_space<hbm>>) dst(%arg4 : memref<200x256xf32, #tpu.memory_space<vmem>>)
    %scan3A = arith.constant 0 : i32
    %scan3A_20 = arith.constant 0 : i32
    %scan3A_21 = arith.constant 16 : i32
    %scan3A_22 = arith.addi %scan3A_20, %scan3A_21 : i32
    %scan3A_23 = arith.constant 1 : i32
    scf.for %scan3A_35 = %scan3A_20 to %scan3A_22 step %scan3A_23  : i32 {
      %mul3A_36 = arith.constant 16 : i32
      %mul3A_37 = arith.muli %scan3A_35, %mul3A_36 : i32
      %get3A = arith.constant 0 : i32
      %get3A_38 = arith.index_cast %get3A : i32 to index
      %get3A_39 = arith.index_cast %mul3A_37 : i32 to index
      %get3A_40 = tpu.vector_load %arg4[%get3A_38, %get3A_39] {strides = array<i32>} : memref<200x256xf32, #tpu.memory_space<vmem>>, vector<16xf32>,
      %bitcast3A = vector.bitcast %get3A_40 : vector<16xf32> to vector<16xi32>
      %shift_left3A = arith.constant 1 : i32
      %shift_left3A_41 = vector.broadcast %shift_left3A : i32 to vector<16xi32>
      %shift_left3A_42 = arith.shli %bitcast3A, %shift_left3A_41 : vector<16xi32>
      %min3A = arith.minui %shift_left3A_42, %broadcast_in_dim3A_16 : vector<16xi32>
      %add3A_43 = arith.addi %broadcast_in_dim3A_14, %min3A : vector<16xi32>
      %get3A_44 = arith.constant 1 : i32
      %get3A_45 = arith.index_cast %get3A_44 : i32 to index
      %get3A_46 = arith.index_cast %mul3A_37 : i32 to index
      %get3A_47 = tpu.vector_load %arg4[%get3A_45, %get3A_46] {strides = array<i32>} : memref<200x256xf32, #tpu.memory_space<vmem>>, vector<16xf32>,
      %bitcast3A_48 = vector.bitcast %get3A_47 : vector<16xf32> to vector<16xi32>
      %shift_left3A_49 = arith.constant 1 : i32
      %shift_left3A_50 = vector.broadcast %shift_left3A_49 : i32 to vector<16xi32>
      %shift_left3A_51 = arith.shli %bitcast3A_48, %shift_left3A_50 : vector<16xi32>
      %min3A_52 = arith.minui %shift_left3A_51, %broadcast_in_dim3A_16 : vector<16xi32>
      %add3A_53 = arith.addi %broadcast_in_dim3A_14, %min3A_52 : vector<16xi32>
      %get3A_54 = arith.constant 2 : i32
      %get3A_55 = arith.index_cast %get3A_54 : i32 to index
      %get3A_56 = arith.index_cast %mul3A_37 : i32 to index
      %get3A_57 = tpu.vector_load %arg4[%get3A_55, %get3A_56] {strides = array<i32>} : memref<200x256xf32, #tpu.memory_space<vmem>>, vector<16xf32>,
      %bitcast3A_58 = vector.bitcast %get3A_57 : vector<16xf32> to vector<16xi32>
      %shift_left3A_59 = arith.constant 1 : i32
      %shift_left3A_60 = vector.broadcast %shift_left3A_59 : i32 to vector<16xi32>
      %shift_left3A_61 = arith.shli %bitcast3A_58, %shift_left3A_60 : vector<16xi32>
      %min3A_62 = arith.minui %shift_left3A_61, %broadcast_in_dim3A_16 : vector<16xi32>
      %add3A_63 = arith.addi %broadcast_in_dim3A_14, %min3A_62 : vector<16xi32>
      %get3A_64 = arith.constant 3 : i32
      %get3A_65 = arith.index_cast %get3A_64 : i32 to index
      %get3A_66 = arith.index_cast %mul3A_37 : i32 to index
      %get3A_67 = tpu.vector_load %arg4[%get3A_65, %get3A_66] {strides = array<i32>} : memref<200x256xf32, #tpu.memory_space<vmem>>, vector<16xf32>,
      %bitcast3A_68 = vector.bitcast %get3A_67 : vector<16xf32> to vector<16xi32>
      %shift_left3A_69 = arith.constant 1 : i32
      %shift_left3A_70 = vector.broadcast %shift_left3A_69 : i32 to vector<16xi32>
      %shift_left3A_71 = arith.shli %bitcast3A_68, %shift_left3A_70 : vector<16xi32>
      %min3A_72 = arith.minui %shift_left3A_71, %broadcast_in_dim3A_16 : vector<16xi32>
      %add3A_73 = arith.addi %broadcast_in_dim3A_14, %min3A_72 : vector<16xi32>
      %get3A_74 = arith.constant 4 : i32
      %get3A_75 = arith.index_cast %get3A_74 : i32 to index
      %get3A_76 = arith.index_cast %mul3A_37 : i32 to index
      %get3A_77 = tpu.vector_load %arg4[%get3A_75, %get3A_76] {strides = array<i32>} : memref<200x256xf32, #tpu.memory_space<vmem>>, vector<16xf32>,
      %bitcast3A_78 = vector.bitcast %get3A_77 : vector<16xf32> to vector<16xi32>
      %shift_left3A_79 = arith.constant 1 : i32
      %shift_left3A_80 = vector.broadcast %shift_left3A_79 : i32 to vector<16xi32>
      %shift_left3A_81 = arith.shli %bitcast3A_78, %shift_left3A_80 : vector<16xi32>
      %min3A_82 = arith.minui %shift_left3A_81, %broadcast_in_dim3A_16 : vector<16xi32>
      %add3A_83 = arith.addi %add3A_43, %min3A_82 : vector<16xi32>
      %get3A_84 = arith.constant 5 : i32
      %get3A_85 = arith.index_cast %get3A_84 : i32 to index
      %get3A_86 = arith.index_cast %mul3A_37 : i32 to index
      %get3A_87 = tpu.vector_load %arg4[%get3A_85, %get3A_86] {strides = array<i32>} : memref<200x256xf32, #tpu.memory_space<vmem>>, vector<16xf32>,
      %bitcast3A_88 = vector.bitcast %get3A_87 : vector<16xf32> to vector<16xi32>
      %shift_left3A_89 = arith.constant 1 : i32
      %shift_left3A_90 = vector.broadcast %shift_left3A_89 : i32 to vector<16xi32>
      %shift_left3A_91 = arith.shli %bitcast3A_88, %shift_left3A_90 : vector<16xi32>
      %min3A_92 = arith.minui %shift_left3A_91, %broadcast_in_dim3A_16 : vector<16xi32>
      %add3A_93 = arith.addi %add3A_53, %min3A_92 : vector<16xi32>
      %get3A_94 = arith.constant 6 : i32
      %get3A_95 = arith.index_cast %get3A_94 : i32 to index
      %get3A_96 = arith.index_cast %mul3A_37 : i32 to index
      %get3A_97 = tpu.vector_load %arg4[%get3A_95, %get3A_96] {strides = array<i32>} : memref<200x256xf32, #tpu.memory_space<vmem>>, vector<16xf32>,
      %bitcast3A_98 = vector.bitcast %get3A_97 : vector<16xf32> to vector<16xi32>
      %shift_left3A_99 = arith.constant 1 : i32
      %shift_left3A_100 = vector.broadcast %shift_left3A_99 : i32 to vector<16xi32>
      %shift_left3A_101 = arith.shli %bitcast3A_98, %shift_left3A_100 : vector<16xi32>
      %min3A_102 = arith.minui %shift_left3A_101, %broadcast_in_dim3A_16 : vector<16xi32>
      %add3A_103 = arith.addi %add3A_63, %min3A_102 : vector<16xi32>
      %get3A_104 = arith.constant 7 : i32
      %get3A_105 = arith.index_cast %get3A_104 : i32 to index
      %get3A_106 = arith.index_cast %mul3A_37 : i32 to index
      %get3A_107 = tpu.vector_load %arg4[%get3A_105, %get3A_106] {strides = array<i32>} : memref<200x256xf32, #tpu.memory_space<vmem>>, vector<16xf32>,
      %bitcast3A_108 = vector.bitcast %get3A_107 : vector<16xf32> to vector<16xi32>
      %shift_left3A_109 = arith.constant 1 : i32
      %shift_left3A_110 = vector.broadcast %shift_left3A_109 : i32 to vector<16xi32>
      %shift_left3A_111 = arith.shli %bitcast3A_108, %shift_left3A_110 : vector<16xi32>
      %min3A_112 = arith.minui %shift_left3A_111, %broadcast_in_dim3A_16 : vector<16xi32>
      %add3A_113 = arith.addi %add3A_73, %min3A_112 : vector<16xi32>
      %get3A_114 = arith.constant 8 : i32
      %get3A_115 = arith.index_cast %get3A_114 : i32 to index
      %get3A_116 = arith.index_cast %mul3A_37 : i32 to index
      %get3A_117 = tpu.vector_load %arg4[%get3A_115, %get3A_116] {strides = array<i32>} : memref<200x256xf32, #tpu.memory_space<vmem>>, vector<16xf32>,
      %bitcast3A_118 = vector.bitcast %get3A_117 : vector<16xf32> to vector<16xi32>
      %shift_left3A_119 = arith.constant 1 : i32
      %shift_left3A_120 = vector.broadcast %shift_left3A_119 : i32 to vector<16xi32>
      %shift_left3A_121 = arith.shli %bitcast3A_118, %shift_left3A_120 : vector<16xi32>
      %min3A_122 = arith.minui %shift_left3A_121, %broadcast_in_dim3A_16 : vector<16xi32>
      %add3A_123 = arith.addi %add3A_83, %min3A_122 : vector<16xi32>
      %get3A_124 = arith.constant 9 : i32
      %get3A_125 = arith.index_cast %get3A_124 : i32 to index
      %get3A_126 = arith.index_cast %mul3A_37 : i32 to index
      %get3A_127 = tpu.vector_load %arg4[%get3A_125, %get3A_126] {strides = array<i32>} : memref<200x256xf32, #tpu.memory_space<vmem>>, vector<16xf32>,
      %bitcast3A_128 = vector.bitcast %get3A_127 : vector<16xf32> to vector<16xi32>
      %shift_left3A_129 = arith.constant 1 : i32
      %shift_left3A_130 = vector.broadcast %shift_left3A_129 : i32 to vector<16xi32>
      %shift_left3A_131 = arith.shli %bitcast3A_128, %shift_left3A_130 : vector<16xi32>
      %min3A_132 = arith.minui %shift_left3A_131, %broadcast_in_dim3A_16 : vector<16xi32>
      %add3A_133 = arith.addi %add3A_93, %min3A_132 : vector<16xi32>
      %get3A_134 = arith.constant 10 : i32
      %get3A_135 = arith.index_cast %get3A_134 : i32 to index
      %get3A_136 = arith.index_cast %mul3A_37 : i32 to index
      %get3A_137 = tpu.vector_load %arg4[%get3A_135, %get3A_136] {strides = array<i32>} : memref<200x256xf32, #tpu.memory_space<vmem>>, vector<16xf32>,
      %bitcast3A_138 = vector.bitcast %get3A_137 : vector<16xf32> to vector<16xi32>
      %shift_left3A_139 = arith.constant 1 : i32
      %shift_left3A_140 = vector.broadcast %shift_left3A_139 : i32 to vector<16xi32>
      %shift_left3A_141 = arith.shli %bitcast3A_138, %shift_left3A_140 : vector<16xi32>
      %min3A_142 = arith.minui %shift_left3A_141, %broadcast_in_dim3A_16 : vector<16xi32>
      %add3A_143 = arith.addi %add3A_103, %min3A_142 : vector<16xi32>
      %get3A_144 = arith.constant 11 : i32
      %get3A_145 = arith.index_cast %get3A_144 : i32 to index
      %get3A_146 = arith.index_cast %mul3A_37 : i32 to index
      %get3A_147 = tpu.vector_load %arg4[%get3A_145, %get3A_146] {strides = array<i32>} : memref<200x256xf32, #tpu.memory_space<vmem>>, vector<16xf32>,
      %bitcast3A_148 = vector.bitcast %get3A_147 : vector<16xf32> to vector<16xi32>
      %shift_left3A_149 = arith.constant 1 : i32
      %shift_left3A_150 = vector.broadcast %shift_left3A_149 : i32 to vector<16xi32>
      %shift_left3A_151 = arith.shli %bitcast3A_148, %shift_left3A_150 : vector<16xi32>
      %min3A_152 = arith.minui %shift_left3A_151, %broadcast_in_dim3A_16 : vector<16xi32>
      %add3A_153 = arith.addi %add3A_113, %min3A_152 : vector<16xi32>
      %get3A_154 = arith.constant 12 : i32
      %get3A_155 = arith.index_cast %get3A_154 : i32 to index
      %get3A_156 = arith.index_cast %mul3A_37 : i32 to index
      %get3A_157 = tpu.vector_load %arg4[%get3A_155, %get3A_156] {strides = array<i32>} : memref<200x256xf32, #tpu.memory_space<vmem>>, vector<16xf32>,
      %bitcast3A_158 = vector.bitcast %get3A_157 : vector<16xf32> to vector<16xi32>
      %shift_left3A_159 = arith.constant 1 : i32
      %shift_left3A_160 = vector.broadcast %shift_left3A_159 : i32 to vector<16xi32>
      %shift_left3A_161 = arith.shli %bitcast3A_158, %shift_left3A_160 : vector<16xi32>
      %min3A_162 = arith.minui %shift_left3A_161, %broadcast_in_dim3A_16 : vector<16xi32>
      %add3A_163 = arith.addi %add3A_123, %min3A_162 : vector<16xi32>
      %get3A_164 = arith.constant 13 : i32
      %get3A_165 = arith.index_cast %get3A_164 : i32 to index
      %get3A_166 = arith.index_cast %mul3A_37 : i32 to index
      %get3A_167 = tpu.vector_load %arg4[%get3A_165, %get3A_166] {strides = array<i32>} : memref<200x256xf32, #tpu.memory_space<vmem>>, vector<16xf32>,
      %bitcast3A_168 = vector.bitcast %get3A_167 : vector<16xf32> to vector<16xi32>
      %shift_left3A_169 = arith.constant 1 : i32
      %shift_left3A_170 = vector.broadcast %shift_left3A_169 : i32 to vector<16xi32>
      %shift_left3A_171 = arith.shli %bitcast3A_168, %shift_left3A_170 : vector<16xi32>
      %min3A_172 = arith.minui %shift_left3A_171, %broadcast_in_dim3A_16 : vector<16xi32>
      %add3A_173 = arith.addi %add3A_133, %min3A_172 : vector<16xi32>
      %get3A_174 = arith.constant 14 : i32
      %get3A_175 = arith.index_cast %get3A_174 : i32 to index
      %get3A_176 = arith.index_cast %mul3A_37 : i32 to index
      %get3A_177 = tpu.vector_load %arg4[%get3A_175, %get3A_176] {strides = array<i32>} : memref<200x256xf32, #tpu.memory_space<vmem>>, vector<16xf32>,
      %bitcast3A_178 = vector.bitcast %get3A_177 : vector<16xf32> to vector<16xi32>
      %shift_left3A_179 = arith.constant 1 : i32
      %shift_left3A_180 = vector.broadcast %shift_left3A_179 : i32 to vector<16xi32>
      %shift_left3A_181 = arith.shli %bitcast3A_178, %shift_left3A_180 : vector<16xi32>
      %min3A_182 = arith.minui %shift_left3A_181, %broadcast_in_dim3A_16 : vector<16xi32>
      %add3A_183 = arith.addi %add3A_143, %min3A_182 : vector<16xi32>
      %get3A_184 = arith.constant 15 : i32
      %get3A_185 = arith.index_cast %get3A_184 : i32 to index
      %get3A_186 = arith.index_cast %mul3A_37 : i32 to index
      %get3A_187 = tpu.vector_load %arg4[%get3A_185, %get3A_186] {strides = array<i32>} : memref<200x256xf32, #tpu.memory_space<vmem>>, vector<16xf32>,
      %bitcast3A_188 = vector.bitcast %get3A_187 : vector<16xf32> to vector<16xi32>
      %shift_left3A_189 = arith.constant 1 : i32
      %shift_left3A_190 = vector.broadcast %shift_left3A_189 : i32 to vector<16xi32>
      %shift_left3A_191 = arith.shli %bitcast3A_188, %shift_left3A_190 : vector<16xi32>
      %min3A_192 = arith.minui %shift_left3A_191, %broadcast_in_dim3A_16 : vector<16xi32>
      %add3A_193 = arith.addi %add3A_153, %min3A_192 : vector<16xi32>
      %get3A_194 = arith.constant 16 : i32
      %get3A_195 = arith.index_cast %get3A_194 : i32 to index
      %get3A_196 = arith.index_cast %mul3A_37 : i32 to index
      %get3A_197 = tpu.vector_load %arg4[%get3A_195, %get3A_196] {strides = array<i32>} : memref<200x256xf32, #tpu.memory_space<vmem>>, vector<16xf32>,
      %bitcast3A_198 = vector.bitcast %get3A_197 : vector<16xf32> to vector<16xi32>
      %shift_left3A_199 = arith.constant 1 : i32
      %shift_left3A_200 = vector.broadcast %shift_left3A_199 : i32 to vector<16xi32>
      %shift_left3A_201 = arith.shli %bitcast3A_198, %shift_left3A_200 : vector<16xi32>
      %min3A_202 = arith.minui %shift_left3A_201, %broadcast_in_dim3A_16 : vector<16xi32>
      %add3A_203 = arith.addi %add3A_163, %min3A_202 : vector<16xi32>
      %get3A_204 = arith.constant 17 : i32
      %get3A_205 = arith.index_cast %get3A_204 : i32 to index
      %get3A_206 = arith.index_cast %mul3A_37 : i32 to index
      %get3A_207 = tpu.vector_load %arg4[%get3A_205, %get3A_206] {strides = array<i32>} : memref<200x256xf32, #tpu.memory_space<vmem>>, vector<16xf32>,
      %bitcast3A_208 = vector.bitcast %get3A_207 : vector<16xf32> to vector<16xi32>
      %shift_left3A_209 = arith.constant 1 : i32
      %shift_left3A_210 = vector.broadcast %shift_left3A_209 : i32 to vector<16xi32>
      %shift_left3A_211 = arith.shli %bitcast3A_208, %shift_left3A_210 : vector<16xi32>
      %min3A_212 = arith.minui %shift_left3A_211, %broadcast_in_dim3A_16 : vector<16xi32>
      %add3A_213 = arith.addi %add3A_173, %min3A_212 : vector<16xi32>
      %get3A_214 = arith.constant 18 : i32
      %get3A_215 = arith.index_cast %get3A_214 : i32 to index
      %get3A_216 = arith.index_cast %mul3A_37 : i32 to index
      %get3A_217 = tpu.vector_load %arg4[%get3A_215, %get3A_216] {strides = array<i32>} : memref<200x256xf32, #tpu.memory_space<vmem>>, vector<16xf32>,
      %bitcast3A_218 = vector.bitcast %get3A_217 : vector<16xf32> to vector<16xi32>
      %shift_left3A_219 = arith.constant 1 : i32
      %shift_left3A_220 = vector.broadcast %shift_left3A_219 : i32 to vector<16xi32>
      %shift_left3A_221 = arith.shli %bitcast3A_218, %shift_left3A_220 : vector<16xi32>
      %min3A_222 = arith.minui %shift_left3A_221, %broadcast_in_dim3A_16 : vector<16xi32>
      %add3A_223 = arith.addi %add3A_183, %min3A_222 : vector<16xi32>
      %get3A_224 = arith.constant 19 : i32
      %get3A_225 = arith.index_cast %get3A_224 : i32 to index
      %get3A_226 = arith.index_cast %mul3A_37 : i32 to index
      %get3A_227 = tpu.vector_load %arg4[%get3A_225, %get3A_226] {strides = array<i32>} : memref<200x256xf32, #tpu.memory_space<vmem>>, vector<16xf32>,
      %bitcast3A_228 = vector.bitcast %get3A_227 : vector<16xf32> to vector<16xi32>
      %shift_left3A_229 = arith.constant 1 : i32
      %shift_left3A_230 = vector.broadcast %shift_left3A_229 : i32 to vector<16xi32>
      %shift_left3A_231 = arith.shli %bitcast3A_228, %shift_left3A_230 : vector<16xi32>
      %min3A_232 = arith.minui %shift_left3A_231, %broadcast_in_dim3A_16 : vector<16xi32>
      %add3A_233 = arith.addi %add3A_193, %min3A_232 : vector<16xi32>
      %get3A_234 = arith.constant 20 : i32
      %get3A_235 = arith.index_cast %get3A_234 : i32 to index
      %get3A_236 = arith.index_cast %mul3A_37 : i32 to index
      %get3A_237 = tpu.vector_load %arg4[%get3A_235, %get3A_236] {strides = array<i32>} : memref<200x256xf32, #tpu.memory_space<vmem>>, vector<16xf32>,
      %bitcast3A_238 = vector.bitcast %get3A_237 : vector<16xf32> to vector<16xi32>
      %shift_left3A_239 = arith.constant 1 : i32
      %shift_left3A_240 = vector.broadcast %shift_left3A_239 : i32 to vector<16xi32>
      %shift_left3A_241 = arith.shli %bitcast3A_238, %shift_left3A_240 : vector<16xi32>
      %min3A_242 = arith.minui %shift_left3A_241, %broadcast_in_dim3A_16 : vector<16xi32>
      %add3A_243 = arith.addi %add3A_203, %min3A_242 : vector<16xi32>
      %get3A_244 = arith.constant 21 : i32
      %get3A_245 = arith.index_cast %get3A_244 : i32 to index
      %get3A_246 = arith.index_cast %mul3A_37 : i32 to index
      %get3A_247 = tpu.vector_load %arg4[%get3A_245, %get3A_246] {strides = array<i32>} : memref<200x256xf32, #tpu.memory_space<vmem>>, vector<16xf32>,
      %bitcast3A_248 = vector.bitcast %get3A_247 : vector<16xf32> to vector<16xi32>
      %shift_left3A_249 = arith.constant 1 : i32
      %shift_left3A_250 = vector.broadcast %shift_left3A_249 : i32 to vector<16xi32>
      %shift_left3A_251 = arith.shli %bitcast3A_248, %shift_left3A_250 : vector<16xi32>
      %min3A_252 = arith.minui %shift_left3A_251, %broadcast_in_dim3A_16 : vector<16xi32>
      %add3A_253 = arith.addi %add3A_213, %min3A_252 : vector<16xi32>
      %get3A_254 = arith.constant 22 : i32
      %get3A_255 = arith.index_cast %get3A_254 : i32 to index
      %get3A_256 = arith.index_cast %mul3A_37 : i32 to index
      %get3A_257 = tpu.vector_load %arg4[%get3A_255, %get3A_256] {strides = array<i32>} : memref<200x256xf32, #tpu.memory_space<vmem>>, vector<16xf32>,
      %bitcast3A_258 = vector.bitcast %get3A_257 : vector<16xf32> to vector<16xi32>
      %shift_left3A_259 = arith.constant 1 : i32
      %shift_left3A_260 = vector.broadcast %shift_left3A_259 : i32 to vector<16xi32>
      %shift_left3A_261 = arith.shli %bitcast3A_258, %shift_left3A_260 : vector<16xi32>
      %min3A_262 = arith.minui %shift_left3A_261, %broadcast_in_dim3A_16 : vector<16xi32>
      %add3A_263 = arith.addi %add3A_223, %min3A_262 : vector<16xi32>
      %get3A_264 = arith.constant 23 : i32
      %get3A_265 = arith.index_cast %get3A_264 : i32 to index
      %get3A_266 = arith.index_cast %mul3A_37 : i32 to index
      %get3A_267 = tpu.vector_load %arg4[%get3A_265, %get3A_266] {strides = array<i32>} : memref<200x256xf32, #tpu.memory_space<vmem>>, vector<16xf32>,
      %bitcast3A_268 = vector.bitcast %get3A_267 : vector<16xf32> to vector<16xi32>
      %shift_left3A_269 = arith.constant 1 : i32
      %shift_left3A_270 = vector.broadcast %shift_left3A_269 : i32 to vector<16xi32>
      %shift_left3A_271 = arith.shli %bitcast3A_268, %shift_left3A_270 : vector<16xi32>
      %min3A_272 = arith.minui %shift_left3A_271, %broadcast_in_dim3A_16 : vector<16xi32>
      %add3A_273 = arith.addi %add3A_233, %min3A_272 : vector<16xi32>
      %get3A_274 = arith.constant 24 : i32
      %get3A_275 = arith.index_cast %get3A_274 : i32 to index
      %get3A_276 = arith.index_cast %mul3A_37 : i32 to index
      %get3A_277 = tpu.vector_load %arg4[%get3A_275, %get3A_276] {strides = array<i32>} : memref<200x256xf32, #tpu.memory_space<vmem>>, vector<16xf32>,
      %bitcast3A_278 = vector.bitcast %get3A_277 : vector<16xf32> to vector<16xi32>
      %shift_left3A_279 = arith.constant 1 : i32
      %shift_left3A_280 = vector.broadcast %shift_left3A_279 : i32 to vector<16xi32>
      %shift_left3A_281 = arith.shli %bitcast3A_278, %shift_left3A_280 : vector<16xi32>
      %min3A_282 = arith.minui %shift_left3A_281, %broadcast_in_dim3A_16 : vector<16xi32>
      %add3A_283 = arith.addi %add3A_243, %min3A_282 : vector<16xi32>
      %get3A_284 = arith.constant 25 : i32
      %get3A_285 = arith.index_cast %get3A_284 : i32 to index
      %get3A_286 = arith.index_cast %mul3A_37 : i32 to index
      %get3A_287 = tpu.vector_load %arg4[%get3A_285, %get3A_286] {strides = array<i32>} : memref<200x256xf32, #tpu.memory_space<vmem>>, vector<16xf32>,
      %bitcast3A_288 = vector.bitcast %get3A_287 : vector<16xf32> to vector<16xi32>
      %shift_left3A_289 = arith.constant 1 : i32
      %shift_left3A_290 = vector.broadcast %shift_left3A_289 : i32 to vector<16xi32>
      %shift_left3A_291 = arith.shli %bitcast3A_288, %shift_left3A_290 : vector<16xi32>
      %min3A_292 = arith.minui %shift_left3A_291, %broadcast_in_dim3A_16 : vector<16xi32>
      %add3A_293 = arith.addi %add3A_253, %min3A_292 : vector<16xi32>
      %get3A_294 = arith.constant 26 : i32
      %get3A_295 = arith.index_cast %get3A_294 : i32 to index
      %get3A_296 = arith.index_cast %mul3A_37 : i32 to index
      %get3A_297 = tpu.vector_load %arg4[%get3A_295, %get3A_296] {strides = array<i32>} : memref<200x256xf32, #tpu.memory_space<vmem>>, vector<16xf32>,
      %bitcast3A_298 = vector.bitcast %get3A_297 : vector<16xf32> to vector<16xi32>
      %shift_left3A_299 = arith.constant 1 : i32
      %shift_left3A_300 = vector.broadcast %shift_left3A_299 : i32 to vector<16xi32>
      %shift_left3A_301 = arith.shli %bitcast3A_298, %shift_left3A_300 : vector<16xi32>
      %min3A_302 = arith.minui %shift_left3A_301, %broadcast_in_dim3A_16 : vector<16xi32>
      %add3A_303 = arith.addi %add3A_263, %min3A_302 : vector<16xi32>
      %get3A_304 = arith.constant 27 : i32
      %get3A_305 = arith.index_cast %get3A_304 : i32 to index
      %get3A_306 = arith.index_cast %mul3A_37 : i32 to index
      %get3A_307 = tpu.vector_load %arg4[%get3A_305, %get3A_306] {strides = array<i32>} : memref<200x256xf32, #tpu.memory_space<vmem>>, vector<16xf32>,
      %bitcast3A_308 = vector.bitcast %get3A_307 : vector<16xf32> to vector<16xi32>
      %shift_left3A_309 = arith.constant 1 : i32
      %shift_left3A_310 = vector.broadcast %shift_left3A_309 : i32 to vector<16xi32>
      %shift_left3A_311 = arith.shli %bitcast3A_308, %shift_left3A_310 : vector<16xi32>
      %min3A_312 = arith.minui %shift_left3A_311, %broadcast_in_dim3A_16 : vector<16xi32>
      %add3A_313 = arith.addi %add3A_273, %min3A_312 : vector<16xi32>
      %get3A_314 = arith.constant 28 : i32
      %get3A_315 = arith.index_cast %get3A_314 : i32 to index
      %get3A_316 = arith.index_cast %mul3A_37 : i32 to index
      %get3A_317 = tpu.vector_load %arg4[%get3A_315, %get3A_316] {strides = array<i32>} : memref<200x256xf32, #tpu.memory_space<vmem>>, vector<16xf32>,
      %bitcast3A_318 = vector.bitcast %get3A_317 : vector<16xf32> to vector<16xi32>
      %shift_left3A_319 = arith.constant 1 : i32
      %shift_left3A_320 = vector.broadcast %shift_left3A_319 : i32 to vector<16xi32>
      %shift_left3A_321 = arith.shli %bitcast3A_318, %shift_left3A_320 : vector<16xi32>
      %min3A_322 = arith.minui %shift_left3A_321, %broadcast_in_dim3A_16 : vector<16xi32>
      %add3A_323 = arith.addi %add3A_283, %min3A_322 : vector<16xi32>
      %get3A_324 = arith.constant 29 : i32
      %get3A_325 = arith.index_cast %get3A_324 : i32 to index
      %get3A_326 = arith.index_cast %mul3A_37 : i32 to index
      %get3A_327 = tpu.vector_load %arg4[%get3A_325, %get3A_326] {strides = array<i32>} : memref<200x256xf32, #tpu.memory_space<vmem>>, vector<16xf32>,
      %bitcast3A_328 = vector.bitcast %get3A_327 : vector<16xf32> to vector<16xi32>
      %shift_left3A_329 = arith.constant 1 : i32
      %shift_left3A_330 = vector.broadcast %shift_left3A_329 : i32 to vector<16xi32>
      %shift_left3A_331 = arith.shli %bitcast3A_328, %shift_left3A_330 : vector<16xi32>
      %min3A_332 = arith.minui %shift_left3A_331, %broadcast_in_dim3A_16 : vector<16xi32>
      %add3A_333 = arith.addi %add3A_293, %min3A_332 : vector<16xi32>
      %get3A_334 = arith.constant 30 : i32
      %get3A_335 = arith.index_cast %get3A_334 : i32 to index
      %get3A_336 = arith.index_cast %mul3A_37 : i32 to index
      %get3A_337 = tpu.vector_load %arg4[%get3A_335, %get3A_336] {strides = array<i32>} : memref<200x256xf32, #tpu.memory_space<vmem>>, vector<16xf32>,
      %bitcast3A_338 = vector.bitcast %get3A_337 : vector<16xf32> to vector<16xi32>
      %shift_left3A_339 = arith.constant 1 : i32
      %shift_left3A_340 = vector.broadcast %shift_left3A_339 : i32 to vector<16xi32>
      %shift_left3A_341 = arith.shli %bitcast3A_338, %shift_left3A_340 : vector<16xi32>
      %min3A_342 = arith.minui %shift_left3A_341, %broadcast_in_dim3A_16 : vector<16xi32>
      %add3A_343 = arith.addi %add3A_303, %min3A_342 : vector<16xi32>
      %get3A_344 = arith.constant 31 : i32
      %get3A_345 = arith.index_cast %get3A_344 : i32 to index
      %get3A_346 = arith.index_cast %mul3A_37 : i32 to index
      %get3A_347 = tpu.vector_load %arg4[%get3A_345, %get3A_346] {strides = array<i32>} : memref<200x256xf32, #tpu.memory_space<vmem>>, vector<16xf32>,
      %bitcast3A_348 = vector.bitcast %get3A_347 : vector<16xf32> to vector<16xi32>
      %shift_left3A_349 = arith.constant 1 : i32
      %shift_left3A_350 = vector.broadcast %shift_left3A_349 : i32 to vector<16xi32>
      %shift_left3A_351 = arith.shli %bitcast3A_348, %shift_left3A_350 : vector<16xi32>
      %min3A_352 = arith.minui %shift_left3A_351, %broadcast_in_dim3A_16 : vector<16xi32>
      %add3A_353 = arith.addi %add3A_313, %min3A_352 : vector<16xi32>
      %get3A_354 = arith.constant 32 : i32
      %get3A_355 = arith.index_cast %get3A_354 : i32 to index
      %get3A_356 = arith.index_cast %mul3A_37 : i32 to index
      %get3A_357 = tpu.vector_load %arg4[%get3A_355, %get3A_356] {strides = array<i32>} : memref<200x256xf32, #tpu.memory_space<vmem>>, vector<16xf32>,
      %bitcast3A_358 = vector.bitcast %get3A_357 : vector<16xf32> to vector<16xi32>
      %shift_left3A_359 = arith.constant 1 : i32
      %shift_left3A_360 = vector.broadcast %shift_left3A_359 : i32 to vector<16xi32>
      %shift_left3A_361 = arith.shli %bitcast3A_358, %shift_left3A_360 : vector<16xi32>
      %min3A_362 = arith.minui %shift_left3A_361, %broadcast_in_dim3A_16 : vector<16xi32>
      %add3A_363 = arith.addi %add3A_323, %min3A_362 : vector<16xi32>
      %get3A_364 = arith.constant 33 : i32
      %get3A_365 = arith.index_cast %get3A_364 : i32 to index
      %get3A_366 = arith.index_cast %mul3A_37 : i32 to index
      %get3A_367 = tpu.vector_load %arg4[%get3A_365, %get3A_366] {strides = array<i32>} : memref<200x256xf32, #tpu.memory_space<vmem>>, vector<16xf32>,
      %bitcast3A_368 = vector.bitcast %get3A_367 : vector<16xf32> to vector<16xi32>
      %shift_left3A_369 = arith.constant 1 : i32
      %shift_left3A_370 = vector.broadcast %shift_left3A_369 : i32 to vector<16xi32>
      %shift_left3A_371 = arith.shli %bitcast3A_368, %shift_left3A_370 : vector<16xi32>
      %min3A_372 = arith.minui %shift_left3A_371, %broadcast_in_dim3A_16 : vector<16xi32>
      %add3A_373 = arith.addi %add3A_333, %min3A_372 : vector<16xi32>
      %get3A_374 = arith.constant 34 : i32
      %get3A_375 = arith.index_cast %get3A_374 : i32 to index
      %get3A_376 = arith.index_cast %mul3A_37 : i32 to index
      %get3A_377 = tpu.vector_load %arg4[%get3A_375, %get3A_376] {strides = array<i32>} : memref<200x256xf32, #tpu.memory_space<vmem>>, vector<16xf32>,
      %bitcast3A_378 = vector.bitcast %get3A_377 : vector<16xf32> to vector<16xi32>
      %shift_left3A_379 = arith.constant 1 : i32
      %shift_left3A_380 = vector.broadcast %shift_left3A_379 : i32 to vector<16xi32>
      %shift_left3A_381 = arith.shli %bitcast3A_378, %shift_left3A_380 : vector<16xi32>
      %min3A_382 = arith.minui %shift_left3A_381, %broadcast_in_dim3A_16 : vector<16xi32>
      %add3A_383 = arith.addi %add3A_343, %min3A_382 : vector<16xi32>
      %get3A_384 = arith.constant 35 : i32
      %get3A_385 = arith.index_cast %get3A_384 : i32 to index
      %get3A_386 = arith.index_cast %mul3A_37 : i32 to index
      %get3A_387 = tpu.vector_load %arg4[%get3A_385, %get3A_386] {strides = array<i32>} : memref<200x256xf32, #tpu.memory_space<vmem>>, vector<16xf32>,
      %bitcast3A_388 = vector.bitcast %get3A_387 : vector<16xf32> to vector<16xi32>
      %shift_left3A_389 = arith.constant 1 : i32
      %shift_left3A_390 = vector.broadcast %shift_left3A_389 : i32 to vector<16xi32>
      %shift_left3A_391 = arith.shli %bitcast3A_388, %shift_left3A_390 : vector<16xi32>
      %min3A_392 = arith.minui %shift_left3A_391, %broadcast_in_dim3A_16 : vector<16xi32>
      %add3A_393 = arith.addi %add3A_353, %min3A_392 : vector<16xi32>
      %get3A_394 = arith.constant 36 : i32
      %get3A_395 = arith.index_cast %get3A_394 : i32 to index
      %get3A_396 = arith.index_cast %mul3A_37 : i32 to index
      %get3A_397 = tpu.vector_load %arg4[%get3A_395, %get3A_396] {strides = array<i32>} : memref<200x256xf32, #tpu.memory_space<vmem>>, vector<16xf32>,
      %bitcast3A_398 = vector.bitcast %get3A_397 : vector<16xf32> to vector<16xi32>
      %shift_left3A_399 = arith.constant 1 : i32
      %shift_left3A_400 = vector.broadcast %shift_left3A_399 : i32 to vector<16xi32>
      %shift_left3A_401 = arith.shli %bitcast3A_398, %shift_left3A_400 : vector<16xi32>
      %min3A_402 = arith.minui %shift_left3A_401, %broadcast_in_dim3A_16 : vector<16xi32>
      %add3A_403 = arith.addi %add3A_363, %min3A_402 : vector<16xi32>
      %get3A_404 = arith.constant 37 : i32
      %get3A_405 = arith.index_cast %get3A_404 : i32 to index
      %get3A_406 = arith.index_cast %mul3A_37 : i32 to index
      %get3A_407 = tpu.vector_load %arg4[%get3A_405, %get3A_406] {strides = array<i32>} : memref<200x256xf32, #tpu.memory_space<vmem>>, vector<16xf32>,
      %bitcast3A_408 = vector.bitcast %get3A_407 : vector<16xf32> to vector<16xi32>
      %shift_left3A_409 = arith.constant 1 : i32
      %shift_left3A_410 = vector.broadcast %shift_left3A_409 : i32 to vector<16xi32>
      %shift_left3A_411 = arith.shli %bitcast3A_408, %shift_left3A_410 : vector<16xi32>
      %min3A_412 = arith.minui %shift_left3A_411, %broadcast_in_dim3A_16 : vector<16xi32>
      %add3A_413 = arith.addi %add3A_373, %min3A_412 : vector<16xi32>
      %get3A_414 = arith.constant 38 : i32
      %get3A_415 = arith.index_cast %get3A_414 : i32 to index
      %get3A_416 = arith.index_cast %mul3A_37 : i32 to index
      %get3A_417 = tpu.vector_load %arg4[%get3A_415, %get3A_416] {strides = array<i32>} : memref<200x256xf32, #tpu.memory_space<vmem>>, vector<16xf32>,
      %bitcast3A_418 = vector.bitcast %get3A_417 : vector<16xf32> to vector<16xi32>
      %shift_left3A_419 = arith.constant 1 : i32
      %shift_left3A_420 = vector.broadcast %shift_left3A_419 : i32 to vector<16xi32>
      %shift_left3A_421 = arith.shli %bitcast3A_418, %shift_left3A_420 : vector<16xi32>
      %min3A_422 = arith.minui %shift_left3A_421, %broadcast_in_dim3A_16 : vector<16xi32>
      %add3A_423 = arith.addi %add3A_383, %min3A_422 : vector<16xi32>
      %get3A_424 = arith.constant 39 : i32
      %get3A_425 = arith.index_cast %get3A_424 : i32 to index
      %get3A_426 = arith.index_cast %mul3A_37 : i32 to index
      %get3A_427 = tpu.vector_load %arg4[%get3A_425, %get3A_426] {strides = array<i32>} : memref<200x256xf32, #tpu.memory_space<vmem>>, vector<16xf32>,
      %bitcast3A_428 = vector.bitcast %get3A_427 : vector<16xf32> to vector<16xi32>
      %shift_left3A_429 = arith.constant 1 : i32
      %shift_left3A_430 = vector.broadcast %shift_left3A_429 : i32 to vector<16xi32>
      %shift_left3A_431 = arith.shli %bitcast3A_428, %shift_left3A_430 : vector<16xi32>
      %min3A_432 = arith.minui %shift_left3A_431, %broadcast_in_dim3A_16 : vector<16xi32>
      %add3A_433 = arith.addi %add3A_393, %min3A_432 : vector<16xi32>
      %get3A_434 = arith.constant 40 : i32
      %get3A_435 = arith.index_cast %get3A_434 : i32 to index
      %get3A_436 = arith.index_cast %mul3A_37 : i32 to index
      %get3A_437 = tpu.vector_load %arg4[%get3A_435, %get3A_436] {strides = array<i32>} : memref<200x256xf32, #tpu.memory_space<vmem>>, vector<16xf32>,
      %bitcast3A_438 = vector.bitcast %get3A_437 : vector<16xf32> to vector<16xi32>
      %shift_left3A_439 = arith.constant 1 : i32
      %shift_left3A_440 = vector.broadcast %shift_left3A_439 : i32 to vector<16xi32>
      %shift_left3A_441 = arith.shli %bitcast3A_438, %shift_left3A_440 : vector<16xi32>
      %min3A_442 = arith.minui %shift_left3A_441, %broadcast_in_dim3A_16 : vector<16xi32>
      %add3A_443 = arith.addi %add3A_403, %min3A_442 : vector<16xi32>
      %get3A_444 = arith.constant 41 : i32
      %get3A_445 = arith.index_cast %get3A_444 : i32 to index
      %get3A_446 = arith.index_cast %mul3A_37 : i32 to index
      %get3A_447 = tpu.vector_load %arg4[%get3A_445, %get3A_446] {strides = array<i32>} : memref<200x256xf32, #tpu.memory_space<vmem>>, vector<16xf32>,
      %bitcast3A_448 = vector.bitcast %get3A_447 : vector<16xf32> to vector<16xi32>
      %shift_left3A_449 = arith.constant 1 : i32
      %shift_left3A_450 = vector.broadcast %shift_left3A_449 : i32 to vector<16xi32>
      %shift_left3A_451 = arith.shli %bitcast3A_448, %shift_left3A_450 : vector<16xi32>
      %min3A_452 = arith.minui %shift_left3A_451, %broadcast_in_dim3A_16 : vector<16xi32>
      %add3A_453 = arith.addi %add3A_413, %min3A_452 : vector<16xi32>
      %get3A_454 = arith.constant 42 : i32
      %get3A_455 = arith.index_cast %get3A_454 : i32 to index
      %get3A_456 = arith.index_cast %mul3A_37 : i32 to index
      %get3A_457 = tpu.vector_load %arg4[%get3A_455, %get3A_456] {strides = array<i32>} : memref<200x256xf32, #tpu.memory_space<vmem>>, vector<16xf32>,
      %bitcast3A_458 = vector.bitcast %get3A_457 : vector<16xf32> to vector<16xi32>
      %shift_left3A_459 = arith.constant 1 : i32
      %shift_left3A_460 = vector.broadcast %shift_left3A_459 : i32 to vector<16xi32>
      %shift_left3A_461 = arith.shli %bitcast3A_458, %shift_left3A_460 : vector<16xi32>
      %min3A_462 = arith.minui %shift_left3A_461, %broadcast_in_dim3A_16 : vector<16xi32>
      %add3A_463 = arith.addi %add3A_423, %min3A_462 : vector<16xi32>
      %get3A_464 = arith.constant 43 : i32
      %get3A_465 = arith.index_cast %get3A_464 : i32 to index
      %get3A_466 = arith.index_cast %mul3A_37 : i32 to index
      %get3A_467 = tpu.vector_load %arg4[%get3A_465, %get3A_466] {strides = array<i32>} : memref<200x256xf32, #tpu.memory_space<vmem>>, vector<16xf32>,
      %bitcast3A_468 = vector.bitcast %get3A_467 : vector<16xf32> to vector<16xi32>
      %shift_left3A_469 = arith.constant 1 : i32
      %shift_left3A_470 = vector.broadcast %shift_left3A_469 : i32 to vector<16xi32>
      %shift_left3A_471 = arith.shli %bitcast3A_468, %shift_left3A_470 : vector<16xi32>
      %min3A_472 = arith.minui %shift_left3A_471, %broadcast_in_dim3A_16 : vector<16xi32>
      %add3A_473 = arith.addi %add3A_433, %min3A_472 : vector<16xi32>
      %get3A_474 = arith.constant 44 : i32
      %get3A_475 = arith.index_cast %get3A_474 : i32 to index
      %get3A_476 = arith.index_cast %mul3A_37 : i32 to index
      %get3A_477 = tpu.vector_load %arg4[%get3A_475, %get3A_476] {strides = array<i32>} : memref<200x256xf32, #tpu.memory_space<vmem>>, vector<16xf32>,
      %bitcast3A_478 = vector.bitcast %get3A_477 : vector<16xf32> to vector<16xi32>
      %shift_left3A_479 = arith.constant 1 : i32
      %shift_left3A_480 = vector.broadcast %shift_left3A_479 : i32 to vector<16xi32>
      %shift_left3A_481 = arith.shli %bitcast3A_478, %shift_left3A_480 : vector<16xi32>
      %min3A_482 = arith.minui %shift_left3A_481, %broadcast_in_dim3A_16 : vector<16xi32>
      %add3A_483 = arith.addi %add3A_443, %min3A_482 : vector<16xi32>
      %get3A_484 = arith.constant 45 : i32
      %get3A_485 = arith.index_cast %get3A_484 : i32 to index
      %get3A_486 = arith.index_cast %mul3A_37 : i32 to index
      %get3A_487 = tpu.vector_load %arg4[%get3A_485, %get3A_486] {strides = array<i32>} : memref<200x256xf32, #tpu.memory_space<vmem>>, vector<16xf32>,
      %bitcast3A_488 = vector.bitcast %get3A_487 : vector<16xf32> to vector<16xi32>
      %shift_left3A_489 = arith.constant 1 : i32
      %shift_left3A_490 = vector.broadcast %shift_left3A_489 : i32 to vector<16xi32>
      %shift_left3A_491 = arith.shli %bitcast3A_488, %shift_left3A_490 : vector<16xi32>
      %min3A_492 = arith.minui %shift_left3A_491, %broadcast_in_dim3A_16 : vector<16xi32>
      %add3A_493 = arith.addi %add3A_453, %min3A_492 : vector<16xi32>
      %get3A_494 = arith.constant 46 : i32
      %get3A_495 = arith.index_cast %get3A_494 : i32 to index
      %get3A_496 = arith.index_cast %mul3A_37 : i32 to index
      %get3A_497 = tpu.vector_load %arg4[%get3A_495, %get3A_496] {strides = array<i32>} : memref<200x256xf32, #tpu.memory_space<vmem>>, vector<16xf32>,
      %bitcast3A_498 = vector.bitcast %get3A_497 : vector<16xf32> to vector<16xi32>
      %shift_left3A_499 = arith.constant 1 : i32
      %shift_left3A_500 = vector.broadcast %shift_left3A_499 : i32 to vector<16xi32>
      %shift_left3A_501 = arith.shli %bitcast3A_498, %shift_left3A_500 : vector<16xi32>
      %min3A_502 = arith.minui %shift_left3A_501, %broadcast_in_dim3A_16 : vector<16xi32>
      %add3A_503 = arith.addi %add3A_463, %min3A_502 : vector<16xi32>
      %get3A_504 = arith.constant 47 : i32
      %get3A_505 = arith.index_cast %get3A_504 : i32 to index
      %get3A_506 = arith.index_cast %mul3A_37 : i32 to index
      %get3A_507 = tpu.vector_load %arg4[%get3A_505, %get3A_506] {strides = array<i32>} : memref<200x256xf32, #tpu.memory_space<vmem>>, vector<16xf32>,
      %bitcast3A_508 = vector.bitcast %get3A_507 : vector<16xf32> to vector<16xi32>
      %shift_left3A_509 = arith.constant 1 : i32
      %shift_left3A_510 = vector.broadcast %shift_left3A_509 : i32 to vector<16xi32>
      %shift_left3A_511 = arith.shli %bitcast3A_508, %shift_left3A_510 : vector<16xi32>
      %min3A_512 = arith.minui %shift_left3A_511, %broadcast_in_dim3A_16 : vector<16xi32>
      %add3A_513 = arith.addi %add3A_473, %min3A_512 : vector<16xi32>
      %get3A_514 = arith.constant 48 : i32
      %get3A_515 = arith.index_cast %get3A_514 : i32 to index
      %get3A_516 = arith.index_cast %mul3A_37 : i32 to index
      %get3A_517 = tpu.vector_load %arg4[%get3A_515, %get3A_516] {strides = array<i32>} : memref<200x256xf32, #tpu.memory_space<vmem>>, vector<16xf32>,
      %bitcast3A_518 = vector.bitcast %get3A_517 : vector<16xf32> to vector<16xi32>
      %shift_left3A_519 = arith.constant 1 : i32
      %shift_left3A_520 = vector.broadcast %shift_left3A_519 : i32 to vector<16xi32>
      %shift_left3A_521 = arith.shli %bitcast3A_518, %shift_left3A_520 : vector<16xi32>
      %min3A_522 = arith.minui %shift_left3A_521, %broadcast_in_dim3A_16 : vector<16xi32>
      %add3A_523 = arith.addi %add3A_483, %min3A_522 : vector<16xi32>
      %get3A_524 = arith.constant 49 : i32
      %get3A_525 = arith.index_cast %get3A_524 : i32 to index
      %get3A_526 = arith.index_cast %mul3A_37 : i32 to index
      %get3A_527 = tpu.vector_load %arg4[%get3A_525, %get3A_526] {strides = array<i32>} : memref<200x256xf32, #tpu.memory_space<vmem>>, vector<16xf32>,
      %bitcast3A_528 = vector.bitcast %get3A_527 : vector<16xf32> to vector<16xi32>
      %shift_left3A_529 = arith.constant 1 : i32
      %shift_left3A_530 = vector.broadcast %shift_left3A_529 : i32 to vector<16xi32>
      %shift_left3A_531 = arith.shli %bitcast3A_528, %shift_left3A_530 : vector<16xi32>
      %min3A_532 = arith.minui %shift_left3A_531, %broadcast_in_dim3A_16 : vector<16xi32>
      %add3A_533 = arith.addi %add3A_493, %min3A_532 : vector<16xi32>
      %get3A_534 = arith.constant 50 : i32
      %get3A_535 = arith.index_cast %get3A_534 : i32 to index
      %get3A_536 = arith.index_cast %mul3A_37 : i32 to index
      %get3A_537 = tpu.vector_load %arg4[%get3A_535, %get3A_536] {strides = array<i32>} : memref<200x256xf32, #tpu.memory_space<vmem>>, vector<16xf32>,
      %bitcast3A_538 = vector.bitcast %get3A_537 : vector<16xf32> to vector<16xi32>
      %shift_left3A_539 = arith.constant 1 : i32
      %shift_left3A_540 = vector.broadcast %shift_left3A_539 : i32 to vector<16xi32>
      %shift_left3A_541 = arith.shli %bitcast3A_538, %shift_left3A_540 : vector<16xi32>
      %min3A_542 = arith.minui %shift_left3A_541, %broadcast_in_dim3A_16 : vector<16xi32>
      %add3A_543 = arith.addi %add3A_503, %min3A_542 : vector<16xi32>
      %get3A_544 = arith.constant 51 : i32
      %get3A_545 = arith.index_cast %get3A_544 : i32 to index
      %get3A_546 = arith.index_cast %mul3A_37 : i32 to index
      %get3A_547 = tpu.vector_load %arg4[%get3A_545, %get3A_546] {strides = array<i32>} : memref<200x256xf32, #tpu.memory_space<vmem>>, vector<16xf32>,
      %bitcast3A_548 = vector.bitcast %get3A_547 : vector<16xf32> to vector<16xi32>
      %shift_left3A_549 = arith.constant 1 : i32
      %shift_left3A_550 = vector.broadcast %shift_left3A_549 : i32 to vector<16xi32>
      %shift_left3A_551 = arith.shli %bitcast3A_548, %shift_left3A_550 : vector<16xi32>
      %min3A_552 = arith.minui %shift_left3A_551, %broadcast_in_dim3A_16 : vector<16xi32>
      %add3A_553 = arith.addi %add3A_513, %min3A_552 : vector<16xi32>
      %get3A_554 = arith.constant 52 : i32
      %get3A_555 = arith.index_cast %get3A_554 : i32 to index
      %get3A_556 = arith.index_cast %mul3A_37 : i32 to index
      %get3A_557 = tpu.vector_load %arg4[%get3A_555, %get3A_556] {strides = array<i32>} : memref<200x256xf32, #tpu.memory_space<vmem>>, vector<16xf32>,
      %bitcast3A_558 = vector.bitcast %get3A_557 : vector<16xf32> to vector<16xi32>
      %shift_left3A_559 = arith.constant 1 : i32
      %shift_left3A_560 = vector.broadcast %shift_left3A_559 : i32 to vector<16xi32>
      %shift_left3A_561 = arith.shli %bitcast3A_558, %shift_left3A_560 : vector<16xi32>
      %min3A_562 = arith.minui %shift_left3A_561, %broadcast_in_dim3A_16 : vector<16xi32>
      %add3A_563 = arith.addi %add3A_523, %min3A_562 : vector<16xi32>
      %get3A_564 = arith.constant 53 : i32
      %get3A_565 = arith.index_cast %get3A_564 : i32 to index
      %get3A_566 = arith.index_cast %mul3A_37 : i32 to index
      %get3A_567 = tpu.vector_load %arg4[%get3A_565, %get3A_566] {strides = array<i32>} : memref<200x256xf32, #tpu.memory_space<vmem>>, vector<16xf32>,
      %bitcast3A_568 = vector.bitcast %get3A_567 : vector<16xf32> to vector<16xi32>
      %shift_left3A_569 = arith.constant 1 : i32
      %shift_left3A_570 = vector.broadcast %shift_left3A_569 : i32 to vector<16xi32>
      %shift_left3A_571 = arith.shli %bitcast3A_568, %shift_left3A_570 : vector<16xi32>
      %min3A_572 = arith.minui %shift_left3A_571, %broadcast_in_dim3A_16 : vector<16xi32>
      %add3A_573 = arith.addi %add3A_533, %min3A_572 : vector<16xi32>
      %get3A_574 = arith.constant 54 : i32
      %get3A_575 = arith.index_cast %get3A_574 : i32 to index
      %get3A_576 = arith.index_cast %mul3A_37 : i32 to index
      %get3A_577 = tpu.vector_load %arg4[%get3A_575, %get3A_576] {strides = array<i32>} : memref<200x256xf32, #tpu.memory_space<vmem>>, vector<16xf32>,
      %bitcast3A_578 = vector.bitcast %get3A_577 : vector<16xf32> to vector<16xi32>
      %shift_left3A_579 = arith.constant 1 : i32
      %shift_left3A_580 = vector.broadcast %shift_left3A_579 : i32 to vector<16xi32>
      %shift_left3A_581 = arith.shli %bitcast3A_578, %shift_left3A_580 : vector<16xi32>
      %min3A_582 = arith.minui %shift_left3A_581, %broadcast_in_dim3A_16 : vector<16xi32>
      %add3A_583 = arith.addi %add3A_543, %min3A_582 : vector<16xi32>
      %get3A_584 = arith.constant 55 : i32
      %get3A_585 = arith.index_cast %get3A_584 : i32 to index
      %get3A_586 = arith.index_cast %mul3A_37 : i32 to index
      %get3A_587 = tpu.vector_load %arg4[%get3A_585, %get3A_586] {strides = array<i32>} : memref<200x256xf32, #tpu.memory_space<vmem>>, vector<16xf32>,
      %bitcast3A_588 = vector.bitcast %get3A_587 : vector<16xf32> to vector<16xi32>
      %shift_left3A_589 = arith.constant 1 : i32
      %shift_left3A_590 = vector.broadcast %shift_left3A_589 : i32 to vector<16xi32>
      %shift_left3A_591 = arith.shli %bitcast3A_588, %shift_left3A_590 : vector<16xi32>
      %min3A_592 = arith.minui %shift_left3A_591, %broadcast_in_dim3A_16 : vector<16xi32>
      %add3A_593 = arith.addi %add3A_553, %min3A_592 : vector<16xi32>
      %get3A_594 = arith.constant 56 : i32
      %get3A_595 = arith.index_cast %get3A_594 : i32 to index
      %get3A_596 = arith.index_cast %mul3A_37 : i32 to index
      %get3A_597 = tpu.vector_load %arg4[%get3A_595, %get3A_596] {strides = array<i32>} : memref<200x256xf32, #tpu.memory_space<vmem>>, vector<16xf32>,
      %bitcast3A_598 = vector.bitcast %get3A_597 : vector<16xf32> to vector<16xi32>
      %shift_left3A_599 = arith.constant 1 : i32
      %shift_left3A_600 = vector.broadcast %shift_left3A_599 : i32 to vector<16xi32>
      %shift_left3A_601 = arith.shli %bitcast3A_598, %shift_left3A_600 : vector<16xi32>
      %min3A_602 = arith.minui %shift_left3A_601, %broadcast_in_dim3A_16 : vector<16xi32>
      %add3A_603 = arith.addi %add3A_563, %min3A_602 : vector<16xi32>
      %get3A_604 = arith.constant 57 : i32
      %get3A_605 = arith.index_cast %get3A_604 : i32 to index
      %get3A_606 = arith.index_cast %mul3A_37 : i32 to index
      %get3A_607 = tpu.vector_load %arg4[%get3A_605, %get3A_606] {strides = array<i32>} : memref<200x256xf32, #tpu.memory_space<vmem>>, vector<16xf32>,
      %bitcast3A_608 = vector.bitcast %get3A_607 : vector<16xf32> to vector<16xi32>
      %shift_left3A_609 = arith.constant 1 : i32
      %shift_left3A_610 = vector.broadcast %shift_left3A_609 : i32 to vector<16xi32>
      %shift_left3A_611 = arith.shli %bitcast3A_608, %shift_left3A_610 : vector<16xi32>
      %min3A_612 = arith.minui %shift_left3A_611, %broadcast_in_dim3A_16 : vector<16xi32>
      %add3A_613 = arith.addi %add3A_573, %min3A_612 : vector<16xi32>
      %get3A_614 = arith.constant 58 : i32
      %get3A_615 = arith.index_cast %get3A_614 : i32 to index
      %get3A_616 = arith.index_cast %mul3A_37 : i32 to index
      %get3A_617 = tpu.vector_load %arg4[%get3A_615, %get3A_616] {strides = array<i32>} : memref<200x256xf32, #tpu.memory_space<vmem>>, vector<16xf32>,
      %bitcast3A_618 = vector.bitcast %get3A_617 : vector<16xf32> to vector<16xi32>
      %shift_left3A_619 = arith.constant 1 : i32
      %shift_left3A_620 = vector.broadcast %shift_left3A_619 : i32 to vector<16xi32>
      %shift_left3A_621 = arith.shli %bitcast3A_618, %shift_left3A_620 : vector<16xi32>
      %min3A_622 = arith.minui %shift_left3A_621, %broadcast_in_dim3A_16 : vector<16xi32>
      %add3A_623 = arith.addi %add3A_583, %min3A_622 : vector<16xi32>
      %get3A_624 = arith.constant 59 : i32
      %get3A_625 = arith.index_cast %get3A_624 : i32 to index
      %get3A_626 = arith.index_cast %mul3A_37 : i32 to index
      %get3A_627 = tpu.vector_load %arg4[%get3A_625, %get3A_626] {strides = array<i32>} : memref<200x256xf32, #tpu.memory_space<vmem>>, vector<16xf32>,
      %bitcast3A_628 = vector.bitcast %get3A_627 : vector<16xf32> to vector<16xi32>
      %shift_left3A_629 = arith.constant 1 : i32
      %shift_left3A_630 = vector.broadcast %shift_left3A_629 : i32 to vector<16xi32>
      %shift_left3A_631 = arith.shli %bitcast3A_628, %shift_left3A_630 : vector<16xi32>
      %min3A_632 = arith.minui %shift_left3A_631, %broadcast_in_dim3A_16 : vector<16xi32>
      %add3A_633 = arith.addi %add3A_593, %min3A_632 : vector<16xi32>
      %get3A_634 = arith.constant 60 : i32
      %get3A_635 = arith.index_cast %get3A_634 : i32 to index
      %get3A_636 = arith.index_cast %mul3A_37 : i32 to index
      %get3A_637 = tpu.vector_load %arg4[%get3A_635, %get3A_636] {strides = array<i32>} : memref<200x256xf32, #tpu.memory_space<vmem>>, vector<16xf32>,
      %bitcast3A_638 = vector.bitcast %get3A_637 : vector<16xf32> to vector<16xi32>
      %shift_left3A_639 = arith.constant 1 : i32
      %shift_left3A_640 = vector.broadcast %shift_left3A_639 : i32 to vector<16xi32>
      %shift_left3A_641 = arith.shli %bitcast3A_638, %shift_left3A_640 : vector<16xi32>
      %min3A_642 = arith.minui %shift_left3A_641, %broadcast_in_dim3A_16 : vector<16xi32>
      %add3A_643 = arith.addi %add3A_603, %min3A_642 : vector<16xi32>
      %get3A_644 = arith.constant 61 : i32
      %get3A_645 = arith.index_cast %get3A_644 : i32 to index
      %get3A_646 = arith.index_cast %mul3A_37 : i32 to index
      %get3A_647 = tpu.vector_load %arg4[%get3A_645, %get3A_646] {strides = array<i32>} : memref<200x256xf32, #tpu.memory_space<vmem>>, vector<16xf32>,
      %bitcast3A_648 = vector.bitcast %get3A_647 : vector<16xf32> to vector<16xi32>
      %shift_left3A_649 = arith.constant 1 : i32
      %shift_left3A_650 = vector.broadcast %shift_left3A_649 : i32 to vector<16xi32>
      %shift_left3A_651 = arith.shli %bitcast3A_648, %shift_left3A_650 : vector<16xi32>
      %min3A_652 = arith.minui %shift_left3A_651, %broadcast_in_dim3A_16 : vector<16xi32>
      %add3A_653 = arith.addi %add3A_613, %min3A_652 : vector<16xi32>
      %get3A_654 = arith.constant 62 : i32
      %get3A_655 = arith.index_cast %get3A_654 : i32 to index
      %get3A_656 = arith.index_cast %mul3A_37 : i32 to index
      %get3A_657 = tpu.vector_load %arg4[%get3A_655, %get3A_656] {strides = array<i32>} : memref<200x256xf32, #tpu.memory_space<vmem>>, vector<16xf32>,
      %bitcast3A_658 = vector.bitcast %get3A_657 : vector<16xf32> to vector<16xi32>
      %shift_left3A_659 = arith.constant 1 : i32
      %shift_left3A_660 = vector.broadcast %shift_left3A_659 : i32 to vector<16xi32>
      %shift_left3A_661 = arith.shli %bitcast3A_658, %shift_left3A_660 : vector<16xi32>
      %min3A_662 = arith.minui %shift_left3A_661, %broadcast_in_dim3A_16 : vector<16xi32>
      %add3A_663 = arith.addi %add3A_623, %min3A_662 : vector<16xi32>
      %get3A_664 = arith.constant 63 : i32
      %get3A_665 = arith.index_cast %get3A_664 : i32 to index
      %get3A_666 = arith.index_cast %mul3A_37 : i32 to index
      %get3A_667 = tpu.vector_load %arg4[%get3A_665, %get3A_666] {strides = array<i32>} : memref<200x256xf32, #tpu.memory_space<vmem>>, vector<16xf32>,
      %bitcast3A_668 = vector.bitcast %get3A_667 : vector<16xf32> to vector<16xi32>
      %shift_left3A_669 = arith.constant 1 : i32
      %shift_left3A_670 = vector.broadcast %shift_left3A_669 : i32 to vector<16xi32>
      %shift_left3A_671 = arith.shli %bitcast3A_668, %shift_left3A_670 : vector<16xi32>
      %min3A_672 = arith.minui %shift_left3A_671, %broadcast_in_dim3A_16 : vector<16xi32>
      %add3A_673 = arith.addi %add3A_633, %min3A_672 : vector<16xi32>
      %get3A_674 = arith.constant 64 : i32
      %get3A_675 = arith.index_cast %get3A_674 : i32 to index
      %get3A_676 = arith.index_cast %mul3A_37 : i32 to index
      %get3A_677 = tpu.vector_load %arg4[%get3A_675, %get3A_676] {strides = array<i32>} : memref<200x256xf32, #tpu.memory_space<vmem>>, vector<16xf32>,
      %bitcast3A_678 = vector.bitcast %get3A_677 : vector<16xf32> to vector<16xi32>
      %shift_left3A_679 = arith.constant 1 : i32
      %shift_left3A_680 = vector.broadcast %shift_left3A_679 : i32 to vector<16xi32>
      %shift_left3A_681 = arith.shli %bitcast3A_678, %shift_left3A_680 : vector<16xi32>
      %min3A_682 = arith.minui %shift_left3A_681, %broadcast_in_dim3A_16 : vector<16xi32>
      %add3A_683 = arith.addi %add3A_643, %min3A_682 : vector<16xi32>
      %get3A_684 = arith.constant 65 : i32
      %get3A_685 = arith.index_cast %get3A_684 : i32 to index
      %get3A_686 = arith.index_cast %mul3A_37 : i32 to index
      %get3A_687 = tpu.vector_load %arg4[%get3A_685, %get3A_686] {strides = array<i32>} : memref<200x256xf32, #tpu.memory_space<vmem>>, vector<16xf32>,
      %bitcast3A_688 = vector.bitcast %get3A_687 : vector<16xf32> to vector<16xi32>
      %shift_left3A_689 = arith.constant 1 : i32
      %shift_left3A_690 = vector.broadcast %shift_left3A_689 : i32 to vector<16xi32>
      %shift_left3A_691 = arith.shli %bitcast3A_688, %shift_left3A_690 : vector<16xi32>
      %min3A_692 = arith.minui %shift_left3A_691, %broadcast_in_dim3A_16 : vector<16xi32>
      %add3A_693 = arith.addi %add3A_653, %min3A_692 : vector<16xi32>
      %get3A_694 = arith.constant 66 : i32
      %get3A_695 = arith.index_cast %get3A_694 : i32 to index
      %get3A_696 = arith.index_cast %mul3A_37 : i32 to index
      %get3A_697 = tpu.vector_load %arg4[%get3A_695, %get3A_696] {strides = array<i32>} : memref<200x256xf32, #tpu.memory_space<vmem>>, vector<16xf32>,
      %bitcast3A_698 = vector.bitcast %get3A_697 : vector<16xf32> to vector<16xi32>
      %shift_left3A_699 = arith.constant 1 : i32
      %shift_left3A_700 = vector.broadcast %shift_left3A_699 : i32 to vector<16xi32>
      %shift_left3A_701 = arith.shli %bitcast3A_698, %shift_left3A_700 : vector<16xi32>
      %min3A_702 = arith.minui %shift_left3A_701, %broadcast_in_dim3A_16 : vector<16xi32>
      %add3A_703 = arith.addi %add3A_663, %min3A_702 : vector<16xi32>
      %get3A_704 = arith.constant 67 : i32
      %get3A_705 = arith.index_cast %get3A_704 : i32 to index
      %get3A_706 = arith.index_cast %mul3A_37 : i32 to index
      %get3A_707 = tpu.vector_load %arg4[%get3A_705, %get3A_706] {strides = array<i32>} : memref<200x256xf32, #tpu.memory_space<vmem>>, vector<16xf32>,
      %bitcast3A_708 = vector.bitcast %get3A_707 : vector<16xf32> to vector<16xi32>
      %shift_left3A_709 = arith.constant 1 : i32
      %shift_left3A_710 = vector.broadcast %shift_left3A_709 : i32 to vector<16xi32>
      %shift_left3A_711 = arith.shli %bitcast3A_708, %shift_left3A_710 : vector<16xi32>
      %min3A_712 = arith.minui %shift_left3A_711, %broadcast_in_dim3A_16 : vector<16xi32>
      %add3A_713 = arith.addi %add3A_673, %min3A_712 : vector<16xi32>
      %get3A_714 = arith.constant 68 : i32
      %get3A_715 = arith.index_cast %get3A_714 : i32 to index
      %get3A_716 = arith.index_cast %mul3A_37 : i32 to index
      %get3A_717 = tpu.vector_load %arg4[%get3A_715, %get3A_716] {strides = array<i32>} : memref<200x256xf32, #tpu.memory_space<vmem>>, vector<16xf32>,
      %bitcast3A_718 = vector.bitcast %get3A_717 : vector<16xf32> to vector<16xi32>
      %shift_left3A_719 = arith.constant 1 : i32
      %shift_left3A_720 = vector.broadcast %shift_left3A_719 : i32 to vector<16xi32>
      %shift_left3A_721 = arith.shli %bitcast3A_718, %shift_left3A_720 : vector<16xi32>
      %min3A_722 = arith.minui %shift_left3A_721, %broadcast_in_dim3A_16 : vector<16xi32>
      %add3A_723 = arith.addi %add3A_683, %min3A_722 : vector<16xi32>
      %get3A_724 = arith.constant 69 : i32
      %get3A_725 = arith.index_cast %get3A_724 : i32 to index
      %get3A_726 = arith.index_cast %mul3A_37 : i32 to index
      %get3A_727 = tpu.vector_load %arg4[%get3A_725, %get3A_726] {strides = array<i32>} : memref<200x256xf32, #tpu.memory_space<vmem>>, vector<16xf32>,
      %bitcast3A_728 = vector.bitcast %get3A_727 : vector<16xf32> to vector<16xi32>
      %shift_left3A_729 = arith.constant 1 : i32
      %shift_left3A_730 = vector.broadcast %shift_left3A_729 : i32 to vector<16xi32>
      %shift_left3A_731 = arith.shli %bitcast3A_728, %shift_left3A_730 : vector<16xi32>
      %min3A_732 = arith.minui %shift_left3A_731, %broadcast_in_dim3A_16 : vector<16xi32>
      %add3A_733 = arith.addi %add3A_693, %min3A_732 : vector<16xi32>
      %get3A_734 = arith.constant 70 : i32
      %get3A_735 = arith.index_cast %get3A_734 : i32 to index
      %get3A_736 = arith.index_cast %mul3A_37 : i32 to index
      %get3A_737 = tpu.vector_load %arg4[%get3A_735, %get3A_736] {strides = array<i32>} : memref<200x256xf32, #tpu.memory_space<vmem>>, vector<16xf32>,
      %bitcast3A_738 = vector.bitcast %get3A_737 : vector<16xf32> to vector<16xi32>
      %shift_left3A_739 = arith.constant 1 : i32
      %shift_left3A_740 = vector.broadcast %shift_left3A_739 : i32 to vector<16xi32>
      %shift_left3A_741 = arith.shli %bitcast3A_738, %shift_left3A_740 : vector<16xi32>
      %min3A_742 = arith.minui %shift_left3A_741, %broadcast_in_dim3A_16 : vector<16xi32>
      %add3A_743 = arith.addi %add3A_703, %min3A_742 : vector<16xi32>
      %get3A_744 = arith.constant 71 : i32
      %get3A_745 = arith.index_cast %get3A_744 : i32 to index
      %get3A_746 = arith.index_cast %mul3A_37 : i32 to index
      %get3A_747 = tpu.vector_load %arg4[%get3A_745, %get3A_746] {strides = array<i32>} : memref<200x256xf32, #tpu.memory_space<vmem>>, vector<16xf32>,
      %bitcast3A_748 = vector.bitcast %get3A_747 : vector<16xf32> to vector<16xi32>
      %shift_left3A_749 = arith.constant 1 : i32
      %shift_left3A_750 = vector.broadcast %shift_left3A_749 : i32 to vector<16xi32>
      %shift_left3A_751 = arith.shli %bitcast3A_748, %shift_left3A_750 : vector<16xi32>
      %min3A_752 = arith.minui %shift_left3A_751, %broadcast_in_dim3A_16 : vector<16xi32>
      %add3A_753 = arith.addi %add3A_713, %min3A_752 : vector<16xi32>
      %get3A_754 = arith.constant 72 : i32
      %get3A_755 = arith.index_cast %get3A_754 : i32 to index
      %get3A_756 = arith.index_cast %mul3A_37 : i32 to index
      %get3A_757 = tpu.vector_load %arg4[%get3A_755, %get3A_756] {strides = array<i32>} : memref<200x256xf32, #tpu.memory_space<vmem>>, vector<16xf32>,
      %bitcast3A_758 = vector.bitcast %get3A_757 : vector<16xf32> to vector<16xi32>
      %shift_left3A_759 = arith.constant 1 : i32
      %shift_left3A_760 = vector.broadcast %shift_left3A_759 : i32 to vector<16xi32>
      %shift_left3A_761 = arith.shli %bitcast3A_758, %shift_left3A_760 : vector<16xi32>
      %min3A_762 = arith.minui %shift_left3A_761, %broadcast_in_dim3A_16 : vector<16xi32>
      %add3A_763 = arith.addi %add3A_723, %min3A_762 : vector<16xi32>
      %get3A_764 = arith.constant 73 : i32
      %get3A_765 = arith.index_cast %get3A_764 : i32 to index
      %get3A_766 = arith.index_cast %mul3A_37 : i32 to index
      %get3A_767 = tpu.vector_load %arg4[%get3A_765, %get3A_766] {strides = array<i32>} : memref<200x256xf32, #tpu.memory_space<vmem>>, vector<16xf32>,
      %bitcast3A_768 = vector.bitcast %get3A_767 : vector<16xf32> to vector<16xi32>
      %shift_left3A_769 = arith.constant 1 : i32
      %shift_left3A_770 = vector.broadcast %shift_left3A_769 : i32 to vector<16xi32>
      %shift_left3A_771 = arith.shli %bitcast3A_768, %shift_left3A_770 : vector<16xi32>
      %min3A_772 = arith.minui %shift_left3A_771, %broadcast_in_dim3A_16 : vector<16xi32>
      %add3A_773 = arith.addi %add3A_733, %min3A_772 : vector<16xi32>
      %get3A_774 = arith.constant 74 : i32
      %get3A_775 = arith.index_cast %get3A_774 : i32 to index
      %get3A_776 = arith.index_cast %mul3A_37 : i32 to index
      %get3A_777 = tpu.vector_load %arg4[%get3A_775, %get3A_776] {strides = array<i32>} : memref<200x256xf32, #tpu.memory_space<vmem>>, vector<16xf32>,
      %bitcast3A_778 = vector.bitcast %get3A_777 : vector<16xf32> to vector<16xi32>
      %shift_left3A_779 = arith.constant 1 : i32
      %shift_left3A_780 = vector.broadcast %shift_left3A_779 : i32 to vector<16xi32>
      %shift_left3A_781 = arith.shli %bitcast3A_778, %shift_left3A_780 : vector<16xi32>
      %min3A_782 = arith.minui %shift_left3A_781, %broadcast_in_dim3A_16 : vector<16xi32>
      %add3A_783 = arith.addi %add3A_743, %min3A_782 : vector<16xi32>
      %get3A_784 = arith.constant 75 : i32
      %get3A_785 = arith.index_cast %get3A_784 : i32 to index
      %get3A_786 = arith.index_cast %mul3A_37 : i32 to index
      %get3A_787 = tpu.vector_load %arg4[%get3A_785, %get3A_786] {strides = array<i32>} : memref<200x256xf32, #tpu.memory_space<vmem>>, vector<16xf32>,
      %bitcast3A_788 = vector.bitcast %get3A_787 : vector<16xf32> to vector<16xi32>
      %shift_left3A_789 = arith.constant 1 : i32
      %shift_left3A_790 = vector.broadcast %shift_left3A_789 : i32 to vector<16xi32>
      %shift_left3A_791 = arith.shli %bitcast3A_788, %shift_left3A_790 : vector<16xi32>
      %min3A_792 = arith.minui %shift_left3A_791, %broadcast_in_dim3A_16 : vector<16xi32>
      %add3A_793 = arith.addi %add3A_753, %min3A_792 : vector<16xi32>
      %get3A_794 = arith.constant 76 : i32
      %get3A_795 = arith.index_cast %get3A_794 : i32 to index
      %get3A_796 = arith.index_cast %mul3A_37 : i32 to index
      %get3A_797 = tpu.vector_load %arg4[%get3A_795, %get3A_796] {strides = array<i32>} : memref<200x256xf32, #tpu.memory_space<vmem>>, vector<16xf32>,
      %bitcast3A_798 = vector.bitcast %get3A_797 : vector<16xf32> to vector<16xi32>
      %shift_left3A_799 = arith.constant 1 : i32
      %shift_left3A_800 = vector.broadcast %shift_left3A_799 : i32 to vector<16xi32>
      %shift_left3A_801 = arith.shli %bitcast3A_798, %shift_left3A_800 : vector<16xi32>
      %min3A_802 = arith.minui %shift_left3A_801, %broadcast_in_dim3A_16 : vector<16xi32>
      %add3A_803 = arith.addi %add3A_763, %min3A_802 : vector<16xi32>
      %get3A_804 = arith.constant 77 : i32
      %get3A_805 = arith.index_cast %get3A_804 : i32 to index
      %get3A_806 = arith.index_cast %mul3A_37 : i32 to index
      %get3A_807 = tpu.vector_load %arg4[%get3A_805, %get3A_806] {strides = array<i32>} : memref<200x256xf32, #tpu.memory_space<vmem>>, vector<16xf32>,
      %bitcast3A_808 = vector.bitcast %get3A_807 : vector<16xf32> to vector<16xi32>
      %shift_left3A_809 = arith.constant 1 : i32
      %shift_left3A_810 = vector.broadcast %shift_left3A_809 : i32 to vector<16xi32>
      %shift_left3A_811 = arith.shli %bitcast3A_808, %shift_left3A_810 : vector<16xi32>
      %min3A_812 = arith.minui %shift_left3A_811, %broadcast_in_dim3A_16 : vector<16xi32>
      %add3A_813 = arith.addi %add3A_773, %min3A_812 : vector<16xi32>
      %get3A_814 = arith.constant 78 : i32
      %get3A_815 = arith.index_cast %get3A_814 : i32 to index
      %get3A_816 = arith.index_cast %mul3A_37 : i32 to index
      %get3A_817 = tpu.vector_load %arg4[%get3A_815, %get3A_816] {strides = array<i32>} : memref<200x256xf32, #tpu.memory_space<vmem>>, vector<16xf32>,
      %bitcast3A_818 = vector.bitcast %get3A_817 : vector<16xf32> to vector<16xi32>
      %shift_left3A_819 = arith.constant 1 : i32
      %shift_left3A_820 = vector.broadcast %shift_left3A_819 : i32 to vector<16xi32>
      %shift_left3A_821 = arith.shli %bitcast3A_818, %shift_left3A_820 : vector<16xi32>
      %min3A_822 = arith.minui %shift_left3A_821, %broadcast_in_dim3A_16 : vector<16xi32>
      %add3A_823 = arith.addi %add3A_783, %min3A_822 : vector<16xi32>
      %get3A_824 = arith.constant 79 : i32
      %get3A_825 = arith.index_cast %get3A_824 : i32 to index
      %get3A_826 = arith.index_cast %mul3A_37 : i32 to index
      %get3A_827 = tpu.vector_load %arg4[%get3A_825, %get3A_826] {strides = array<i32>} : memref<200x256xf32, #tpu.memory_space<vmem>>, vector<16xf32>,
      %bitcast3A_828 = vector.bitcast %get3A_827 : vector<16xf32> to vector<16xi32>
      %shift_left3A_829 = arith.constant 1 : i32
      %shift_left3A_830 = vector.broadcast %shift_left3A_829 : i32 to vector<16xi32>
      %shift_left3A_831 = arith.shli %bitcast3A_828, %shift_left3A_830 : vector<16xi32>
      %min3A_832 = arith.minui %shift_left3A_831, %broadcast_in_dim3A_16 : vector<16xi32>
      %add3A_833 = arith.addi %add3A_793, %min3A_832 : vector<16xi32>
      %get3A_834 = arith.constant 80 : i32
      %get3A_835 = arith.index_cast %get3A_834 : i32 to index
      %get3A_836 = arith.index_cast %mul3A_37 : i32 to index
      %get3A_837 = tpu.vector_load %arg4[%get3A_835, %get3A_836] {strides = array<i32>} : memref<200x256xf32, #tpu.memory_space<vmem>>, vector<16xf32>,
      %bitcast3A_838 = vector.bitcast %get3A_837 : vector<16xf32> to vector<16xi32>
      %shift_left3A_839 = arith.constant 1 : i32
      %shift_left3A_840 = vector.broadcast %shift_left3A_839 : i32 to vector<16xi32>
      %shift_left3A_841 = arith.shli %bitcast3A_838, %shift_left3A_840 : vector<16xi32>
      %min3A_842 = arith.minui %shift_left3A_841, %broadcast_in_dim3A_16 : vector<16xi32>
      %add3A_843 = arith.addi %add3A_803, %min3A_842 : vector<16xi32>
      %get3A_844 = arith.constant 81 : i32
      %get3A_845 = arith.index_cast %get3A_844 : i32 to index
      %get3A_846 = arith.index_cast %mul3A_37 : i32 to index
      %get3A_847 = tpu.vector_load %arg4[%get3A_845, %get3A_846] {strides = array<i32>} : memref<200x256xf32, #tpu.memory_space<vmem>>, vector<16xf32>,
      %bitcast3A_848 = vector.bitcast %get3A_847 : vector<16xf32> to vector<16xi32>
      %shift_left3A_849 = arith.constant 1 : i32
      %shift_left3A_850 = vector.broadcast %shift_left3A_849 : i32 to vector<16xi32>
      %shift_left3A_851 = arith.shli %bitcast3A_848, %shift_left3A_850 : vector<16xi32>
      %min3A_852 = arith.minui %shift_left3A_851, %broadcast_in_dim3A_16 : vector<16xi32>
      %add3A_853 = arith.addi %add3A_813, %min3A_852 : vector<16xi32>
      %get3A_854 = arith.constant 82 : i32
      %get3A_855 = arith.index_cast %get3A_854 : i32 to index
      %get3A_856 = arith.index_cast %mul3A_37 : i32 to index
      %get3A_857 = tpu.vector_load %arg4[%get3A_855, %get3A_856] {strides = array<i32>} : memref<200x256xf32, #tpu.memory_space<vmem>>, vector<16xf32>,
      %bitcast3A_858 = vector.bitcast %get3A_857 : vector<16xf32> to vector<16xi32>
      %shift_left3A_859 = arith.constant 1 : i32
      %shift_left3A_860 = vector.broadcast %shift_left3A_859 : i32 to vector<16xi32>
      %shift_left3A_861 = arith.shli %bitcast3A_858, %shift_left3A_860 : vector<16xi32>
      %min3A_862 = arith.minui %shift_left3A_861, %broadcast_in_dim3A_16 : vector<16xi32>
      %add3A_863 = arith.addi %add3A_823, %min3A_862 : vector<16xi32>
      %get3A_864 = arith.constant 83 : i32
      %get3A_865 = arith.index_cast %get3A_864 : i32 to index
      %get3A_866 = arith.index_cast %mul3A_37 : i32 to index
      %get3A_867 = tpu.vector_load %arg4[%get3A_865, %get3A_866] {strides = array<i32>} : memref<200x256xf32, #tpu.memory_space<vmem>>, vector<16xf32>,
      %bitcast3A_868 = vector.bitcast %get3A_867 : vector<16xf32> to vector<16xi32>
      %shift_left3A_869 = arith.constant 1 : i32
      %shift_left3A_870 = vector.broadcast %shift_left3A_869 : i32 to vector<16xi32>
      %shift_left3A_871 = arith.shli %bitcast3A_868, %shift_left3A_870 : vector<16xi32>
      %min3A_872 = arith.minui %shift_left3A_871, %broadcast_in_dim3A_16 : vector<16xi32>
      %add3A_873 = arith.addi %add3A_833, %min3A_872 : vector<16xi32>
      %get3A_874 = arith.constant 84 : i32
      %get3A_875 = arith.index_cast %get3A_874 : i32 to index
      %get3A_876 = arith.index_cast %mul3A_37 : i32 to index
      %get3A_877 = tpu.vector_load %arg4[%get3A_875, %get3A_876] {strides = array<i32>} : memref<200x256xf32, #tpu.memory_space<vmem>>, vector<16xf32>,
      %bitcast3A_878 = vector.bitcast %get3A_877 : vector<16xf32> to vector<16xi32>
      %shift_left3A_879 = arith.constant 1 : i32
      %shift_left3A_880 = vector.broadcast %shift_left3A_879 : i32 to vector<16xi32>
      %shift_left3A_881 = arith.shli %bitcast3A_878, %shift_left3A_880 : vector<16xi32>
      %min3A_882 = arith.minui %shift_left3A_881, %broadcast_in_dim3A_16 : vector<16xi32>
      %add3A_883 = arith.addi %add3A_843, %min3A_882 : vector<16xi32>
      %get3A_884 = arith.constant 85 : i32
      %get3A_885 = arith.index_cast %get3A_884 : i32 to index
      %get3A_886 = arith.index_cast %mul3A_37 : i32 to index
      %get3A_887 = tpu.vector_load %arg4[%get3A_885, %get3A_886] {strides = array<i32>} : memref<200x256xf32, #tpu.memory_space<vmem>>, vector<16xf32>,
      %bitcast3A_888 = vector.bitcast %get3A_887 : vector<16xf32> to vector<16xi32>
      %shift_left3A_889 = arith.constant 1 : i32
      %shift_left3A_890 = vector.broadcast %shift_left3A_889 : i32 to vector<16xi32>
      %shift_left3A_891 = arith.shli %bitcast3A_888, %shift_left3A_890 : vector<16xi32>
      %min3A_892 = arith.minui %shift_left3A_891, %broadcast_in_dim3A_16 : vector<16xi32>
      %add3A_893 = arith.addi %add3A_853, %min3A_892 : vector<16xi32>
      %get3A_894 = arith.constant 86 : i32
      %get3A_895 = arith.index_cast %get3A_894 : i32 to index
      %get3A_896 = arith.index_cast %mul3A_37 : i32 to index
      %get3A_897 = tpu.vector_load %arg4[%get3A_895, %get3A_896] {strides = array<i32>} : memref<200x256xf32, #tpu.memory_space<vmem>>, vector<16xf32>,
      %bitcast3A_898 = vector.bitcast %get3A_897 : vector<16xf32> to vector<16xi32>
      %shift_left3A_899 = arith.constant 1 : i32
      %shift_left3A_900 = vector.broadcast %shift_left3A_899 : i32 to vector<16xi32>
      %shift_left3A_901 = arith.shli %bitcast3A_898, %shift_left3A_900 : vector<16xi32>
      %min3A_902 = arith.minui %shift_left3A_901, %broadcast_in_dim3A_16 : vector<16xi32>
      %add3A_903 = arith.addi %add3A_863, %min3A_902 : vector<16xi32>
      %get3A_904 = arith.constant 87 : i32
      %get3A_905 = arith.index_cast %get3A_904 : i32 to index
      %get3A_906 = arith.index_cast %mul3A_37 : i32 to index
      %get3A_907 = tpu.vector_load %arg4[%get3A_905, %get3A_906] {strides = array<i32>} : memref<200x256xf32, #tpu.memory_space<vmem>>, vector<16xf32>,
      %bitcast3A_908 = vector.bitcast %get3A_907 : vector<16xf32> to vector<16xi32>
      %shift_left3A_909 = arith.constant 1 : i32
      %shift_left3A_910 = vector.broadcast %shift_left3A_909 : i32 to vector<16xi32>
      %shift_left3A_911 = arith.shli %bitcast3A_908, %shift_left3A_910 : vector<16xi32>
      %min3A_912 = arith.minui %shift_left3A_911, %broadcast_in_dim3A_16 : vector<16xi32>
      %add3A_913 = arith.addi %add3A_873, %min3A_912 : vector<16xi32>
      %get3A_914 = arith.constant 88 : i32
      %get3A_915 = arith.index_cast %get3A_914 : i32 to index
      %get3A_916 = arith.index_cast %mul3A_37 : i32 to index
      %get3A_917 = tpu.vector_load %arg4[%get3A_915, %get3A_916] {strides = array<i32>} : memref<200x256xf32, #tpu.memory_space<vmem>>, vector<16xf32>,
      %bitcast3A_918 = vector.bitcast %get3A_917 : vector<16xf32> to vector<16xi32>
      %shift_left3A_919 = arith.constant 1 : i32
      %shift_left3A_920 = vector.broadcast %shift_left3A_919 : i32 to vector<16xi32>
      %shift_left3A_921 = arith.shli %bitcast3A_918, %shift_left3A_920 : vector<16xi32>
      %min3A_922 = arith.minui %shift_left3A_921, %broadcast_in_dim3A_16 : vector<16xi32>
      %add3A_923 = arith.addi %add3A_883, %min3A_922 : vector<16xi32>
      %get3A_924 = arith.constant 89 : i32
      %get3A_925 = arith.index_cast %get3A_924 : i32 to index
      %get3A_926 = arith.index_cast %mul3A_37 : i32 to index
      %get3A_927 = tpu.vector_load %arg4[%get3A_925, %get3A_926] {strides = array<i32>} : memref<200x256xf32, #tpu.memory_space<vmem>>, vector<16xf32>,
      %bitcast3A_928 = vector.bitcast %get3A_927 : vector<16xf32> to vector<16xi32>
      %shift_left3A_929 = arith.constant 1 : i32
      %shift_left3A_930 = vector.broadcast %shift_left3A_929 : i32 to vector<16xi32>
      %shift_left3A_931 = arith.shli %bitcast3A_928, %shift_left3A_930 : vector<16xi32>
      %min3A_932 = arith.minui %shift_left3A_931, %broadcast_in_dim3A_16 : vector<16xi32>
      %add3A_933 = arith.addi %add3A_893, %min3A_932 : vector<16xi32>
      %get3A_934 = arith.constant 90 : i32
      %get3A_935 = arith.index_cast %get3A_934 : i32 to index
      %get3A_936 = arith.index_cast %mul3A_37 : i32 to index
      %get3A_937 = tpu.vector_load %arg4[%get3A_935, %get3A_936] {strides = array<i32>} : memref<200x256xf32, #tpu.memory_space<vmem>>, vector<16xf32>,
      %bitcast3A_938 = vector.bitcast %get3A_937 : vector<16xf32> to vector<16xi32>
      %shift_left3A_939 = arith.constant 1 : i32
      %shift_left3A_940 = vector.broadcast %shift_left3A_939 : i32 to vector<16xi32>
      %shift_left3A_941 = arith.shli %bitcast3A_938, %shift_left3A_940 : vector<16xi32>
      %min3A_942 = arith.minui %shift_left3A_941, %broadcast_in_dim3A_16 : vector<16xi32>
      %add3A_943 = arith.addi %add3A_903, %min3A_942 : vector<16xi32>
      %get3A_944 = arith.constant 91 : i32
      %get3A_945 = arith.index_cast %get3A_944 : i32 to index
      %get3A_946 = arith.index_cast %mul3A_37 : i32 to index
      %get3A_947 = tpu.vector_load %arg4[%get3A_945, %get3A_946] {strides = array<i32>} : memref<200x256xf32, #tpu.memory_space<vmem>>, vector<16xf32>,
      %bitcast3A_948 = vector.bitcast %get3A_947 : vector<16xf32> to vector<16xi32>
      %shift_left3A_949 = arith.constant 1 : i32
      %shift_left3A_950 = vector.broadcast %shift_left3A_949 : i32 to vector<16xi32>
      %shift_left3A_951 = arith.shli %bitcast3A_948, %shift_left3A_950 : vector<16xi32>
      %min3A_952 = arith.minui %shift_left3A_951, %broadcast_in_dim3A_16 : vector<16xi32>
      %add3A_953 = arith.addi %add3A_913, %min3A_952 : vector<16xi32>
      %get3A_954 = arith.constant 92 : i32
      %get3A_955 = arith.index_cast %get3A_954 : i32 to index
      %get3A_956 = arith.index_cast %mul3A_37 : i32 to index
      %get3A_957 = tpu.vector_load %arg4[%get3A_955, %get3A_956] {strides = array<i32>} : memref<200x256xf32, #tpu.memory_space<vmem>>, vector<16xf32>,
      %bitcast3A_958 = vector.bitcast %get3A_957 : vector<16xf32> to vector<16xi32>
      %shift_left3A_959 = arith.constant 1 : i32
      %shift_left3A_960 = vector.broadcast %shift_left3A_959 : i32 to vector<16xi32>
      %shift_left3A_961 = arith.shli %bitcast3A_958, %shift_left3A_960 : vector<16xi32>
      %min3A_962 = arith.minui %shift_left3A_961, %broadcast_in_dim3A_16 : vector<16xi32>
      %add3A_963 = arith.addi %add3A_923, %min3A_962 : vector<16xi32>
      %get3A_964 = arith.constant 93 : i32
      %get3A_965 = arith.index_cast %get3A_964 : i32 to index
      %get3A_966 = arith.index_cast %mul3A_37 : i32 to index
      %get3A_967 = tpu.vector_load %arg4[%get3A_965, %get3A_966] {strides = array<i32>} : memref<200x256xf32, #tpu.memory_space<vmem>>, vector<16xf32>,
      %bitcast3A_968 = vector.bitcast %get3A_967 : vector<16xf32> to vector<16xi32>
      %shift_left3A_969 = arith.constant 1 : i32
      %shift_left3A_970 = vector.broadcast %shift_left3A_969 : i32 to vector<16xi32>
      %shift_left3A_971 = arith.shli %bitcast3A_968, %shift_left3A_970 : vector<16xi32>
      %min3A_972 = arith.minui %shift_left3A_971, %broadcast_in_dim3A_16 : vector<16xi32>
      %add3A_973 = arith.addi %add3A_933, %min3A_972 : vector<16xi32>
      %get3A_974 = arith.constant 94 : i32
      %get3A_975 = arith.index_cast %get3A_974 : i32 to index
      %get3A_976 = arith.index_cast %mul3A_37 : i32 to index
      %get3A_977 = tpu.vector_load %arg4[%get3A_975, %get3A_976] {strides = array<i32>} : memref<200x256xf32, #tpu.memory_space<vmem>>, vector<16xf32>,
      %bitcast3A_978 = vector.bitcast %get3A_977 : vector<16xf32> to vector<16xi32>
      %shift_left3A_979 = arith.constant 1 : i32
      %shift_left3A_980 = vector.broadcast %shift_left3A_979 : i32 to vector<16xi32>
      %shift_left3A_981 = arith.shli %bitcast3A_978, %shift_left3A_980 : vector<16xi32>
      %min3A_982 = arith.minui %shift_left3A_981, %broadcast_in_dim3A_16 : vector<16xi32>
      %add3A_983 = arith.addi %add3A_943, %min3A_982 : vector<16xi32>
      %get3A_984 = arith.constant 95 : i32
      %get3A_985 = arith.index_cast %get3A_984 : i32 to index
      %get3A_986 = arith.index_cast %mul3A_37 : i32 to index
      %get3A_987 = tpu.vector_load %arg4[%get3A_985, %get3A_986] {strides = array<i32>} : memref<200x256xf32, #tpu.memory_space<vmem>>, vector<16xf32>,
      %bitcast3A_988 = vector.bitcast %get3A_987 : vector<16xf32> to vector<16xi32>
      %shift_left3A_989 = arith.constant 1 : i32
      %shift_left3A_990 = vector.broadcast %shift_left3A_989 : i32 to vector<16xi32>
      %shift_left3A_991 = arith.shli %bitcast3A_988, %shift_left3A_990 : vector<16xi32>
      %min3A_992 = arith.minui %shift_left3A_991, %broadcast_in_dim3A_16 : vector<16xi32>
      %add3A_993 = arith.addi %add3A_953, %min3A_992 : vector<16xi32>
      %get3A_994 = arith.constant 96 : i32
      %get3A_995 = arith.index_cast %get3A_994 : i32 to index
      %get3A_996 = arith.index_cast %mul3A_37 : i32 to index
      %get3A_997 = tpu.vector_load %arg4[%get3A_995, %get3A_996] {strides = array<i32>} : memref<200x256xf32, #tpu.memory_space<vmem>>, vector<16xf32>,
      %bitcast3A_998 = vector.bitcast %get3A_997 : vector<16xf32> to vector<16xi32>
      %shift_left3A_999 = arith.constant 1 : i32
      %shift_left3A_1000 = vector.broadcast %shift_left3A_999 : i32 to vector<16xi32>
      %shift_left3A_1001 = arith.shli %bitcast3A_998, %shift_left3A_1000 : vector<16xi32>
      %min3A_1002 = arith.minui %shift_left3A_1001, %broadcast_in_dim3A_16 : vector<16xi32>
      %add3A_1003 = arith.addi %add3A_963, %min3A_1002 : vector<16xi32>
      %get3A_1004 = arith.constant 97 : i32
      %get3A_1005 = arith.index_cast %get3A_1004 : i32 to index
      %get3A_1006 = arith.index_cast %mul3A_37 : i32 to index
      %get3A_1007 = tpu.vector_load %arg4[%get3A_1005, %get3A_1006] {strides = array<i32>} : memref<200x256xf32, #tpu.memory_space<vmem>>, vector<16xf32>,
      %bitcast3A_1008 = vector.bitcast %get3A_1007 : vector<16xf32> to vector<16xi32>
      %shift_left3A_1009 = arith.constant 1 : i32
      %shift_left3A_1010 = vector.broadcast %shift_left3A_1009 : i32 to vector<16xi32>
      %shift_left3A_1011 = arith.shli %bitcast3A_1008, %shift_left3A_1010 : vector<16xi32>
      %min3A_1012 = arith.minui %shift_left3A_1011, %broadcast_in_dim3A_16 : vector<16xi32>
      %add3A_1013 = arith.addi %add3A_973, %min3A_1012 : vector<16xi32>
      %get3A_1014 = arith.constant 98 : i32
      %get3A_1015 = arith.index_cast %get3A_1014 : i32 to index
      %get3A_1016 = arith.index_cast %mul3A_37 : i32 to index
      %get3A_1017 = tpu.vector_load %arg4[%get3A_1015, %get3A_1016] {strides = array<i32>} : memref<200x256xf32, #tpu.memory_space<vmem>>, vector<16xf32>,
      %bitcast3A_1018 = vector.bitcast %get3A_1017 : vector<16xf32> to vector<16xi32>
      %shift_left3A_1019 = arith.constant 1 : i32
      %shift_left3A_1020 = vector.broadcast %shift_left3A_1019 : i32 to vector<16xi32>
      %shift_left3A_1021 = arith.shli %bitcast3A_1018, %shift_left3A_1020 : vector<16xi32>
      %min3A_1022 = arith.minui %shift_left3A_1021, %broadcast_in_dim3A_16 : vector<16xi32>
      %add3A_1023 = arith.addi %add3A_983, %min3A_1022 : vector<16xi32>
      %get3A_1024 = arith.constant 99 : i32
      %get3A_1025 = arith.index_cast %get3A_1024 : i32 to index
      %get3A_1026 = arith.index_cast %mul3A_37 : i32 to index
      %get3A_1027 = tpu.vector_load %arg4[%get3A_1025, %get3A_1026] {strides = array<i32>} : memref<200x256xf32, #tpu.memory_space<vmem>>, vector<16xf32>,
      %bitcast3A_1028 = vector.bitcast %get3A_1027 : vector<16xf32> to vector<16xi32>
      %shift_left3A_1029 = arith.constant 1 : i32
      %shift_left3A_1030 = vector.broadcast %shift_left3A_1029 : i32 to vector<16xi32>
      %shift_left3A_1031 = arith.shli %bitcast3A_1028, %shift_left3A_1030 : vector<16xi32>
      %min3A_1032 = arith.minui %shift_left3A_1031, %broadcast_in_dim3A_16 : vector<16xi32>
      %add3A_1033 = arith.addi %add3A_993, %min3A_1032 : vector<16xi32>
      %get3A_1034 = arith.constant 100 : i32
      %get3A_1035 = arith.index_cast %get3A_1034 : i32 to index
      %get3A_1036 = arith.index_cast %mul3A_37 : i32 to index
      %get3A_1037 = tpu.vector_load %arg4[%get3A_1035, %get3A_1036] {strides = array<i32>} : memref<200x256xf32, #tpu.memory_space<vmem>>, vector<16xf32>,
      %bitcast3A_1038 = vector.bitcast %get3A_1037 : vector<16xf32> to vector<16xi32>
      %shift_left3A_1039 = arith.constant 1 : i32
      %shift_left3A_1040 = vector.broadcast %shift_left3A_1039 : i32 to vector<16xi32>
      %shift_left3A_1041 = arith.shli %bitcast3A_1038, %shift_left3A_1040 : vector<16xi32>
      %min3A_1042 = arith.minui %shift_left3A_1041, %broadcast_in_dim3A_16 : vector<16xi32>
      %add3A_1043 = arith.addi %add3A_1003, %min3A_1042 : vector<16xi32>
      %get3A_1044 = arith.constant 101 : i32
      %get3A_1045 = arith.index_cast %get3A_1044 : i32 to index
      %get3A_1046 = arith.index_cast %mul3A_37 : i32 to index
      %get3A_1047 = tpu.vector_load %arg4[%get3A_1045, %get3A_1046] {strides = array<i32>} : memref<200x256xf32, #tpu.memory_space<vmem>>, vector<16xf32>,
      %bitcast3A_1048 = vector.bitcast %get3A_1047 : vector<16xf32> to vector<16xi32>
      %shift_left3A_1049 = arith.constant 1 : i32
      %shift_left3A_1050 = vector.broadcast %shift_left3A_1049 : i32 to vector<16xi32>
      %shift_left3A_1051 = arith.shli %bitcast3A_1048, %shift_left3A_1050 : vector<16xi32>
      %min3A_1052 = arith.minui %shift_left3A_1051, %broadcast_in_dim3A_16 : vector<16xi32>
      %add3A_1053 = arith.addi %add3A_1013, %min3A_1052 : vector<16xi32>
      %get3A_1054 = arith.constant 102 : i32
      %get3A_1055 = arith.index_cast %get3A_1054 : i32 to index
      %get3A_1056 = arith.index_cast %mul3A_37 : i32 to index
      %get3A_1057 = tpu.vector_load %arg4[%get3A_1055, %get3A_1056] {strides = array<i32>} : memref<200x256xf32, #tpu.memory_space<vmem>>, vector<16xf32>,
      %bitcast3A_1058 = vector.bitcast %get3A_1057 : vector<16xf32> to vector<16xi32>
      %shift_left3A_1059 = arith.constant 1 : i32
      %shift_left3A_1060 = vector.broadcast %shift_left3A_1059 : i32 to vector<16xi32>
      %shift_left3A_1061 = arith.shli %bitcast3A_1058, %shift_left3A_1060 : vector<16xi32>
      %min3A_1062 = arith.minui %shift_left3A_1061, %broadcast_in_dim3A_16 : vector<16xi32>
      %add3A_1063 = arith.addi %add3A_1023, %min3A_1062 : vector<16xi32>
      %get3A_1064 = arith.constant 103 : i32
      %get3A_1065 = arith.index_cast %get3A_1064 : i32 to index
      %get3A_1066 = arith.index_cast %mul3A_37 : i32 to index
      %get3A_1067 = tpu.vector_load %arg4[%get3A_1065, %get3A_1066] {strides = array<i32>} : memref<200x256xf32, #tpu.memory_space<vmem>>, vector<16xf32>,
      %bitcast3A_1068 = vector.bitcast %get3A_1067 : vector<16xf32> to vector<16xi32>
      %shift_left3A_1069 = arith.constant 1 : i32
      %shift_left3A_1070 = vector.broadcast %shift_left3A_1069 : i32 to vector<16xi32>
      %shift_left3A_1071 = arith.shli %bitcast3A_1068, %shift_left3A_1070 : vector<16xi32>
      %min3A_1072 = arith.minui %shift_left3A_1071, %broadcast_in_dim3A_16 : vector<16xi32>
      %add3A_1073 = arith.addi %add3A_1033, %min3A_1072 : vector<16xi32>
      %get3A_1074 = arith.constant 104 : i32
      %get3A_1075 = arith.index_cast %get3A_1074 : i32 to index
      %get3A_1076 = arith.index_cast %mul3A_37 : i32 to index
      %get3A_1077 = tpu.vector_load %arg4[%get3A_1075, %get3A_1076] {strides = array<i32>} : memref<200x256xf32, #tpu.memory_space<vmem>>, vector<16xf32>,
      %bitcast3A_1078 = vector.bitcast %get3A_1077 : vector<16xf32> to vector<16xi32>
      %shift_left3A_1079 = arith.constant 1 : i32
      %shift_left3A_1080 = vector.broadcast %shift_left3A_1079 : i32 to vector<16xi32>
      %shift_left3A_1081 = arith.shli %bitcast3A_1078, %shift_left3A_1080 : vector<16xi32>
      %min3A_1082 = arith.minui %shift_left3A_1081, %broadcast_in_dim3A_16 : vector<16xi32>
      %add3A_1083 = arith.addi %add3A_1043, %min3A_1082 : vector<16xi32>
      %get3A_1084 = arith.constant 105 : i32
      %get3A_1085 = arith.index_cast %get3A_1084 : i32 to index
      %get3A_1086 = arith.index_cast %mul3A_37 : i32 to index
      %get3A_1087 = tpu.vector_load %arg4[%get3A_1085, %get3A_1086] {strides = array<i32>} : memref<200x256xf32, #tpu.memory_space<vmem>>, vector<16xf32>,
      %bitcast3A_1088 = vector.bitcast %get3A_1087 : vector<16xf32> to vector<16xi32>
      %shift_left3A_1089 = arith.constant 1 : i32
      %shift_left3A_1090 = vector.broadcast %shift_left3A_1089 : i32 to vector<16xi32>
      %shift_left3A_1091 = arith.shli %bitcast3A_1088, %shift_left3A_1090 : vector<16xi32>
      %min3A_1092 = arith.minui %shift_left3A_1091, %broadcast_in_dim3A_16 : vector<16xi32>
      %add3A_1093 = arith.addi %add3A_1053, %min3A_1092 : vector<16xi32>
      %get3A_1094 = arith.constant 106 : i32
      %get3A_1095 = arith.index_cast %get3A_1094 : i32 to index
      %get3A_1096 = arith.index_cast %mul3A_37 : i32 to index
      %get3A_1097 = tpu.vector_load %arg4[%get3A_1095, %get3A_1096] {strides = array<i32>} : memref<200x256xf32, #tpu.memory_space<vmem>>, vector<16xf32>,
      %bitcast3A_1098 = vector.bitcast %get3A_1097 : vector<16xf32> to vector<16xi32>
      %shift_left3A_1099 = arith.constant 1 : i32
      %shift_left3A_1100 = vector.broadcast %shift_left3A_1099 : i32 to vector<16xi32>
      %shift_left3A_1101 = arith.shli %bitcast3A_1098, %shift_left3A_1100 : vector<16xi32>
      %min3A_1102 = arith.minui %shift_left3A_1101, %broadcast_in_dim3A_16 : vector<16xi32>
      %add3A_1103 = arith.addi %add3A_1063, %min3A_1102 : vector<16xi32>
      %get3A_1104 = arith.constant 107 : i32
      %get3A_1105 = arith.index_cast %get3A_1104 : i32 to index
      %get3A_1106 = arith.index_cast %mul3A_37 : i32 to index
      %get3A_1107 = tpu.vector_load %arg4[%get3A_1105, %get3A_1106] {strides = array<i32>} : memref<200x256xf32, #tpu.memory_space<vmem>>, vector<16xf32>,
      %bitcast3A_1108 = vector.bitcast %get3A_1107 : vector<16xf32> to vector<16xi32>
      %shift_left3A_1109 = arith.constant 1 : i32
      %shift_left3A_1110 = vector.broadcast %shift_left3A_1109 : i32 to vector<16xi32>
      %shift_left3A_1111 = arith.shli %bitcast3A_1108, %shift_left3A_1110 : vector<16xi32>
      %min3A_1112 = arith.minui %shift_left3A_1111, %broadcast_in_dim3A_16 : vector<16xi32>
      %add3A_1113 = arith.addi %add3A_1073, %min3A_1112 : vector<16xi32>
      %get3A_1114 = arith.constant 108 : i32
      %get3A_1115 = arith.index_cast %get3A_1114 : i32 to index
      %get3A_1116 = arith.index_cast %mul3A_37 : i32 to index
      %get3A_1117 = tpu.vector_load %arg4[%get3A_1115, %get3A_1116] {strides = array<i32>} : memref<200x256xf32, #tpu.memory_space<vmem>>, vector<16xf32>,
      %bitcast3A_1118 = vector.bitcast %get3A_1117 : vector<16xf32> to vector<16xi32>
      %shift_left3A_1119 = arith.constant 1 : i32
      %shift_left3A_1120 = vector.broadcast %shift_left3A_1119 : i32 to vector<16xi32>
      %shift_left3A_1121 = arith.shli %bitcast3A_1118, %shift_left3A_1120 : vector<16xi32>
      %min3A_1122 = arith.minui %shift_left3A_1121, %broadcast_in_dim3A_16 : vector<16xi32>
      %add3A_1123 = arith.addi %add3A_1083, %min3A_1122 : vector<16xi32>
      %get3A_1124 = arith.constant 109 : i32
      %get3A_1125 = arith.index_cast %get3A_1124 : i32 to index
      %get3A_1126 = arith.index_cast %mul3A_37 : i32 to index
      %get3A_1127 = tpu.vector_load %arg4[%get3A_1125, %get3A_1126] {strides = array<i32>} : memref<200x256xf32, #tpu.memory_space<vmem>>, vector<16xf32>,
      %bitcast3A_1128 = vector.bitcast %get3A_1127 : vector<16xf32> to vector<16xi32>
      %shift_left3A_1129 = arith.constant 1 : i32
      %shift_left3A_1130 = vector.broadcast %shift_left3A_1129 : i32 to vector<16xi32>
      %shift_left3A_1131 = arith.shli %bitcast3A_1128, %shift_left3A_1130 : vector<16xi32>
      %min3A_1132 = arith.minui %shift_left3A_1131, %broadcast_in_dim3A_16 : vector<16xi32>
      %add3A_1133 = arith.addi %add3A_1093, %min3A_1132 : vector<16xi32>
      %get3A_1134 = arith.constant 110 : i32
      %get3A_1135 = arith.index_cast %get3A_1134 : i32 to index
      %get3A_1136 = arith.index_cast %mul3A_37 : i32 to index
      %get3A_1137 = tpu.vector_load %arg4[%get3A_1135, %get3A_1136] {strides = array<i32>} : memref<200x256xf32, #tpu.memory_space<vmem>>, vector<16xf32>,
      %bitcast3A_1138 = vector.bitcast %get3A_1137 : vector<16xf32> to vector<16xi32>
      %shift_left3A_1139 = arith.constant 1 : i32
      %shift_left3A_1140 = vector.broadcast %shift_left3A_1139 : i32 to vector<16xi32>
      %shift_left3A_1141 = arith.shli %bitcast3A_1138, %shift_left3A_1140 : vector<16xi32>
      %min3A_1142 = arith.minui %shift_left3A_1141, %broadcast_in_dim3A_16 : vector<16xi32>
      %add3A_1143 = arith.addi %add3A_1103, %min3A_1142 : vector<16xi32>
      %get3A_1144 = arith.constant 111 : i32
      %get3A_1145 = arith.index_cast %get3A_1144 : i32 to index
      %get3A_1146 = arith.index_cast %mul3A_37 : i32 to index
      %get3A_1147 = tpu.vector_load %arg4[%get3A_1145, %get3A_1146] {strides = array<i32>} : memref<200x256xf32, #tpu.memory_space<vmem>>, vector<16xf32>,
      %bitcast3A_1148 = vector.bitcast %get3A_1147 : vector<16xf32> to vector<16xi32>
      %shift_left3A_1149 = arith.constant 1 : i32
      %shift_left3A_1150 = vector.broadcast %shift_left3A_1149 : i32 to vector<16xi32>
      %shift_left3A_1151 = arith.shli %bitcast3A_1148, %shift_left3A_1150 : vector<16xi32>
      %min3A_1152 = arith.minui %shift_left3A_1151, %broadcast_in_dim3A_16 : vector<16xi32>
      %add3A_1153 = arith.addi %add3A_1113, %min3A_1152 : vector<16xi32>
      %get3A_1154 = arith.constant 112 : i32
      %get3A_1155 = arith.index_cast %get3A_1154 : i32 to index
      %get3A_1156 = arith.index_cast %mul3A_37 : i32 to index
      %get3A_1157 = tpu.vector_load %arg4[%get3A_1155, %get3A_1156] {strides = array<i32>} : memref<200x256xf32, #tpu.memory_space<vmem>>, vector<16xf32>,
      %bitcast3A_1158 = vector.bitcast %get3A_1157 : vector<16xf32> to vector<16xi32>
      %shift_left3A_1159 = arith.constant 1 : i32
      %shift_left3A_1160 = vector.broadcast %shift_left3A_1159 : i32 to vector<16xi32>
      %shift_left3A_1161 = arith.shli %bitcast3A_1158, %shift_left3A_1160 : vector<16xi32>
      %min3A_1162 = arith.minui %shift_left3A_1161, %broadcast_in_dim3A_16 : vector<16xi32>
      %add3A_1163 = arith.addi %add3A_1123, %min3A_1162 : vector<16xi32>
      %get3A_1164 = arith.constant 113 : i32
      %get3A_1165 = arith.index_cast %get3A_1164 : i32 to index
      %get3A_1166 = arith.index_cast %mul3A_37 : i32 to index
      %get3A_1167 = tpu.vector_load %arg4[%get3A_1165, %get3A_1166] {strides = array<i32>} : memref<200x256xf32, #tpu.memory_space<vmem>>, vector<16xf32>,
      %bitcast3A_1168 = vector.bitcast %get3A_1167 : vector<16xf32> to vector<16xi32>
      %shift_left3A_1169 = arith.constant 1 : i32
      %shift_left3A_1170 = vector.broadcast %shift_left3A_1169 : i32 to vector<16xi32>
      %shift_left3A_1171 = arith.shli %bitcast3A_1168, %shift_left3A_1170 : vector<16xi32>
      %min3A_1172 = arith.minui %shift_left3A_1171, %broadcast_in_dim3A_16 : vector<16xi32>
      %add3A_1173 = arith.addi %add3A_1133, %min3A_1172 : vector<16xi32>
      %get3A_1174 = arith.constant 114 : i32
      %get3A_1175 = arith.index_cast %get3A_1174 : i32 to index
      %get3A_1176 = arith.index_cast %mul3A_37 : i32 to index
      %get3A_1177 = tpu.vector_load %arg4[%get3A_1175, %get3A_1176] {strides = array<i32>} : memref<200x256xf32, #tpu.memory_space<vmem>>, vector<16xf32>,
      %bitcast3A_1178 = vector.bitcast %get3A_1177 : vector<16xf32> to vector<16xi32>
      %shift_left3A_1179 = arith.constant 1 : i32
      %shift_left3A_1180 = vector.broadcast %shift_left3A_1179 : i32 to vector<16xi32>
      %shift_left3A_1181 = arith.shli %bitcast3A_1178, %shift_left3A_1180 : vector<16xi32>
      %min3A_1182 = arith.minui %shift_left3A_1181, %broadcast_in_dim3A_16 : vector<16xi32>
      %add3A_1183 = arith.addi %add3A_1143, %min3A_1182 : vector<16xi32>
      %get3A_1184 = arith.constant 115 : i32
      %get3A_1185 = arith.index_cast %get3A_1184 : i32 to index
      %get3A_1186 = arith.index_cast %mul3A_37 : i32 to index
      %get3A_1187 = tpu.vector_load %arg4[%get3A_1185, %get3A_1186] {strides = array<i32>} : memref<200x256xf32, #tpu.memory_space<vmem>>, vector<16xf32>,
      %bitcast3A_1188 = vector.bitcast %get3A_1187 : vector<16xf32> to vector<16xi32>
      %shift_left3A_1189 = arith.constant 1 : i32
      %shift_left3A_1190 = vector.broadcast %shift_left3A_1189 : i32 to vector<16xi32>
      %shift_left3A_1191 = arith.shli %bitcast3A_1188, %shift_left3A_1190 : vector<16xi32>
      %min3A_1192 = arith.minui %shift_left3A_1191, %broadcast_in_dim3A_16 : vector<16xi32>
      %add3A_1193 = arith.addi %add3A_1153, %min3A_1192 : vector<16xi32>
      %get3A_1194 = arith.constant 116 : i32
      %get3A_1195 = arith.index_cast %get3A_1194 : i32 to index
      %get3A_1196 = arith.index_cast %mul3A_37 : i32 to index
      %get3A_1197 = tpu.vector_load %arg4[%get3A_1195, %get3A_1196] {strides = array<i32>} : memref<200x256xf32, #tpu.memory_space<vmem>>, vector<16xf32>,
      %bitcast3A_1198 = vector.bitcast %get3A_1197 : vector<16xf32> to vector<16xi32>
      %shift_left3A_1199 = arith.constant 1 : i32
      %shift_left3A_1200 = vector.broadcast %shift_left3A_1199 : i32 to vector<16xi32>
      %shift_left3A_1201 = arith.shli %bitcast3A_1198, %shift_left3A_1200 : vector<16xi32>
      %min3A_1202 = arith.minui %shift_left3A_1201, %broadcast_in_dim3A_16 : vector<16xi32>
      %add3A_1203 = arith.addi %add3A_1163, %min3A_1202 : vector<16xi32>
      %get3A_1204 = arith.constant 117 : i32
      %get3A_1205 = arith.index_cast %get3A_1204 : i32 to index
      %get3A_1206 = arith.index_cast %mul3A_37 : i32 to index
      %get3A_1207 = tpu.vector_load %arg4[%get3A_1205, %get3A_1206] {strides = array<i32>} : memref<200x256xf32, #tpu.memory_space<vmem>>, vector<16xf32>,
      %bitcast3A_1208 = vector.bitcast %get3A_1207 : vector<16xf32> to vector<16xi32>
      %shift_left3A_1209 = arith.constant 1 : i32
      %shift_left3A_1210 = vector.broadcast %shift_left3A_1209 : i32 to vector<16xi32>
      %shift_left3A_1211 = arith.shli %bitcast3A_1208, %shift_left3A_1210 : vector<16xi32>
      %min3A_1212 = arith.minui %shift_left3A_1211, %broadcast_in_dim3A_16 : vector<16xi32>
      %add3A_1213 = arith.addi %add3A_1173, %min3A_1212 : vector<16xi32>
      %get3A_1214 = arith.constant 118 : i32
      %get3A_1215 = arith.index_cast %get3A_1214 : i32 to index
      %get3A_1216 = arith.index_cast %mul3A_37 : i32 to index
      %get3A_1217 = tpu.vector_load %arg4[%get3A_1215, %get3A_1216] {strides = array<i32>} : memref<200x256xf32, #tpu.memory_space<vmem>>, vector<16xf32>,
      %bitcast3A_1218 = vector.bitcast %get3A_1217 : vector<16xf32> to vector<16xi32>
      %shift_left3A_1219 = arith.constant 1 : i32
      %shift_left3A_1220 = vector.broadcast %shift_left3A_1219 : i32 to vector<16xi32>
      %shift_left3A_1221 = arith.shli %bitcast3A_1218, %shift_left3A_1220 : vector<16xi32>
      %min3A_1222 = arith.minui %shift_left3A_1221, %broadcast_in_dim3A_16 : vector<16xi32>
      %add3A_1223 = arith.addi %add3A_1183, %min3A_1222 : vector<16xi32>
      %get3A_1224 = arith.constant 119 : i32
      %get3A_1225 = arith.index_cast %get3A_1224 : i32 to index
      %get3A_1226 = arith.index_cast %mul3A_37 : i32 to index
      %get3A_1227 = tpu.vector_load %arg4[%get3A_1225, %get3A_1226] {strides = array<i32>} : memref<200x256xf32, #tpu.memory_space<vmem>>, vector<16xf32>,
      %bitcast3A_1228 = vector.bitcast %get3A_1227 : vector<16xf32> to vector<16xi32>
      %shift_left3A_1229 = arith.constant 1 : i32
      %shift_left3A_1230 = vector.broadcast %shift_left3A_1229 : i32 to vector<16xi32>
      %shift_left3A_1231 = arith.shli %bitcast3A_1228, %shift_left3A_1230 : vector<16xi32>
      %min3A_1232 = arith.minui %shift_left3A_1231, %broadcast_in_dim3A_16 : vector<16xi32>
      %add3A_1233 = arith.addi %add3A_1193, %min3A_1232 : vector<16xi32>
      %get3A_1234 = arith.constant 120 : i32
      %get3A_1235 = arith.index_cast %get3A_1234 : i32 to index
      %get3A_1236 = arith.index_cast %mul3A_37 : i32 to index
      %get3A_1237 = tpu.vector_load %arg4[%get3A_1235, %get3A_1236] {strides = array<i32>} : memref<200x256xf32, #tpu.memory_space<vmem>>, vector<16xf32>,
      %bitcast3A_1238 = vector.bitcast %get3A_1237 : vector<16xf32> to vector<16xi32>
      %shift_left3A_1239 = arith.constant 1 : i32
      %shift_left3A_1240 = vector.broadcast %shift_left3A_1239 : i32 to vector<16xi32>
      %shift_left3A_1241 = arith.shli %bitcast3A_1238, %shift_left3A_1240 : vector<16xi32>
      %min3A_1242 = arith.minui %shift_left3A_1241, %broadcast_in_dim3A_16 : vector<16xi32>
      %add3A_1243 = arith.addi %add3A_1203, %min3A_1242 : vector<16xi32>
      %get3A_1244 = arith.constant 121 : i32
      %get3A_1245 = arith.index_cast %get3A_1244 : i32 to index
      %get3A_1246 = arith.index_cast %mul3A_37 : i32 to index
      %get3A_1247 = tpu.vector_load %arg4[%get3A_1245, %get3A_1246] {strides = array<i32>} : memref<200x256xf32, #tpu.memory_space<vmem>>, vector<16xf32>,
      %bitcast3A_1248 = vector.bitcast %get3A_1247 : vector<16xf32> to vector<16xi32>
      %shift_left3A_1249 = arith.constant 1 : i32
      %shift_left3A_1250 = vector.broadcast %shift_left3A_1249 : i32 to vector<16xi32>
      %shift_left3A_1251 = arith.shli %bitcast3A_1248, %shift_left3A_1250 : vector<16xi32>
      %min3A_1252 = arith.minui %shift_left3A_1251, %broadcast_in_dim3A_16 : vector<16xi32>
      %add3A_1253 = arith.addi %add3A_1213, %min3A_1252 : vector<16xi32>
      %get3A_1254 = arith.constant 122 : i32
      %get3A_1255 = arith.index_cast %get3A_1254 : i32 to index
      %get3A_1256 = arith.index_cast %mul3A_37 : i32 to index
      %get3A_1257 = tpu.vector_load %arg4[%get3A_1255, %get3A_1256] {strides = array<i32>} : memref<200x256xf32, #tpu.memory_space<vmem>>, vector<16xf32>,
      %bitcast3A_1258 = vector.bitcast %get3A_1257 : vector<16xf32> to vector<16xi32>
      %shift_left3A_1259 = arith.constant 1 : i32
      %shift_left3A_1260 = vector.broadcast %shift_left3A_1259 : i32 to vector<16xi32>
      %shift_left3A_1261 = arith.shli %bitcast3A_1258, %shift_left3A_1260 : vector<16xi32>
      %min3A_1262 = arith.minui %shift_left3A_1261, %broadcast_in_dim3A_16 : vector<16xi32>
      %add3A_1263 = arith.addi %add3A_1223, %min3A_1262 : vector<16xi32>
      %get3A_1264 = arith.constant 123 : i32
      %get3A_1265 = arith.index_cast %get3A_1264 : i32 to index
      %get3A_1266 = arith.index_cast %mul3A_37 : i32 to index
      %get3A_1267 = tpu.vector_load %arg4[%get3A_1265, %get3A_1266] {strides = array<i32>} : memref<200x256xf32, #tpu.memory_space<vmem>>, vector<16xf32>,
      %bitcast3A_1268 = vector.bitcast %get3A_1267 : vector<16xf32> to vector<16xi32>
      %shift_left3A_1269 = arith.constant 1 : i32
      %shift_left3A_1270 = vector.broadcast %shift_left3A_1269 : i32 to vector<16xi32>
      %shift_left3A_1271 = arith.shli %bitcast3A_1268, %shift_left3A_1270 : vector<16xi32>
      %min3A_1272 = arith.minui %shift_left3A_1271, %broadcast_in_dim3A_16 : vector<16xi32>
      %add3A_1273 = arith.addi %add3A_1233, %min3A_1272 : vector<16xi32>
      %get3A_1274 = arith.constant 124 : i32
      %get3A_1275 = arith.index_cast %get3A_1274 : i32 to index
      %get3A_1276 = arith.index_cast %mul3A_37 : i32 to index
      %get3A_1277 = tpu.vector_load %arg4[%get3A_1275, %get3A_1276] {strides = array<i32>} : memref<200x256xf32, #tpu.memory_space<vmem>>, vector<16xf32>,
      %bitcast3A_1278 = vector.bitcast %get3A_1277 : vector<16xf32> to vector<16xi32>
      %shift_left3A_1279 = arith.constant 1 : i32
      %shift_left3A_1280 = vector.broadcast %shift_left3A_1279 : i32 to vector<16xi32>
      %shift_left3A_1281 = arith.shli %bitcast3A_1278, %shift_left3A_1280 : vector<16xi32>
      %min3A_1282 = arith.minui %shift_left3A_1281, %broadcast_in_dim3A_16 : vector<16xi32>
      %add3A_1283 = arith.addi %add3A_1243, %min3A_1282 : vector<16xi32>
      %get3A_1284 = arith.constant 125 : i32
      %get3A_1285 = arith.index_cast %get3A_1284 : i32 to index
      %get3A_1286 = arith.index_cast %mul3A_37 : i32 to index
      %get3A_1287 = tpu.vector_load %arg4[%get3A_1285, %get3A_1286] {strides = array<i32>} : memref<200x256xf32, #tpu.memory_space<vmem>>, vector<16xf32>,
      %bitcast3A_1288 = vector.bitcast %get3A_1287 : vector<16xf32> to vector<16xi32>
      %shift_left3A_1289 = arith.constant 1 : i32
      %shift_left3A_1290 = vector.broadcast %shift_left3A_1289 : i32 to vector<16xi32>
      %shift_left3A_1291 = arith.shli %bitcast3A_1288, %shift_left3A_1290 : vector<16xi32>
      %min3A_1292 = arith.minui %shift_left3A_1291, %broadcast_in_dim3A_16 : vector<16xi32>
      %add3A_1293 = arith.addi %add3A_1253, %min3A_1292 : vector<16xi32>
      %get3A_1294 = arith.constant 126 : i32
      %get3A_1295 = arith.index_cast %get3A_1294 : i32 to index
      %get3A_1296 = arith.index_cast %mul3A_37 : i32 to index
      %get3A_1297 = tpu.vector_load %arg4[%get3A_1295, %get3A_1296] {strides = array<i32>} : memref<200x256xf32, #tpu.memory_space<vmem>>, vector<16xf32>,
      %bitcast3A_1298 = vector.bitcast %get3A_1297 : vector<16xf32> to vector<16xi32>
      %shift_left3A_1299 = arith.constant 1 : i32
      %shift_left3A_1300 = vector.broadcast %shift_left3A_1299 : i32 to vector<16xi32>
      %shift_left3A_1301 = arith.shli %bitcast3A_1298, %shift_left3A_1300 : vector<16xi32>
      %min3A_1302 = arith.minui %shift_left3A_1301, %broadcast_in_dim3A_16 : vector<16xi32>
      %add3A_1303 = arith.addi %add3A_1263, %min3A_1302 : vector<16xi32>
      %get3A_1304 = arith.constant 127 : i32
      %get3A_1305 = arith.index_cast %get3A_1304 : i32 to index
      %get3A_1306 = arith.index_cast %mul3A_37 : i32 to index
      %get3A_1307 = tpu.vector_load %arg4[%get3A_1305, %get3A_1306] {strides = array<i32>} : memref<200x256xf32, #tpu.memory_space<vmem>>, vector<16xf32>,
      %bitcast3A_1308 = vector.bitcast %get3A_1307 : vector<16xf32> to vector<16xi32>
      %shift_left3A_1309 = arith.constant 1 : i32
      %shift_left3A_1310 = vector.broadcast %shift_left3A_1309 : i32 to vector<16xi32>
      %shift_left3A_1311 = arith.shli %bitcast3A_1308, %shift_left3A_1310 : vector<16xi32>
      %min3A_1312 = arith.minui %shift_left3A_1311, %broadcast_in_dim3A_16 : vector<16xi32>
      %add3A_1313 = arith.addi %add3A_1273, %min3A_1312 : vector<16xi32>
      %get3A_1314 = arith.constant 128 : i32
      %get3A_1315 = arith.index_cast %get3A_1314 : i32 to index
      %get3A_1316 = arith.index_cast %mul3A_37 : i32 to index
      %get3A_1317 = tpu.vector_load %arg4[%get3A_1315, %get3A_1316] {strides = array<i32>} : memref<200x256xf32, #tpu.memory_space<vmem>>, vector<16xf32>,
      %bitcast3A_1318 = vector.bitcast %get3A_1317 : vector<16xf32> to vector<16xi32>
      %shift_left3A_1319 = arith.constant 1 : i32
      %shift_left3A_1320 = vector.broadcast %shift_left3A_1319 : i32 to vector<16xi32>
      %shift_left3A_1321 = arith.shli %bitcast3A_1318, %shift_left3A_1320 : vector<16xi32>
      %min3A_1322 = arith.minui %shift_left3A_1321, %broadcast_in_dim3A_16 : vector<16xi32>
      %add3A_1323 = arith.addi %add3A_1283, %min3A_1322 : vector<16xi32>
      %get3A_1324 = arith.constant 129 : i32
      %get3A_1325 = arith.index_cast %get3A_1324 : i32 to index
      %get3A_1326 = arith.index_cast %mul3A_37 : i32 to index
      %get3A_1327 = tpu.vector_load %arg4[%get3A_1325, %get3A_1326] {strides = array<i32>} : memref<200x256xf32, #tpu.memory_space<vmem>>, vector<16xf32>,
      %bitcast3A_1328 = vector.bitcast %get3A_1327 : vector<16xf32> to vector<16xi32>
      %shift_left3A_1329 = arith.constant 1 : i32
      %shift_left3A_1330 = vector.broadcast %shift_left3A_1329 : i32 to vector<16xi32>
      %shift_left3A_1331 = arith.shli %bitcast3A_1328, %shift_left3A_1330 : vector<16xi32>
      %min3A_1332 = arith.minui %shift_left3A_1331, %broadcast_in_dim3A_16 : vector<16xi32>
      %add3A_1333 = arith.addi %add3A_1293, %min3A_1332 : vector<16xi32>
      %get3A_1334 = arith.constant 130 : i32
      %get3A_1335 = arith.index_cast %get3A_1334 : i32 to index
      %get3A_1336 = arith.index_cast %mul3A_37 : i32 to index
      %get3A_1337 = tpu.vector_load %arg4[%get3A_1335, %get3A_1336] {strides = array<i32>} : memref<200x256xf32, #tpu.memory_space<vmem>>, vector<16xf32>,
      %bitcast3A_1338 = vector.bitcast %get3A_1337 : vector<16xf32> to vector<16xi32>
      %shift_left3A_1339 = arith.constant 1 : i32
      %shift_left3A_1340 = vector.broadcast %shift_left3A_1339 : i32 to vector<16xi32>
      %shift_left3A_1341 = arith.shli %bitcast3A_1338, %shift_left3A_1340 : vector<16xi32>
      %min3A_1342 = arith.minui %shift_left3A_1341, %broadcast_in_dim3A_16 : vector<16xi32>
      %add3A_1343 = arith.addi %add3A_1303, %min3A_1342 : vector<16xi32>
      %get3A_1344 = arith.constant 131 : i32
      %get3A_1345 = arith.index_cast %get3A_1344 : i32 to index
      %get3A_1346 = arith.index_cast %mul3A_37 : i32 to index
      %get3A_1347 = tpu.vector_load %arg4[%get3A_1345, %get3A_1346] {strides = array<i32>} : memref<200x256xf32, #tpu.memory_space<vmem>>, vector<16xf32>,
      %bitcast3A_1348 = vector.bitcast %get3A_1347 : vector<16xf32> to vector<16xi32>
      %shift_left3A_1349 = arith.constant 1 : i32
      %shift_left3A_1350 = vector.broadcast %shift_left3A_1349 : i32 to vector<16xi32>
      %shift_left3A_1351 = arith.shli %bitcast3A_1348, %shift_left3A_1350 : vector<16xi32>
      %min3A_1352 = arith.minui %shift_left3A_1351, %broadcast_in_dim3A_16 : vector<16xi32>
      %add3A_1353 = arith.addi %add3A_1313, %min3A_1352 : vector<16xi32>
      %get3A_1354 = arith.constant 132 : i32
      %get3A_1355 = arith.index_cast %get3A_1354 : i32 to index
      %get3A_1356 = arith.index_cast %mul3A_37 : i32 to index
      %get3A_1357 = tpu.vector_load %arg4[%get3A_1355, %get3A_1356] {strides = array<i32>} : memref<200x256xf32, #tpu.memory_space<vmem>>, vector<16xf32>,
      %bitcast3A_1358 = vector.bitcast %get3A_1357 : vector<16xf32> to vector<16xi32>
      %shift_left3A_1359 = arith.constant 1 : i32
      %shift_left3A_1360 = vector.broadcast %shift_left3A_1359 : i32 to vector<16xi32>
      %shift_left3A_1361 = arith.shli %bitcast3A_1358, %shift_left3A_1360 : vector<16xi32>
      %min3A_1362 = arith.minui %shift_left3A_1361, %broadcast_in_dim3A_16 : vector<16xi32>
      %add3A_1363 = arith.addi %add3A_1323, %min3A_1362 : vector<16xi32>
      %get3A_1364 = arith.constant 133 : i32
      %get3A_1365 = arith.index_cast %get3A_1364 : i32 to index
      %get3A_1366 = arith.index_cast %mul3A_37 : i32 to index
      %get3A_1367 = tpu.vector_load %arg4[%get3A_1365, %get3A_1366] {strides = array<i32>} : memref<200x256xf32, #tpu.memory_space<vmem>>, vector<16xf32>,
      %bitcast3A_1368 = vector.bitcast %get3A_1367 : vector<16xf32> to vector<16xi32>
      %shift_left3A_1369 = arith.constant 1 : i32
      %shift_left3A_1370 = vector.broadcast %shift_left3A_1369 : i32 to vector<16xi32>
      %shift_left3A_1371 = arith.shli %bitcast3A_1368, %shift_left3A_1370 : vector<16xi32>
      %min3A_1372 = arith.minui %shift_left3A_1371, %broadcast_in_dim3A_16 : vector<16xi32>
      %add3A_1373 = arith.addi %add3A_1333, %min3A_1372 : vector<16xi32>
      %get3A_1374 = arith.constant 134 : i32
      %get3A_1375 = arith.index_cast %get3A_1374 : i32 to index
      %get3A_1376 = arith.index_cast %mul3A_37 : i32 to index
      %get3A_1377 = tpu.vector_load %arg4[%get3A_1375, %get3A_1376] {strides = array<i32>} : memref<200x256xf32, #tpu.memory_space<vmem>>, vector<16xf32>,
      %bitcast3A_1378 = vector.bitcast %get3A_1377 : vector<16xf32> to vector<16xi32>
      %shift_left3A_1379 = arith.constant 1 : i32
      %shift_left3A_1380 = vector.broadcast %shift_left3A_1379 : i32 to vector<16xi32>
      %shift_left3A_1381 = arith.shli %bitcast3A_1378, %shift_left3A_1380 : vector<16xi32>
      %min3A_1382 = arith.minui %shift_left3A_1381, %broadcast_in_dim3A_16 : vector<16xi32>
      %add3A_1383 = arith.addi %add3A_1343, %min3A_1382 : vector<16xi32>
      %get3A_1384 = arith.constant 135 : i32
      %get3A_1385 = arith.index_cast %get3A_1384 : i32 to index
      %get3A_1386 = arith.index_cast %mul3A_37 : i32 to index
      %get3A_1387 = tpu.vector_load %arg4[%get3A_1385, %get3A_1386] {strides = array<i32>} : memref<200x256xf32, #tpu.memory_space<vmem>>, vector<16xf32>,
      %bitcast3A_1388 = vector.bitcast %get3A_1387 : vector<16xf32> to vector<16xi32>
      %shift_left3A_1389 = arith.constant 1 : i32
      %shift_left3A_1390 = vector.broadcast %shift_left3A_1389 : i32 to vector<16xi32>
      %shift_left3A_1391 = arith.shli %bitcast3A_1388, %shift_left3A_1390 : vector<16xi32>
      %min3A_1392 = arith.minui %shift_left3A_1391, %broadcast_in_dim3A_16 : vector<16xi32>
      %add3A_1393 = arith.addi %add3A_1353, %min3A_1392 : vector<16xi32>
      %get3A_1394 = arith.constant 136 : i32
      %get3A_1395 = arith.index_cast %get3A_1394 : i32 to index
      %get3A_1396 = arith.index_cast %mul3A_37 : i32 to index
      %get3A_1397 = tpu.vector_load %arg4[%get3A_1395, %get3A_1396] {strides = array<i32>} : memref<200x256xf32, #tpu.memory_space<vmem>>, vector<16xf32>,
      %bitcast3A_1398 = vector.bitcast %get3A_1397 : vector<16xf32> to vector<16xi32>
      %shift_left3A_1399 = arith.constant 1 : i32
      %shift_left3A_1400 = vector.broadcast %shift_left3A_1399 : i32 to vector<16xi32>
      %shift_left3A_1401 = arith.shli %bitcast3A_1398, %shift_left3A_1400 : vector<16xi32>
      %min3A_1402 = arith.minui %shift_left3A_1401, %broadcast_in_dim3A_16 : vector<16xi32>
      %add3A_1403 = arith.addi %add3A_1363, %min3A_1402 : vector<16xi32>
      %get3A_1404 = arith.constant 137 : i32
      %get3A_1405 = arith.index_cast %get3A_1404 : i32 to index
      %get3A_1406 = arith.index_cast %mul3A_37 : i32 to index
      %get3A_1407 = tpu.vector_load %arg4[%get3A_1405, %get3A_1406] {strides = array<i32>} : memref<200x256xf32, #tpu.memory_space<vmem>>, vector<16xf32>,
      %bitcast3A_1408 = vector.bitcast %get3A_1407 : vector<16xf32> to vector<16xi32>
      %shift_left3A_1409 = arith.constant 1 : i32
      %shift_left3A_1410 = vector.broadcast %shift_left3A_1409 : i32 to vector<16xi32>
      %shift_left3A_1411 = arith.shli %bitcast3A_1408, %shift_left3A_1410 : vector<16xi32>
      %min3A_1412 = arith.minui %shift_left3A_1411, %broadcast_in_dim3A_16 : vector<16xi32>
      %add3A_1413 = arith.addi %add3A_1373, %min3A_1412 : vector<16xi32>
      %get3A_1414 = arith.constant 138 : i32
      %get3A_1415 = arith.index_cast %get3A_1414 : i32 to index
      %get3A_1416 = arith.index_cast %mul3A_37 : i32 to index
      %get3A_1417 = tpu.vector_load %arg4[%get3A_1415, %get3A_1416] {strides = array<i32>} : memref<200x256xf32, #tpu.memory_space<vmem>>, vector<16xf32>,
      %bitcast3A_1418 = vector.bitcast %get3A_1417 : vector<16xf32> to vector<16xi32>
      %shift_left3A_1419 = arith.constant 1 : i32
      %shift_left3A_1420 = vector.broadcast %shift_left3A_1419 : i32 to vector<16xi32>
      %shift_left3A_1421 = arith.shli %bitcast3A_1418, %shift_left3A_1420 : vector<16xi32>
      %min3A_1422 = arith.minui %shift_left3A_1421, %broadcast_in_dim3A_16 : vector<16xi32>
      %add3A_1423 = arith.addi %add3A_1383, %min3A_1422 : vector<16xi32>
      %get3A_1424 = arith.constant 139 : i32
      %get3A_1425 = arith.index_cast %get3A_1424 : i32 to index
      %get3A_1426 = arith.index_cast %mul3A_37 : i32 to index
      %get3A_1427 = tpu.vector_load %arg4[%get3A_1425, %get3A_1426] {strides = array<i32>} : memref<200x256xf32, #tpu.memory_space<vmem>>, vector<16xf32>,
      %bitcast3A_1428 = vector.bitcast %get3A_1427 : vector<16xf32> to vector<16xi32>
      %shift_left3A_1429 = arith.constant 1 : i32
      %shift_left3A_1430 = vector.broadcast %shift_left3A_1429 : i32 to vector<16xi32>
      %shift_left3A_1431 = arith.shli %bitcast3A_1428, %shift_left3A_1430 : vector<16xi32>
      %min3A_1432 = arith.minui %shift_left3A_1431, %broadcast_in_dim3A_16 : vector<16xi32>
      %add3A_1433 = arith.addi %add3A_1393, %min3A_1432 : vector<16xi32>
      %get3A_1434 = arith.constant 140 : i32
      %get3A_1435 = arith.index_cast %get3A_1434 : i32 to index
      %get3A_1436 = arith.index_cast %mul3A_37 : i32 to index
      %get3A_1437 = tpu.vector_load %arg4[%get3A_1435, %get3A_1436] {strides = array<i32>} : memref<200x256xf32, #tpu.memory_space<vmem>>, vector<16xf32>,
      %bitcast3A_1438 = vector.bitcast %get3A_1437 : vector<16xf32> to vector<16xi32>
      %shift_left3A_1439 = arith.constant 1 : i32
      %shift_left3A_1440 = vector.broadcast %shift_left3A_1439 : i32 to vector<16xi32>
      %shift_left3A_1441 = arith.shli %bitcast3A_1438, %shift_left3A_1440 : vector<16xi32>
      %min3A_1442 = arith.minui %shift_left3A_1441, %broadcast_in_dim3A_16 : vector<16xi32>
      %add3A_1443 = arith.addi %add3A_1403, %min3A_1442 : vector<16xi32>
      %get3A_1444 = arith.constant 141 : i32
      %get3A_1445 = arith.index_cast %get3A_1444 : i32 to index
      %get3A_1446 = arith.index_cast %mul3A_37 : i32 to index
      %get3A_1447 = tpu.vector_load %arg4[%get3A_1445, %get3A_1446] {strides = array<i32>} : memref<200x256xf32, #tpu.memory_space<vmem>>, vector<16xf32>,
      %bitcast3A_1448 = vector.bitcast %get3A_1447 : vector<16xf32> to vector<16xi32>
      %shift_left3A_1449 = arith.constant 1 : i32
      %shift_left3A_1450 = vector.broadcast %shift_left3A_1449 : i32 to vector<16xi32>
      %shift_left3A_1451 = arith.shli %bitcast3A_1448, %shift_left3A_1450 : vector<16xi32>
      %min3A_1452 = arith.minui %shift_left3A_1451, %broadcast_in_dim3A_16 : vector<16xi32>
      %add3A_1453 = arith.addi %add3A_1413, %min3A_1452 : vector<16xi32>
      %get3A_1454 = arith.constant 142 : i32
      %get3A_1455 = arith.index_cast %get3A_1454 : i32 to index
      %get3A_1456 = arith.index_cast %mul3A_37 : i32 to index
      %get3A_1457 = tpu.vector_load %arg4[%get3A_1455, %get3A_1456] {strides = array<i32>} : memref<200x256xf32, #tpu.memory_space<vmem>>, vector<16xf32>,
      %bitcast3A_1458 = vector.bitcast %get3A_1457 : vector<16xf32> to vector<16xi32>
      %shift_left3A_1459 = arith.constant 1 : i32
      %shift_left3A_1460 = vector.broadcast %shift_left3A_1459 : i32 to vector<16xi32>
      %shift_left3A_1461 = arith.shli %bitcast3A_1458, %shift_left3A_1460 : vector<16xi32>
      %min3A_1462 = arith.minui %shift_left3A_1461, %broadcast_in_dim3A_16 : vector<16xi32>
      %add3A_1463 = arith.addi %add3A_1423, %min3A_1462 : vector<16xi32>
      %get3A_1464 = arith.constant 143 : i32
      %get3A_1465 = arith.index_cast %get3A_1464 : i32 to index
      %get3A_1466 = arith.index_cast %mul3A_37 : i32 to index
      %get3A_1467 = tpu.vector_load %arg4[%get3A_1465, %get3A_1466] {strides = array<i32>} : memref<200x256xf32, #tpu.memory_space<vmem>>, vector<16xf32>,
      %bitcast3A_1468 = vector.bitcast %get3A_1467 : vector<16xf32> to vector<16xi32>
      %shift_left3A_1469 = arith.constant 1 : i32
      %shift_left3A_1470 = vector.broadcast %shift_left3A_1469 : i32 to vector<16xi32>
      %shift_left3A_1471 = arith.shli %bitcast3A_1468, %shift_left3A_1470 : vector<16xi32>
      %min3A_1472 = arith.minui %shift_left3A_1471, %broadcast_in_dim3A_16 : vector<16xi32>
      %add3A_1473 = arith.addi %add3A_1433, %min3A_1472 : vector<16xi32>
      %get3A_1474 = arith.constant 144 : i32
      %get3A_1475 = arith.index_cast %get3A_1474 : i32 to index
      %get3A_1476 = arith.index_cast %mul3A_37 : i32 to index
      %get3A_1477 = tpu.vector_load %arg4[%get3A_1475, %get3A_1476] {strides = array<i32>} : memref<200x256xf32, #tpu.memory_space<vmem>>, vector<16xf32>,
      %bitcast3A_1478 = vector.bitcast %get3A_1477 : vector<16xf32> to vector<16xi32>
      %shift_left3A_1479 = arith.constant 1 : i32
      %shift_left3A_1480 = vector.broadcast %shift_left3A_1479 : i32 to vector<16xi32>
      %shift_left3A_1481 = arith.shli %bitcast3A_1478, %shift_left3A_1480 : vector<16xi32>
      %min3A_1482 = arith.minui %shift_left3A_1481, %broadcast_in_dim3A_16 : vector<16xi32>
      %add3A_1483 = arith.addi %add3A_1443, %min3A_1482 : vector<16xi32>
      %get3A_1484 = arith.constant 145 : i32
      %get3A_1485 = arith.index_cast %get3A_1484 : i32 to index
      %get3A_1486 = arith.index_cast %mul3A_37 : i32 to index
      %get3A_1487 = tpu.vector_load %arg4[%get3A_1485, %get3A_1486] {strides = array<i32>} : memref<200x256xf32, #tpu.memory_space<vmem>>, vector<16xf32>,
      %bitcast3A_1488 = vector.bitcast %get3A_1487 : vector<16xf32> to vector<16xi32>
      %shift_left3A_1489 = arith.constant 1 : i32
      %shift_left3A_1490 = vector.broadcast %shift_left3A_1489 : i32 to vector<16xi32>
      %shift_left3A_1491 = arith.shli %bitcast3A_1488, %shift_left3A_1490 : vector<16xi32>
      %min3A_1492 = arith.minui %shift_left3A_1491, %broadcast_in_dim3A_16 : vector<16xi32>
      %add3A_1493 = arith.addi %add3A_1453, %min3A_1492 : vector<16xi32>
      %get3A_1494 = arith.constant 146 : i32
      %get3A_1495 = arith.index_cast %get3A_1494 : i32 to index
      %get3A_1496 = arith.index_cast %mul3A_37 : i32 to index
      %get3A_1497 = tpu.vector_load %arg4[%get3A_1495, %get3A_1496] {strides = array<i32>} : memref<200x256xf32, #tpu.memory_space<vmem>>, vector<16xf32>,
      %bitcast3A_1498 = vector.bitcast %get3A_1497 : vector<16xf32> to vector<16xi32>
      %shift_left3A_1499 = arith.constant 1 : i32
      %shift_left3A_1500 = vector.broadcast %shift_left3A_1499 : i32 to vector<16xi32>
      %shift_left3A_1501 = arith.shli %bitcast3A_1498, %shift_left3A_1500 : vector<16xi32>
      %min3A_1502 = arith.minui %shift_left3A_1501, %broadcast_in_dim3A_16 : vector<16xi32>
      %add3A_1503 = arith.addi %add3A_1463, %min3A_1502 : vector<16xi32>
      %get3A_1504 = arith.constant 147 : i32
      %get3A_1505 = arith.index_cast %get3A_1504 : i32 to index
      %get3A_1506 = arith.index_cast %mul3A_37 : i32 to index
      %get3A_1507 = tpu.vector_load %arg4[%get3A_1505, %get3A_1506] {strides = array<i32>} : memref<200x256xf32, #tpu.memory_space<vmem>>, vector<16xf32>,
      %bitcast3A_1508 = vector.bitcast %get3A_1507 : vector<16xf32> to vector<16xi32>
      %shift_left3A_1509 = arith.constant 1 : i32
      %shift_left3A_1510 = vector.broadcast %shift_left3A_1509 : i32 to vector<16xi32>
      %shift_left3A_1511 = arith.shli %bitcast3A_1508, %shift_left3A_1510 : vector<16xi32>
      %min3A_1512 = arith.minui %shift_left3A_1511, %broadcast_in_dim3A_16 : vector<16xi32>
      %add3A_1513 = arith.addi %add3A_1473, %min3A_1512 : vector<16xi32>
      %get3A_1514 = arith.constant 148 : i32
      %get3A_1515 = arith.index_cast %get3A_1514 : i32 to index
      %get3A_1516 = arith.index_cast %mul3A_37 : i32 to index
      %get3A_1517 = tpu.vector_load %arg4[%get3A_1515, %get3A_1516] {strides = array<i32>} : memref<200x256xf32, #tpu.memory_space<vmem>>, vector<16xf32>,
      %bitcast3A_1518 = vector.bitcast %get3A_1517 : vector<16xf32> to vector<16xi32>
      %shift_left3A_1519 = arith.constant 1 : i32
      %shift_left3A_1520 = vector.broadcast %shift_left3A_1519 : i32 to vector<16xi32>
      %shift_left3A_1521 = arith.shli %bitcast3A_1518, %shift_left3A_1520 : vector<16xi32>
      %min3A_1522 = arith.minui %shift_left3A_1521, %broadcast_in_dim3A_16 : vector<16xi32>
      %add3A_1523 = arith.addi %add3A_1483, %min3A_1522 : vector<16xi32>
      %get3A_1524 = arith.constant 149 : i32
      %get3A_1525 = arith.index_cast %get3A_1524 : i32 to index
      %get3A_1526 = arith.index_cast %mul3A_37 : i32 to index
      %get3A_1527 = tpu.vector_load %arg4[%get3A_1525, %get3A_1526] {strides = array<i32>} : memref<200x256xf32, #tpu.memory_space<vmem>>, vector<16xf32>,
      %bitcast3A_1528 = vector.bitcast %get3A_1527 : vector<16xf32> to vector<16xi32>
      %shift_left3A_1529 = arith.constant 1 : i32
      %shift_left3A_1530 = vector.broadcast %shift_left3A_1529 : i32 to vector<16xi32>
      %shift_left3A_1531 = arith.shli %bitcast3A_1528, %shift_left3A_1530 : vector<16xi32>
      %min3A_1532 = arith.minui %shift_left3A_1531, %broadcast_in_dim3A_16 : vector<16xi32>
      %add3A_1533 = arith.addi %add3A_1493, %min3A_1532 : vector<16xi32>
      %get3A_1534 = arith.constant 150 : i32
      %get3A_1535 = arith.index_cast %get3A_1534 : i32 to index
      %get3A_1536 = arith.index_cast %mul3A_37 : i32 to index
      %get3A_1537 = tpu.vector_load %arg4[%get3A_1535, %get3A_1536] {strides = array<i32>} : memref<200x256xf32, #tpu.memory_space<vmem>>, vector<16xf32>,
      %bitcast3A_1538 = vector.bitcast %get3A_1537 : vector<16xf32> to vector<16xi32>
      %shift_left3A_1539 = arith.constant 1 : i32
      %shift_left3A_1540 = vector.broadcast %shift_left3A_1539 : i32 to vector<16xi32>
      %shift_left3A_1541 = arith.shli %bitcast3A_1538, %shift_left3A_1540 : vector<16xi32>
      %min3A_1542 = arith.minui %shift_left3A_1541, %broadcast_in_dim3A_16 : vector<16xi32>
      %add3A_1543 = arith.addi %add3A_1503, %min3A_1542 : vector<16xi32>
      %get3A_1544 = arith.constant 151 : i32
      %get3A_1545 = arith.index_cast %get3A_1544 : i32 to index
      %get3A_1546 = arith.index_cast %mul3A_37 : i32 to index
      %get3A_1547 = tpu.vector_load %arg4[%get3A_1545, %get3A_1546] {strides = array<i32>} : memref<200x256xf32, #tpu.memory_space<vmem>>, vector<16xf32>,
      %bitcast3A_1548 = vector.bitcast %get3A_1547 : vector<16xf32> to vector<16xi32>
      %shift_left3A_1549 = arith.constant 1 : i32
      %shift_left3A_1550 = vector.broadcast %shift_left3A_1549 : i32 to vector<16xi32>
      %shift_left3A_1551 = arith.shli %bitcast3A_1548, %shift_left3A_1550 : vector<16xi32>
      %min3A_1552 = arith.minui %shift_left3A_1551, %broadcast_in_dim3A_16 : vector<16xi32>
      %add3A_1553 = arith.addi %add3A_1513, %min3A_1552 : vector<16xi32>
      %get3A_1554 = arith.constant 152 : i32
      %get3A_1555 = arith.index_cast %get3A_1554 : i32 to index
      %get3A_1556 = arith.index_cast %mul3A_37 : i32 to index
      %get3A_1557 = tpu.vector_load %arg4[%get3A_1555, %get3A_1556] {strides = array<i32>} : memref<200x256xf32, #tpu.memory_space<vmem>>, vector<16xf32>,
      %bitcast3A_1558 = vector.bitcast %get3A_1557 : vector<16xf32> to vector<16xi32>
      %shift_left3A_1559 = arith.constant 1 : i32
      %shift_left3A_1560 = vector.broadcast %shift_left3A_1559 : i32 to vector<16xi32>
      %shift_left3A_1561 = arith.shli %bitcast3A_1558, %shift_left3A_1560 : vector<16xi32>
      %min3A_1562 = arith.minui %shift_left3A_1561, %broadcast_in_dim3A_16 : vector<16xi32>
      %add3A_1563 = arith.addi %add3A_1523, %min3A_1562 : vector<16xi32>
      %get3A_1564 = arith.constant 153 : i32
      %get3A_1565 = arith.index_cast %get3A_1564 : i32 to index
      %get3A_1566 = arith.index_cast %mul3A_37 : i32 to index
      %get3A_1567 = tpu.vector_load %arg4[%get3A_1565, %get3A_1566] {strides = array<i32>} : memref<200x256xf32, #tpu.memory_space<vmem>>, vector<16xf32>,
      %bitcast3A_1568 = vector.bitcast %get3A_1567 : vector<16xf32> to vector<16xi32>
      %shift_left3A_1569 = arith.constant 1 : i32
      %shift_left3A_1570 = vector.broadcast %shift_left3A_1569 : i32 to vector<16xi32>
      %shift_left3A_1571 = arith.shli %bitcast3A_1568, %shift_left3A_1570 : vector<16xi32>
      %min3A_1572 = arith.minui %shift_left3A_1571, %broadcast_in_dim3A_16 : vector<16xi32>
      %add3A_1573 = arith.addi %add3A_1533, %min3A_1572 : vector<16xi32>
      %get3A_1574 = arith.constant 154 : i32
      %get3A_1575 = arith.index_cast %get3A_1574 : i32 to index
      %get3A_1576 = arith.index_cast %mul3A_37 : i32 to index
      %get3A_1577 = tpu.vector_load %arg4[%get3A_1575, %get3A_1576] {strides = array<i32>} : memref<200x256xf32, #tpu.memory_space<vmem>>, vector<16xf32>,
      %bitcast3A_1578 = vector.bitcast %get3A_1577 : vector<16xf32> to vector<16xi32>
      %shift_left3A_1579 = arith.constant 1 : i32
      %shift_left3A_1580 = vector.broadcast %shift_left3A_1579 : i32 to vector<16xi32>
      %shift_left3A_1581 = arith.shli %bitcast3A_1578, %shift_left3A_1580 : vector<16xi32>
      %min3A_1582 = arith.minui %shift_left3A_1581, %broadcast_in_dim3A_16 : vector<16xi32>
      %add3A_1583 = arith.addi %add3A_1543, %min3A_1582 : vector<16xi32>
      %get3A_1584 = arith.constant 155 : i32
      %get3A_1585 = arith.index_cast %get3A_1584 : i32 to index
      %get3A_1586 = arith.index_cast %mul3A_37 : i32 to index
      %get3A_1587 = tpu.vector_load %arg4[%get3A_1585, %get3A_1586] {strides = array<i32>} : memref<200x256xf32, #tpu.memory_space<vmem>>, vector<16xf32>,
      %bitcast3A_1588 = vector.bitcast %get3A_1587 : vector<16xf32> to vector<16xi32>
      %shift_left3A_1589 = arith.constant 1 : i32
      %shift_left3A_1590 = vector.broadcast %shift_left3A_1589 : i32 to vector<16xi32>
      %shift_left3A_1591 = arith.shli %bitcast3A_1588, %shift_left3A_1590 : vector<16xi32>
      %min3A_1592 = arith.minui %shift_left3A_1591, %broadcast_in_dim3A_16 : vector<16xi32>
      %add3A_1593 = arith.addi %add3A_1553, %min3A_1592 : vector<16xi32>
      %get3A_1594 = arith.constant 156 : i32
      %get3A_1595 = arith.index_cast %get3A_1594 : i32 to index
      %get3A_1596 = arith.index_cast %mul3A_37 : i32 to index
      %get3A_1597 = tpu.vector_load %arg4[%get3A_1595, %get3A_1596] {strides = array<i32>} : memref<200x256xf32, #tpu.memory_space<vmem>>, vector<16xf32>,
      %bitcast3A_1598 = vector.bitcast %get3A_1597 : vector<16xf32> to vector<16xi32>
      %shift_left3A_1599 = arith.constant 1 : i32
      %shift_left3A_1600 = vector.broadcast %shift_left3A_1599 : i32 to vector<16xi32>
      %shift_left3A_1601 = arith.shli %bitcast3A_1598, %shift_left3A_1600 : vector<16xi32>
      %min3A_1602 = arith.minui %shift_left3A_1601, %broadcast_in_dim3A_16 : vector<16xi32>
      %add3A_1603 = arith.addi %add3A_1563, %min3A_1602 : vector<16xi32>
      %get3A_1604 = arith.constant 157 : i32
      %get3A_1605 = arith.index_cast %get3A_1604 : i32 to index
      %get3A_1606 = arith.index_cast %mul3A_37 : i32 to index
      %get3A_1607 = tpu.vector_load %arg4[%get3A_1605, %get3A_1606] {strides = array<i32>} : memref<200x256xf32, #tpu.memory_space<vmem>>, vector<16xf32>,
      %bitcast3A_1608 = vector.bitcast %get3A_1607 : vector<16xf32> to vector<16xi32>
      %shift_left3A_1609 = arith.constant 1 : i32
      %shift_left3A_1610 = vector.broadcast %shift_left3A_1609 : i32 to vector<16xi32>
      %shift_left3A_1611 = arith.shli %bitcast3A_1608, %shift_left3A_1610 : vector<16xi32>
      %min3A_1612 = arith.minui %shift_left3A_1611, %broadcast_in_dim3A_16 : vector<16xi32>
      %add3A_1613 = arith.addi %add3A_1573, %min3A_1612 : vector<16xi32>
      %get3A_1614 = arith.constant 158 : i32
      %get3A_1615 = arith.index_cast %get3A_1614 : i32 to index
      %get3A_1616 = arith.index_cast %mul3A_37 : i32 to index
      %get3A_1617 = tpu.vector_load %arg4[%get3A_1615, %get3A_1616] {strides = array<i32>} : memref<200x256xf32, #tpu.memory_space<vmem>>, vector<16xf32>,
      %bitcast3A_1618 = vector.bitcast %get3A_1617 : vector<16xf32> to vector<16xi32>
      %shift_left3A_1619 = arith.constant 1 : i32
      %shift_left3A_1620 = vector.broadcast %shift_left3A_1619 : i32 to vector<16xi32>
      %shift_left3A_1621 = arith.shli %bitcast3A_1618, %shift_left3A_1620 : vector<16xi32>
      %min3A_1622 = arith.minui %shift_left3A_1621, %broadcast_in_dim3A_16 : vector<16xi32>
      %add3A_1623 = arith.addi %add3A_1583, %min3A_1622 : vector<16xi32>
      %get3A_1624 = arith.constant 159 : i32
      %get3A_1625 = arith.index_cast %get3A_1624 : i32 to index
      %get3A_1626 = arith.index_cast %mul3A_37 : i32 to index
      %get3A_1627 = tpu.vector_load %arg4[%get3A_1625, %get3A_1626] {strides = array<i32>} : memref<200x256xf32, #tpu.memory_space<vmem>>, vector<16xf32>,
      %bitcast3A_1628 = vector.bitcast %get3A_1627 : vector<16xf32> to vector<16xi32>
      %shift_left3A_1629 = arith.constant 1 : i32
      %shift_left3A_1630 = vector.broadcast %shift_left3A_1629 : i32 to vector<16xi32>
      %shift_left3A_1631 = arith.shli %bitcast3A_1628, %shift_left3A_1630 : vector<16xi32>
      %min3A_1632 = arith.minui %shift_left3A_1631, %broadcast_in_dim3A_16 : vector<16xi32>
      %add3A_1633 = arith.addi %add3A_1593, %min3A_1632 : vector<16xi32>
      %get3A_1634 = arith.constant 160 : i32
      %get3A_1635 = arith.index_cast %get3A_1634 : i32 to index
      %get3A_1636 = arith.index_cast %mul3A_37 : i32 to index
      %get3A_1637 = tpu.vector_load %arg4[%get3A_1635, %get3A_1636] {strides = array<i32>} : memref<200x256xf32, #tpu.memory_space<vmem>>, vector<16xf32>,
      %bitcast3A_1638 = vector.bitcast %get3A_1637 : vector<16xf32> to vector<16xi32>
      %shift_left3A_1639 = arith.constant 1 : i32
      %shift_left3A_1640 = vector.broadcast %shift_left3A_1639 : i32 to vector<16xi32>
      %shift_left3A_1641 = arith.shli %bitcast3A_1638, %shift_left3A_1640 : vector<16xi32>
      %min3A_1642 = arith.minui %shift_left3A_1641, %broadcast_in_dim3A_16 : vector<16xi32>
      %add3A_1643 = arith.addi %add3A_1603, %min3A_1642 : vector<16xi32>
      %get3A_1644 = arith.constant 161 : i32
      %get3A_1645 = arith.index_cast %get3A_1644 : i32 to index
      %get3A_1646 = arith.index_cast %mul3A_37 : i32 to index
      %get3A_1647 = tpu.vector_load %arg4[%get3A_1645, %get3A_1646] {strides = array<i32>} : memref<200x256xf32, #tpu.memory_space<vmem>>, vector<16xf32>,
      %bitcast3A_1648 = vector.bitcast %get3A_1647 : vector<16xf32> to vector<16xi32>
      %shift_left3A_1649 = arith.constant 1 : i32
      %shift_left3A_1650 = vector.broadcast %shift_left3A_1649 : i32 to vector<16xi32>
      %shift_left3A_1651 = arith.shli %bitcast3A_1648, %shift_left3A_1650 : vector<16xi32>
      %min3A_1652 = arith.minui %shift_left3A_1651, %broadcast_in_dim3A_16 : vector<16xi32>
      %add3A_1653 = arith.addi %add3A_1613, %min3A_1652 : vector<16xi32>
      %get3A_1654 = arith.constant 162 : i32
      %get3A_1655 = arith.index_cast %get3A_1654 : i32 to index
      %get3A_1656 = arith.index_cast %mul3A_37 : i32 to index
      %get3A_1657 = tpu.vector_load %arg4[%get3A_1655, %get3A_1656] {strides = array<i32>} : memref<200x256xf32, #tpu.memory_space<vmem>>, vector<16xf32>,
      %bitcast3A_1658 = vector.bitcast %get3A_1657 : vector<16xf32> to vector<16xi32>
      %shift_left3A_1659 = arith.constant 1 : i32
      %shift_left3A_1660 = vector.broadcast %shift_left3A_1659 : i32 to vector<16xi32>
      %shift_left3A_1661 = arith.shli %bitcast3A_1658, %shift_left3A_1660 : vector<16xi32>
      %min3A_1662 = arith.minui %shift_left3A_1661, %broadcast_in_dim3A_16 : vector<16xi32>
      %add3A_1663 = arith.addi %add3A_1623, %min3A_1662 : vector<16xi32>
      %get3A_1664 = arith.constant 163 : i32
      %get3A_1665 = arith.index_cast %get3A_1664 : i32 to index
      %get3A_1666 = arith.index_cast %mul3A_37 : i32 to index
      %get3A_1667 = tpu.vector_load %arg4[%get3A_1665, %get3A_1666] {strides = array<i32>} : memref<200x256xf32, #tpu.memory_space<vmem>>, vector<16xf32>,
      %bitcast3A_1668 = vector.bitcast %get3A_1667 : vector<16xf32> to vector<16xi32>
      %shift_left3A_1669 = arith.constant 1 : i32
      %shift_left3A_1670 = vector.broadcast %shift_left3A_1669 : i32 to vector<16xi32>
      %shift_left3A_1671 = arith.shli %bitcast3A_1668, %shift_left3A_1670 : vector<16xi32>
      %min3A_1672 = arith.minui %shift_left3A_1671, %broadcast_in_dim3A_16 : vector<16xi32>
      %add3A_1673 = arith.addi %add3A_1633, %min3A_1672 : vector<16xi32>
      %get3A_1674 = arith.constant 164 : i32
      %get3A_1675 = arith.index_cast %get3A_1674 : i32 to index
      %get3A_1676 = arith.index_cast %mul3A_37 : i32 to index
      %get3A_1677 = tpu.vector_load %arg4[%get3A_1675, %get3A_1676] {strides = array<i32>} : memref<200x256xf32, #tpu.memory_space<vmem>>, vector<16xf32>,
      %bitcast3A_1678 = vector.bitcast %get3A_1677 : vector<16xf32> to vector<16xi32>
      %shift_left3A_1679 = arith.constant 1 : i32
      %shift_left3A_1680 = vector.broadcast %shift_left3A_1679 : i32 to vector<16xi32>
      %shift_left3A_1681 = arith.shli %bitcast3A_1678, %shift_left3A_1680 : vector<16xi32>
      %min3A_1682 = arith.minui %shift_left3A_1681, %broadcast_in_dim3A_16 : vector<16xi32>
      %add3A_1683 = arith.addi %add3A_1643, %min3A_1682 : vector<16xi32>
      %get3A_1684 = arith.constant 165 : i32
      %get3A_1685 = arith.index_cast %get3A_1684 : i32 to index
      %get3A_1686 = arith.index_cast %mul3A_37 : i32 to index
      %get3A_1687 = tpu.vector_load %arg4[%get3A_1685, %get3A_1686] {strides = array<i32>} : memref<200x256xf32, #tpu.memory_space<vmem>>, vector<16xf32>,
      %bitcast3A_1688 = vector.bitcast %get3A_1687 : vector<16xf32> to vector<16xi32>
      %shift_left3A_1689 = arith.constant 1 : i32
      %shift_left3A_1690 = vector.broadcast %shift_left3A_1689 : i32 to vector<16xi32>
      %shift_left3A_1691 = arith.shli %bitcast3A_1688, %shift_left3A_1690 : vector<16xi32>
      %min3A_1692 = arith.minui %shift_left3A_1691, %broadcast_in_dim3A_16 : vector<16xi32>
      %add3A_1693 = arith.addi %add3A_1653, %min3A_1692 : vector<16xi32>
      %get3A_1694 = arith.constant 166 : i32
      %get3A_1695 = arith.index_cast %get3A_1694 : i32 to index
      %get3A_1696 = arith.index_cast %mul3A_37 : i32 to index
      %get3A_1697 = tpu.vector_load %arg4[%get3A_1695, %get3A_1696] {strides = array<i32>} : memref<200x256xf32, #tpu.memory_space<vmem>>, vector<16xf32>,
      %bitcast3A_1698 = vector.bitcast %get3A_1697 : vector<16xf32> to vector<16xi32>
      %shift_left3A_1699 = arith.constant 1 : i32
      %shift_left3A_1700 = vector.broadcast %shift_left3A_1699 : i32 to vector<16xi32>
      %shift_left3A_1701 = arith.shli %bitcast3A_1698, %shift_left3A_1700 : vector<16xi32>
      %min3A_1702 = arith.minui %shift_left3A_1701, %broadcast_in_dim3A_16 : vector<16xi32>
      %add3A_1703 = arith.addi %add3A_1663, %min3A_1702 : vector<16xi32>
      %get3A_1704 = arith.constant 167 : i32
      %get3A_1705 = arith.index_cast %get3A_1704 : i32 to index
      %get3A_1706 = arith.index_cast %mul3A_37 : i32 to index
      %get3A_1707 = tpu.vector_load %arg4[%get3A_1705, %get3A_1706] {strides = array<i32>} : memref<200x256xf32, #tpu.memory_space<vmem>>, vector<16xf32>,
      %bitcast3A_1708 = vector.bitcast %get3A_1707 : vector<16xf32> to vector<16xi32>
      %shift_left3A_1709 = arith.constant 1 : i32
      %shift_left3A_1710 = vector.broadcast %shift_left3A_1709 : i32 to vector<16xi32>
      %shift_left3A_1711 = arith.shli %bitcast3A_1708, %shift_left3A_1710 : vector<16xi32>
      %min3A_1712 = arith.minui %shift_left3A_1711, %broadcast_in_dim3A_16 : vector<16xi32>
      %add3A_1713 = arith.addi %add3A_1673, %min3A_1712 : vector<16xi32>
      %get3A_1714 = arith.constant 168 : i32
      %get3A_1715 = arith.index_cast %get3A_1714 : i32 to index
      %get3A_1716 = arith.index_cast %mul3A_37 : i32 to index
      %get3A_1717 = tpu.vector_load %arg4[%get3A_1715, %get3A_1716] {strides = array<i32>} : memref<200x256xf32, #tpu.memory_space<vmem>>, vector<16xf32>,
      %bitcast3A_1718 = vector.bitcast %get3A_1717 : vector<16xf32> to vector<16xi32>
      %shift_left3A_1719 = arith.constant 1 : i32
      %shift_left3A_1720 = vector.broadcast %shift_left3A_1719 : i32 to vector<16xi32>
      %shift_left3A_1721 = arith.shli %bitcast3A_1718, %shift_left3A_1720 : vector<16xi32>
      %min3A_1722 = arith.minui %shift_left3A_1721, %broadcast_in_dim3A_16 : vector<16xi32>
      %add3A_1723 = arith.addi %add3A_1683, %min3A_1722 : vector<16xi32>
      %get3A_1724 = arith.constant 169 : i32
      %get3A_1725 = arith.index_cast %get3A_1724 : i32 to index
      %get3A_1726 = arith.index_cast %mul3A_37 : i32 to index
      %get3A_1727 = tpu.vector_load %arg4[%get3A_1725, %get3A_1726] {strides = array<i32>} : memref<200x256xf32, #tpu.memory_space<vmem>>, vector<16xf32>,
      %bitcast3A_1728 = vector.bitcast %get3A_1727 : vector<16xf32> to vector<16xi32>
      %shift_left3A_1729 = arith.constant 1 : i32
      %shift_left3A_1730 = vector.broadcast %shift_left3A_1729 : i32 to vector<16xi32>
      %shift_left3A_1731 = arith.shli %bitcast3A_1728, %shift_left3A_1730 : vector<16xi32>
      %min3A_1732 = arith.minui %shift_left3A_1731, %broadcast_in_dim3A_16 : vector<16xi32>
      %add3A_1733 = arith.addi %add3A_1693, %min3A_1732 : vector<16xi32>
      %get3A_1734 = arith.constant 170 : i32
      %get3A_1735 = arith.index_cast %get3A_1734 : i32 to index
      %get3A_1736 = arith.index_cast %mul3A_37 : i32 to index
      %get3A_1737 = tpu.vector_load %arg4[%get3A_1735, %get3A_1736] {strides = array<i32>} : memref<200x256xf32, #tpu.memory_space<vmem>>, vector<16xf32>,
      %bitcast3A_1738 = vector.bitcast %get3A_1737 : vector<16xf32> to vector<16xi32>
      %shift_left3A_1739 = arith.constant 1 : i32
      %shift_left3A_1740 = vector.broadcast %shift_left3A_1739 : i32 to vector<16xi32>
      %shift_left3A_1741 = arith.shli %bitcast3A_1738, %shift_left3A_1740 : vector<16xi32>
      %min3A_1742 = arith.minui %shift_left3A_1741, %broadcast_in_dim3A_16 : vector<16xi32>
      %add3A_1743 = arith.addi %add3A_1703, %min3A_1742 : vector<16xi32>
      %get3A_1744 = arith.constant 171 : i32
      %get3A_1745 = arith.index_cast %get3A_1744 : i32 to index
      %get3A_1746 = arith.index_cast %mul3A_37 : i32 to index
      %get3A_1747 = tpu.vector_load %arg4[%get3A_1745, %get3A_1746] {strides = array<i32>} : memref<200x256xf32, #tpu.memory_space<vmem>>, vector<16xf32>,
      %bitcast3A_1748 = vector.bitcast %get3A_1747 : vector<16xf32> to vector<16xi32>
      %shift_left3A_1749 = arith.constant 1 : i32
      %shift_left3A_1750 = vector.broadcast %shift_left3A_1749 : i32 to vector<16xi32>
      %shift_left3A_1751 = arith.shli %bitcast3A_1748, %shift_left3A_1750 : vector<16xi32>
      %min3A_1752 = arith.minui %shift_left3A_1751, %broadcast_in_dim3A_16 : vector<16xi32>
      %add3A_1753 = arith.addi %add3A_1713, %min3A_1752 : vector<16xi32>
      %get3A_1754 = arith.constant 172 : i32
      %get3A_1755 = arith.index_cast %get3A_1754 : i32 to index
      %get3A_1756 = arith.index_cast %mul3A_37 : i32 to index
      %get3A_1757 = tpu.vector_load %arg4[%get3A_1755, %get3A_1756] {strides = array<i32>} : memref<200x256xf32, #tpu.memory_space<vmem>>, vector<16xf32>,
      %bitcast3A_1758 = vector.bitcast %get3A_1757 : vector<16xf32> to vector<16xi32>
      %shift_left3A_1759 = arith.constant 1 : i32
      %shift_left3A_1760 = vector.broadcast %shift_left3A_1759 : i32 to vector<16xi32>
      %shift_left3A_1761 = arith.shli %bitcast3A_1758, %shift_left3A_1760 : vector<16xi32>
      %min3A_1762 = arith.minui %shift_left3A_1761, %broadcast_in_dim3A_16 : vector<16xi32>
      %add3A_1763 = arith.addi %add3A_1723, %min3A_1762 : vector<16xi32>
      %get3A_1764 = arith.constant 173 : i32
      %get3A_1765 = arith.index_cast %get3A_1764 : i32 to index
      %get3A_1766 = arith.index_cast %mul3A_37 : i32 to index
      %get3A_1767 = tpu.vector_load %arg4[%get3A_1765, %get3A_1766] {strides = array<i32>} : memref<200x256xf32, #tpu.memory_space<vmem>>, vector<16xf32>,
      %bitcast3A_1768 = vector.bitcast %get3A_1767 : vector<16xf32> to vector<16xi32>
      %shift_left3A_1769 = arith.constant 1 : i32
      %shift_left3A_1770 = vector.broadcast %shift_left3A_1769 : i32 to vector<16xi32>
      %shift_left3A_1771 = arith.shli %bitcast3A_1768, %shift_left3A_1770 : vector<16xi32>
      %min3A_1772 = arith.minui %shift_left3A_1771, %broadcast_in_dim3A_16 : vector<16xi32>
      %add3A_1773 = arith.addi %add3A_1733, %min3A_1772 : vector<16xi32>
      %get3A_1774 = arith.constant 174 : i32
      %get3A_1775 = arith.index_cast %get3A_1774 : i32 to index
      %get3A_1776 = arith.index_cast %mul3A_37 : i32 to index
      %get3A_1777 = tpu.vector_load %arg4[%get3A_1775, %get3A_1776] {strides = array<i32>} : memref<200x256xf32, #tpu.memory_space<vmem>>, vector<16xf32>,
      %bitcast3A_1778 = vector.bitcast %get3A_1777 : vector<16xf32> to vector<16xi32>
      %shift_left3A_1779 = arith.constant 1 : i32
      %shift_left3A_1780 = vector.broadcast %shift_left3A_1779 : i32 to vector<16xi32>
      %shift_left3A_1781 = arith.shli %bitcast3A_1778, %shift_left3A_1780 : vector<16xi32>
      %min3A_1782 = arith.minui %shift_left3A_1781, %broadcast_in_dim3A_16 : vector<16xi32>
      %add3A_1783 = arith.addi %add3A_1743, %min3A_1782 : vector<16xi32>
      %get3A_1784 = arith.constant 175 : i32
      %get3A_1785 = arith.index_cast %get3A_1784 : i32 to index
      %get3A_1786 = arith.index_cast %mul3A_37 : i32 to index
      %get3A_1787 = tpu.vector_load %arg4[%get3A_1785, %get3A_1786] {strides = array<i32>} : memref<200x256xf32, #tpu.memory_space<vmem>>, vector<16xf32>,
      %bitcast3A_1788 = vector.bitcast %get3A_1787 : vector<16xf32> to vector<16xi32>
      %shift_left3A_1789 = arith.constant 1 : i32
      %shift_left3A_1790 = vector.broadcast %shift_left3A_1789 : i32 to vector<16xi32>
      %shift_left3A_1791 = arith.shli %bitcast3A_1788, %shift_left3A_1790 : vector<16xi32>
      %min3A_1792 = arith.minui %shift_left3A_1791, %broadcast_in_dim3A_16 : vector<16xi32>
      %add3A_1793 = arith.addi %add3A_1753, %min3A_1792 : vector<16xi32>
      %get3A_1794 = arith.constant 176 : i32
      %get3A_1795 = arith.index_cast %get3A_1794 : i32 to index
      %get3A_1796 = arith.index_cast %mul3A_37 : i32 to index
      %get3A_1797 = tpu.vector_load %arg4[%get3A_1795, %get3A_1796] {strides = array<i32>} : memref<200x256xf32, #tpu.memory_space<vmem>>, vector<16xf32>,
      %bitcast3A_1798 = vector.bitcast %get3A_1797 : vector<16xf32> to vector<16xi32>
      %shift_left3A_1799 = arith.constant 1 : i32
      %shift_left3A_1800 = vector.broadcast %shift_left3A_1799 : i32 to vector<16xi32>
      %shift_left3A_1801 = arith.shli %bitcast3A_1798, %shift_left3A_1800 : vector<16xi32>
      %min3A_1802 = arith.minui %shift_left3A_1801, %broadcast_in_dim3A_16 : vector<16xi32>
      %add3A_1803 = arith.addi %add3A_1763, %min3A_1802 : vector<16xi32>
      %get3A_1804 = arith.constant 177 : i32
      %get3A_1805 = arith.index_cast %get3A_1804 : i32 to index
      %get3A_1806 = arith.index_cast %mul3A_37 : i32 to index
      %get3A_1807 = tpu.vector_load %arg4[%get3A_1805, %get3A_1806] {strides = array<i32>} : memref<200x256xf32, #tpu.memory_space<vmem>>, vector<16xf32>,
      %bitcast3A_1808 = vector.bitcast %get3A_1807 : vector<16xf32> to vector<16xi32>
      %shift_left3A_1809 = arith.constant 1 : i32
      %shift_left3A_1810 = vector.broadcast %shift_left3A_1809 : i32 to vector<16xi32>
      %shift_left3A_1811 = arith.shli %bitcast3A_1808, %shift_left3A_1810 : vector<16xi32>
      %min3A_1812 = arith.minui %shift_left3A_1811, %broadcast_in_dim3A_16 : vector<16xi32>
      %add3A_1813 = arith.addi %add3A_1773, %min3A_1812 : vector<16xi32>
      %get3A_1814 = arith.constant 178 : i32
      %get3A_1815 = arith.index_cast %get3A_1814 : i32 to index
      %get3A_1816 = arith.index_cast %mul3A_37 : i32 to index
      %get3A_1817 = tpu.vector_load %arg4[%get3A_1815, %get3A_1816] {strides = array<i32>} : memref<200x256xf32, #tpu.memory_space<vmem>>, vector<16xf32>,
      %bitcast3A_1818 = vector.bitcast %get3A_1817 : vector<16xf32> to vector<16xi32>
      %shift_left3A_1819 = arith.constant 1 : i32
      %shift_left3A_1820 = vector.broadcast %shift_left3A_1819 : i32 to vector<16xi32>
      %shift_left3A_1821 = arith.shli %bitcast3A_1818, %shift_left3A_1820 : vector<16xi32>
      %min3A_1822 = arith.minui %shift_left3A_1821, %broadcast_in_dim3A_16 : vector<16xi32>
      %add3A_1823 = arith.addi %add3A_1783, %min3A_1822 : vector<16xi32>
      %get3A_1824 = arith.constant 179 : i32
      %get3A_1825 = arith.index_cast %get3A_1824 : i32 to index
      %get3A_1826 = arith.index_cast %mul3A_37 : i32 to index
      %get3A_1827 = tpu.vector_load %arg4[%get3A_1825, %get3A_1826] {strides = array<i32>} : memref<200x256xf32, #tpu.memory_space<vmem>>, vector<16xf32>,
      %bitcast3A_1828 = vector.bitcast %get3A_1827 : vector<16xf32> to vector<16xi32>
      %shift_left3A_1829 = arith.constant 1 : i32
      %shift_left3A_1830 = vector.broadcast %shift_left3A_1829 : i32 to vector<16xi32>
      %shift_left3A_1831 = arith.shli %bitcast3A_1828, %shift_left3A_1830 : vector<16xi32>
      %min3A_1832 = arith.minui %shift_left3A_1831, %broadcast_in_dim3A_16 : vector<16xi32>
      %add3A_1833 = arith.addi %add3A_1793, %min3A_1832 : vector<16xi32>
      %get3A_1834 = arith.constant 180 : i32
      %get3A_1835 = arith.index_cast %get3A_1834 : i32 to index
      %get3A_1836 = arith.index_cast %mul3A_37 : i32 to index
      %get3A_1837 = tpu.vector_load %arg4[%get3A_1835, %get3A_1836] {strides = array<i32>} : memref<200x256xf32, #tpu.memory_space<vmem>>, vector<16xf32>,
      %bitcast3A_1838 = vector.bitcast %get3A_1837 : vector<16xf32> to vector<16xi32>
      %shift_left3A_1839 = arith.constant 1 : i32
      %shift_left3A_1840 = vector.broadcast %shift_left3A_1839 : i32 to vector<16xi32>
      %shift_left3A_1841 = arith.shli %bitcast3A_1838, %shift_left3A_1840 : vector<16xi32>
      %min3A_1842 = arith.minui %shift_left3A_1841, %broadcast_in_dim3A_16 : vector<16xi32>
      %add3A_1843 = arith.addi %add3A_1803, %min3A_1842 : vector<16xi32>
      %get3A_1844 = arith.constant 181 : i32
      %get3A_1845 = arith.index_cast %get3A_1844 : i32 to index
      %get3A_1846 = arith.index_cast %mul3A_37 : i32 to index
      %get3A_1847 = tpu.vector_load %arg4[%get3A_1845, %get3A_1846] {strides = array<i32>} : memref<200x256xf32, #tpu.memory_space<vmem>>, vector<16xf32>,
      %bitcast3A_1848 = vector.bitcast %get3A_1847 : vector<16xf32> to vector<16xi32>
      %shift_left3A_1849 = arith.constant 1 : i32
      %shift_left3A_1850 = vector.broadcast %shift_left3A_1849 : i32 to vector<16xi32>
      %shift_left3A_1851 = arith.shli %bitcast3A_1848, %shift_left3A_1850 : vector<16xi32>
      %min3A_1852 = arith.minui %shift_left3A_1851, %broadcast_in_dim3A_16 : vector<16xi32>
      %add3A_1853 = arith.addi %add3A_1813, %min3A_1852 : vector<16xi32>
      %get3A_1854 = arith.constant 182 : i32
      %get3A_1855 = arith.index_cast %get3A_1854 : i32 to index
      %get3A_1856 = arith.index_cast %mul3A_37 : i32 to index
      %get3A_1857 = tpu.vector_load %arg4[%get3A_1855, %get3A_1856] {strides = array<i32>} : memref<200x256xf32, #tpu.memory_space<vmem>>, vector<16xf32>,
      %bitcast3A_1858 = vector.bitcast %get3A_1857 : vector<16xf32> to vector<16xi32>
      %shift_left3A_1859 = arith.constant 1 : i32
      %shift_left3A_1860 = vector.broadcast %shift_left3A_1859 : i32 to vector<16xi32>
      %shift_left3A_1861 = arith.shli %bitcast3A_1858, %shift_left3A_1860 : vector<16xi32>
      %min3A_1862 = arith.minui %shift_left3A_1861, %broadcast_in_dim3A_16 : vector<16xi32>
      %add3A_1863 = arith.addi %add3A_1823, %min3A_1862 : vector<16xi32>
      %get3A_1864 = arith.constant 183 : i32
      %get3A_1865 = arith.index_cast %get3A_1864 : i32 to index
      %get3A_1866 = arith.index_cast %mul3A_37 : i32 to index
      %get3A_1867 = tpu.vector_load %arg4[%get3A_1865, %get3A_1866] {strides = array<i32>} : memref<200x256xf32, #tpu.memory_space<vmem>>, vector<16xf32>,
      %bitcast3A_1868 = vector.bitcast %get3A_1867 : vector<16xf32> to vector<16xi32>
      %shift_left3A_1869 = arith.constant 1 : i32
      %shift_left3A_1870 = vector.broadcast %shift_left3A_1869 : i32 to vector<16xi32>
      %shift_left3A_1871 = arith.shli %bitcast3A_1868, %shift_left3A_1870 : vector<16xi32>
      %min3A_1872 = arith.minui %shift_left3A_1871, %broadcast_in_dim3A_16 : vector<16xi32>
      %add3A_1873 = arith.addi %add3A_1833, %min3A_1872 : vector<16xi32>
      %get3A_1874 = arith.constant 184 : i32
      %get3A_1875 = arith.index_cast %get3A_1874 : i32 to index
      %get3A_1876 = arith.index_cast %mul3A_37 : i32 to index
      %get3A_1877 = tpu.vector_load %arg4[%get3A_1875, %get3A_1876] {strides = array<i32>} : memref<200x256xf32, #tpu.memory_space<vmem>>, vector<16xf32>,
      %bitcast3A_1878 = vector.bitcast %get3A_1877 : vector<16xf32> to vector<16xi32>
      %shift_left3A_1879 = arith.constant 1 : i32
      %shift_left3A_1880 = vector.broadcast %shift_left3A_1879 : i32 to vector<16xi32>
      %shift_left3A_1881 = arith.shli %bitcast3A_1878, %shift_left3A_1880 : vector<16xi32>
      %min3A_1882 = arith.minui %shift_left3A_1881, %broadcast_in_dim3A_16 : vector<16xi32>
      %add3A_1883 = arith.addi %add3A_1843, %min3A_1882 : vector<16xi32>
      %get3A_1884 = arith.constant 185 : i32
      %get3A_1885 = arith.index_cast %get3A_1884 : i32 to index
      %get3A_1886 = arith.index_cast %mul3A_37 : i32 to index
      %get3A_1887 = tpu.vector_load %arg4[%get3A_1885, %get3A_1886] {strides = array<i32>} : memref<200x256xf32, #tpu.memory_space<vmem>>, vector<16xf32>,
      %bitcast3A_1888 = vector.bitcast %get3A_1887 : vector<16xf32> to vector<16xi32>
      %shift_left3A_1889 = arith.constant 1 : i32
      %shift_left3A_1890 = vector.broadcast %shift_left3A_1889 : i32 to vector<16xi32>
      %shift_left3A_1891 = arith.shli %bitcast3A_1888, %shift_left3A_1890 : vector<16xi32>
      %min3A_1892 = arith.minui %shift_left3A_1891, %broadcast_in_dim3A_16 : vector<16xi32>
      %add3A_1893 = arith.addi %add3A_1853, %min3A_1892 : vector<16xi32>
      %get3A_1894 = arith.constant 186 : i32
      %get3A_1895 = arith.index_cast %get3A_1894 : i32 to index
      %get3A_1896 = arith.index_cast %mul3A_37 : i32 to index
      %get3A_1897 = tpu.vector_load %arg4[%get3A_1895, %get3A_1896] {strides = array<i32>} : memref<200x256xf32, #tpu.memory_space<vmem>>, vector<16xf32>,
      %bitcast3A_1898 = vector.bitcast %get3A_1897 : vector<16xf32> to vector<16xi32>
      %shift_left3A_1899 = arith.constant 1 : i32
      %shift_left3A_1900 = vector.broadcast %shift_left3A_1899 : i32 to vector<16xi32>
      %shift_left3A_1901 = arith.shli %bitcast3A_1898, %shift_left3A_1900 : vector<16xi32>
      %min3A_1902 = arith.minui %shift_left3A_1901, %broadcast_in_dim3A_16 : vector<16xi32>
      %add3A_1903 = arith.addi %add3A_1863, %min3A_1902 : vector<16xi32>
      %get3A_1904 = arith.constant 187 : i32
      %get3A_1905 = arith.index_cast %get3A_1904 : i32 to index
      %get3A_1906 = arith.index_cast %mul3A_37 : i32 to index
      %get3A_1907 = tpu.vector_load %arg4[%get3A_1905, %get3A_1906] {strides = array<i32>} : memref<200x256xf32, #tpu.memory_space<vmem>>, vector<16xf32>,
      %bitcast3A_1908 = vector.bitcast %get3A_1907 : vector<16xf32> to vector<16xi32>
      %shift_left3A_1909 = arith.constant 1 : i32
      %shift_left3A_1910 = vector.broadcast %shift_left3A_1909 : i32 to vector<16xi32>
      %shift_left3A_1911 = arith.shli %bitcast3A_1908, %shift_left3A_1910 : vector<16xi32>
      %min3A_1912 = arith.minui %shift_left3A_1911, %broadcast_in_dim3A_16 : vector<16xi32>
      %add3A_1913 = arith.addi %add3A_1873, %min3A_1912 : vector<16xi32>
      %get3A_1914 = arith.constant 188 : i32
      %get3A_1915 = arith.index_cast %get3A_1914 : i32 to index
      %get3A_1916 = arith.index_cast %mul3A_37 : i32 to index
      %get3A_1917 = tpu.vector_load %arg4[%get3A_1915, %get3A_1916] {strides = array<i32>} : memref<200x256xf32, #tpu.memory_space<vmem>>, vector<16xf32>,
      %bitcast3A_1918 = vector.bitcast %get3A_1917 : vector<16xf32> to vector<16xi32>
      %shift_left3A_1919 = arith.constant 1 : i32
      %shift_left3A_1920 = vector.broadcast %shift_left3A_1919 : i32 to vector<16xi32>
      %shift_left3A_1921 = arith.shli %bitcast3A_1918, %shift_left3A_1920 : vector<16xi32>
      %min3A_1922 = arith.minui %shift_left3A_1921, %broadcast_in_dim3A_16 : vector<16xi32>
      %add3A_1923 = arith.addi %add3A_1883, %min3A_1922 : vector<16xi32>
      %get3A_1924 = arith.constant 189 : i32
      %get3A_1925 = arith.index_cast %get3A_1924 : i32 to index
      %get3A_1926 = arith.index_cast %mul3A_37 : i32 to index
      %get3A_1927 = tpu.vector_load %arg4[%get3A_1925, %get3A_1926] {strides = array<i32>} : memref<200x256xf32, #tpu.memory_space<vmem>>, vector<16xf32>,
      %bitcast3A_1928 = vector.bitcast %get3A_1927 : vector<16xf32> to vector<16xi32>
      %shift_left3A_1929 = arith.constant 1 : i32
      %shift_left3A_1930 = vector.broadcast %shift_left3A_1929 : i32 to vector<16xi32>
      %shift_left3A_1931 = arith.shli %bitcast3A_1928, %shift_left3A_1930 : vector<16xi32>
      %min3A_1932 = arith.minui %shift_left3A_1931, %broadcast_in_dim3A_16 : vector<16xi32>
      %add3A_1933 = arith.addi %add3A_1893, %min3A_1932 : vector<16xi32>
      %get3A_1934 = arith.constant 190 : i32
      %get3A_1935 = arith.index_cast %get3A_1934 : i32 to index
      %get3A_1936 = arith.index_cast %mul3A_37 : i32 to index
      %get3A_1937 = tpu.vector_load %arg4[%get3A_1935, %get3A_1936] {strides = array<i32>} : memref<200x256xf32, #tpu.memory_space<vmem>>, vector<16xf32>,
      %bitcast3A_1938 = vector.bitcast %get3A_1937 : vector<16xf32> to vector<16xi32>
      %shift_left3A_1939 = arith.constant 1 : i32
      %shift_left3A_1940 = vector.broadcast %shift_left3A_1939 : i32 to vector<16xi32>
      %shift_left3A_1941 = arith.shli %bitcast3A_1938, %shift_left3A_1940 : vector<16xi32>
      %min3A_1942 = arith.minui %shift_left3A_1941, %broadcast_in_dim3A_16 : vector<16xi32>
      %add3A_1943 = arith.addi %add3A_1903, %min3A_1942 : vector<16xi32>
      %get3A_1944 = arith.constant 191 : i32
      %get3A_1945 = arith.index_cast %get3A_1944 : i32 to index
      %get3A_1946 = arith.index_cast %mul3A_37 : i32 to index
      %get3A_1947 = tpu.vector_load %arg4[%get3A_1945, %get3A_1946] {strides = array<i32>} : memref<200x256xf32, #tpu.memory_space<vmem>>, vector<16xf32>,
      %bitcast3A_1948 = vector.bitcast %get3A_1947 : vector<16xf32> to vector<16xi32>
      %shift_left3A_1949 = arith.constant 1 : i32
      %shift_left3A_1950 = vector.broadcast %shift_left3A_1949 : i32 to vector<16xi32>
      %shift_left3A_1951 = arith.shli %bitcast3A_1948, %shift_left3A_1950 : vector<16xi32>
      %min3A_1952 = arith.minui %shift_left3A_1951, %broadcast_in_dim3A_16 : vector<16xi32>
      %add3A_1953 = arith.addi %add3A_1913, %min3A_1952 : vector<16xi32>
      %get3A_1954 = arith.constant 192 : i32
      %get3A_1955 = arith.index_cast %get3A_1954 : i32 to index
      %get3A_1956 = arith.index_cast %mul3A_37 : i32 to index
      %get3A_1957 = tpu.vector_load %arg4[%get3A_1955, %get3A_1956] {strides = array<i32>} : memref<200x256xf32, #tpu.memory_space<vmem>>, vector<16xf32>,
      %bitcast3A_1958 = vector.bitcast %get3A_1957 : vector<16xf32> to vector<16xi32>
      %shift_left3A_1959 = arith.constant 1 : i32
      %shift_left3A_1960 = vector.broadcast %shift_left3A_1959 : i32 to vector<16xi32>
      %shift_left3A_1961 = arith.shli %bitcast3A_1958, %shift_left3A_1960 : vector<16xi32>
      %min3A_1962 = arith.minui %shift_left3A_1961, %broadcast_in_dim3A_16 : vector<16xi32>
      %add3A_1963 = arith.addi %add3A_1923, %min3A_1962 : vector<16xi32>
      %get3A_1964 = arith.constant 193 : i32
      %get3A_1965 = arith.index_cast %get3A_1964 : i32 to index
      %get3A_1966 = arith.index_cast %mul3A_37 : i32 to index
      %get3A_1967 = tpu.vector_load %arg4[%get3A_1965, %get3A_1966] {strides = array<i32>} : memref<200x256xf32, #tpu.memory_space<vmem>>, vector<16xf32>,
      %bitcast3A_1968 = vector.bitcast %get3A_1967 : vector<16xf32> to vector<16xi32>
      %shift_left3A_1969 = arith.constant 1 : i32
      %shift_left3A_1970 = vector.broadcast %shift_left3A_1969 : i32 to vector<16xi32>
      %shift_left3A_1971 = arith.shli %bitcast3A_1968, %shift_left3A_1970 : vector<16xi32>
      %min3A_1972 = arith.minui %shift_left3A_1971, %broadcast_in_dim3A_16 : vector<16xi32>
      %add3A_1973 = arith.addi %add3A_1933, %min3A_1972 : vector<16xi32>
      %get3A_1974 = arith.constant 194 : i32
      %get3A_1975 = arith.index_cast %get3A_1974 : i32 to index
      %get3A_1976 = arith.index_cast %mul3A_37 : i32 to index
      %get3A_1977 = tpu.vector_load %arg4[%get3A_1975, %get3A_1976] {strides = array<i32>} : memref<200x256xf32, #tpu.memory_space<vmem>>, vector<16xf32>,
      %bitcast3A_1978 = vector.bitcast %get3A_1977 : vector<16xf32> to vector<16xi32>
      %shift_left3A_1979 = arith.constant 1 : i32
      %shift_left3A_1980 = vector.broadcast %shift_left3A_1979 : i32 to vector<16xi32>
      %shift_left3A_1981 = arith.shli %bitcast3A_1978, %shift_left3A_1980 : vector<16xi32>
      %min3A_1982 = arith.minui %shift_left3A_1981, %broadcast_in_dim3A_16 : vector<16xi32>
      %add3A_1983 = arith.addi %add3A_1943, %min3A_1982 : vector<16xi32>
      %get3A_1984 = arith.constant 195 : i32
      %get3A_1985 = arith.index_cast %get3A_1984 : i32 to index
      %get3A_1986 = arith.index_cast %mul3A_37 : i32 to index
      %get3A_1987 = tpu.vector_load %arg4[%get3A_1985, %get3A_1986] {strides = array<i32>} : memref<200x256xf32, #tpu.memory_space<vmem>>, vector<16xf32>,
      %bitcast3A_1988 = vector.bitcast %get3A_1987 : vector<16xf32> to vector<16xi32>
      %shift_left3A_1989 = arith.constant 1 : i32
      %shift_left3A_1990 = vector.broadcast %shift_left3A_1989 : i32 to vector<16xi32>
      %shift_left3A_1991 = arith.shli %bitcast3A_1988, %shift_left3A_1990 : vector<16xi32>
      %min3A_1992 = arith.minui %shift_left3A_1991, %broadcast_in_dim3A_16 : vector<16xi32>
      %add3A_1993 = arith.addi %add3A_1953, %min3A_1992 : vector<16xi32>
      %get3A_1994 = arith.constant 196 : i32
      %get3A_1995 = arith.index_cast %get3A_1994 : i32 to index
      %get3A_1996 = arith.index_cast %mul3A_37 : i32 to index
      %get3A_1997 = tpu.vector_load %arg4[%get3A_1995, %get3A_1996] {strides = array<i32>} : memref<200x256xf32, #tpu.memory_space<vmem>>, vector<16xf32>,
      %bitcast3A_1998 = vector.bitcast %get3A_1997 : vector<16xf32> to vector<16xi32>
      %shift_left3A_1999 = arith.constant 1 : i32
      %shift_left3A_2000 = vector.broadcast %shift_left3A_1999 : i32 to vector<16xi32>
      %shift_left3A_2001 = arith.shli %bitcast3A_1998, %shift_left3A_2000 : vector<16xi32>
      %min3A_2002 = arith.minui %shift_left3A_2001, %broadcast_in_dim3A_16 : vector<16xi32>
      %add3A_2003 = arith.addi %add3A_1963, %min3A_2002 : vector<16xi32>
      %get3A_2004 = arith.constant 197 : i32
      %get3A_2005 = arith.index_cast %get3A_2004 : i32 to index
      %get3A_2006 = arith.index_cast %mul3A_37 : i32 to index
      %get3A_2007 = tpu.vector_load %arg4[%get3A_2005, %get3A_2006] {strides = array<i32>} : memref<200x256xf32, #tpu.memory_space<vmem>>, vector<16xf32>,
      %bitcast3A_2008 = vector.bitcast %get3A_2007 : vector<16xf32> to vector<16xi32>
      %shift_left3A_2009 = arith.constant 1 : i32
      %shift_left3A_2010 = vector.broadcast %shift_left3A_2009 : i32 to vector<16xi32>
      %shift_left3A_2011 = arith.shli %bitcast3A_2008, %shift_left3A_2010 : vector<16xi32>
      %min3A_2012 = arith.minui %shift_left3A_2011, %broadcast_in_dim3A_16 : vector<16xi32>
      %add3A_2013 = arith.addi %add3A_1973, %min3A_2012 : vector<16xi32>
      %get3A_2014 = arith.constant 198 : i32
      %get3A_2015 = arith.index_cast %get3A_2014 : i32 to index
      %get3A_2016 = arith.index_cast %mul3A_37 : i32 to index
      %get3A_2017 = tpu.vector_load %arg4[%get3A_2015, %get3A_2016] {strides = array<i32>} : memref<200x256xf32, #tpu.memory_space<vmem>>, vector<16xf32>,
      %bitcast3A_2018 = vector.bitcast %get3A_2017 : vector<16xf32> to vector<16xi32>
      %shift_left3A_2019 = arith.constant 1 : i32
      %shift_left3A_2020 = vector.broadcast %shift_left3A_2019 : i32 to vector<16xi32>
      %shift_left3A_2021 = arith.shli %bitcast3A_2018, %shift_left3A_2020 : vector<16xi32>
      %min3A_2022 = arith.minui %shift_left3A_2021, %broadcast_in_dim3A_16 : vector<16xi32>
      %add3A_2023 = arith.addi %add3A_1983, %min3A_2022 : vector<16xi32>
      %get3A_2024 = arith.constant 199 : i32
      %get3A_2025 = arith.index_cast %get3A_2024 : i32 to index
      %get3A_2026 = arith.index_cast %mul3A_37 : i32 to index
      %get3A_2027 = tpu.vector_load %arg4[%get3A_2025, %get3A_2026] {strides = array<i32>} : memref<200x256xf32, #tpu.memory_space<vmem>>, vector<16xf32>,
      %bitcast3A_2028 = vector.bitcast %get3A_2027 : vector<16xf32> to vector<16xi32>
      %shift_left3A_2029 = arith.constant 1 : i32
      %shift_left3A_2030 = vector.broadcast %shift_left3A_2029 : i32 to vector<16xi32>
      %shift_left3A_2031 = arith.shli %bitcast3A_2028, %shift_left3A_2030 : vector<16xi32>
      %min3A_2032 = arith.minui %shift_left3A_2031, %broadcast_in_dim3A_16 : vector<16xi32>
      %add3A_2033 = arith.addi %add3A_1993, %min3A_2032 : vector<16xi32>
      %add3A_2034 = arith.addi %add3A_2003, %add3A_2013 : vector<16xi32>
      %add3A_2035 = arith.addi %add3A_2023, %add3A_2033 : vector<16xi32>
      %add3A_2036 = arith.addi %add3A_2034, %add3A_2035 : vector<16xi32>
      %bitcast3A_2037 = vector.bitcast %add3A_2036 : vector<16xi32> to vector<16xi32>
      %sub3A = arith.constant 1 : i32
      %sub3A_2038 = vector.broadcast %sub3A : i32 to vector<16xi32>
      %sub3A_2039 = arith.subi %bitcast3A_2037, %sub3A_2038 : vector<16xi32>
      %max3A = arith.constant 0 : i32
      %max3A_2040 = vector.broadcast %max3A : i32 to vector<16xi32>
      %max3A_2041 = arith.maxsi %sub3A_2039, %max3A_2040 : vector<16xi32>
      %add3A_2042 = vector.broadcast %mul3A_37 : i32 to vector<16xi32>
      %add3A_2043 = arith.addi %add3A_2042, %iota3A : vector<16xi32>
      %gather3A = tpu.vector_load_idx %arg4[%max3A_2041, %add3A_2043] : memref<200x256xf32, #tpu.memory_space<vmem>>[vector<16xi32>, vector<16xi32>], vector<16xf32>,
      %add3A_2044 = arith.constant 0 : i32
      %add3A_2045 = arith.addi %add3A_2044, %mul3A_37 : i32
      %swap3A = arith.index_cast %add3A_2045 : i32 to index
      %swap3A_2046 = tpu.vector_load %arg6[%swap3A] {strides = array<i32>} : memref<512xf32, #tpu.memory_space<vmem>>, vector<16xf32>,
      tpu.vector_store %arg6[%swap3A], %gather3A {strides = array<i32>} : memref<512xf32, #tpu.memory_space<vmem>>, vector<16xf32>,
    }
    %scan3A_24 = arith.constant 16 : i32
    %dma_wait3A_25 = arith.constant 0 : i32
    %dma_wait3A_26 = tpu.memref_slice %arg2[%dma_wait3A_25, %add3A_9] : memref<200x16384xf32, #tpu.memory_space<hbm>> -> memref<200x256xf32, #tpu.memory_space<hbm>>
    %dma_wait3A_27 = arith.constant 0 : i32
    %dma_wait3A_28 = tpu.memref_slice %arg2[%dma_wait3A_27, %add3A_9] : memref<200x16384xf32, #tpu.memory_space<hbm>> -> memref<200x256xf32, #tpu.memory_space<hbm>>
    tpu.wait_dma2 semaphore(%arg8 : memref<!tpu.dma_semaphore, #tpu.memory_space<semaphore_mem>>) src(%dma_wait3A_28 : memref<200x256xf32, #tpu.memory_space<hbm>>) dst(%arg5 : memref<200x256xf32, #tpu.memory_space<vmem>>)
    %scan3A_29 = arith.constant 0 : i32
    %scan3A_30 = arith.constant 0 : i32
    %scan3A_31 = arith.constant 16 : i32
    %scan3A_32 = arith.addi %scan3A_30, %scan3A_31 : i32
    %scan3A_33 = arith.constant 1 : i32
    scf.for %scan3A_35 = %scan3A_30 to %scan3A_32 step %scan3A_33  : i32 {
      %mul3A_36 = arith.constant 16 : i32
      %mul3A_37 = arith.muli %scan3A_35, %mul3A_36 : i32
      %get3A = arith.constant 0 : i32
      %get3A_38 = arith.index_cast %get3A : i32 to index
      %get3A_39 = arith.index_cast %mul3A_37 : i32 to index
      %get3A_40 = tpu.vector_load %arg5[%get3A_38, %get3A_39] {strides = array<i32>} : memref<200x256xf32, #tpu.memory_space<vmem>>, vector<16xf32>,
      %bitcast3A = vector.bitcast %get3A_40 : vector<16xf32> to vector<16xi32>
      %shift_left3A = arith.constant 1 : i32
      %shift_left3A_41 = vector.broadcast %shift_left3A : i32 to vector<16xi32>
      %shift_left3A_42 = arith.shli %bitcast3A, %shift_left3A_41 : vector<16xi32>
      %min3A = arith.minui %shift_left3A_42, %broadcast_in_dim3A_16 : vector<16xi32>
      %add3A_43 = arith.addi %broadcast_in_dim3A_14, %min3A : vector<16xi32>
      %get3A_44 = arith.constant 1 : i32
      %get3A_45 = arith.index_cast %get3A_44 : i32 to index
      %get3A_46 = arith.index_cast %mul3A_37 : i32 to index
      %get3A_47 = tpu.vector_load %arg5[%get3A_45, %get3A_46] {strides = array<i32>} : memref<200x256xf32, #tpu.memory_space<vmem>>, vector<16xf32>,
      %bitcast3A_48 = vector.bitcast %get3A_47 : vector<16xf32> to vector<16xi32>
      %shift_left3A_49 = arith.constant 1 : i32
      %shift_left3A_50 = vector.broadcast %shift_left3A_49 : i32 to vector<16xi32>
      %shift_left3A_51 = arith.shli %bitcast3A_48, %shift_left3A_50 : vector<16xi32>
      %min3A_52 = arith.minui %shift_left3A_51, %broadcast_in_dim3A_16 : vector<16xi32>
      %add3A_53 = arith.addi %broadcast_in_dim3A_14, %min3A_52 : vector<16xi32>
      %get3A_54 = arith.constant 2 : i32
      %get3A_55 = arith.index_cast %get3A_54 : i32 to index
      %get3A_56 = arith.index_cast %mul3A_37 : i32 to index
      %get3A_57 = tpu.vector_load %arg5[%get3A_55, %get3A_56] {strides = array<i32>} : memref<200x256xf32, #tpu.memory_space<vmem>>, vector<16xf32>,
      %bitcast3A_58 = vector.bitcast %get3A_57 : vector<16xf32> to vector<16xi32>
      %shift_left3A_59 = arith.constant 1 : i32
      %shift_left3A_60 = vector.broadcast %shift_left3A_59 : i32 to vector<16xi32>
      %shift_left3A_61 = arith.shli %bitcast3A_58, %shift_left3A_60 : vector<16xi32>
      %min3A_62 = arith.minui %shift_left3A_61, %broadcast_in_dim3A_16 : vector<16xi32>
      %add3A_63 = arith.addi %broadcast_in_dim3A_14, %min3A_62 : vector<16xi32>
      %get3A_64 = arith.constant 3 : i32
      %get3A_65 = arith.index_cast %get3A_64 : i32 to index
      %get3A_66 = arith.index_cast %mul3A_37 : i32 to index
      %get3A_67 = tpu.vector_load %arg5[%get3A_65, %get3A_66] {strides = array<i32>} : memref<200x256xf32, #tpu.memory_space<vmem>>, vector<16xf32>,
      %bitcast3A_68 = vector.bitcast %get3A_67 : vector<16xf32> to vector<16xi32>
      %shift_left3A_69 = arith.constant 1 : i32
      %shift_left3A_70 = vector.broadcast %shift_left3A_69 : i32 to vector<16xi32>
      %shift_left3A_71 = arith.shli %bitcast3A_68, %shift_left3A_70 : vector<16xi32>
      %min3A_72 = arith.minui %shift_left3A_71, %broadcast_in_dim3A_16 : vector<16xi32>
      %add3A_73 = arith.addi %broadcast_in_dim3A_14, %min3A_72 : vector<16xi32>
      %get3A_74 = arith.constant 4 : i32
      %get3A_75 = arith.index_cast %get3A_74 : i32 to index
      %get3A_76 = arith.index_cast %mul3A_37 : i32 to index
      %get3A_77 = tpu.vector_load %arg5[%get3A_75, %get3A_76] {strides = array<i32>} : memref<200x256xf32, #tpu.memory_space<vmem>>, vector<16xf32>,
      %bitcast3A_78 = vector.bitcast %get3A_77 : vector<16xf32> to vector<16xi32>
      %shift_left3A_79 = arith.constant 1 : i32
      %shift_left3A_80 = vector.broadcast %shift_left3A_79 : i32 to vector<16xi32>
      %shift_left3A_81 = arith.shli %bitcast3A_78, %shift_left3A_80 : vector<16xi32>
      %min3A_82 = arith.minui %shift_left3A_81, %broadcast_in_dim3A_16 : vector<16xi32>
      %add3A_83 = arith.addi %add3A_43, %min3A_82 : vector<16xi32>
      %get3A_84 = arith.constant 5 : i32
      %get3A_85 = arith.index_cast %get3A_84 : i32 to index
      %get3A_86 = arith.index_cast %mul3A_37 : i32 to index
      %get3A_87 = tpu.vector_load %arg5[%get3A_85, %get3A_86] {strides = array<i32>} : memref<200x256xf32, #tpu.memory_space<vmem>>, vector<16xf32>,
      %bitcast3A_88 = vector.bitcast %get3A_87 : vector<16xf32> to vector<16xi32>
      %shift_left3A_89 = arith.constant 1 : i32
      %shift_left3A_90 = vector.broadcast %shift_left3A_89 : i32 to vector<16xi32>
      %shift_left3A_91 = arith.shli %bitcast3A_88, %shift_left3A_90 : vector<16xi32>
      %min3A_92 = arith.minui %shift_left3A_91, %broadcast_in_dim3A_16 : vector<16xi32>
      %add3A_93 = arith.addi %add3A_53, %min3A_92 : vector<16xi32>
      %get3A_94 = arith.constant 6 : i32
      %get3A_95 = arith.index_cast %get3A_94 : i32 to index
      %get3A_96 = arith.index_cast %mul3A_37 : i32 to index
      %get3A_97 = tpu.vector_load %arg5[%get3A_95, %get3A_96] {strides = array<i32>} : memref<200x256xf32, #tpu.memory_space<vmem>>, vector<16xf32>,
      %bitcast3A_98 = vector.bitcast %get3A_97 : vector<16xf32> to vector<16xi32>
      %shift_left3A_99 = arith.constant 1 : i32
      %shift_left3A_100 = vector.broadcast %shift_left3A_99 : i32 to vector<16xi32>
      %shift_left3A_101 = arith.shli %bitcast3A_98, %shift_left3A_100 : vector<16xi32>
      %min3A_102 = arith.minui %shift_left3A_101, %broadcast_in_dim3A_16 : vector<16xi32>
      %add3A_103 = arith.addi %add3A_63, %min3A_102 : vector<16xi32>
      %get3A_104 = arith.constant 7 : i32
      %get3A_105 = arith.index_cast %get3A_104 : i32 to index
      %get3A_106 = arith.index_cast %mul3A_37 : i32 to index
      %get3A_107 = tpu.vector_load %arg5[%get3A_105, %get3A_106] {strides = array<i32>} : memref<200x256xf32, #tpu.memory_space<vmem>>, vector<16xf32>,
      %bitcast3A_108 = vector.bitcast %get3A_107 : vector<16xf32> to vector<16xi32>
      %shift_left3A_109 = arith.constant 1 : i32
      %shift_left3A_110 = vector.broadcast %shift_left3A_109 : i32 to vector<16xi32>
      %shift_left3A_111 = arith.shli %bitcast3A_108, %shift_left3A_110 : vector<16xi32>
      %min3A_112 = arith.minui %shift_left3A_111, %broadcast_in_dim3A_16 : vector<16xi32>
      %add3A_113 = arith.addi %add3A_73, %min3A_112 : vector<16xi32>
      %get3A_114 = arith.constant 8 : i32
      %get3A_115 = arith.index_cast %get3A_114 : i32 to index
      %get3A_116 = arith.index_cast %mul3A_37 : i32 to index
      %get3A_117 = tpu.vector_load %arg5[%get3A_115, %get3A_116] {strides = array<i32>} : memref<200x256xf32, #tpu.memory_space<vmem>>, vector<16xf32>,
      %bitcast3A_118 = vector.bitcast %get3A_117 : vector<16xf32> to vector<16xi32>
      %shift_left3A_119 = arith.constant 1 : i32
      %shift_left3A_120 = vector.broadcast %shift_left3A_119 : i32 to vector<16xi32>
      %shift_left3A_121 = arith.shli %bitcast3A_118, %shift_left3A_120 : vector<16xi32>
      %min3A_122 = arith.minui %shift_left3A_121, %broadcast_in_dim3A_16 : vector<16xi32>
      %add3A_123 = arith.addi %add3A_83, %min3A_122 : vector<16xi32>
      %get3A_124 = arith.constant 9 : i32
      %get3A_125 = arith.index_cast %get3A_124 : i32 to index
      %get3A_126 = arith.index_cast %mul3A_37 : i32 to index
      %get3A_127 = tpu.vector_load %arg5[%get3A_125, %get3A_126] {strides = array<i32>} : memref<200x256xf32, #tpu.memory_space<vmem>>, vector<16xf32>,
      %bitcast3A_128 = vector.bitcast %get3A_127 : vector<16xf32> to vector<16xi32>
      %shift_left3A_129 = arith.constant 1 : i32
      %shift_left3A_130 = vector.broadcast %shift_left3A_129 : i32 to vector<16xi32>
      %shift_left3A_131 = arith.shli %bitcast3A_128, %shift_left3A_130 : vector<16xi32>
      %min3A_132 = arith.minui %shift_left3A_131, %broadcast_in_dim3A_16 : vector<16xi32>
      %add3A_133 = arith.addi %add3A_93, %min3A_132 : vector<16xi32>
      %get3A_134 = arith.constant 10 : i32
      %get3A_135 = arith.index_cast %get3A_134 : i32 to index
      %get3A_136 = arith.index_cast %mul3A_37 : i32 to index
      %get3A_137 = tpu.vector_load %arg5[%get3A_135, %get3A_136] {strides = array<i32>} : memref<200x256xf32, #tpu.memory_space<vmem>>, vector<16xf32>,
      %bitcast3A_138 = vector.bitcast %get3A_137 : vector<16xf32> to vector<16xi32>
      %shift_left3A_139 = arith.constant 1 : i32
      %shift_left3A_140 = vector.broadcast %shift_left3A_139 : i32 to vector<16xi32>
      %shift_left3A_141 = arith.shli %bitcast3A_138, %shift_left3A_140 : vector<16xi32>
      %min3A_142 = arith.minui %shift_left3A_141, %broadcast_in_dim3A_16 : vector<16xi32>
      %add3A_143 = arith.addi %add3A_103, %min3A_142 : vector<16xi32>
      %get3A_144 = arith.constant 11 : i32
      %get3A_145 = arith.index_cast %get3A_144 : i32 to index
      %get3A_146 = arith.index_cast %mul3A_37 : i32 to index
      %get3A_147 = tpu.vector_load %arg5[%get3A_145, %get3A_146] {strides = array<i32>} : memref<200x256xf32, #tpu.memory_space<vmem>>, vector<16xf32>,
      %bitcast3A_148 = vector.bitcast %get3A_147 : vector<16xf32> to vector<16xi32>
      %shift_left3A_149 = arith.constant 1 : i32
      %shift_left3A_150 = vector.broadcast %shift_left3A_149 : i32 to vector<16xi32>
      %shift_left3A_151 = arith.shli %bitcast3A_148, %shift_left3A_150 : vector<16xi32>
      %min3A_152 = arith.minui %shift_left3A_151, %broadcast_in_dim3A_16 : vector<16xi32>
      %add3A_153 = arith.addi %add3A_113, %min3A_152 : vector<16xi32>
      %get3A_154 = arith.constant 12 : i32
      %get3A_155 = arith.index_cast %get3A_154 : i32 to index
      %get3A_156 = arith.index_cast %mul3A_37 : i32 to index
      %get3A_157 = tpu.vector_load %arg5[%get3A_155, %get3A_156] {strides = array<i32>} : memref<200x256xf32, #tpu.memory_space<vmem>>, vector<16xf32>,
      %bitcast3A_158 = vector.bitcast %get3A_157 : vector<16xf32> to vector<16xi32>
      %shift_left3A_159 = arith.constant 1 : i32
      %shift_left3A_160 = vector.broadcast %shift_left3A_159 : i32 to vector<16xi32>
      %shift_left3A_161 = arith.shli %bitcast3A_158, %shift_left3A_160 : vector<16xi32>
      %min3A_162 = arith.minui %shift_left3A_161, %broadcast_in_dim3A_16 : vector<16xi32>
      %add3A_163 = arith.addi %add3A_123, %min3A_162 : vector<16xi32>
      %get3A_164 = arith.constant 13 : i32
      %get3A_165 = arith.index_cast %get3A_164 : i32 to index
      %get3A_166 = arith.index_cast %mul3A_37 : i32 to index
      %get3A_167 = tpu.vector_load %arg5[%get3A_165, %get3A_166] {strides = array<i32>} : memref<200x256xf32, #tpu.memory_space<vmem>>, vector<16xf32>,
      %bitcast3A_168 = vector.bitcast %get3A_167 : vector<16xf32> to vector<16xi32>
      %shift_left3A_169 = arith.constant 1 : i32
      %shift_left3A_170 = vector.broadcast %shift_left3A_169 : i32 to vector<16xi32>
      %shift_left3A_171 = arith.shli %bitcast3A_168, %shift_left3A_170 : vector<16xi32>
      %min3A_172 = arith.minui %shift_left3A_171, %broadcast_in_dim3A_16 : vector<16xi32>
      %add3A_173 = arith.addi %add3A_133, %min3A_172 : vector<16xi32>
      %get3A_174 = arith.constant 14 : i32
      %get3A_175 = arith.index_cast %get3A_174 : i32 to index
      %get3A_176 = arith.index_cast %mul3A_37 : i32 to index
      %get3A_177 = tpu.vector_load %arg5[%get3A_175, %get3A_176] {strides = array<i32>} : memref<200x256xf32, #tpu.memory_space<vmem>>, vector<16xf32>,
      %bitcast3A_178 = vector.bitcast %get3A_177 : vector<16xf32> to vector<16xi32>
      %shift_left3A_179 = arith.constant 1 : i32
      %shift_left3A_180 = vector.broadcast %shift_left3A_179 : i32 to vector<16xi32>
      %shift_left3A_181 = arith.shli %bitcast3A_178, %shift_left3A_180 : vector<16xi32>
      %min3A_182 = arith.minui %shift_left3A_181, %broadcast_in_dim3A_16 : vector<16xi32>
      %add3A_183 = arith.addi %add3A_143, %min3A_182 : vector<16xi32>
      %get3A_184 = arith.constant 15 : i32
      %get3A_185 = arith.index_cast %get3A_184 : i32 to index
      %get3A_186 = arith.index_cast %mul3A_37 : i32 to index
      %get3A_187 = tpu.vector_load %arg5[%get3A_185, %get3A_186] {strides = array<i32>} : memref<200x256xf32, #tpu.memory_space<vmem>>, vector<16xf32>,
      %bitcast3A_188 = vector.bitcast %get3A_187 : vector<16xf32> to vector<16xi32>
      %shift_left3A_189 = arith.constant 1 : i32
      %shift_left3A_190 = vector.broadcast %shift_left3A_189 : i32 to vector<16xi32>
      %shift_left3A_191 = arith.shli %bitcast3A_188, %shift_left3A_190 : vector<16xi32>
      %min3A_192 = arith.minui %shift_left3A_191, %broadcast_in_dim3A_16 : vector<16xi32>
      %add3A_193 = arith.addi %add3A_153, %min3A_192 : vector<16xi32>
      %get3A_194 = arith.constant 16 : i32
      %get3A_195 = arith.index_cast %get3A_194 : i32 to index
      %get3A_196 = arith.index_cast %mul3A_37 : i32 to index
      %get3A_197 = tpu.vector_load %arg5[%get3A_195, %get3A_196] {strides = array<i32>} : memref<200x256xf32, #tpu.memory_space<vmem>>, vector<16xf32>,
      %bitcast3A_198 = vector.bitcast %get3A_197 : vector<16xf32> to vector<16xi32>
      %shift_left3A_199 = arith.constant 1 : i32
      %shift_left3A_200 = vector.broadcast %shift_left3A_199 : i32 to vector<16xi32>
      %shift_left3A_201 = arith.shli %bitcast3A_198, %shift_left3A_200 : vector<16xi32>
      %min3A_202 = arith.minui %shift_left3A_201, %broadcast_in_dim3A_16 : vector<16xi32>
      %add3A_203 = arith.addi %add3A_163, %min3A_202 : vector<16xi32>
      %get3A_204 = arith.constant 17 : i32
      %get3A_205 = arith.index_cast %get3A_204 : i32 to index
      %get3A_206 = arith.index_cast %mul3A_37 : i32 to index
      %get3A_207 = tpu.vector_load %arg5[%get3A_205, %get3A_206] {strides = array<i32>} : memref<200x256xf32, #tpu.memory_space<vmem>>, vector<16xf32>,
      %bitcast3A_208 = vector.bitcast %get3A_207 : vector<16xf32> to vector<16xi32>
      %shift_left3A_209 = arith.constant 1 : i32
      %shift_left3A_210 = vector.broadcast %shift_left3A_209 : i32 to vector<16xi32>
      %shift_left3A_211 = arith.shli %bitcast3A_208, %shift_left3A_210 : vector<16xi32>
      %min3A_212 = arith.minui %shift_left3A_211, %broadcast_in_dim3A_16 : vector<16xi32>
      %add3A_213 = arith.addi %add3A_173, %min3A_212 : vector<16xi32>
      %get3A_214 = arith.constant 18 : i32
      %get3A_215 = arith.index_cast %get3A_214 : i32 to index
      %get3A_216 = arith.index_cast %mul3A_37 : i32 to index
      %get3A_217 = tpu.vector_load %arg5[%get3A_215, %get3A_216] {strides = array<i32>} : memref<200x256xf32, #tpu.memory_space<vmem>>, vector<16xf32>,
      %bitcast3A_218 = vector.bitcast %get3A_217 : vector<16xf32> to vector<16xi32>
      %shift_left3A_219 = arith.constant 1 : i32
      %shift_left3A_220 = vector.broadcast %shift_left3A_219 : i32 to vector<16xi32>
      %shift_left3A_221 = arith.shli %bitcast3A_218, %shift_left3A_220 : vector<16xi32>
      %min3A_222 = arith.minui %shift_left3A_221, %broadcast_in_dim3A_16 : vector<16xi32>
      %add3A_223 = arith.addi %add3A_183, %min3A_222 : vector<16xi32>
      %get3A_224 = arith.constant 19 : i32
      %get3A_225 = arith.index_cast %get3A_224 : i32 to index
      %get3A_226 = arith.index_cast %mul3A_37 : i32 to index
      %get3A_227 = tpu.vector_load %arg5[%get3A_225, %get3A_226] {strides = array<i32>} : memref<200x256xf32, #tpu.memory_space<vmem>>, vector<16xf32>,
      %bitcast3A_228 = vector.bitcast %get3A_227 : vector<16xf32> to vector<16xi32>
      %shift_left3A_229 = arith.constant 1 : i32
      %shift_left3A_230 = vector.broadcast %shift_left3A_229 : i32 to vector<16xi32>
      %shift_left3A_231 = arith.shli %bitcast3A_228, %shift_left3A_230 : vector<16xi32>
      %min3A_232 = arith.minui %shift_left3A_231, %broadcast_in_dim3A_16 : vector<16xi32>
      %add3A_233 = arith.addi %add3A_193, %min3A_232 : vector<16xi32>
      %get3A_234 = arith.constant 20 : i32
      %get3A_235 = arith.index_cast %get3A_234 : i32 to index
      %get3A_236 = arith.index_cast %mul3A_37 : i32 to index
      %get3A_237 = tpu.vector_load %arg5[%get3A_235, %get3A_236] {strides = array<i32>} : memref<200x256xf32, #tpu.memory_space<vmem>>, vector<16xf32>,
      %bitcast3A_238 = vector.bitcast %get3A_237 : vector<16xf32> to vector<16xi32>
      %shift_left3A_239 = arith.constant 1 : i32
      %shift_left3A_240 = vector.broadcast %shift_left3A_239 : i32 to vector<16xi32>
      %shift_left3A_241 = arith.shli %bitcast3A_238, %shift_left3A_240 : vector<16xi32>
      %min3A_242 = arith.minui %shift_left3A_241, %broadcast_in_dim3A_16 : vector<16xi32>
      %add3A_243 = arith.addi %add3A_203, %min3A_242 : vector<16xi32>
      %get3A_244 = arith.constant 21 : i32
      %get3A_245 = arith.index_cast %get3A_244 : i32 to index
      %get3A_246 = arith.index_cast %mul3A_37 : i32 to index
      %get3A_247 = tpu.vector_load %arg5[%get3A_245, %get3A_246] {strides = array<i32>} : memref<200x256xf32, #tpu.memory_space<vmem>>, vector<16xf32>,
      %bitcast3A_248 = vector.bitcast %get3A_247 : vector<16xf32> to vector<16xi32>
      %shift_left3A_249 = arith.constant 1 : i32
      %shift_left3A_250 = vector.broadcast %shift_left3A_249 : i32 to vector<16xi32>
      %shift_left3A_251 = arith.shli %bitcast3A_248, %shift_left3A_250 : vector<16xi32>
      %min3A_252 = arith.minui %shift_left3A_251, %broadcast_in_dim3A_16 : vector<16xi32>
      %add3A_253 = arith.addi %add3A_213, %min3A_252 : vector<16xi32>
      %get3A_254 = arith.constant 22 : i32
      %get3A_255 = arith.index_cast %get3A_254 : i32 to index
      %get3A_256 = arith.index_cast %mul3A_37 : i32 to index
      %get3A_257 = tpu.vector_load %arg5[%get3A_255, %get3A_256] {strides = array<i32>} : memref<200x256xf32, #tpu.memory_space<vmem>>, vector<16xf32>,
      %bitcast3A_258 = vector.bitcast %get3A_257 : vector<16xf32> to vector<16xi32>
      %shift_left3A_259 = arith.constant 1 : i32
      %shift_left3A_260 = vector.broadcast %shift_left3A_259 : i32 to vector<16xi32>
      %shift_left3A_261 = arith.shli %bitcast3A_258, %shift_left3A_260 : vector<16xi32>
      %min3A_262 = arith.minui %shift_left3A_261, %broadcast_in_dim3A_16 : vector<16xi32>
      %add3A_263 = arith.addi %add3A_223, %min3A_262 : vector<16xi32>
      %get3A_264 = arith.constant 23 : i32
      %get3A_265 = arith.index_cast %get3A_264 : i32 to index
      %get3A_266 = arith.index_cast %mul3A_37 : i32 to index
      %get3A_267 = tpu.vector_load %arg5[%get3A_265, %get3A_266] {strides = array<i32>} : memref<200x256xf32, #tpu.memory_space<vmem>>, vector<16xf32>,
      %bitcast3A_268 = vector.bitcast %get3A_267 : vector<16xf32> to vector<16xi32>
      %shift_left3A_269 = arith.constant 1 : i32
      %shift_left3A_270 = vector.broadcast %shift_left3A_269 : i32 to vector<16xi32>
      %shift_left3A_271 = arith.shli %bitcast3A_268, %shift_left3A_270 : vector<16xi32>
      %min3A_272 = arith.minui %shift_left3A_271, %broadcast_in_dim3A_16 : vector<16xi32>
      %add3A_273 = arith.addi %add3A_233, %min3A_272 : vector<16xi32>
      %get3A_274 = arith.constant 24 : i32
      %get3A_275 = arith.index_cast %get3A_274 : i32 to index
      %get3A_276 = arith.index_cast %mul3A_37 : i32 to index
      %get3A_277 = tpu.vector_load %arg5[%get3A_275, %get3A_276] {strides = array<i32>} : memref<200x256xf32, #tpu.memory_space<vmem>>, vector<16xf32>,
      %bitcast3A_278 = vector.bitcast %get3A_277 : vector<16xf32> to vector<16xi32>
      %shift_left3A_279 = arith.constant 1 : i32
      %shift_left3A_280 = vector.broadcast %shift_left3A_279 : i32 to vector<16xi32>
      %shift_left3A_281 = arith.shli %bitcast3A_278, %shift_left3A_280 : vector<16xi32>
      %min3A_282 = arith.minui %shift_left3A_281, %broadcast_in_dim3A_16 : vector<16xi32>
      %add3A_283 = arith.addi %add3A_243, %min3A_282 : vector<16xi32>
      %get3A_284 = arith.constant 25 : i32
      %get3A_285 = arith.index_cast %get3A_284 : i32 to index
      %get3A_286 = arith.index_cast %mul3A_37 : i32 to index
      %get3A_287 = tpu.vector_load %arg5[%get3A_285, %get3A_286] {strides = array<i32>} : memref<200x256xf32, #tpu.memory_space<vmem>>, vector<16xf32>,
      %bitcast3A_288 = vector.bitcast %get3A_287 : vector<16xf32> to vector<16xi32>
      %shift_left3A_289 = arith.constant 1 : i32
      %shift_left3A_290 = vector.broadcast %shift_left3A_289 : i32 to vector<16xi32>
      %shift_left3A_291 = arith.shli %bitcast3A_288, %shift_left3A_290 : vector<16xi32>
      %min3A_292 = arith.minui %shift_left3A_291, %broadcast_in_dim3A_16 : vector<16xi32>
      %add3A_293 = arith.addi %add3A_253, %min3A_292 : vector<16xi32>
      %get3A_294 = arith.constant 26 : i32
      %get3A_295 = arith.index_cast %get3A_294 : i32 to index
      %get3A_296 = arith.index_cast %mul3A_37 : i32 to index
      %get3A_297 = tpu.vector_load %arg5[%get3A_295, %get3A_296] {strides = array<i32>} : memref<200x256xf32, #tpu.memory_space<vmem>>, vector<16xf32>,
      %bitcast3A_298 = vector.bitcast %get3A_297 : vector<16xf32> to vector<16xi32>
      %shift_left3A_299 = arith.constant 1 : i32
      %shift_left3A_300 = vector.broadcast %shift_left3A_299 : i32 to vector<16xi32>
      %shift_left3A_301 = arith.shli %bitcast3A_298, %shift_left3A_300 : vector<16xi32>
      %min3A_302 = arith.minui %shift_left3A_301, %broadcast_in_dim3A_16 : vector<16xi32>
      %add3A_303 = arith.addi %add3A_263, %min3A_302 : vector<16xi32>
      %get3A_304 = arith.constant 27 : i32
      %get3A_305 = arith.index_cast %get3A_304 : i32 to index
      %get3A_306 = arith.index_cast %mul3A_37 : i32 to index
      %get3A_307 = tpu.vector_load %arg5[%get3A_305, %get3A_306] {strides = array<i32>} : memref<200x256xf32, #tpu.memory_space<vmem>>, vector<16xf32>,
      %bitcast3A_308 = vector.bitcast %get3A_307 : vector<16xf32> to vector<16xi32>
      %shift_left3A_309 = arith.constant 1 : i32
      %shift_left3A_310 = vector.broadcast %shift_left3A_309 : i32 to vector<16xi32>
      %shift_left3A_311 = arith.shli %bitcast3A_308, %shift_left3A_310 : vector<16xi32>
      %min3A_312 = arith.minui %shift_left3A_311, %broadcast_in_dim3A_16 : vector<16xi32>
      %add3A_313 = arith.addi %add3A_273, %min3A_312 : vector<16xi32>
      %get3A_314 = arith.constant 28 : i32
      %get3A_315 = arith.index_cast %get3A_314 : i32 to index
      %get3A_316 = arith.index_cast %mul3A_37 : i32 to index
      %get3A_317 = tpu.vector_load %arg5[%get3A_315, %get3A_316] {strides = array<i32>} : memref<200x256xf32, #tpu.memory_space<vmem>>, vector<16xf32>,
      %bitcast3A_318 = vector.bitcast %get3A_317 : vector<16xf32> to vector<16xi32>
      %shift_left3A_319 = arith.constant 1 : i32
      %shift_left3A_320 = vector.broadcast %shift_left3A_319 : i32 to vector<16xi32>
      %shift_left3A_321 = arith.shli %bitcast3A_318, %shift_left3A_320 : vector<16xi32>
      %min3A_322 = arith.minui %shift_left3A_321, %broadcast_in_dim3A_16 : vector<16xi32>
      %add3A_323 = arith.addi %add3A_283, %min3A_322 : vector<16xi32>
      %get3A_324 = arith.constant 29 : i32
      %get3A_325 = arith.index_cast %get3A_324 : i32 to index
      %get3A_326 = arith.index_cast %mul3A_37 : i32 to index
      %get3A_327 = tpu.vector_load %arg5[%get3A_325, %get3A_326] {strides = array<i32>} : memref<200x256xf32, #tpu.memory_space<vmem>>, vector<16xf32>,
      %bitcast3A_328 = vector.bitcast %get3A_327 : vector<16xf32> to vector<16xi32>
      %shift_left3A_329 = arith.constant 1 : i32
      %shift_left3A_330 = vector.broadcast %shift_left3A_329 : i32 to vector<16xi32>
      %shift_left3A_331 = arith.shli %bitcast3A_328, %shift_left3A_330 : vector<16xi32>
      %min3A_332 = arith.minui %shift_left3A_331, %broadcast_in_dim3A_16 : vector<16xi32>
      %add3A_333 = arith.addi %add3A_293, %min3A_332 : vector<16xi32>
      %get3A_334 = arith.constant 30 : i32
      %get3A_335 = arith.index_cast %get3A_334 : i32 to index
      %get3A_336 = arith.index_cast %mul3A_37 : i32 to index
      %get3A_337 = tpu.vector_load %arg5[%get3A_335, %get3A_336] {strides = array<i32>} : memref<200x256xf32, #tpu.memory_space<vmem>>, vector<16xf32>,
      %bitcast3A_338 = vector.bitcast %get3A_337 : vector<16xf32> to vector<16xi32>
      %shift_left3A_339 = arith.constant 1 : i32
      %shift_left3A_340 = vector.broadcast %shift_left3A_339 : i32 to vector<16xi32>
      %shift_left3A_341 = arith.shli %bitcast3A_338, %shift_left3A_340 : vector<16xi32>
      %min3A_342 = arith.minui %shift_left3A_341, %broadcast_in_dim3A_16 : vector<16xi32>
      %add3A_343 = arith.addi %add3A_303, %min3A_342 : vector<16xi32>
      %get3A_344 = arith.constant 31 : i32
      %get3A_345 = arith.index_cast %get3A_344 : i32 to index
      %get3A_346 = arith.index_cast %mul3A_37 : i32 to index
      %get3A_347 = tpu.vector_load %arg5[%get3A_345, %get3A_346] {strides = array<i32>} : memref<200x256xf32, #tpu.memory_space<vmem>>, vector<16xf32>,
      %bitcast3A_348 = vector.bitcast %get3A_347 : vector<16xf32> to vector<16xi32>
      %shift_left3A_349 = arith.constant 1 : i32
      %shift_left3A_350 = vector.broadcast %shift_left3A_349 : i32 to vector<16xi32>
      %shift_left3A_351 = arith.shli %bitcast3A_348, %shift_left3A_350 : vector<16xi32>
      %min3A_352 = arith.minui %shift_left3A_351, %broadcast_in_dim3A_16 : vector<16xi32>
      %add3A_353 = arith.addi %add3A_313, %min3A_352 : vector<16xi32>
      %get3A_354 = arith.constant 32 : i32
      %get3A_355 = arith.index_cast %get3A_354 : i32 to index
      %get3A_356 = arith.index_cast %mul3A_37 : i32 to index
      %get3A_357 = tpu.vector_load %arg5[%get3A_355, %get3A_356] {strides = array<i32>} : memref<200x256xf32, #tpu.memory_space<vmem>>, vector<16xf32>,
      %bitcast3A_358 = vector.bitcast %get3A_357 : vector<16xf32> to vector<16xi32>
      %shift_left3A_359 = arith.constant 1 : i32
      %shift_left3A_360 = vector.broadcast %shift_left3A_359 : i32 to vector<16xi32>
      %shift_left3A_361 = arith.shli %bitcast3A_358, %shift_left3A_360 : vector<16xi32>
      %min3A_362 = arith.minui %shift_left3A_361, %broadcast_in_dim3A_16 : vector<16xi32>
      %add3A_363 = arith.addi %add3A_323, %min3A_362 : vector<16xi32>
      %get3A_364 = arith.constant 33 : i32
      %get3A_365 = arith.index_cast %get3A_364 : i32 to index
      %get3A_366 = arith.index_cast %mul3A_37 : i32 to index
      %get3A_367 = tpu.vector_load %arg5[%get3A_365, %get3A_366] {strides = array<i32>} : memref<200x256xf32, #tpu.memory_space<vmem>>, vector<16xf32>,
      %bitcast3A_368 = vector.bitcast %get3A_367 : vector<16xf32> to vector<16xi32>
      %shift_left3A_369 = arith.constant 1 : i32
      %shift_left3A_370 = vector.broadcast %shift_left3A_369 : i32 to vector<16xi32>
      %shift_left3A_371 = arith.shli %bitcast3A_368, %shift_left3A_370 : vector<16xi32>
      %min3A_372 = arith.minui %shift_left3A_371, %broadcast_in_dim3A_16 : vector<16xi32>
      %add3A_373 = arith.addi %add3A_333, %min3A_372 : vector<16xi32>
      %get3A_374 = arith.constant 34 : i32
      %get3A_375 = arith.index_cast %get3A_374 : i32 to index
      %get3A_376 = arith.index_cast %mul3A_37 : i32 to index
      %get3A_377 = tpu.vector_load %arg5[%get3A_375, %get3A_376] {strides = array<i32>} : memref<200x256xf32, #tpu.memory_space<vmem>>, vector<16xf32>,
      %bitcast3A_378 = vector.bitcast %get3A_377 : vector<16xf32> to vector<16xi32>
      %shift_left3A_379 = arith.constant 1 : i32
      %shift_left3A_380 = vector.broadcast %shift_left3A_379 : i32 to vector<16xi32>
      %shift_left3A_381 = arith.shli %bitcast3A_378, %shift_left3A_380 : vector<16xi32>
      %min3A_382 = arith.minui %shift_left3A_381, %broadcast_in_dim3A_16 : vector<16xi32>
      %add3A_383 = arith.addi %add3A_343, %min3A_382 : vector<16xi32>
      %get3A_384 = arith.constant 35 : i32
      %get3A_385 = arith.index_cast %get3A_384 : i32 to index
      %get3A_386 = arith.index_cast %mul3A_37 : i32 to index
      %get3A_387 = tpu.vector_load %arg5[%get3A_385, %get3A_386] {strides = array<i32>} : memref<200x256xf32, #tpu.memory_space<vmem>>, vector<16xf32>,
      %bitcast3A_388 = vector.bitcast %get3A_387 : vector<16xf32> to vector<16xi32>
      %shift_left3A_389 = arith.constant 1 : i32
      %shift_left3A_390 = vector.broadcast %shift_left3A_389 : i32 to vector<16xi32>
      %shift_left3A_391 = arith.shli %bitcast3A_388, %shift_left3A_390 : vector<16xi32>
      %min3A_392 = arith.minui %shift_left3A_391, %broadcast_in_dim3A_16 : vector<16xi32>
      %add3A_393 = arith.addi %add3A_353, %min3A_392 : vector<16xi32>
      %get3A_394 = arith.constant 36 : i32
      %get3A_395 = arith.index_cast %get3A_394 : i32 to index
      %get3A_396 = arith.index_cast %mul3A_37 : i32 to index
      %get3A_397 = tpu.vector_load %arg5[%get3A_395, %get3A_396] {strides = array<i32>} : memref<200x256xf32, #tpu.memory_space<vmem>>, vector<16xf32>,
      %bitcast3A_398 = vector.bitcast %get3A_397 : vector<16xf32> to vector<16xi32>
      %shift_left3A_399 = arith.constant 1 : i32
      %shift_left3A_400 = vector.broadcast %shift_left3A_399 : i32 to vector<16xi32>
      %shift_left3A_401 = arith.shli %bitcast3A_398, %shift_left3A_400 : vector<16xi32>
      %min3A_402 = arith.minui %shift_left3A_401, %broadcast_in_dim3A_16 : vector<16xi32>
      %add3A_403 = arith.addi %add3A_363, %min3A_402 : vector<16xi32>
      %get3A_404 = arith.constant 37 : i32
      %get3A_405 = arith.index_cast %get3A_404 : i32 to index
      %get3A_406 = arith.index_cast %mul3A_37 : i32 to index
      %get3A_407 = tpu.vector_load %arg5[%get3A_405, %get3A_406] {strides = array<i32>} : memref<200x256xf32, #tpu.memory_space<vmem>>, vector<16xf32>,
      %bitcast3A_408 = vector.bitcast %get3A_407 : vector<16xf32> to vector<16xi32>
      %shift_left3A_409 = arith.constant 1 : i32
      %shift_left3A_410 = vector.broadcast %shift_left3A_409 : i32 to vector<16xi32>
      %shift_left3A_411 = arith.shli %bitcast3A_408, %shift_left3A_410 : vector<16xi32>
      %min3A_412 = arith.minui %shift_left3A_411, %broadcast_in_dim3A_16 : vector<16xi32>
      %add3A_413 = arith.addi %add3A_373, %min3A_412 : vector<16xi32>
      %get3A_414 = arith.constant 38 : i32
      %get3A_415 = arith.index_cast %get3A_414 : i32 to index
      %get3A_416 = arith.index_cast %mul3A_37 : i32 to index
      %get3A_417 = tpu.vector_load %arg5[%get3A_415, %get3A_416] {strides = array<i32>} : memref<200x256xf32, #tpu.memory_space<vmem>>, vector<16xf32>,
      %bitcast3A_418 = vector.bitcast %get3A_417 : vector<16xf32> to vector<16xi32>
      %shift_left3A_419 = arith.constant 1 : i32
      %shift_left3A_420 = vector.broadcast %shift_left3A_419 : i32 to vector<16xi32>
      %shift_left3A_421 = arith.shli %bitcast3A_418, %shift_left3A_420 : vector<16xi32>
      %min3A_422 = arith.minui %shift_left3A_421, %broadcast_in_dim3A_16 : vector<16xi32>
      %add3A_423 = arith.addi %add3A_383, %min3A_422 : vector<16xi32>
      %get3A_424 = arith.constant 39 : i32
      %get3A_425 = arith.index_cast %get3A_424 : i32 to index
      %get3A_426 = arith.index_cast %mul3A_37 : i32 to index
      %get3A_427 = tpu.vector_load %arg5[%get3A_425, %get3A_426] {strides = array<i32>} : memref<200x256xf32, #tpu.memory_space<vmem>>, vector<16xf32>,
      %bitcast3A_428 = vector.bitcast %get3A_427 : vector<16xf32> to vector<16xi32>
      %shift_left3A_429 = arith.constant 1 : i32
      %shift_left3A_430 = vector.broadcast %shift_left3A_429 : i32 to vector<16xi32>
      %shift_left3A_431 = arith.shli %bitcast3A_428, %shift_left3A_430 : vector<16xi32>
      %min3A_432 = arith.minui %shift_left3A_431, %broadcast_in_dim3A_16 : vector<16xi32>
      %add3A_433 = arith.addi %add3A_393, %min3A_432 : vector<16xi32>
      %get3A_434 = arith.constant 40 : i32
      %get3A_435 = arith.index_cast %get3A_434 : i32 to index
      %get3A_436 = arith.index_cast %mul3A_37 : i32 to index
      %get3A_437 = tpu.vector_load %arg5[%get3A_435, %get3A_436] {strides = array<i32>} : memref<200x256xf32, #tpu.memory_space<vmem>>, vector<16xf32>,
      %bitcast3A_438 = vector.bitcast %get3A_437 : vector<16xf32> to vector<16xi32>
      %shift_left3A_439 = arith.constant 1 : i32
      %shift_left3A_440 = vector.broadcast %shift_left3A_439 : i32 to vector<16xi32>
      %shift_left3A_441 = arith.shli %bitcast3A_438, %shift_left3A_440 : vector<16xi32>
      %min3A_442 = arith.minui %shift_left3A_441, %broadcast_in_dim3A_16 : vector<16xi32>
      %add3A_443 = arith.addi %add3A_403, %min3A_442 : vector<16xi32>
      %get3A_444 = arith.constant 41 : i32
      %get3A_445 = arith.index_cast %get3A_444 : i32 to index
      %get3A_446 = arith.index_cast %mul3A_37 : i32 to index
      %get3A_447 = tpu.vector_load %arg5[%get3A_445, %get3A_446] {strides = array<i32>} : memref<200x256xf32, #tpu.memory_space<vmem>>, vector<16xf32>,
      %bitcast3A_448 = vector.bitcast %get3A_447 : vector<16xf32> to vector<16xi32>
      %shift_left3A_449 = arith.constant 1 : i32
      %shift_left3A_450 = vector.broadcast %shift_left3A_449 : i32 to vector<16xi32>
      %shift_left3A_451 = arith.shli %bitcast3A_448, %shift_left3A_450 : vector<16xi32>
      %min3A_452 = arith.minui %shift_left3A_451, %broadcast_in_dim3A_16 : vector<16xi32>
      %add3A_453 = arith.addi %add3A_413, %min3A_452 : vector<16xi32>
      %get3A_454 = arith.constant 42 : i32
      %get3A_455 = arith.index_cast %get3A_454 : i32 to index
      %get3A_456 = arith.index_cast %mul3A_37 : i32 to index
      %get3A_457 = tpu.vector_load %arg5[%get3A_455, %get3A_456] {strides = array<i32>} : memref<200x256xf32, #tpu.memory_space<vmem>>, vector<16xf32>,
      %bitcast3A_458 = vector.bitcast %get3A_457 : vector<16xf32> to vector<16xi32>
      %shift_left3A_459 = arith.constant 1 : i32
      %shift_left3A_460 = vector.broadcast %shift_left3A_459 : i32 to vector<16xi32>
      %shift_left3A_461 = arith.shli %bitcast3A_458, %shift_left3A_460 : vector<16xi32>
      %min3A_462 = arith.minui %shift_left3A_461, %broadcast_in_dim3A_16 : vector<16xi32>
      %add3A_463 = arith.addi %add3A_423, %min3A_462 : vector<16xi32>
      %get3A_464 = arith.constant 43 : i32
      %get3A_465 = arith.index_cast %get3A_464 : i32 to index
      %get3A_466 = arith.index_cast %mul3A_37 : i32 to index
      %get3A_467 = tpu.vector_load %arg5[%get3A_465, %get3A_466] {strides = array<i32>} : memref<200x256xf32, #tpu.memory_space<vmem>>, vector<16xf32>,
      %bitcast3A_468 = vector.bitcast %get3A_467 : vector<16xf32> to vector<16xi32>
      %shift_left3A_469 = arith.constant 1 : i32
      %shift_left3A_470 = vector.broadcast %shift_left3A_469 : i32 to vector<16xi32>
      %shift_left3A_471 = arith.shli %bitcast3A_468, %shift_left3A_470 : vector<16xi32>
      %min3A_472 = arith.minui %shift_left3A_471, %broadcast_in_dim3A_16 : vector<16xi32>
      %add3A_473 = arith.addi %add3A_433, %min3A_472 : vector<16xi32>
      %get3A_474 = arith.constant 44 : i32
      %get3A_475 = arith.index_cast %get3A_474 : i32 to index
      %get3A_476 = arith.index_cast %mul3A_37 : i32 to index
      %get3A_477 = tpu.vector_load %arg5[%get3A_475, %get3A_476] {strides = array<i32>} : memref<200x256xf32, #tpu.memory_space<vmem>>, vector<16xf32>,
      %bitcast3A_478 = vector.bitcast %get3A_477 : vector<16xf32> to vector<16xi32>
      %shift_left3A_479 = arith.constant 1 : i32
      %shift_left3A_480 = vector.broadcast %shift_left3A_479 : i32 to vector<16xi32>
      %shift_left3A_481 = arith.shli %bitcast3A_478, %shift_left3A_480 : vector<16xi32>
      %min3A_482 = arith.minui %shift_left3A_481, %broadcast_in_dim3A_16 : vector<16xi32>
      %add3A_483 = arith.addi %add3A_443, %min3A_482 : vector<16xi32>
      %get3A_484 = arith.constant 45 : i32
      %get3A_485 = arith.index_cast %get3A_484 : i32 to index
      %get3A_486 = arith.index_cast %mul3A_37 : i32 to index
      %get3A_487 = tpu.vector_load %arg5[%get3A_485, %get3A_486] {strides = array<i32>} : memref<200x256xf32, #tpu.memory_space<vmem>>, vector<16xf32>,
      %bitcast3A_488 = vector.bitcast %get3A_487 : vector<16xf32> to vector<16xi32>
      %shift_left3A_489 = arith.constant 1 : i32
      %shift_left3A_490 = vector.broadcast %shift_left3A_489 : i32 to vector<16xi32>
      %shift_left3A_491 = arith.shli %bitcast3A_488, %shift_left3A_490 : vector<16xi32>
      %min3A_492 = arith.minui %shift_left3A_491, %broadcast_in_dim3A_16 : vector<16xi32>
      %add3A_493 = arith.addi %add3A_453, %min3A_492 : vector<16xi32>
      %get3A_494 = arith.constant 46 : i32
      %get3A_495 = arith.index_cast %get3A_494 : i32 to index
      %get3A_496 = arith.index_cast %mul3A_37 : i32 to index
      %get3A_497 = tpu.vector_load %arg5[%get3A_495, %get3A_496] {strides = array<i32>} : memref<200x256xf32, #tpu.memory_space<vmem>>, vector<16xf32>,
      %bitcast3A_498 = vector.bitcast %get3A_497 : vector<16xf32> to vector<16xi32>
      %shift_left3A_499 = arith.constant 1 : i32
      %shift_left3A_500 = vector.broadcast %shift_left3A_499 : i32 to vector<16xi32>
      %shift_left3A_501 = arith.shli %bitcast3A_498, %shift_left3A_500 : vector<16xi32>
      %min3A_502 = arith.minui %shift_left3A_501, %broadcast_in_dim3A_16 : vector<16xi32>
      %add3A_503 = arith.addi %add3A_463, %min3A_502 : vector<16xi32>
      %get3A_504 = arith.constant 47 : i32
      %get3A_505 = arith.index_cast %get3A_504 : i32 to index
      %get3A_506 = arith.index_cast %mul3A_37 : i32 to index
      %get3A_507 = tpu.vector_load %arg5[%get3A_505, %get3A_506] {strides = array<i32>} : memref<200x256xf32, #tpu.memory_space<vmem>>, vector<16xf32>,
      %bitcast3A_508 = vector.bitcast %get3A_507 : vector<16xf32> to vector<16xi32>
      %shift_left3A_509 = arith.constant 1 : i32
      %shift_left3A_510 = vector.broadcast %shift_left3A_509 : i32 to vector<16xi32>
      %shift_left3A_511 = arith.shli %bitcast3A_508, %shift_left3A_510 : vector<16xi32>
      %min3A_512 = arith.minui %shift_left3A_511, %broadcast_in_dim3A_16 : vector<16xi32>
      %add3A_513 = arith.addi %add3A_473, %min3A_512 : vector<16xi32>
      %get3A_514 = arith.constant 48 : i32
      %get3A_515 = arith.index_cast %get3A_514 : i32 to index
      %get3A_516 = arith.index_cast %mul3A_37 : i32 to index
      %get3A_517 = tpu.vector_load %arg5[%get3A_515, %get3A_516] {strides = array<i32>} : memref<200x256xf32, #tpu.memory_space<vmem>>, vector<16xf32>,
      %bitcast3A_518 = vector.bitcast %get3A_517 : vector<16xf32> to vector<16xi32>
      %shift_left3A_519 = arith.constant 1 : i32
      %shift_left3A_520 = vector.broadcast %shift_left3A_519 : i32 to vector<16xi32>
      %shift_left3A_521 = arith.shli %bitcast3A_518, %shift_left3A_520 : vector<16xi32>
      %min3A_522 = arith.minui %shift_left3A_521, %broadcast_in_dim3A_16 : vector<16xi32>
      %add3A_523 = arith.addi %add3A_483, %min3A_522 : vector<16xi32>
      %get3A_524 = arith.constant 49 : i32
      %get3A_525 = arith.index_cast %get3A_524 : i32 to index
      %get3A_526 = arith.index_cast %mul3A_37 : i32 to index
      %get3A_527 = tpu.vector_load %arg5[%get3A_525, %get3A_526] {strides = array<i32>} : memref<200x256xf32, #tpu.memory_space<vmem>>, vector<16xf32>,
      %bitcast3A_528 = vector.bitcast %get3A_527 : vector<16xf32> to vector<16xi32>
      %shift_left3A_529 = arith.constant 1 : i32
      %shift_left3A_530 = vector.broadcast %shift_left3A_529 : i32 to vector<16xi32>
      %shift_left3A_531 = arith.shli %bitcast3A_528, %shift_left3A_530 : vector<16xi32>
      %min3A_532 = arith.minui %shift_left3A_531, %broadcast_in_dim3A_16 : vector<16xi32>
      %add3A_533 = arith.addi %add3A_493, %min3A_532 : vector<16xi32>
      %get3A_534 = arith.constant 50 : i32
      %get3A_535 = arith.index_cast %get3A_534 : i32 to index
      %get3A_536 = arith.index_cast %mul3A_37 : i32 to index
      %get3A_537 = tpu.vector_load %arg5[%get3A_535, %get3A_536] {strides = array<i32>} : memref<200x256xf32, #tpu.memory_space<vmem>>, vector<16xf32>,
      %bitcast3A_538 = vector.bitcast %get3A_537 : vector<16xf32> to vector<16xi32>
      %shift_left3A_539 = arith.constant 1 : i32
      %shift_left3A_540 = vector.broadcast %shift_left3A_539 : i32 to vector<16xi32>
      %shift_left3A_541 = arith.shli %bitcast3A_538, %shift_left3A_540 : vector<16xi32>
      %min3A_542 = arith.minui %shift_left3A_541, %broadcast_in_dim3A_16 : vector<16xi32>
      %add3A_543 = arith.addi %add3A_503, %min3A_542 : vector<16xi32>
      %get3A_544 = arith.constant 51 : i32
      %get3A_545 = arith.index_cast %get3A_544 : i32 to index
      %get3A_546 = arith.index_cast %mul3A_37 : i32 to index
      %get3A_547 = tpu.vector_load %arg5[%get3A_545, %get3A_546] {strides = array<i32>} : memref<200x256xf32, #tpu.memory_space<vmem>>, vector<16xf32>,
      %bitcast3A_548 = vector.bitcast %get3A_547 : vector<16xf32> to vector<16xi32>
      %shift_left3A_549 = arith.constant 1 : i32
      %shift_left3A_550 = vector.broadcast %shift_left3A_549 : i32 to vector<16xi32>
      %shift_left3A_551 = arith.shli %bitcast3A_548, %shift_left3A_550 : vector<16xi32>
      %min3A_552 = arith.minui %shift_left3A_551, %broadcast_in_dim3A_16 : vector<16xi32>
      %add3A_553 = arith.addi %add3A_513, %min3A_552 : vector<16xi32>
      %get3A_554 = arith.constant 52 : i32
      %get3A_555 = arith.index_cast %get3A_554 : i32 to index
      %get3A_556 = arith.index_cast %mul3A_37 : i32 to index
      %get3A_557 = tpu.vector_load %arg5[%get3A_555, %get3A_556] {strides = array<i32>} : memref<200x256xf32, #tpu.memory_space<vmem>>, vector<16xf32>,
      %bitcast3A_558 = vector.bitcast %get3A_557 : vector<16xf32> to vector<16xi32>
      %shift_left3A_559 = arith.constant 1 : i32
      %shift_left3A_560 = vector.broadcast %shift_left3A_559 : i32 to vector<16xi32>
      %shift_left3A_561 = arith.shli %bitcast3A_558, %shift_left3A_560 : vector<16xi32>
      %min3A_562 = arith.minui %shift_left3A_561, %broadcast_in_dim3A_16 : vector<16xi32>
      %add3A_563 = arith.addi %add3A_523, %min3A_562 : vector<16xi32>
      %get3A_564 = arith.constant 53 : i32
      %get3A_565 = arith.index_cast %get3A_564 : i32 to index
      %get3A_566 = arith.index_cast %mul3A_37 : i32 to index
      %get3A_567 = tpu.vector_load %arg5[%get3A_565, %get3A_566] {strides = array<i32>} : memref<200x256xf32, #tpu.memory_space<vmem>>, vector<16xf32>,
      %bitcast3A_568 = vector.bitcast %get3A_567 : vector<16xf32> to vector<16xi32>
      %shift_left3A_569 = arith.constant 1 : i32
      %shift_left3A_570 = vector.broadcast %shift_left3A_569 : i32 to vector<16xi32>
      %shift_left3A_571 = arith.shli %bitcast3A_568, %shift_left3A_570 : vector<16xi32>
      %min3A_572 = arith.minui %shift_left3A_571, %broadcast_in_dim3A_16 : vector<16xi32>
      %add3A_573 = arith.addi %add3A_533, %min3A_572 : vector<16xi32>
      %get3A_574 = arith.constant 54 : i32
      %get3A_575 = arith.index_cast %get3A_574 : i32 to index
      %get3A_576 = arith.index_cast %mul3A_37 : i32 to index
      %get3A_577 = tpu.vector_load %arg5[%get3A_575, %get3A_576] {strides = array<i32>} : memref<200x256xf32, #tpu.memory_space<vmem>>, vector<16xf32>,
      %bitcast3A_578 = vector.bitcast %get3A_577 : vector<16xf32> to vector<16xi32>
      %shift_left3A_579 = arith.constant 1 : i32
      %shift_left3A_580 = vector.broadcast %shift_left3A_579 : i32 to vector<16xi32>
      %shift_left3A_581 = arith.shli %bitcast3A_578, %shift_left3A_580 : vector<16xi32>
      %min3A_582 = arith.minui %shift_left3A_581, %broadcast_in_dim3A_16 : vector<16xi32>
      %add3A_583 = arith.addi %add3A_543, %min3A_582 : vector<16xi32>
      %get3A_584 = arith.constant 55 : i32
      %get3A_585 = arith.index_cast %get3A_584 : i32 to index
      %get3A_586 = arith.index_cast %mul3A_37 : i32 to index
      %get3A_587 = tpu.vector_load %arg5[%get3A_585, %get3A_586] {strides = array<i32>} : memref<200x256xf32, #tpu.memory_space<vmem>>, vector<16xf32>,
      %bitcast3A_588 = vector.bitcast %get3A_587 : vector<16xf32> to vector<16xi32>
      %shift_left3A_589 = arith.constant 1 : i32
      %shift_left3A_590 = vector.broadcast %shift_left3A_589 : i32 to vector<16xi32>
      %shift_left3A_591 = arith.shli %bitcast3A_588, %shift_left3A_590 : vector<16xi32>
      %min3A_592 = arith.minui %shift_left3A_591, %broadcast_in_dim3A_16 : vector<16xi32>
      %add3A_593 = arith.addi %add3A_553, %min3A_592 : vector<16xi32>
      %get3A_594 = arith.constant 56 : i32
      %get3A_595 = arith.index_cast %get3A_594 : i32 to index
      %get3A_596 = arith.index_cast %mul3A_37 : i32 to index
      %get3A_597 = tpu.vector_load %arg5[%get3A_595, %get3A_596] {strides = array<i32>} : memref<200x256xf32, #tpu.memory_space<vmem>>, vector<16xf32>,
      %bitcast3A_598 = vector.bitcast %get3A_597 : vector<16xf32> to vector<16xi32>
      %shift_left3A_599 = arith.constant 1 : i32
      %shift_left3A_600 = vector.broadcast %shift_left3A_599 : i32 to vector<16xi32>
      %shift_left3A_601 = arith.shli %bitcast3A_598, %shift_left3A_600 : vector<16xi32>
      %min3A_602 = arith.minui %shift_left3A_601, %broadcast_in_dim3A_16 : vector<16xi32>
      %add3A_603 = arith.addi %add3A_563, %min3A_602 : vector<16xi32>
      %get3A_604 = arith.constant 57 : i32
      %get3A_605 = arith.index_cast %get3A_604 : i32 to index
      %get3A_606 = arith.index_cast %mul3A_37 : i32 to index
      %get3A_607 = tpu.vector_load %arg5[%get3A_605, %get3A_606] {strides = array<i32>} : memref<200x256xf32, #tpu.memory_space<vmem>>, vector<16xf32>,
      %bitcast3A_608 = vector.bitcast %get3A_607 : vector<16xf32> to vector<16xi32>
      %shift_left3A_609 = arith.constant 1 : i32
      %shift_left3A_610 = vector.broadcast %shift_left3A_609 : i32 to vector<16xi32>
      %shift_left3A_611 = arith.shli %bitcast3A_608, %shift_left3A_610 : vector<16xi32>
      %min3A_612 = arith.minui %shift_left3A_611, %broadcast_in_dim3A_16 : vector<16xi32>
      %add3A_613 = arith.addi %add3A_573, %min3A_612 : vector<16xi32>
      %get3A_614 = arith.constant 58 : i32
      %get3A_615 = arith.index_cast %get3A_614 : i32 to index
      %get3A_616 = arith.index_cast %mul3A_37 : i32 to index
      %get3A_617 = tpu.vector_load %arg5[%get3A_615, %get3A_616] {strides = array<i32>} : memref<200x256xf32, #tpu.memory_space<vmem>>, vector<16xf32>,
      %bitcast3A_618 = vector.bitcast %get3A_617 : vector<16xf32> to vector<16xi32>
      %shift_left3A_619 = arith.constant 1 : i32
      %shift_left3A_620 = vector.broadcast %shift_left3A_619 : i32 to vector<16xi32>
      %shift_left3A_621 = arith.shli %bitcast3A_618, %shift_left3A_620 : vector<16xi32>
      %min3A_622 = arith.minui %shift_left3A_621, %broadcast_in_dim3A_16 : vector<16xi32>
      %add3A_623 = arith.addi %add3A_583, %min3A_622 : vector<16xi32>
      %get3A_624 = arith.constant 59 : i32
      %get3A_625 = arith.index_cast %get3A_624 : i32 to index
      %get3A_626 = arith.index_cast %mul3A_37 : i32 to index
      %get3A_627 = tpu.vector_load %arg5[%get3A_625, %get3A_626] {strides = array<i32>} : memref<200x256xf32, #tpu.memory_space<vmem>>, vector<16xf32>,
      %bitcast3A_628 = vector.bitcast %get3A_627 : vector<16xf32> to vector<16xi32>
      %shift_left3A_629 = arith.constant 1 : i32
      %shift_left3A_630 = vector.broadcast %shift_left3A_629 : i32 to vector<16xi32>
      %shift_left3A_631 = arith.shli %bitcast3A_628, %shift_left3A_630 : vector<16xi32>
      %min3A_632 = arith.minui %shift_left3A_631, %broadcast_in_dim3A_16 : vector<16xi32>
      %add3A_633 = arith.addi %add3A_593, %min3A_632 : vector<16xi32>
      %get3A_634 = arith.constant 60 : i32
      %get3A_635 = arith.index_cast %get3A_634 : i32 to index
      %get3A_636 = arith.index_cast %mul3A_37 : i32 to index
      %get3A_637 = tpu.vector_load %arg5[%get3A_635, %get3A_636] {strides = array<i32>} : memref<200x256xf32, #tpu.memory_space<vmem>>, vector<16xf32>,
      %bitcast3A_638 = vector.bitcast %get3A_637 : vector<16xf32> to vector<16xi32>
      %shift_left3A_639 = arith.constant 1 : i32
      %shift_left3A_640 = vector.broadcast %shift_left3A_639 : i32 to vector<16xi32>
      %shift_left3A_641 = arith.shli %bitcast3A_638, %shift_left3A_640 : vector<16xi32>
      %min3A_642 = arith.minui %shift_left3A_641, %broadcast_in_dim3A_16 : vector<16xi32>
      %add3A_643 = arith.addi %add3A_603, %min3A_642 : vector<16xi32>
      %get3A_644 = arith.constant 61 : i32
      %get3A_645 = arith.index_cast %get3A_644 : i32 to index
      %get3A_646 = arith.index_cast %mul3A_37 : i32 to index
      %get3A_647 = tpu.vector_load %arg5[%get3A_645, %get3A_646] {strides = array<i32>} : memref<200x256xf32, #tpu.memory_space<vmem>>, vector<16xf32>,
      %bitcast3A_648 = vector.bitcast %get3A_647 : vector<16xf32> to vector<16xi32>
      %shift_left3A_649 = arith.constant 1 : i32
      %shift_left3A_650 = vector.broadcast %shift_left3A_649 : i32 to vector<16xi32>
      %shift_left3A_651 = arith.shli %bitcast3A_648, %shift_left3A_650 : vector<16xi32>
      %min3A_652 = arith.minui %shift_left3A_651, %broadcast_in_dim3A_16 : vector<16xi32>
      %add3A_653 = arith.addi %add3A_613, %min3A_652 : vector<16xi32>
      %get3A_654 = arith.constant 62 : i32
      %get3A_655 = arith.index_cast %get3A_654 : i32 to index
      %get3A_656 = arith.index_cast %mul3A_37 : i32 to index
      %get3A_657 = tpu.vector_load %arg5[%get3A_655, %get3A_656] {strides = array<i32>} : memref<200x256xf32, #tpu.memory_space<vmem>>, vector<16xf32>,
      %bitcast3A_658 = vector.bitcast %get3A_657 : vector<16xf32> to vector<16xi32>
      %shift_left3A_659 = arith.constant 1 : i32
      %shift_left3A_660 = vector.broadcast %shift_left3A_659 : i32 to vector<16xi32>
      %shift_left3A_661 = arith.shli %bitcast3A_658, %shift_left3A_660 : vector<16xi32>
      %min3A_662 = arith.minui %shift_left3A_661, %broadcast_in_dim3A_16 : vector<16xi32>
      %add3A_663 = arith.addi %add3A_623, %min3A_662 : vector<16xi32>
      %get3A_664 = arith.constant 63 : i32
      %get3A_665 = arith.index_cast %get3A_664 : i32 to index
      %get3A_666 = arith.index_cast %mul3A_37 : i32 to index
      %get3A_667 = tpu.vector_load %arg5[%get3A_665, %get3A_666] {strides = array<i32>} : memref<200x256xf32, #tpu.memory_space<vmem>>, vector<16xf32>,
      %bitcast3A_668 = vector.bitcast %get3A_667 : vector<16xf32> to vector<16xi32>
      %shift_left3A_669 = arith.constant 1 : i32
      %shift_left3A_670 = vector.broadcast %shift_left3A_669 : i32 to vector<16xi32>
      %shift_left3A_671 = arith.shli %bitcast3A_668, %shift_left3A_670 : vector<16xi32>
      %min3A_672 = arith.minui %shift_left3A_671, %broadcast_in_dim3A_16 : vector<16xi32>
      %add3A_673 = arith.addi %add3A_633, %min3A_672 : vector<16xi32>
      %get3A_674 = arith.constant 64 : i32
      %get3A_675 = arith.index_cast %get3A_674 : i32 to index
      %get3A_676 = arith.index_cast %mul3A_37 : i32 to index
      %get3A_677 = tpu.vector_load %arg5[%get3A_675, %get3A_676] {strides = array<i32>} : memref<200x256xf32, #tpu.memory_space<vmem>>, vector<16xf32>,
      %bitcast3A_678 = vector.bitcast %get3A_677 : vector<16xf32> to vector<16xi32>
      %shift_left3A_679 = arith.constant 1 : i32
      %shift_left3A_680 = vector.broadcast %shift_left3A_679 : i32 to vector<16xi32>
      %shift_left3A_681 = arith.shli %bitcast3A_678, %shift_left3A_680 : vector<16xi32>
      %min3A_682 = arith.minui %shift_left3A_681, %broadcast_in_dim3A_16 : vector<16xi32>
      %add3A_683 = arith.addi %add3A_643, %min3A_682 : vector<16xi32>
      %get3A_684 = arith.constant 65 : i32
      %get3A_685 = arith.index_cast %get3A_684 : i32 to index
      %get3A_686 = arith.index_cast %mul3A_37 : i32 to index
      %get3A_687 = tpu.vector_load %arg5[%get3A_685, %get3A_686] {strides = array<i32>} : memref<200x256xf32, #tpu.memory_space<vmem>>, vector<16xf32>,
      %bitcast3A_688 = vector.bitcast %get3A_687 : vector<16xf32> to vector<16xi32>
      %shift_left3A_689 = arith.constant 1 : i32
      %shift_left3A_690 = vector.broadcast %shift_left3A_689 : i32 to vector<16xi32>
      %shift_left3A_691 = arith.shli %bitcast3A_688, %shift_left3A_690 : vector<16xi32>
      %min3A_692 = arith.minui %shift_left3A_691, %broadcast_in_dim3A_16 : vector<16xi32>
      %add3A_693 = arith.addi %add3A_653, %min3A_692 : vector<16xi32>
      %get3A_694 = arith.constant 66 : i32
      %get3A_695 = arith.index_cast %get3A_694 : i32 to index
      %get3A_696 = arith.index_cast %mul3A_37 : i32 to index
      %get3A_697 = tpu.vector_load %arg5[%get3A_695, %get3A_696] {strides = array<i32>} : memref<200x256xf32, #tpu.memory_space<vmem>>, vector<16xf32>,
      %bitcast3A_698 = vector.bitcast %get3A_697 : vector<16xf32> to vector<16xi32>
      %shift_left3A_699 = arith.constant 1 : i32
      %shift_left3A_700 = vector.broadcast %shift_left3A_699 : i32 to vector<16xi32>
      %shift_left3A_701 = arith.shli %bitcast3A_698, %shift_left3A_700 : vector<16xi32>
      %min3A_702 = arith.minui %shift_left3A_701, %broadcast_in_dim3A_16 : vector<16xi32>
      %add3A_703 = arith.addi %add3A_663, %min3A_702 : vector<16xi32>
      %get3A_704 = arith.constant 67 : i32
      %get3A_705 = arith.index_cast %get3A_704 : i32 to index
      %get3A_706 = arith.index_cast %mul3A_37 : i32 to index
      %get3A_707 = tpu.vector_load %arg5[%get3A_705, %get3A_706] {strides = array<i32>} : memref<200x256xf32, #tpu.memory_space<vmem>>, vector<16xf32>,
      %bitcast3A_708 = vector.bitcast %get3A_707 : vector<16xf32> to vector<16xi32>
      %shift_left3A_709 = arith.constant 1 : i32
      %shift_left3A_710 = vector.broadcast %shift_left3A_709 : i32 to vector<16xi32>
      %shift_left3A_711 = arith.shli %bitcast3A_708, %shift_left3A_710 : vector<16xi32>
      %min3A_712 = arith.minui %shift_left3A_711, %broadcast_in_dim3A_16 : vector<16xi32>
      %add3A_713 = arith.addi %add3A_673, %min3A_712 : vector<16xi32>
      %get3A_714 = arith.constant 68 : i32
      %get3A_715 = arith.index_cast %get3A_714 : i32 to index
      %get3A_716 = arith.index_cast %mul3A_37 : i32 to index
      %get3A_717 = tpu.vector_load %arg5[%get3A_715, %get3A_716] {strides = array<i32>} : memref<200x256xf32, #tpu.memory_space<vmem>>, vector<16xf32>,
      %bitcast3A_718 = vector.bitcast %get3A_717 : vector<16xf32> to vector<16xi32>
      %shift_left3A_719 = arith.constant 1 : i32
      %shift_left3A_720 = vector.broadcast %shift_left3A_719 : i32 to vector<16xi32>
      %shift_left3A_721 = arith.shli %bitcast3A_718, %shift_left3A_720 : vector<16xi32>
      %min3A_722 = arith.minui %shift_left3A_721, %broadcast_in_dim3A_16 : vector<16xi32>
      %add3A_723 = arith.addi %add3A_683, %min3A_722 : vector<16xi32>
      %get3A_724 = arith.constant 69 : i32
      %get3A_725 = arith.index_cast %get3A_724 : i32 to index
      %get3A_726 = arith.index_cast %mul3A_37 : i32 to index
      %get3A_727 = tpu.vector_load %arg5[%get3A_725, %get3A_726] {strides = array<i32>} : memref<200x256xf32, #tpu.memory_space<vmem>>, vector<16xf32>,
      %bitcast3A_728 = vector.bitcast %get3A_727 : vector<16xf32> to vector<16xi32>
      %shift_left3A_729 = arith.constant 1 : i32
      %shift_left3A_730 = vector.broadcast %shift_left3A_729 : i32 to vector<16xi32>
      %shift_left3A_731 = arith.shli %bitcast3A_728, %shift_left3A_730 : vector<16xi32>
      %min3A_732 = arith.minui %shift_left3A_731, %broadcast_in_dim3A_16 : vector<16xi32>
      %add3A_733 = arith.addi %add3A_693, %min3A_732 : vector<16xi32>
      %get3A_734 = arith.constant 70 : i32
      %get3A_735 = arith.index_cast %get3A_734 : i32 to index
      %get3A_736 = arith.index_cast %mul3A_37 : i32 to index
      %get3A_737 = tpu.vector_load %arg5[%get3A_735, %get3A_736] {strides = array<i32>} : memref<200x256xf32, #tpu.memory_space<vmem>>, vector<16xf32>,
      %bitcast3A_738 = vector.bitcast %get3A_737 : vector<16xf32> to vector<16xi32>
      %shift_left3A_739 = arith.constant 1 : i32
      %shift_left3A_740 = vector.broadcast %shift_left3A_739 : i32 to vector<16xi32>
      %shift_left3A_741 = arith.shli %bitcast3A_738, %shift_left3A_740 : vector<16xi32>
      %min3A_742 = arith.minui %shift_left3A_741, %broadcast_in_dim3A_16 : vector<16xi32>
      %add3A_743 = arith.addi %add3A_703, %min3A_742 : vector<16xi32>
      %get3A_744 = arith.constant 71 : i32
      %get3A_745 = arith.index_cast %get3A_744 : i32 to index
      %get3A_746 = arith.index_cast %mul3A_37 : i32 to index
      %get3A_747 = tpu.vector_load %arg5[%get3A_745, %get3A_746] {strides = array<i32>} : memref<200x256xf32, #tpu.memory_space<vmem>>, vector<16xf32>,
      %bitcast3A_748 = vector.bitcast %get3A_747 : vector<16xf32> to vector<16xi32>
      %shift_left3A_749 = arith.constant 1 : i32
      %shift_left3A_750 = vector.broadcast %shift_left3A_749 : i32 to vector<16xi32>
      %shift_left3A_751 = arith.shli %bitcast3A_748, %shift_left3A_750 : vector<16xi32>
      %min3A_752 = arith.minui %shift_left3A_751, %broadcast_in_dim3A_16 : vector<16xi32>
      %add3A_753 = arith.addi %add3A_713, %min3A_752 : vector<16xi32>
      %get3A_754 = arith.constant 72 : i32
      %get3A_755 = arith.index_cast %get3A_754 : i32 to index
      %get3A_756 = arith.index_cast %mul3A_37 : i32 to index
      %get3A_757 = tpu.vector_load %arg5[%get3A_755, %get3A_756] {strides = array<i32>} : memref<200x256xf32, #tpu.memory_space<vmem>>, vector<16xf32>,
      %bitcast3A_758 = vector.bitcast %get3A_757 : vector<16xf32> to vector<16xi32>
      %shift_left3A_759 = arith.constant 1 : i32
      %shift_left3A_760 = vector.broadcast %shift_left3A_759 : i32 to vector<16xi32>
      %shift_left3A_761 = arith.shli %bitcast3A_758, %shift_left3A_760 : vector<16xi32>
      %min3A_762 = arith.minui %shift_left3A_761, %broadcast_in_dim3A_16 : vector<16xi32>
      %add3A_763 = arith.addi %add3A_723, %min3A_762 : vector<16xi32>
      %get3A_764 = arith.constant 73 : i32
      %get3A_765 = arith.index_cast %get3A_764 : i32 to index
      %get3A_766 = arith.index_cast %mul3A_37 : i32 to index
      %get3A_767 = tpu.vector_load %arg5[%get3A_765, %get3A_766] {strides = array<i32>} : memref<200x256xf32, #tpu.memory_space<vmem>>, vector<16xf32>,
      %bitcast3A_768 = vector.bitcast %get3A_767 : vector<16xf32> to vector<16xi32>
      %shift_left3A_769 = arith.constant 1 : i32
      %shift_left3A_770 = vector.broadcast %shift_left3A_769 : i32 to vector<16xi32>
      %shift_left3A_771 = arith.shli %bitcast3A_768, %shift_left3A_770 : vector<16xi32>
      %min3A_772 = arith.minui %shift_left3A_771, %broadcast_in_dim3A_16 : vector<16xi32>
      %add3A_773 = arith.addi %add3A_733, %min3A_772 : vector<16xi32>
      %get3A_774 = arith.constant 74 : i32
      %get3A_775 = arith.index_cast %get3A_774 : i32 to index
      %get3A_776 = arith.index_cast %mul3A_37 : i32 to index
      %get3A_777 = tpu.vector_load %arg5[%get3A_775, %get3A_776] {strides = array<i32>} : memref<200x256xf32, #tpu.memory_space<vmem>>, vector<16xf32>,
      %bitcast3A_778 = vector.bitcast %get3A_777 : vector<16xf32> to vector<16xi32>
      %shift_left3A_779 = arith.constant 1 : i32
      %shift_left3A_780 = vector.broadcast %shift_left3A_779 : i32 to vector<16xi32>
      %shift_left3A_781 = arith.shli %bitcast3A_778, %shift_left3A_780 : vector<16xi32>
      %min3A_782 = arith.minui %shift_left3A_781, %broadcast_in_dim3A_16 : vector<16xi32>
      %add3A_783 = arith.addi %add3A_743, %min3A_782 : vector<16xi32>
      %get3A_784 = arith.constant 75 : i32
      %get3A_785 = arith.index_cast %get3A_784 : i32 to index
      %get3A_786 = arith.index_cast %mul3A_37 : i32 to index
      %get3A_787 = tpu.vector_load %arg5[%get3A_785, %get3A_786] {strides = array<i32>} : memref<200x256xf32, #tpu.memory_space<vmem>>, vector<16xf32>,
      %bitcast3A_788 = vector.bitcast %get3A_787 : vector<16xf32> to vector<16xi32>
      %shift_left3A_789 = arith.constant 1 : i32
      %shift_left3A_790 = vector.broadcast %shift_left3A_789 : i32 to vector<16xi32>
      %shift_left3A_791 = arith.shli %bitcast3A_788, %shift_left3A_790 : vector<16xi32>
      %min3A_792 = arith.minui %shift_left3A_791, %broadcast_in_dim3A_16 : vector<16xi32>
      %add3A_793 = arith.addi %add3A_753, %min3A_792 : vector<16xi32>
      %get3A_794 = arith.constant 76 : i32
      %get3A_795 = arith.index_cast %get3A_794 : i32 to index
      %get3A_796 = arith.index_cast %mul3A_37 : i32 to index
      %get3A_797 = tpu.vector_load %arg5[%get3A_795, %get3A_796] {strides = array<i32>} : memref<200x256xf32, #tpu.memory_space<vmem>>, vector<16xf32>,
      %bitcast3A_798 = vector.bitcast %get3A_797 : vector<16xf32> to vector<16xi32>
      %shift_left3A_799 = arith.constant 1 : i32
      %shift_left3A_800 = vector.broadcast %shift_left3A_799 : i32 to vector<16xi32>
      %shift_left3A_801 = arith.shli %bitcast3A_798, %shift_left3A_800 : vector<16xi32>
      %min3A_802 = arith.minui %shift_left3A_801, %broadcast_in_dim3A_16 : vector<16xi32>
      %add3A_803 = arith.addi %add3A_763, %min3A_802 : vector<16xi32>
      %get3A_804 = arith.constant 77 : i32
      %get3A_805 = arith.index_cast %get3A_804 : i32 to index
      %get3A_806 = arith.index_cast %mul3A_37 : i32 to index
      %get3A_807 = tpu.vector_load %arg5[%get3A_805, %get3A_806] {strides = array<i32>} : memref<200x256xf32, #tpu.memory_space<vmem>>, vector<16xf32>,
      %bitcast3A_808 = vector.bitcast %get3A_807 : vector<16xf32> to vector<16xi32>
      %shift_left3A_809 = arith.constant 1 : i32
      %shift_left3A_810 = vector.broadcast %shift_left3A_809 : i32 to vector<16xi32>
      %shift_left3A_811 = arith.shli %bitcast3A_808, %shift_left3A_810 : vector<16xi32>
      %min3A_812 = arith.minui %shift_left3A_811, %broadcast_in_dim3A_16 : vector<16xi32>
      %add3A_813 = arith.addi %add3A_773, %min3A_812 : vector<16xi32>
      %get3A_814 = arith.constant 78 : i32
      %get3A_815 = arith.index_cast %get3A_814 : i32 to index
      %get3A_816 = arith.index_cast %mul3A_37 : i32 to index
      %get3A_817 = tpu.vector_load %arg5[%get3A_815, %get3A_816] {strides = array<i32>} : memref<200x256xf32, #tpu.memory_space<vmem>>, vector<16xf32>,
      %bitcast3A_818 = vector.bitcast %get3A_817 : vector<16xf32> to vector<16xi32>
      %shift_left3A_819 = arith.constant 1 : i32
      %shift_left3A_820 = vector.broadcast %shift_left3A_819 : i32 to vector<16xi32>
      %shift_left3A_821 = arith.shli %bitcast3A_818, %shift_left3A_820 : vector<16xi32>
      %min3A_822 = arith.minui %shift_left3A_821, %broadcast_in_dim3A_16 : vector<16xi32>
      %add3A_823 = arith.addi %add3A_783, %min3A_822 : vector<16xi32>
      %get3A_824 = arith.constant 79 : i32
      %get3A_825 = arith.index_cast %get3A_824 : i32 to index
      %get3A_826 = arith.index_cast %mul3A_37 : i32 to index
      %get3A_827 = tpu.vector_load %arg5[%get3A_825, %get3A_826] {strides = array<i32>} : memref<200x256xf32, #tpu.memory_space<vmem>>, vector<16xf32>,
      %bitcast3A_828 = vector.bitcast %get3A_827 : vector<16xf32> to vector<16xi32>
      %shift_left3A_829 = arith.constant 1 : i32
      %shift_left3A_830 = vector.broadcast %shift_left3A_829 : i32 to vector<16xi32>
      %shift_left3A_831 = arith.shli %bitcast3A_828, %shift_left3A_830 : vector<16xi32>
      %min3A_832 = arith.minui %shift_left3A_831, %broadcast_in_dim3A_16 : vector<16xi32>
      %add3A_833 = arith.addi %add3A_793, %min3A_832 : vector<16xi32>
      %get3A_834 = arith.constant 80 : i32
      %get3A_835 = arith.index_cast %get3A_834 : i32 to index
      %get3A_836 = arith.index_cast %mul3A_37 : i32 to index
      %get3A_837 = tpu.vector_load %arg5[%get3A_835, %get3A_836] {strides = array<i32>} : memref<200x256xf32, #tpu.memory_space<vmem>>, vector<16xf32>,
      %bitcast3A_838 = vector.bitcast %get3A_837 : vector<16xf32> to vector<16xi32>
      %shift_left3A_839 = arith.constant 1 : i32
      %shift_left3A_840 = vector.broadcast %shift_left3A_839 : i32 to vector<16xi32>
      %shift_left3A_841 = arith.shli %bitcast3A_838, %shift_left3A_840 : vector<16xi32>
      %min3A_842 = arith.minui %shift_left3A_841, %broadcast_in_dim3A_16 : vector<16xi32>
      %add3A_843 = arith.addi %add3A_803, %min3A_842 : vector<16xi32>
      %get3A_844 = arith.constant 81 : i32
      %get3A_845 = arith.index_cast %get3A_844 : i32 to index
      %get3A_846 = arith.index_cast %mul3A_37 : i32 to index
      %get3A_847 = tpu.vector_load %arg5[%get3A_845, %get3A_846] {strides = array<i32>} : memref<200x256xf32, #tpu.memory_space<vmem>>, vector<16xf32>,
      %bitcast3A_848 = vector.bitcast %get3A_847 : vector<16xf32> to vector<16xi32>
      %shift_left3A_849 = arith.constant 1 : i32
      %shift_left3A_850 = vector.broadcast %shift_left3A_849 : i32 to vector<16xi32>
      %shift_left3A_851 = arith.shli %bitcast3A_848, %shift_left3A_850 : vector<16xi32>
      %min3A_852 = arith.minui %shift_left3A_851, %broadcast_in_dim3A_16 : vector<16xi32>
      %add3A_853 = arith.addi %add3A_813, %min3A_852 : vector<16xi32>
      %get3A_854 = arith.constant 82 : i32
      %get3A_855 = arith.index_cast %get3A_854 : i32 to index
      %get3A_856 = arith.index_cast %mul3A_37 : i32 to index
      %get3A_857 = tpu.vector_load %arg5[%get3A_855, %get3A_856] {strides = array<i32>} : memref<200x256xf32, #tpu.memory_space<vmem>>, vector<16xf32>,
      %bitcast3A_858 = vector.bitcast %get3A_857 : vector<16xf32> to vector<16xi32>
      %shift_left3A_859 = arith.constant 1 : i32
      %shift_left3A_860 = vector.broadcast %shift_left3A_859 : i32 to vector<16xi32>
      %shift_left3A_861 = arith.shli %bitcast3A_858, %shift_left3A_860 : vector<16xi32>
      %min3A_862 = arith.minui %shift_left3A_861, %broadcast_in_dim3A_16 : vector<16xi32>
      %add3A_863 = arith.addi %add3A_823, %min3A_862 : vector<16xi32>
      %get3A_864 = arith.constant 83 : i32
      %get3A_865 = arith.index_cast %get3A_864 : i32 to index
      %get3A_866 = arith.index_cast %mul3A_37 : i32 to index
      %get3A_867 = tpu.vector_load %arg5[%get3A_865, %get3A_866] {strides = array<i32>} : memref<200x256xf32, #tpu.memory_space<vmem>>, vector<16xf32>,
      %bitcast3A_868 = vector.bitcast %get3A_867 : vector<16xf32> to vector<16xi32>
      %shift_left3A_869 = arith.constant 1 : i32
      %shift_left3A_870 = vector.broadcast %shift_left3A_869 : i32 to vector<16xi32>
      %shift_left3A_871 = arith.shli %bitcast3A_868, %shift_left3A_870 : vector<16xi32>
      %min3A_872 = arith.minui %shift_left3A_871, %broadcast_in_dim3A_16 : vector<16xi32>
      %add3A_873 = arith.addi %add3A_833, %min3A_872 : vector<16xi32>
      %get3A_874 = arith.constant 84 : i32
      %get3A_875 = arith.index_cast %get3A_874 : i32 to index
      %get3A_876 = arith.index_cast %mul3A_37 : i32 to index
      %get3A_877 = tpu.vector_load %arg5[%get3A_875, %get3A_876] {strides = array<i32>} : memref<200x256xf32, #tpu.memory_space<vmem>>, vector<16xf32>,
      %bitcast3A_878 = vector.bitcast %get3A_877 : vector<16xf32> to vector<16xi32>
      %shift_left3A_879 = arith.constant 1 : i32
      %shift_left3A_880 = vector.broadcast %shift_left3A_879 : i32 to vector<16xi32>
      %shift_left3A_881 = arith.shli %bitcast3A_878, %shift_left3A_880 : vector<16xi32>
      %min3A_882 = arith.minui %shift_left3A_881, %broadcast_in_dim3A_16 : vector<16xi32>
      %add3A_883 = arith.addi %add3A_843, %min3A_882 : vector<16xi32>
      %get3A_884 = arith.constant 85 : i32
      %get3A_885 = arith.index_cast %get3A_884 : i32 to index
      %get3A_886 = arith.index_cast %mul3A_37 : i32 to index
      %get3A_887 = tpu.vector_load %arg5[%get3A_885, %get3A_886] {strides = array<i32>} : memref<200x256xf32, #tpu.memory_space<vmem>>, vector<16xf32>,
      %bitcast3A_888 = vector.bitcast %get3A_887 : vector<16xf32> to vector<16xi32>
      %shift_left3A_889 = arith.constant 1 : i32
      %shift_left3A_890 = vector.broadcast %shift_left3A_889 : i32 to vector<16xi32>
      %shift_left3A_891 = arith.shli %bitcast3A_888, %shift_left3A_890 : vector<16xi32>
      %min3A_892 = arith.minui %shift_left3A_891, %broadcast_in_dim3A_16 : vector<16xi32>
      %add3A_893 = arith.addi %add3A_853, %min3A_892 : vector<16xi32>
      %get3A_894 = arith.constant 86 : i32
      %get3A_895 = arith.index_cast %get3A_894 : i32 to index
      %get3A_896 = arith.index_cast %mul3A_37 : i32 to index
      %get3A_897 = tpu.vector_load %arg5[%get3A_895, %get3A_896] {strides = array<i32>} : memref<200x256xf32, #tpu.memory_space<vmem>>, vector<16xf32>,
      %bitcast3A_898 = vector.bitcast %get3A_897 : vector<16xf32> to vector<16xi32>
      %shift_left3A_899 = arith.constant 1 : i32
      %shift_left3A_900 = vector.broadcast %shift_left3A_899 : i32 to vector<16xi32>
      %shift_left3A_901 = arith.shli %bitcast3A_898, %shift_left3A_900 : vector<16xi32>
      %min3A_902 = arith.minui %shift_left3A_901, %broadcast_in_dim3A_16 : vector<16xi32>
      %add3A_903 = arith.addi %add3A_863, %min3A_902 : vector<16xi32>
      %get3A_904 = arith.constant 87 : i32
      %get3A_905 = arith.index_cast %get3A_904 : i32 to index
      %get3A_906 = arith.index_cast %mul3A_37 : i32 to index
      %get3A_907 = tpu.vector_load %arg5[%get3A_905, %get3A_906] {strides = array<i32>} : memref<200x256xf32, #tpu.memory_space<vmem>>, vector<16xf32>,
      %bitcast3A_908 = vector.bitcast %get3A_907 : vector<16xf32> to vector<16xi32>
      %shift_left3A_909 = arith.constant 1 : i32
      %shift_left3A_910 = vector.broadcast %shift_left3A_909 : i32 to vector<16xi32>
      %shift_left3A_911 = arith.shli %bitcast3A_908, %shift_left3A_910 : vector<16xi32>
      %min3A_912 = arith.minui %shift_left3A_911, %broadcast_in_dim3A_16 : vector<16xi32>
      %add3A_913 = arith.addi %add3A_873, %min3A_912 : vector<16xi32>
      %get3A_914 = arith.constant 88 : i32
      %get3A_915 = arith.index_cast %get3A_914 : i32 to index
      %get3A_916 = arith.index_cast %mul3A_37 : i32 to index
      %get3A_917 = tpu.vector_load %arg5[%get3A_915, %get3A_916] {strides = array<i32>} : memref<200x256xf32, #tpu.memory_space<vmem>>, vector<16xf32>,
      %bitcast3A_918 = vector.bitcast %get3A_917 : vector<16xf32> to vector<16xi32>
      %shift_left3A_919 = arith.constant 1 : i32
      %shift_left3A_920 = vector.broadcast %shift_left3A_919 : i32 to vector<16xi32>
      %shift_left3A_921 = arith.shli %bitcast3A_918, %shift_left3A_920 : vector<16xi32>
      %min3A_922 = arith.minui %shift_left3A_921, %broadcast_in_dim3A_16 : vector<16xi32>
      %add3A_923 = arith.addi %add3A_883, %min3A_922 : vector<16xi32>
      %get3A_924 = arith.constant 89 : i32
      %get3A_925 = arith.index_cast %get3A_924 : i32 to index
      %get3A_926 = arith.index_cast %mul3A_37 : i32 to index
      %get3A_927 = tpu.vector_load %arg5[%get3A_925, %get3A_926] {strides = array<i32>} : memref<200x256xf32, #tpu.memory_space<vmem>>, vector<16xf32>,
      %bitcast3A_928 = vector.bitcast %get3A_927 : vector<16xf32> to vector<16xi32>
      %shift_left3A_929 = arith.constant 1 : i32
      %shift_left3A_930 = vector.broadcast %shift_left3A_929 : i32 to vector<16xi32>
      %shift_left3A_931 = arith.shli %bitcast3A_928, %shift_left3A_930 : vector<16xi32>
      %min3A_932 = arith.minui %shift_left3A_931, %broadcast_in_dim3A_16 : vector<16xi32>
      %add3A_933 = arith.addi %add3A_893, %min3A_932 : vector<16xi32>
      %get3A_934 = arith.constant 90 : i32
      %get3A_935 = arith.index_cast %get3A_934 : i32 to index
      %get3A_936 = arith.index_cast %mul3A_37 : i32 to index
      %get3A_937 = tpu.vector_load %arg5[%get3A_935, %get3A_936] {strides = array<i32>} : memref<200x256xf32, #tpu.memory_space<vmem>>, vector<16xf32>,
      %bitcast3A_938 = vector.bitcast %get3A_937 : vector<16xf32> to vector<16xi32>
      %shift_left3A_939 = arith.constant 1 : i32
      %shift_left3A_940 = vector.broadcast %shift_left3A_939 : i32 to vector<16xi32>
      %shift_left3A_941 = arith.shli %bitcast3A_938, %shift_left3A_940 : vector<16xi32>
      %min3A_942 = arith.minui %shift_left3A_941, %broadcast_in_dim3A_16 : vector<16xi32>
      %add3A_943 = arith.addi %add3A_903, %min3A_942 : vector<16xi32>
      %get3A_944 = arith.constant 91 : i32
      %get3A_945 = arith.index_cast %get3A_944 : i32 to index
      %get3A_946 = arith.index_cast %mul3A_37 : i32 to index
      %get3A_947 = tpu.vector_load %arg5[%get3A_945, %get3A_946] {strides = array<i32>} : memref<200x256xf32, #tpu.memory_space<vmem>>, vector<16xf32>,
      %bitcast3A_948 = vector.bitcast %get3A_947 : vector<16xf32> to vector<16xi32>
      %shift_left3A_949 = arith.constant 1 : i32
      %shift_left3A_950 = vector.broadcast %shift_left3A_949 : i32 to vector<16xi32>
      %shift_left3A_951 = arith.shli %bitcast3A_948, %shift_left3A_950 : vector<16xi32>
      %min3A_952 = arith.minui %shift_left3A_951, %broadcast_in_dim3A_16 : vector<16xi32>
      %add3A_953 = arith.addi %add3A_913, %min3A_952 : vector<16xi32>
      %get3A_954 = arith.constant 92 : i32
      %get3A_955 = arith.index_cast %get3A_954 : i32 to index
      %get3A_956 = arith.index_cast %mul3A_37 : i32 to index
      %get3A_957 = tpu.vector_load %arg5[%get3A_955, %get3A_956] {strides = array<i32>} : memref<200x256xf32, #tpu.memory_space<vmem>>, vector<16xf32>,
      %bitcast3A_958 = vector.bitcast %get3A_957 : vector<16xf32> to vector<16xi32>
      %shift_left3A_959 = arith.constant 1 : i32
      %shift_left3A_960 = vector.broadcast %shift_left3A_959 : i32 to vector<16xi32>
      %shift_left3A_961 = arith.shli %bitcast3A_958, %shift_left3A_960 : vector<16xi32>
      %min3A_962 = arith.minui %shift_left3A_961, %broadcast_in_dim3A_16 : vector<16xi32>
      %add3A_963 = arith.addi %add3A_923, %min3A_962 : vector<16xi32>
      %get3A_964 = arith.constant 93 : i32
      %get3A_965 = arith.index_cast %get3A_964 : i32 to index
      %get3A_966 = arith.index_cast %mul3A_37 : i32 to index
      %get3A_967 = tpu.vector_load %arg5[%get3A_965, %get3A_966] {strides = array<i32>} : memref<200x256xf32, #tpu.memory_space<vmem>>, vector<16xf32>,
      %bitcast3A_968 = vector.bitcast %get3A_967 : vector<16xf32> to vector<16xi32>
      %shift_left3A_969 = arith.constant 1 : i32
      %shift_left3A_970 = vector.broadcast %shift_left3A_969 : i32 to vector<16xi32>
      %shift_left3A_971 = arith.shli %bitcast3A_968, %shift_left3A_970 : vector<16xi32>
      %min3A_972 = arith.minui %shift_left3A_971, %broadcast_in_dim3A_16 : vector<16xi32>
      %add3A_973 = arith.addi %add3A_933, %min3A_972 : vector<16xi32>
      %get3A_974 = arith.constant 94 : i32
      %get3A_975 = arith.index_cast %get3A_974 : i32 to index
      %get3A_976 = arith.index_cast %mul3A_37 : i32 to index
      %get3A_977 = tpu.vector_load %arg5[%get3A_975, %get3A_976] {strides = array<i32>} : memref<200x256xf32, #tpu.memory_space<vmem>>, vector<16xf32>,
      %bitcast3A_978 = vector.bitcast %get3A_977 : vector<16xf32> to vector<16xi32>
      %shift_left3A_979 = arith.constant 1 : i32
      %shift_left3A_980 = vector.broadcast %shift_left3A_979 : i32 to vector<16xi32>
      %shift_left3A_981 = arith.shli %bitcast3A_978, %shift_left3A_980 : vector<16xi32>
      %min3A_982 = arith.minui %shift_left3A_981, %broadcast_in_dim3A_16 : vector<16xi32>
      %add3A_983 = arith.addi %add3A_943, %min3A_982 : vector<16xi32>
      %get3A_984 = arith.constant 95 : i32
      %get3A_985 = arith.index_cast %get3A_984 : i32 to index
      %get3A_986 = arith.index_cast %mul3A_37 : i32 to index
      %get3A_987 = tpu.vector_load %arg5[%get3A_985, %get3A_986] {strides = array<i32>} : memref<200x256xf32, #tpu.memory_space<vmem>>, vector<16xf32>,
      %bitcast3A_988 = vector.bitcast %get3A_987 : vector<16xf32> to vector<16xi32>
      %shift_left3A_989 = arith.constant 1 : i32
      %shift_left3A_990 = vector.broadcast %shift_left3A_989 : i32 to vector<16xi32>
      %shift_left3A_991 = arith.shli %bitcast3A_988, %shift_left3A_990 : vector<16xi32>
      %min3A_992 = arith.minui %shift_left3A_991, %broadcast_in_dim3A_16 : vector<16xi32>
      %add3A_993 = arith.addi %add3A_953, %min3A_992 : vector<16xi32>
      %get3A_994 = arith.constant 96 : i32
      %get3A_995 = arith.index_cast %get3A_994 : i32 to index
      %get3A_996 = arith.index_cast %mul3A_37 : i32 to index
      %get3A_997 = tpu.vector_load %arg5[%get3A_995, %get3A_996] {strides = array<i32>} : memref<200x256xf32, #tpu.memory_space<vmem>>, vector<16xf32>,
      %bitcast3A_998 = vector.bitcast %get3A_997 : vector<16xf32> to vector<16xi32>
      %shift_left3A_999 = arith.constant 1 : i32
      %shift_left3A_1000 = vector.broadcast %shift_left3A_999 : i32 to vector<16xi32>
      %shift_left3A_1001 = arith.shli %bitcast3A_998, %shift_left3A_1000 : vector<16xi32>
      %min3A_1002 = arith.minui %shift_left3A_1001, %broadcast_in_dim3A_16 : vector<16xi32>
      %add3A_1003 = arith.addi %add3A_963, %min3A_1002 : vector<16xi32>
      %get3A_1004 = arith.constant 97 : i32
      %get3A_1005 = arith.index_cast %get3A_1004 : i32 to index
      %get3A_1006 = arith.index_cast %mul3A_37 : i32 to index
      %get3A_1007 = tpu.vector_load %arg5[%get3A_1005, %get3A_1006] {strides = array<i32>} : memref<200x256xf32, #tpu.memory_space<vmem>>, vector<16xf32>,
      %bitcast3A_1008 = vector.bitcast %get3A_1007 : vector<16xf32> to vector<16xi32>
      %shift_left3A_1009 = arith.constant 1 : i32
      %shift_left3A_1010 = vector.broadcast %shift_left3A_1009 : i32 to vector<16xi32>
      %shift_left3A_1011 = arith.shli %bitcast3A_1008, %shift_left3A_1010 : vector<16xi32>
      %min3A_1012 = arith.minui %shift_left3A_1011, %broadcast_in_dim3A_16 : vector<16xi32>
      %add3A_1013 = arith.addi %add3A_973, %min3A_1012 : vector<16xi32>
      %get3A_1014 = arith.constant 98 : i32
      %get3A_1015 = arith.index_cast %get3A_1014 : i32 to index
      %get3A_1016 = arith.index_cast %mul3A_37 : i32 to index
      %get3A_1017 = tpu.vector_load %arg5[%get3A_1015, %get3A_1016] {strides = array<i32>} : memref<200x256xf32, #tpu.memory_space<vmem>>, vector<16xf32>,
      %bitcast3A_1018 = vector.bitcast %get3A_1017 : vector<16xf32> to vector<16xi32>
      %shift_left3A_1019 = arith.constant 1 : i32
      %shift_left3A_1020 = vector.broadcast %shift_left3A_1019 : i32 to vector<16xi32>
      %shift_left3A_1021 = arith.shli %bitcast3A_1018, %shift_left3A_1020 : vector<16xi32>
      %min3A_1022 = arith.minui %shift_left3A_1021, %broadcast_in_dim3A_16 : vector<16xi32>
      %add3A_1023 = arith.addi %add3A_983, %min3A_1022 : vector<16xi32>
      %get3A_1024 = arith.constant 99 : i32
      %get3A_1025 = arith.index_cast %get3A_1024 : i32 to index
      %get3A_1026 = arith.index_cast %mul3A_37 : i32 to index
      %get3A_1027 = tpu.vector_load %arg5[%get3A_1025, %get3A_1026] {strides = array<i32>} : memref<200x256xf32, #tpu.memory_space<vmem>>, vector<16xf32>,
      %bitcast3A_1028 = vector.bitcast %get3A_1027 : vector<16xf32> to vector<16xi32>
      %shift_left3A_1029 = arith.constant 1 : i32
      %shift_left3A_1030 = vector.broadcast %shift_left3A_1029 : i32 to vector<16xi32>
      %shift_left3A_1031 = arith.shli %bitcast3A_1028, %shift_left3A_1030 : vector<16xi32>
      %min3A_1032 = arith.minui %shift_left3A_1031, %broadcast_in_dim3A_16 : vector<16xi32>
      %add3A_1033 = arith.addi %add3A_993, %min3A_1032 : vector<16xi32>
      %get3A_1034 = arith.constant 100 : i32
      %get3A_1035 = arith.index_cast %get3A_1034 : i32 to index
      %get3A_1036 = arith.index_cast %mul3A_37 : i32 to index
      %get3A_1037 = tpu.vector_load %arg5[%get3A_1035, %get3A_1036] {strides = array<i32>} : memref<200x256xf32, #tpu.memory_space<vmem>>, vector<16xf32>,
      %bitcast3A_1038 = vector.bitcast %get3A_1037 : vector<16xf32> to vector<16xi32>
      %shift_left3A_1039 = arith.constant 1 : i32
      %shift_left3A_1040 = vector.broadcast %shift_left3A_1039 : i32 to vector<16xi32>
      %shift_left3A_1041 = arith.shli %bitcast3A_1038, %shift_left3A_1040 : vector<16xi32>
      %min3A_1042 = arith.minui %shift_left3A_1041, %broadcast_in_dim3A_16 : vector<16xi32>
      %add3A_1043 = arith.addi %add3A_1003, %min3A_1042 : vector<16xi32>
      %get3A_1044 = arith.constant 101 : i32
      %get3A_1045 = arith.index_cast %get3A_1044 : i32 to index
      %get3A_1046 = arith.index_cast %mul3A_37 : i32 to index
      %get3A_1047 = tpu.vector_load %arg5[%get3A_1045, %get3A_1046] {strides = array<i32>} : memref<200x256xf32, #tpu.memory_space<vmem>>, vector<16xf32>,
      %bitcast3A_1048 = vector.bitcast %get3A_1047 : vector<16xf32> to vector<16xi32>
      %shift_left3A_1049 = arith.constant 1 : i32
      %shift_left3A_1050 = vector.broadcast %shift_left3A_1049 : i32 to vector<16xi32>
      %shift_left3A_1051 = arith.shli %bitcast3A_1048, %shift_left3A_1050 : vector<16xi32>
      %min3A_1052 = arith.minui %shift_left3A_1051, %broadcast_in_dim3A_16 : vector<16xi32>
      %add3A_1053 = arith.addi %add3A_1013, %min3A_1052 : vector<16xi32>
      %get3A_1054 = arith.constant 102 : i32
      %get3A_1055 = arith.index_cast %get3A_1054 : i32 to index
      %get3A_1056 = arith.index_cast %mul3A_37 : i32 to index
      %get3A_1057 = tpu.vector_load %arg5[%get3A_1055, %get3A_1056] {strides = array<i32>} : memref<200x256xf32, #tpu.memory_space<vmem>>, vector<16xf32>,
      %bitcast3A_1058 = vector.bitcast %get3A_1057 : vector<16xf32> to vector<16xi32>
      %shift_left3A_1059 = arith.constant 1 : i32
      %shift_left3A_1060 = vector.broadcast %shift_left3A_1059 : i32 to vector<16xi32>
      %shift_left3A_1061 = arith.shli %bitcast3A_1058, %shift_left3A_1060 : vector<16xi32>
      %min3A_1062 = arith.minui %shift_left3A_1061, %broadcast_in_dim3A_16 : vector<16xi32>
      %add3A_1063 = arith.addi %add3A_1023, %min3A_1062 : vector<16xi32>
      %get3A_1064 = arith.constant 103 : i32
      %get3A_1065 = arith.index_cast %get3A_1064 : i32 to index
      %get3A_1066 = arith.index_cast %mul3A_37 : i32 to index
      %get3A_1067 = tpu.vector_load %arg5[%get3A_1065, %get3A_1066] {strides = array<i32>} : memref<200x256xf32, #tpu.memory_space<vmem>>, vector<16xf32>,
      %bitcast3A_1068 = vector.bitcast %get3A_1067 : vector<16xf32> to vector<16xi32>
      %shift_left3A_1069 = arith.constant 1 : i32
      %shift_left3A_1070 = vector.broadcast %shift_left3A_1069 : i32 to vector<16xi32>
      %shift_left3A_1071 = arith.shli %bitcast3A_1068, %shift_left3A_1070 : vector<16xi32>
      %min3A_1072 = arith.minui %shift_left3A_1071, %broadcast_in_dim3A_16 : vector<16xi32>
      %add3A_1073 = arith.addi %add3A_1033, %min3A_1072 : vector<16xi32>
      %get3A_1074 = arith.constant 104 : i32
      %get3A_1075 = arith.index_cast %get3A_1074 : i32 to index
      %get3A_1076 = arith.index_cast %mul3A_37 : i32 to index
      %get3A_1077 = tpu.vector_load %arg5[%get3A_1075, %get3A_1076] {strides = array<i32>} : memref<200x256xf32, #tpu.memory_space<vmem>>, vector<16xf32>,
      %bitcast3A_1078 = vector.bitcast %get3A_1077 : vector<16xf32> to vector<16xi32>
      %shift_left3A_1079 = arith.constant 1 : i32
      %shift_left3A_1080 = vector.broadcast %shift_left3A_1079 : i32 to vector<16xi32>
      %shift_left3A_1081 = arith.shli %bitcast3A_1078, %shift_left3A_1080 : vector<16xi32>
      %min3A_1082 = arith.minui %shift_left3A_1081, %broadcast_in_dim3A_16 : vector<16xi32>
      %add3A_1083 = arith.addi %add3A_1043, %min3A_1082 : vector<16xi32>
      %get3A_1084 = arith.constant 105 : i32
      %get3A_1085 = arith.index_cast %get3A_1084 : i32 to index
      %get3A_1086 = arith.index_cast %mul3A_37 : i32 to index
      %get3A_1087 = tpu.vector_load %arg5[%get3A_1085, %get3A_1086] {strides = array<i32>} : memref<200x256xf32, #tpu.memory_space<vmem>>, vector<16xf32>,
      %bitcast3A_1088 = vector.bitcast %get3A_1087 : vector<16xf32> to vector<16xi32>
      %shift_left3A_1089 = arith.constant 1 : i32
      %shift_left3A_1090 = vector.broadcast %shift_left3A_1089 : i32 to vector<16xi32>
      %shift_left3A_1091 = arith.shli %bitcast3A_1088, %shift_left3A_1090 : vector<16xi32>
      %min3A_1092 = arith.minui %shift_left3A_1091, %broadcast_in_dim3A_16 : vector<16xi32>
      %add3A_1093 = arith.addi %add3A_1053, %min3A_1092 : vector<16xi32>
      %get3A_1094 = arith.constant 106 : i32
      %get3A_1095 = arith.index_cast %get3A_1094 : i32 to index
      %get3A_1096 = arith.index_cast %mul3A_37 : i32 to index
      %get3A_1097 = tpu.vector_load %arg5[%get3A_1095, %get3A_1096] {strides = array<i32>} : memref<200x256xf32, #tpu.memory_space<vmem>>, vector<16xf32>,
      %bitcast3A_1098 = vector.bitcast %get3A_1097 : vector<16xf32> to vector<16xi32>
      %shift_left3A_1099 = arith.constant 1 : i32
      %shift_left3A_1100 = vector.broadcast %shift_left3A_1099 : i32 to vector<16xi32>
      %shift_left3A_1101 = arith.shli %bitcast3A_1098, %shift_left3A_1100 : vector<16xi32>
      %min3A_1102 = arith.minui %shift_left3A_1101, %broadcast_in_dim3A_16 : vector<16xi32>
      %add3A_1103 = arith.addi %add3A_1063, %min3A_1102 : vector<16xi32>
      %get3A_1104 = arith.constant 107 : i32
      %get3A_1105 = arith.index_cast %get3A_1104 : i32 to index
      %get3A_1106 = arith.index_cast %mul3A_37 : i32 to index
      %get3A_1107 = tpu.vector_load %arg5[%get3A_1105, %get3A_1106] {strides = array<i32>} : memref<200x256xf32, #tpu.memory_space<vmem>>, vector<16xf32>,
      %bitcast3A_1108 = vector.bitcast %get3A_1107 : vector<16xf32> to vector<16xi32>
      %shift_left3A_1109 = arith.constant 1 : i32
      %shift_left3A_1110 = vector.broadcast %shift_left3A_1109 : i32 to vector<16xi32>
      %shift_left3A_1111 = arith.shli %bitcast3A_1108, %shift_left3A_1110 : vector<16xi32>
      %min3A_1112 = arith.minui %shift_left3A_1111, %broadcast_in_dim3A_16 : vector<16xi32>
      %add3A_1113 = arith.addi %add3A_1073, %min3A_1112 : vector<16xi32>
      %get3A_1114 = arith.constant 108 : i32
      %get3A_1115 = arith.index_cast %get3A_1114 : i32 to index
      %get3A_1116 = arith.index_cast %mul3A_37 : i32 to index
      %get3A_1117 = tpu.vector_load %arg5[%get3A_1115, %get3A_1116] {strides = array<i32>} : memref<200x256xf32, #tpu.memory_space<vmem>>, vector<16xf32>,
      %bitcast3A_1118 = vector.bitcast %get3A_1117 : vector<16xf32> to vector<16xi32>
      %shift_left3A_1119 = arith.constant 1 : i32
      %shift_left3A_1120 = vector.broadcast %shift_left3A_1119 : i32 to vector<16xi32>
      %shift_left3A_1121 = arith.shli %bitcast3A_1118, %shift_left3A_1120 : vector<16xi32>
      %min3A_1122 = arith.minui %shift_left3A_1121, %broadcast_in_dim3A_16 : vector<16xi32>
      %add3A_1123 = arith.addi %add3A_1083, %min3A_1122 : vector<16xi32>
      %get3A_1124 = arith.constant 109 : i32
      %get3A_1125 = arith.index_cast %get3A_1124 : i32 to index
      %get3A_1126 = arith.index_cast %mul3A_37 : i32 to index
      %get3A_1127 = tpu.vector_load %arg5[%get3A_1125, %get3A_1126] {strides = array<i32>} : memref<200x256xf32, #tpu.memory_space<vmem>>, vector<16xf32>,
      %bitcast3A_1128 = vector.bitcast %get3A_1127 : vector<16xf32> to vector<16xi32>
      %shift_left3A_1129 = arith.constant 1 : i32
      %shift_left3A_1130 = vector.broadcast %shift_left3A_1129 : i32 to vector<16xi32>
      %shift_left3A_1131 = arith.shli %bitcast3A_1128, %shift_left3A_1130 : vector<16xi32>
      %min3A_1132 = arith.minui %shift_left3A_1131, %broadcast_in_dim3A_16 : vector<16xi32>
      %add3A_1133 = arith.addi %add3A_1093, %min3A_1132 : vector<16xi32>
      %get3A_1134 = arith.constant 110 : i32
      %get3A_1135 = arith.index_cast %get3A_1134 : i32 to index
      %get3A_1136 = arith.index_cast %mul3A_37 : i32 to index
      %get3A_1137 = tpu.vector_load %arg5[%get3A_1135, %get3A_1136] {strides = array<i32>} : memref<200x256xf32, #tpu.memory_space<vmem>>, vector<16xf32>,
      %bitcast3A_1138 = vector.bitcast %get3A_1137 : vector<16xf32> to vector<16xi32>
      %shift_left3A_1139 = arith.constant 1 : i32
      %shift_left3A_1140 = vector.broadcast %shift_left3A_1139 : i32 to vector<16xi32>
      %shift_left3A_1141 = arith.shli %bitcast3A_1138, %shift_left3A_1140 : vector<16xi32>
      %min3A_1142 = arith.minui %shift_left3A_1141, %broadcast_in_dim3A_16 : vector<16xi32>
      %add3A_1143 = arith.addi %add3A_1103, %min3A_1142 : vector<16xi32>
      %get3A_1144 = arith.constant 111 : i32
      %get3A_1145 = arith.index_cast %get3A_1144 : i32 to index
      %get3A_1146 = arith.index_cast %mul3A_37 : i32 to index
      %get3A_1147 = tpu.vector_load %arg5[%get3A_1145, %get3A_1146] {strides = array<i32>} : memref<200x256xf32, #tpu.memory_space<vmem>>, vector<16xf32>,
      %bitcast3A_1148 = vector.bitcast %get3A_1147 : vector<16xf32> to vector<16xi32>
      %shift_left3A_1149 = arith.constant 1 : i32
      %shift_left3A_1150 = vector.broadcast %shift_left3A_1149 : i32 to vector<16xi32>
      %shift_left3A_1151 = arith.shli %bitcast3A_1148, %shift_left3A_1150 : vector<16xi32>
      %min3A_1152 = arith.minui %shift_left3A_1151, %broadcast_in_dim3A_16 : vector<16xi32>
      %add3A_1153 = arith.addi %add3A_1113, %min3A_1152 : vector<16xi32>
      %get3A_1154 = arith.constant 112 : i32
      %get3A_1155 = arith.index_cast %get3A_1154 : i32 to index
      %get3A_1156 = arith.index_cast %mul3A_37 : i32 to index
      %get3A_1157 = tpu.vector_load %arg5[%get3A_1155, %get3A_1156] {strides = array<i32>} : memref<200x256xf32, #tpu.memory_space<vmem>>, vector<16xf32>,
      %bitcast3A_1158 = vector.bitcast %get3A_1157 : vector<16xf32> to vector<16xi32>
      %shift_left3A_1159 = arith.constant 1 : i32
      %shift_left3A_1160 = vector.broadcast %shift_left3A_1159 : i32 to vector<16xi32>
      %shift_left3A_1161 = arith.shli %bitcast3A_1158, %shift_left3A_1160 : vector<16xi32>
      %min3A_1162 = arith.minui %shift_left3A_1161, %broadcast_in_dim3A_16 : vector<16xi32>
      %add3A_1163 = arith.addi %add3A_1123, %min3A_1162 : vector<16xi32>
      %get3A_1164 = arith.constant 113 : i32
      %get3A_1165 = arith.index_cast %get3A_1164 : i32 to index
      %get3A_1166 = arith.index_cast %mul3A_37 : i32 to index
      %get3A_1167 = tpu.vector_load %arg5[%get3A_1165, %get3A_1166] {strides = array<i32>} : memref<200x256xf32, #tpu.memory_space<vmem>>, vector<16xf32>,
      %bitcast3A_1168 = vector.bitcast %get3A_1167 : vector<16xf32> to vector<16xi32>
      %shift_left3A_1169 = arith.constant 1 : i32
      %shift_left3A_1170 = vector.broadcast %shift_left3A_1169 : i32 to vector<16xi32>
      %shift_left3A_1171 = arith.shli %bitcast3A_1168, %shift_left3A_1170 : vector<16xi32>
      %min3A_1172 = arith.minui %shift_left3A_1171, %broadcast_in_dim3A_16 : vector<16xi32>
      %add3A_1173 = arith.addi %add3A_1133, %min3A_1172 : vector<16xi32>
      %get3A_1174 = arith.constant 114 : i32
      %get3A_1175 = arith.index_cast %get3A_1174 : i32 to index
      %get3A_1176 = arith.index_cast %mul3A_37 : i32 to index
      %get3A_1177 = tpu.vector_load %arg5[%get3A_1175, %get3A_1176] {strides = array<i32>} : memref<200x256xf32, #tpu.memory_space<vmem>>, vector<16xf32>,
      %bitcast3A_1178 = vector.bitcast %get3A_1177 : vector<16xf32> to vector<16xi32>
      %shift_left3A_1179 = arith.constant 1 : i32
      %shift_left3A_1180 = vector.broadcast %shift_left3A_1179 : i32 to vector<16xi32>
      %shift_left3A_1181 = arith.shli %bitcast3A_1178, %shift_left3A_1180 : vector<16xi32>
      %min3A_1182 = arith.minui %shift_left3A_1181, %broadcast_in_dim3A_16 : vector<16xi32>
      %add3A_1183 = arith.addi %add3A_1143, %min3A_1182 : vector<16xi32>
      %get3A_1184 = arith.constant 115 : i32
      %get3A_1185 = arith.index_cast %get3A_1184 : i32 to index
      %get3A_1186 = arith.index_cast %mul3A_37 : i32 to index
      %get3A_1187 = tpu.vector_load %arg5[%get3A_1185, %get3A_1186] {strides = array<i32>} : memref<200x256xf32, #tpu.memory_space<vmem>>, vector<16xf32>,
      %bitcast3A_1188 = vector.bitcast %get3A_1187 : vector<16xf32> to vector<16xi32>
      %shift_left3A_1189 = arith.constant 1 : i32
      %shift_left3A_1190 = vector.broadcast %shift_left3A_1189 : i32 to vector<16xi32>
      %shift_left3A_1191 = arith.shli %bitcast3A_1188, %shift_left3A_1190 : vector<16xi32>
      %min3A_1192 = arith.minui %shift_left3A_1191, %broadcast_in_dim3A_16 : vector<16xi32>
      %add3A_1193 = arith.addi %add3A_1153, %min3A_1192 : vector<16xi32>
      %get3A_1194 = arith.constant 116 : i32
      %get3A_1195 = arith.index_cast %get3A_1194 : i32 to index
      %get3A_1196 = arith.index_cast %mul3A_37 : i32 to index
      %get3A_1197 = tpu.vector_load %arg5[%get3A_1195, %get3A_1196] {strides = array<i32>} : memref<200x256xf32, #tpu.memory_space<vmem>>, vector<16xf32>,
      %bitcast3A_1198 = vector.bitcast %get3A_1197 : vector<16xf32> to vector<16xi32>
      %shift_left3A_1199 = arith.constant 1 : i32
      %shift_left3A_1200 = vector.broadcast %shift_left3A_1199 : i32 to vector<16xi32>
      %shift_left3A_1201 = arith.shli %bitcast3A_1198, %shift_left3A_1200 : vector<16xi32>
      %min3A_1202 = arith.minui %shift_left3A_1201, %broadcast_in_dim3A_16 : vector<16xi32>
      %add3A_1203 = arith.addi %add3A_1163, %min3A_1202 : vector<16xi32>
      %get3A_1204 = arith.constant 117 : i32
      %get3A_1205 = arith.index_cast %get3A_1204 : i32 to index
      %get3A_1206 = arith.index_cast %mul3A_37 : i32 to index
      %get3A_1207 = tpu.vector_load %arg5[%get3A_1205, %get3A_1206] {strides = array<i32>} : memref<200x256xf32, #tpu.memory_space<vmem>>, vector<16xf32>,
      %bitcast3A_1208 = vector.bitcast %get3A_1207 : vector<16xf32> to vector<16xi32>
      %shift_left3A_1209 = arith.constant 1 : i32
      %shift_left3A_1210 = vector.broadcast %shift_left3A_1209 : i32 to vector<16xi32>
      %shift_left3A_1211 = arith.shli %bitcast3A_1208, %shift_left3A_1210 : vector<16xi32>
      %min3A_1212 = arith.minui %shift_left3A_1211, %broadcast_in_dim3A_16 : vector<16xi32>
      %add3A_1213 = arith.addi %add3A_1173, %min3A_1212 : vector<16xi32>
      %get3A_1214 = arith.constant 118 : i32
      %get3A_1215 = arith.index_cast %get3A_1214 : i32 to index
      %get3A_1216 = arith.index_cast %mul3A_37 : i32 to index
      %get3A_1217 = tpu.vector_load %arg5[%get3A_1215, %get3A_1216] {strides = array<i32>} : memref<200x256xf32, #tpu.memory_space<vmem>>, vector<16xf32>,
      %bitcast3A_1218 = vector.bitcast %get3A_1217 : vector<16xf32> to vector<16xi32>
      %shift_left3A_1219 = arith.constant 1 : i32
      %shift_left3A_1220 = vector.broadcast %shift_left3A_1219 : i32 to vector<16xi32>
      %shift_left3A_1221 = arith.shli %bitcast3A_1218, %shift_left3A_1220 : vector<16xi32>
      %min3A_1222 = arith.minui %shift_left3A_1221, %broadcast_in_dim3A_16 : vector<16xi32>
      %add3A_1223 = arith.addi %add3A_1183, %min3A_1222 : vector<16xi32>
      %get3A_1224 = arith.constant 119 : i32
      %get3A_1225 = arith.index_cast %get3A_1224 : i32 to index
      %get3A_1226 = arith.index_cast %mul3A_37 : i32 to index
      %get3A_1227 = tpu.vector_load %arg5[%get3A_1225, %get3A_1226] {strides = array<i32>} : memref<200x256xf32, #tpu.memory_space<vmem>>, vector<16xf32>,
      %bitcast3A_1228 = vector.bitcast %get3A_1227 : vector<16xf32> to vector<16xi32>
      %shift_left3A_1229 = arith.constant 1 : i32
      %shift_left3A_1230 = vector.broadcast %shift_left3A_1229 : i32 to vector<16xi32>
      %shift_left3A_1231 = arith.shli %bitcast3A_1228, %shift_left3A_1230 : vector<16xi32>
      %min3A_1232 = arith.minui %shift_left3A_1231, %broadcast_in_dim3A_16 : vector<16xi32>
      %add3A_1233 = arith.addi %add3A_1193, %min3A_1232 : vector<16xi32>
      %get3A_1234 = arith.constant 120 : i32
      %get3A_1235 = arith.index_cast %get3A_1234 : i32 to index
      %get3A_1236 = arith.index_cast %mul3A_37 : i32 to index
      %get3A_1237 = tpu.vector_load %arg5[%get3A_1235, %get3A_1236] {strides = array<i32>} : memref<200x256xf32, #tpu.memory_space<vmem>>, vector<16xf32>,
      %bitcast3A_1238 = vector.bitcast %get3A_1237 : vector<16xf32> to vector<16xi32>
      %shift_left3A_1239 = arith.constant 1 : i32
      %shift_left3A_1240 = vector.broadcast %shift_left3A_1239 : i32 to vector<16xi32>
      %shift_left3A_1241 = arith.shli %bitcast3A_1238, %shift_left3A_1240 : vector<16xi32>
      %min3A_1242 = arith.minui %shift_left3A_1241, %broadcast_in_dim3A_16 : vector<16xi32>
      %add3A_1243 = arith.addi %add3A_1203, %min3A_1242 : vector<16xi32>
      %get3A_1244 = arith.constant 121 : i32
      %get3A_1245 = arith.index_cast %get3A_1244 : i32 to index
      %get3A_1246 = arith.index_cast %mul3A_37 : i32 to index
      %get3A_1247 = tpu.vector_load %arg5[%get3A_1245, %get3A_1246] {strides = array<i32>} : memref<200x256xf32, #tpu.memory_space<vmem>>, vector<16xf32>,
      %bitcast3A_1248 = vector.bitcast %get3A_1247 : vector<16xf32> to vector<16xi32>
      %shift_left3A_1249 = arith.constant 1 : i32
      %shift_left3A_1250 = vector.broadcast %shift_left3A_1249 : i32 to vector<16xi32>
      %shift_left3A_1251 = arith.shli %bitcast3A_1248, %shift_left3A_1250 : vector<16xi32>
      %min3A_1252 = arith.minui %shift_left3A_1251, %broadcast_in_dim3A_16 : vector<16xi32>
      %add3A_1253 = arith.addi %add3A_1213, %min3A_1252 : vector<16xi32>
      %get3A_1254 = arith.constant 122 : i32
      %get3A_1255 = arith.index_cast %get3A_1254 : i32 to index
      %get3A_1256 = arith.index_cast %mul3A_37 : i32 to index
      %get3A_1257 = tpu.vector_load %arg5[%get3A_1255, %get3A_1256] {strides = array<i32>} : memref<200x256xf32, #tpu.memory_space<vmem>>, vector<16xf32>,
      %bitcast3A_1258 = vector.bitcast %get3A_1257 : vector<16xf32> to vector<16xi32>
      %shift_left3A_1259 = arith.constant 1 : i32
      %shift_left3A_1260 = vector.broadcast %shift_left3A_1259 : i32 to vector<16xi32>
      %shift_left3A_1261 = arith.shli %bitcast3A_1258, %shift_left3A_1260 : vector<16xi32>
      %min3A_1262 = arith.minui %shift_left3A_1261, %broadcast_in_dim3A_16 : vector<16xi32>
      %add3A_1263 = arith.addi %add3A_1223, %min3A_1262 : vector<16xi32>
      %get3A_1264 = arith.constant 123 : i32
      %get3A_1265 = arith.index_cast %get3A_1264 : i32 to index
      %get3A_1266 = arith.index_cast %mul3A_37 : i32 to index
      %get3A_1267 = tpu.vector_load %arg5[%get3A_1265, %get3A_1266] {strides = array<i32>} : memref<200x256xf32, #tpu.memory_space<vmem>>, vector<16xf32>,
      %bitcast3A_1268 = vector.bitcast %get3A_1267 : vector<16xf32> to vector<16xi32>
      %shift_left3A_1269 = arith.constant 1 : i32
      %shift_left3A_1270 = vector.broadcast %shift_left3A_1269 : i32 to vector<16xi32>
      %shift_left3A_1271 = arith.shli %bitcast3A_1268, %shift_left3A_1270 : vector<16xi32>
      %min3A_1272 = arith.minui %shift_left3A_1271, %broadcast_in_dim3A_16 : vector<16xi32>
      %add3A_1273 = arith.addi %add3A_1233, %min3A_1272 : vector<16xi32>
      %get3A_1274 = arith.constant 124 : i32
      %get3A_1275 = arith.index_cast %get3A_1274 : i32 to index
      %get3A_1276 = arith.index_cast %mul3A_37 : i32 to index
      %get3A_1277 = tpu.vector_load %arg5[%get3A_1275, %get3A_1276] {strides = array<i32>} : memref<200x256xf32, #tpu.memory_space<vmem>>, vector<16xf32>,
      %bitcast3A_1278 = vector.bitcast %get3A_1277 : vector<16xf32> to vector<16xi32>
      %shift_left3A_1279 = arith.constant 1 : i32
      %shift_left3A_1280 = vector.broadcast %shift_left3A_1279 : i32 to vector<16xi32>
      %shift_left3A_1281 = arith.shli %bitcast3A_1278, %shift_left3A_1280 : vector<16xi32>
      %min3A_1282 = arith.minui %shift_left3A_1281, %broadcast_in_dim3A_16 : vector<16xi32>
      %add3A_1283 = arith.addi %add3A_1243, %min3A_1282 : vector<16xi32>
      %get3A_1284 = arith.constant 125 : i32
      %get3A_1285 = arith.index_cast %get3A_1284 : i32 to index
      %get3A_1286 = arith.index_cast %mul3A_37 : i32 to index
      %get3A_1287 = tpu.vector_load %arg5[%get3A_1285, %get3A_1286] {strides = array<i32>} : memref<200x256xf32, #tpu.memory_space<vmem>>, vector<16xf32>,
      %bitcast3A_1288 = vector.bitcast %get3A_1287 : vector<16xf32> to vector<16xi32>
      %shift_left3A_1289 = arith.constant 1 : i32
      %shift_left3A_1290 = vector.broadcast %shift_left3A_1289 : i32 to vector<16xi32>
      %shift_left3A_1291 = arith.shli %bitcast3A_1288, %shift_left3A_1290 : vector<16xi32>
      %min3A_1292 = arith.minui %shift_left3A_1291, %broadcast_in_dim3A_16 : vector<16xi32>
      %add3A_1293 = arith.addi %add3A_1253, %min3A_1292 : vector<16xi32>
      %get3A_1294 = arith.constant 126 : i32
      %get3A_1295 = arith.index_cast %get3A_1294 : i32 to index
      %get3A_1296 = arith.index_cast %mul3A_37 : i32 to index
      %get3A_1297 = tpu.vector_load %arg5[%get3A_1295, %get3A_1296] {strides = array<i32>} : memref<200x256xf32, #tpu.memory_space<vmem>>, vector<16xf32>,
      %bitcast3A_1298 = vector.bitcast %get3A_1297 : vector<16xf32> to vector<16xi32>
      %shift_left3A_1299 = arith.constant 1 : i32
      %shift_left3A_1300 = vector.broadcast %shift_left3A_1299 : i32 to vector<16xi32>
      %shift_left3A_1301 = arith.shli %bitcast3A_1298, %shift_left3A_1300 : vector<16xi32>
      %min3A_1302 = arith.minui %shift_left3A_1301, %broadcast_in_dim3A_16 : vector<16xi32>
      %add3A_1303 = arith.addi %add3A_1263, %min3A_1302 : vector<16xi32>
      %get3A_1304 = arith.constant 127 : i32
      %get3A_1305 = arith.index_cast %get3A_1304 : i32 to index
      %get3A_1306 = arith.index_cast %mul3A_37 : i32 to index
      %get3A_1307 = tpu.vector_load %arg5[%get3A_1305, %get3A_1306] {strides = array<i32>} : memref<200x256xf32, #tpu.memory_space<vmem>>, vector<16xf32>,
      %bitcast3A_1308 = vector.bitcast %get3A_1307 : vector<16xf32> to vector<16xi32>
      %shift_left3A_1309 = arith.constant 1 : i32
      %shift_left3A_1310 = vector.broadcast %shift_left3A_1309 : i32 to vector<16xi32>
      %shift_left3A_1311 = arith.shli %bitcast3A_1308, %shift_left3A_1310 : vector<16xi32>
      %min3A_1312 = arith.minui %shift_left3A_1311, %broadcast_in_dim3A_16 : vector<16xi32>
      %add3A_1313 = arith.addi %add3A_1273, %min3A_1312 : vector<16xi32>
      %get3A_1314 = arith.constant 128 : i32
      %get3A_1315 = arith.index_cast %get3A_1314 : i32 to index
      %get3A_1316 = arith.index_cast %mul3A_37 : i32 to index
      %get3A_1317 = tpu.vector_load %arg5[%get3A_1315, %get3A_1316] {strides = array<i32>} : memref<200x256xf32, #tpu.memory_space<vmem>>, vector<16xf32>,
      %bitcast3A_1318 = vector.bitcast %get3A_1317 : vector<16xf32> to vector<16xi32>
      %shift_left3A_1319 = arith.constant 1 : i32
      %shift_left3A_1320 = vector.broadcast %shift_left3A_1319 : i32 to vector<16xi32>
      %shift_left3A_1321 = arith.shli %bitcast3A_1318, %shift_left3A_1320 : vector<16xi32>
      %min3A_1322 = arith.minui %shift_left3A_1321, %broadcast_in_dim3A_16 : vector<16xi32>
      %add3A_1323 = arith.addi %add3A_1283, %min3A_1322 : vector<16xi32>
      %get3A_1324 = arith.constant 129 : i32
      %get3A_1325 = arith.index_cast %get3A_1324 : i32 to index
      %get3A_1326 = arith.index_cast %mul3A_37 : i32 to index
      %get3A_1327 = tpu.vector_load %arg5[%get3A_1325, %get3A_1326] {strides = array<i32>} : memref<200x256xf32, #tpu.memory_space<vmem>>, vector<16xf32>,
      %bitcast3A_1328 = vector.bitcast %get3A_1327 : vector<16xf32> to vector<16xi32>
      %shift_left3A_1329 = arith.constant 1 : i32
      %shift_left3A_1330 = vector.broadcast %shift_left3A_1329 : i32 to vector<16xi32>
      %shift_left3A_1331 = arith.shli %bitcast3A_1328, %shift_left3A_1330 : vector<16xi32>
      %min3A_1332 = arith.minui %shift_left3A_1331, %broadcast_in_dim3A_16 : vector<16xi32>
      %add3A_1333 = arith.addi %add3A_1293, %min3A_1332 : vector<16xi32>
      %get3A_1334 = arith.constant 130 : i32
      %get3A_1335 = arith.index_cast %get3A_1334 : i32 to index
      %get3A_1336 = arith.index_cast %mul3A_37 : i32 to index
      %get3A_1337 = tpu.vector_load %arg5[%get3A_1335, %get3A_1336] {strides = array<i32>} : memref<200x256xf32, #tpu.memory_space<vmem>>, vector<16xf32>,
      %bitcast3A_1338 = vector.bitcast %get3A_1337 : vector<16xf32> to vector<16xi32>
      %shift_left3A_1339 = arith.constant 1 : i32
      %shift_left3A_1340 = vector.broadcast %shift_left3A_1339 : i32 to vector<16xi32>
      %shift_left3A_1341 = arith.shli %bitcast3A_1338, %shift_left3A_1340 : vector<16xi32>
      %min3A_1342 = arith.minui %shift_left3A_1341, %broadcast_in_dim3A_16 : vector<16xi32>
      %add3A_1343 = arith.addi %add3A_1303, %min3A_1342 : vector<16xi32>
      %get3A_1344 = arith.constant 131 : i32
      %get3A_1345 = arith.index_cast %get3A_1344 : i32 to index
      %get3A_1346 = arith.index_cast %mul3A_37 : i32 to index
      %get3A_1347 = tpu.vector_load %arg5[%get3A_1345, %get3A_1346] {strides = array<i32>} : memref<200x256xf32, #tpu.memory_space<vmem>>, vector<16xf32>,
      %bitcast3A_1348 = vector.bitcast %get3A_1347 : vector<16xf32> to vector<16xi32>
      %shift_left3A_1349 = arith.constant 1 : i32
      %shift_left3A_1350 = vector.broadcast %shift_left3A_1349 : i32 to vector<16xi32>
      %shift_left3A_1351 = arith.shli %bitcast3A_1348, %shift_left3A_1350 : vector<16xi32>
      %min3A_1352 = arith.minui %shift_left3A_1351, %broadcast_in_dim3A_16 : vector<16xi32>
      %add3A_1353 = arith.addi %add3A_1313, %min3A_1352 : vector<16xi32>
      %get3A_1354 = arith.constant 132 : i32
      %get3A_1355 = arith.index_cast %get3A_1354 : i32 to index
      %get3A_1356 = arith.index_cast %mul3A_37 : i32 to index
      %get3A_1357 = tpu.vector_load %arg5[%get3A_1355, %get3A_1356] {strides = array<i32>} : memref<200x256xf32, #tpu.memory_space<vmem>>, vector<16xf32>,
      %bitcast3A_1358 = vector.bitcast %get3A_1357 : vector<16xf32> to vector<16xi32>
      %shift_left3A_1359 = arith.constant 1 : i32
      %shift_left3A_1360 = vector.broadcast %shift_left3A_1359 : i32 to vector<16xi32>
      %shift_left3A_1361 = arith.shli %bitcast3A_1358, %shift_left3A_1360 : vector<16xi32>
      %min3A_1362 = arith.minui %shift_left3A_1361, %broadcast_in_dim3A_16 : vector<16xi32>
      %add3A_1363 = arith.addi %add3A_1323, %min3A_1362 : vector<16xi32>
      %get3A_1364 = arith.constant 133 : i32
      %get3A_1365 = arith.index_cast %get3A_1364 : i32 to index
      %get3A_1366 = arith.index_cast %mul3A_37 : i32 to index
      %get3A_1367 = tpu.vector_load %arg5[%get3A_1365, %get3A_1366] {strides = array<i32>} : memref<200x256xf32, #tpu.memory_space<vmem>>, vector<16xf32>,
      %bitcast3A_1368 = vector.bitcast %get3A_1367 : vector<16xf32> to vector<16xi32>
      %shift_left3A_1369 = arith.constant 1 : i32
      %shift_left3A_1370 = vector.broadcast %shift_left3A_1369 : i32 to vector<16xi32>
      %shift_left3A_1371 = arith.shli %bitcast3A_1368, %shift_left3A_1370 : vector<16xi32>
      %min3A_1372 = arith.minui %shift_left3A_1371, %broadcast_in_dim3A_16 : vector<16xi32>
      %add3A_1373 = arith.addi %add3A_1333, %min3A_1372 : vector<16xi32>
      %get3A_1374 = arith.constant 134 : i32
      %get3A_1375 = arith.index_cast %get3A_1374 : i32 to index
      %get3A_1376 = arith.index_cast %mul3A_37 : i32 to index
      %get3A_1377 = tpu.vector_load %arg5[%get3A_1375, %get3A_1376] {strides = array<i32>} : memref<200x256xf32, #tpu.memory_space<vmem>>, vector<16xf32>,
      %bitcast3A_1378 = vector.bitcast %get3A_1377 : vector<16xf32> to vector<16xi32>
      %shift_left3A_1379 = arith.constant 1 : i32
      %shift_left3A_1380 = vector.broadcast %shift_left3A_1379 : i32 to vector<16xi32>
      %shift_left3A_1381 = arith.shli %bitcast3A_1378, %shift_left3A_1380 : vector<16xi32>
      %min3A_1382 = arith.minui %shift_left3A_1381, %broadcast_in_dim3A_16 : vector<16xi32>
      %add3A_1383 = arith.addi %add3A_1343, %min3A_1382 : vector<16xi32>
      %get3A_1384 = arith.constant 135 : i32
      %get3A_1385 = arith.index_cast %get3A_1384 : i32 to index
      %get3A_1386 = arith.index_cast %mul3A_37 : i32 to index
      %get3A_1387 = tpu.vector_load %arg5[%get3A_1385, %get3A_1386] {strides = array<i32>} : memref<200x256xf32, #tpu.memory_space<vmem>>, vector<16xf32>,
      %bitcast3A_1388 = vector.bitcast %get3A_1387 : vector<16xf32> to vector<16xi32>
      %shift_left3A_1389 = arith.constant 1 : i32
      %shift_left3A_1390 = vector.broadcast %shift_left3A_1389 : i32 to vector<16xi32>
      %shift_left3A_1391 = arith.shli %bitcast3A_1388, %shift_left3A_1390 : vector<16xi32>
      %min3A_1392 = arith.minui %shift_left3A_1391, %broadcast_in_dim3A_16 : vector<16xi32>
      %add3A_1393 = arith.addi %add3A_1353, %min3A_1392 : vector<16xi32>
      %get3A_1394 = arith.constant 136 : i32
      %get3A_1395 = arith.index_cast %get3A_1394 : i32 to index
      %get3A_1396 = arith.index_cast %mul3A_37 : i32 to index
      %get3A_1397 = tpu.vector_load %arg5[%get3A_1395, %get3A_1396] {strides = array<i32>} : memref<200x256xf32, #tpu.memory_space<vmem>>, vector<16xf32>,
      %bitcast3A_1398 = vector.bitcast %get3A_1397 : vector<16xf32> to vector<16xi32>
      %shift_left3A_1399 = arith.constant 1 : i32
      %shift_left3A_1400 = vector.broadcast %shift_left3A_1399 : i32 to vector<16xi32>
      %shift_left3A_1401 = arith.shli %bitcast3A_1398, %shift_left3A_1400 : vector<16xi32>
      %min3A_1402 = arith.minui %shift_left3A_1401, %broadcast_in_dim3A_16 : vector<16xi32>
      %add3A_1403 = arith.addi %add3A_1363, %min3A_1402 : vector<16xi32>
      %get3A_1404 = arith.constant 137 : i32
      %get3A_1405 = arith.index_cast %get3A_1404 : i32 to index
      %get3A_1406 = arith.index_cast %mul3A_37 : i32 to index
      %get3A_1407 = tpu.vector_load %arg5[%get3A_1405, %get3A_1406] {strides = array<i32>} : memref<200x256xf32, #tpu.memory_space<vmem>>, vector<16xf32>,
      %bitcast3A_1408 = vector.bitcast %get3A_1407 : vector<16xf32> to vector<16xi32>
      %shift_left3A_1409 = arith.constant 1 : i32
      %shift_left3A_1410 = vector.broadcast %shift_left3A_1409 : i32 to vector<16xi32>
      %shift_left3A_1411 = arith.shli %bitcast3A_1408, %shift_left3A_1410 : vector<16xi32>
      %min3A_1412 = arith.minui %shift_left3A_1411, %broadcast_in_dim3A_16 : vector<16xi32>
      %add3A_1413 = arith.addi %add3A_1373, %min3A_1412 : vector<16xi32>
      %get3A_1414 = arith.constant 138 : i32
      %get3A_1415 = arith.index_cast %get3A_1414 : i32 to index
      %get3A_1416 = arith.index_cast %mul3A_37 : i32 to index
      %get3A_1417 = tpu.vector_load %arg5[%get3A_1415, %get3A_1416] {strides = array<i32>} : memref<200x256xf32, #tpu.memory_space<vmem>>, vector<16xf32>,
      %bitcast3A_1418 = vector.bitcast %get3A_1417 : vector<16xf32> to vector<16xi32>
      %shift_left3A_1419 = arith.constant 1 : i32
      %shift_left3A_1420 = vector.broadcast %shift_left3A_1419 : i32 to vector<16xi32>
      %shift_left3A_1421 = arith.shli %bitcast3A_1418, %shift_left3A_1420 : vector<16xi32>
      %min3A_1422 = arith.minui %shift_left3A_1421, %broadcast_in_dim3A_16 : vector<16xi32>
      %add3A_1423 = arith.addi %add3A_1383, %min3A_1422 : vector<16xi32>
      %get3A_1424 = arith.constant 139 : i32
      %get3A_1425 = arith.index_cast %get3A_1424 : i32 to index
      %get3A_1426 = arith.index_cast %mul3A_37 : i32 to index
      %get3A_1427 = tpu.vector_load %arg5[%get3A_1425, %get3A_1426] {strides = array<i32>} : memref<200x256xf32, #tpu.memory_space<vmem>>, vector<16xf32>,
      %bitcast3A_1428 = vector.bitcast %get3A_1427 : vector<16xf32> to vector<16xi32>
      %shift_left3A_1429 = arith.constant 1 : i32
      %shift_left3A_1430 = vector.broadcast %shift_left3A_1429 : i32 to vector<16xi32>
      %shift_left3A_1431 = arith.shli %bitcast3A_1428, %shift_left3A_1430 : vector<16xi32>
      %min3A_1432 = arith.minui %shift_left3A_1431, %broadcast_in_dim3A_16 : vector<16xi32>
      %add3A_1433 = arith.addi %add3A_1393, %min3A_1432 : vector<16xi32>
      %get3A_1434 = arith.constant 140 : i32
      %get3A_1435 = arith.index_cast %get3A_1434 : i32 to index
      %get3A_1436 = arith.index_cast %mul3A_37 : i32 to index
      %get3A_1437 = tpu.vector_load %arg5[%get3A_1435, %get3A_1436] {strides = array<i32>} : memref<200x256xf32, #tpu.memory_space<vmem>>, vector<16xf32>,
      %bitcast3A_1438 = vector.bitcast %get3A_1437 : vector<16xf32> to vector<16xi32>
      %shift_left3A_1439 = arith.constant 1 : i32
      %shift_left3A_1440 = vector.broadcast %shift_left3A_1439 : i32 to vector<16xi32>
      %shift_left3A_1441 = arith.shli %bitcast3A_1438, %shift_left3A_1440 : vector<16xi32>
      %min3A_1442 = arith.minui %shift_left3A_1441, %broadcast_in_dim3A_16 : vector<16xi32>
      %add3A_1443 = arith.addi %add3A_1403, %min3A_1442 : vector<16xi32>
      %get3A_1444 = arith.constant 141 : i32
      %get3A_1445 = arith.index_cast %get3A_1444 : i32 to index
      %get3A_1446 = arith.index_cast %mul3A_37 : i32 to index
      %get3A_1447 = tpu.vector_load %arg5[%get3A_1445, %get3A_1446] {strides = array<i32>} : memref<200x256xf32, #tpu.memory_space<vmem>>, vector<16xf32>,
      %bitcast3A_1448 = vector.bitcast %get3A_1447 : vector<16xf32> to vector<16xi32>
      %shift_left3A_1449 = arith.constant 1 : i32
      %shift_left3A_1450 = vector.broadcast %shift_left3A_1449 : i32 to vector<16xi32>
      %shift_left3A_1451 = arith.shli %bitcast3A_1448, %shift_left3A_1450 : vector<16xi32>
      %min3A_1452 = arith.minui %shift_left3A_1451, %broadcast_in_dim3A_16 : vector<16xi32>
      %add3A_1453 = arith.addi %add3A_1413, %min3A_1452 : vector<16xi32>
      %get3A_1454 = arith.constant 142 : i32
      %get3A_1455 = arith.index_cast %get3A_1454 : i32 to index
      %get3A_1456 = arith.index_cast %mul3A_37 : i32 to index
      %get3A_1457 = tpu.vector_load %arg5[%get3A_1455, %get3A_1456] {strides = array<i32>} : memref<200x256xf32, #tpu.memory_space<vmem>>, vector<16xf32>,
      %bitcast3A_1458 = vector.bitcast %get3A_1457 : vector<16xf32> to vector<16xi32>
      %shift_left3A_1459 = arith.constant 1 : i32
      %shift_left3A_1460 = vector.broadcast %shift_left3A_1459 : i32 to vector<16xi32>
      %shift_left3A_1461 = arith.shli %bitcast3A_1458, %shift_left3A_1460 : vector<16xi32>
      %min3A_1462 = arith.minui %shift_left3A_1461, %broadcast_in_dim3A_16 : vector<16xi32>
      %add3A_1463 = arith.addi %add3A_1423, %min3A_1462 : vector<16xi32>
      %get3A_1464 = arith.constant 143 : i32
      %get3A_1465 = arith.index_cast %get3A_1464 : i32 to index
      %get3A_1466 = arith.index_cast %mul3A_37 : i32 to index
      %get3A_1467 = tpu.vector_load %arg5[%get3A_1465, %get3A_1466] {strides = array<i32>} : memref<200x256xf32, #tpu.memory_space<vmem>>, vector<16xf32>,
      %bitcast3A_1468 = vector.bitcast %get3A_1467 : vector<16xf32> to vector<16xi32>
      %shift_left3A_1469 = arith.constant 1 : i32
      %shift_left3A_1470 = vector.broadcast %shift_left3A_1469 : i32 to vector<16xi32>
      %shift_left3A_1471 = arith.shli %bitcast3A_1468, %shift_left3A_1470 : vector<16xi32>
      %min3A_1472 = arith.minui %shift_left3A_1471, %broadcast_in_dim3A_16 : vector<16xi32>
      %add3A_1473 = arith.addi %add3A_1433, %min3A_1472 : vector<16xi32>
      %get3A_1474 = arith.constant 144 : i32
      %get3A_1475 = arith.index_cast %get3A_1474 : i32 to index
      %get3A_1476 = arith.index_cast %mul3A_37 : i32 to index
      %get3A_1477 = tpu.vector_load %arg5[%get3A_1475, %get3A_1476] {strides = array<i32>} : memref<200x256xf32, #tpu.memory_space<vmem>>, vector<16xf32>,
      %bitcast3A_1478 = vector.bitcast %get3A_1477 : vector<16xf32> to vector<16xi32>
      %shift_left3A_1479 = arith.constant 1 : i32
      %shift_left3A_1480 = vector.broadcast %shift_left3A_1479 : i32 to vector<16xi32>
      %shift_left3A_1481 = arith.shli %bitcast3A_1478, %shift_left3A_1480 : vector<16xi32>
      %min3A_1482 = arith.minui %shift_left3A_1481, %broadcast_in_dim3A_16 : vector<16xi32>
      %add3A_1483 = arith.addi %add3A_1443, %min3A_1482 : vector<16xi32>
      %get3A_1484 = arith.constant 145 : i32
      %get3A_1485 = arith.index_cast %get3A_1484 : i32 to index
      %get3A_1486 = arith.index_cast %mul3A_37 : i32 to index
      %get3A_1487 = tpu.vector_load %arg5[%get3A_1485, %get3A_1486] {strides = array<i32>} : memref<200x256xf32, #tpu.memory_space<vmem>>, vector<16xf32>,
      %bitcast3A_1488 = vector.bitcast %get3A_1487 : vector<16xf32> to vector<16xi32>
      %shift_left3A_1489 = arith.constant 1 : i32
      %shift_left3A_1490 = vector.broadcast %shift_left3A_1489 : i32 to vector<16xi32>
      %shift_left3A_1491 = arith.shli %bitcast3A_1488, %shift_left3A_1490 : vector<16xi32>
      %min3A_1492 = arith.minui %shift_left3A_1491, %broadcast_in_dim3A_16 : vector<16xi32>
      %add3A_1493 = arith.addi %add3A_1453, %min3A_1492 : vector<16xi32>
      %get3A_1494 = arith.constant 146 : i32
      %get3A_1495 = arith.index_cast %get3A_1494 : i32 to index
      %get3A_1496 = arith.index_cast %mul3A_37 : i32 to index
      %get3A_1497 = tpu.vector_load %arg5[%get3A_1495, %get3A_1496] {strides = array<i32>} : memref<200x256xf32, #tpu.memory_space<vmem>>, vector<16xf32>,
      %bitcast3A_1498 = vector.bitcast %get3A_1497 : vector<16xf32> to vector<16xi32>
      %shift_left3A_1499 = arith.constant 1 : i32
      %shift_left3A_1500 = vector.broadcast %shift_left3A_1499 : i32 to vector<16xi32>
      %shift_left3A_1501 = arith.shli %bitcast3A_1498, %shift_left3A_1500 : vector<16xi32>
      %min3A_1502 = arith.minui %shift_left3A_1501, %broadcast_in_dim3A_16 : vector<16xi32>
      %add3A_1503 = arith.addi %add3A_1463, %min3A_1502 : vector<16xi32>
      %get3A_1504 = arith.constant 147 : i32
      %get3A_1505 = arith.index_cast %get3A_1504 : i32 to index
      %get3A_1506 = arith.index_cast %mul3A_37 : i32 to index
      %get3A_1507 = tpu.vector_load %arg5[%get3A_1505, %get3A_1506] {strides = array<i32>} : memref<200x256xf32, #tpu.memory_space<vmem>>, vector<16xf32>,
      %bitcast3A_1508 = vector.bitcast %get3A_1507 : vector<16xf32> to vector<16xi32>
      %shift_left3A_1509 = arith.constant 1 : i32
      %shift_left3A_1510 = vector.broadcast %shift_left3A_1509 : i32 to vector<16xi32>
      %shift_left3A_1511 = arith.shli %bitcast3A_1508, %shift_left3A_1510 : vector<16xi32>
      %min3A_1512 = arith.minui %shift_left3A_1511, %broadcast_in_dim3A_16 : vector<16xi32>
      %add3A_1513 = arith.addi %add3A_1473, %min3A_1512 : vector<16xi32>
      %get3A_1514 = arith.constant 148 : i32
      %get3A_1515 = arith.index_cast %get3A_1514 : i32 to index
      %get3A_1516 = arith.index_cast %mul3A_37 : i32 to index
      %get3A_1517 = tpu.vector_load %arg5[%get3A_1515, %get3A_1516] {strides = array<i32>} : memref<200x256xf32, #tpu.memory_space<vmem>>, vector<16xf32>,
      %bitcast3A_1518 = vector.bitcast %get3A_1517 : vector<16xf32> to vector<16xi32>
      %shift_left3A_1519 = arith.constant 1 : i32
      %shift_left3A_1520 = vector.broadcast %shift_left3A_1519 : i32 to vector<16xi32>
      %shift_left3A_1521 = arith.shli %bitcast3A_1518, %shift_left3A_1520 : vector<16xi32>
      %min3A_1522 = arith.minui %shift_left3A_1521, %broadcast_in_dim3A_16 : vector<16xi32>
      %add3A_1523 = arith.addi %add3A_1483, %min3A_1522 : vector<16xi32>
      %get3A_1524 = arith.constant 149 : i32
      %get3A_1525 = arith.index_cast %get3A_1524 : i32 to index
      %get3A_1526 = arith.index_cast %mul3A_37 : i32 to index
      %get3A_1527 = tpu.vector_load %arg5[%get3A_1525, %get3A_1526] {strides = array<i32>} : memref<200x256xf32, #tpu.memory_space<vmem>>, vector<16xf32>,
      %bitcast3A_1528 = vector.bitcast %get3A_1527 : vector<16xf32> to vector<16xi32>
      %shift_left3A_1529 = arith.constant 1 : i32
      %shift_left3A_1530 = vector.broadcast %shift_left3A_1529 : i32 to vector<16xi32>
      %shift_left3A_1531 = arith.shli %bitcast3A_1528, %shift_left3A_1530 : vector<16xi32>
      %min3A_1532 = arith.minui %shift_left3A_1531, %broadcast_in_dim3A_16 : vector<16xi32>
      %add3A_1533 = arith.addi %add3A_1493, %min3A_1532 : vector<16xi32>
      %get3A_1534 = arith.constant 150 : i32
      %get3A_1535 = arith.index_cast %get3A_1534 : i32 to index
      %get3A_1536 = arith.index_cast %mul3A_37 : i32 to index
      %get3A_1537 = tpu.vector_load %arg5[%get3A_1535, %get3A_1536] {strides = array<i32>} : memref<200x256xf32, #tpu.memory_space<vmem>>, vector<16xf32>,
      %bitcast3A_1538 = vector.bitcast %get3A_1537 : vector<16xf32> to vector<16xi32>
      %shift_left3A_1539 = arith.constant 1 : i32
      %shift_left3A_1540 = vector.broadcast %shift_left3A_1539 : i32 to vector<16xi32>
      %shift_left3A_1541 = arith.shli %bitcast3A_1538, %shift_left3A_1540 : vector<16xi32>
      %min3A_1542 = arith.minui %shift_left3A_1541, %broadcast_in_dim3A_16 : vector<16xi32>
      %add3A_1543 = arith.addi %add3A_1503, %min3A_1542 : vector<16xi32>
      %get3A_1544 = arith.constant 151 : i32
      %get3A_1545 = arith.index_cast %get3A_1544 : i32 to index
      %get3A_1546 = arith.index_cast %mul3A_37 : i32 to index
      %get3A_1547 = tpu.vector_load %arg5[%get3A_1545, %get3A_1546] {strides = array<i32>} : memref<200x256xf32, #tpu.memory_space<vmem>>, vector<16xf32>,
      %bitcast3A_1548 = vector.bitcast %get3A_1547 : vector<16xf32> to vector<16xi32>
      %shift_left3A_1549 = arith.constant 1 : i32
      %shift_left3A_1550 = vector.broadcast %shift_left3A_1549 : i32 to vector<16xi32>
      %shift_left3A_1551 = arith.shli %bitcast3A_1548, %shift_left3A_1550 : vector<16xi32>
      %min3A_1552 = arith.minui %shift_left3A_1551, %broadcast_in_dim3A_16 : vector<16xi32>
      %add3A_1553 = arith.addi %add3A_1513, %min3A_1552 : vector<16xi32>
      %get3A_1554 = arith.constant 152 : i32
      %get3A_1555 = arith.index_cast %get3A_1554 : i32 to index
      %get3A_1556 = arith.index_cast %mul3A_37 : i32 to index
      %get3A_1557 = tpu.vector_load %arg5[%get3A_1555, %get3A_1556] {strides = array<i32>} : memref<200x256xf32, #tpu.memory_space<vmem>>, vector<16xf32>,
      %bitcast3A_1558 = vector.bitcast %get3A_1557 : vector<16xf32> to vector<16xi32>
      %shift_left3A_1559 = arith.constant 1 : i32
      %shift_left3A_1560 = vector.broadcast %shift_left3A_1559 : i32 to vector<16xi32>
      %shift_left3A_1561 = arith.shli %bitcast3A_1558, %shift_left3A_1560 : vector<16xi32>
      %min3A_1562 = arith.minui %shift_left3A_1561, %broadcast_in_dim3A_16 : vector<16xi32>
      %add3A_1563 = arith.addi %add3A_1523, %min3A_1562 : vector<16xi32>
      %get3A_1564 = arith.constant 153 : i32
      %get3A_1565 = arith.index_cast %get3A_1564 : i32 to index
      %get3A_1566 = arith.index_cast %mul3A_37 : i32 to index
      %get3A_1567 = tpu.vector_load %arg5[%get3A_1565, %get3A_1566] {strides = array<i32>} : memref<200x256xf32, #tpu.memory_space<vmem>>, vector<16xf32>,
      %bitcast3A_1568 = vector.bitcast %get3A_1567 : vector<16xf32> to vector<16xi32>
      %shift_left3A_1569 = arith.constant 1 : i32
      %shift_left3A_1570 = vector.broadcast %shift_left3A_1569 : i32 to vector<16xi32>
      %shift_left3A_1571 = arith.shli %bitcast3A_1568, %shift_left3A_1570 : vector<16xi32>
      %min3A_1572 = arith.minui %shift_left3A_1571, %broadcast_in_dim3A_16 : vector<16xi32>
      %add3A_1573 = arith.addi %add3A_1533, %min3A_1572 : vector<16xi32>
      %get3A_1574 = arith.constant 154 : i32
      %get3A_1575 = arith.index_cast %get3A_1574 : i32 to index
      %get3A_1576 = arith.index_cast %mul3A_37 : i32 to index
      %get3A_1577 = tpu.vector_load %arg5[%get3A_1575, %get3A_1576] {strides = array<i32>} : memref<200x256xf32, #tpu.memory_space<vmem>>, vector<16xf32>,
      %bitcast3A_1578 = vector.bitcast %get3A_1577 : vector<16xf32> to vector<16xi32>
      %shift_left3A_1579 = arith.constant 1 : i32
      %shift_left3A_1580 = vector.broadcast %shift_left3A_1579 : i32 to vector<16xi32>
      %shift_left3A_1581 = arith.shli %bitcast3A_1578, %shift_left3A_1580 : vector<16xi32>
      %min3A_1582 = arith.minui %shift_left3A_1581, %broadcast_in_dim3A_16 : vector<16xi32>
      %add3A_1583 = arith.addi %add3A_1543, %min3A_1582 : vector<16xi32>
      %get3A_1584 = arith.constant 155 : i32
      %get3A_1585 = arith.index_cast %get3A_1584 : i32 to index
      %get3A_1586 = arith.index_cast %mul3A_37 : i32 to index
      %get3A_1587 = tpu.vector_load %arg5[%get3A_1585, %get3A_1586] {strides = array<i32>} : memref<200x256xf32, #tpu.memory_space<vmem>>, vector<16xf32>,
      %bitcast3A_1588 = vector.bitcast %get3A_1587 : vector<16xf32> to vector<16xi32>
      %shift_left3A_1589 = arith.constant 1 : i32
      %shift_left3A_1590 = vector.broadcast %shift_left3A_1589 : i32 to vector<16xi32>
      %shift_left3A_1591 = arith.shli %bitcast3A_1588, %shift_left3A_1590 : vector<16xi32>
      %min3A_1592 = arith.minui %shift_left3A_1591, %broadcast_in_dim3A_16 : vector<16xi32>
      %add3A_1593 = arith.addi %add3A_1553, %min3A_1592 : vector<16xi32>
      %get3A_1594 = arith.constant 156 : i32
      %get3A_1595 = arith.index_cast %get3A_1594 : i32 to index
      %get3A_1596 = arith.index_cast %mul3A_37 : i32 to index
      %get3A_1597 = tpu.vector_load %arg5[%get3A_1595, %get3A_1596] {strides = array<i32>} : memref<200x256xf32, #tpu.memory_space<vmem>>, vector<16xf32>,
      %bitcast3A_1598 = vector.bitcast %get3A_1597 : vector<16xf32> to vector<16xi32>
      %shift_left3A_1599 = arith.constant 1 : i32
      %shift_left3A_1600 = vector.broadcast %shift_left3A_1599 : i32 to vector<16xi32>
      %shift_left3A_1601 = arith.shli %bitcast3A_1598, %shift_left3A_1600 : vector<16xi32>
      %min3A_1602 = arith.minui %shift_left3A_1601, %broadcast_in_dim3A_16 : vector<16xi32>
      %add3A_1603 = arith.addi %add3A_1563, %min3A_1602 : vector<16xi32>
      %get3A_1604 = arith.constant 157 : i32
      %get3A_1605 = arith.index_cast %get3A_1604 : i32 to index
      %get3A_1606 = arith.index_cast %mul3A_37 : i32 to index
      %get3A_1607 = tpu.vector_load %arg5[%get3A_1605, %get3A_1606] {strides = array<i32>} : memref<200x256xf32, #tpu.memory_space<vmem>>, vector<16xf32>,
      %bitcast3A_1608 = vector.bitcast %get3A_1607 : vector<16xf32> to vector<16xi32>
      %shift_left3A_1609 = arith.constant 1 : i32
      %shift_left3A_1610 = vector.broadcast %shift_left3A_1609 : i32 to vector<16xi32>
      %shift_left3A_1611 = arith.shli %bitcast3A_1608, %shift_left3A_1610 : vector<16xi32>
      %min3A_1612 = arith.minui %shift_left3A_1611, %broadcast_in_dim3A_16 : vector<16xi32>
      %add3A_1613 = arith.addi %add3A_1573, %min3A_1612 : vector<16xi32>
      %get3A_1614 = arith.constant 158 : i32
      %get3A_1615 = arith.index_cast %get3A_1614 : i32 to index
      %get3A_1616 = arith.index_cast %mul3A_37 : i32 to index
      %get3A_1617 = tpu.vector_load %arg5[%get3A_1615, %get3A_1616] {strides = array<i32>} : memref<200x256xf32, #tpu.memory_space<vmem>>, vector<16xf32>,
      %bitcast3A_1618 = vector.bitcast %get3A_1617 : vector<16xf32> to vector<16xi32>
      %shift_left3A_1619 = arith.constant 1 : i32
      %shift_left3A_1620 = vector.broadcast %shift_left3A_1619 : i32 to vector<16xi32>
      %shift_left3A_1621 = arith.shli %bitcast3A_1618, %shift_left3A_1620 : vector<16xi32>
      %min3A_1622 = arith.minui %shift_left3A_1621, %broadcast_in_dim3A_16 : vector<16xi32>
      %add3A_1623 = arith.addi %add3A_1583, %min3A_1622 : vector<16xi32>
      %get3A_1624 = arith.constant 159 : i32
      %get3A_1625 = arith.index_cast %get3A_1624 : i32 to index
      %get3A_1626 = arith.index_cast %mul3A_37 : i32 to index
      %get3A_1627 = tpu.vector_load %arg5[%get3A_1625, %get3A_1626] {strides = array<i32>} : memref<200x256xf32, #tpu.memory_space<vmem>>, vector<16xf32>,
      %bitcast3A_1628 = vector.bitcast %get3A_1627 : vector<16xf32> to vector<16xi32>
      %shift_left3A_1629 = arith.constant 1 : i32
      %shift_left3A_1630 = vector.broadcast %shift_left3A_1629 : i32 to vector<16xi32>
      %shift_left3A_1631 = arith.shli %bitcast3A_1628, %shift_left3A_1630 : vector<16xi32>
      %min3A_1632 = arith.minui %shift_left3A_1631, %broadcast_in_dim3A_16 : vector<16xi32>
      %add3A_1633 = arith.addi %add3A_1593, %min3A_1632 : vector<16xi32>
      %get3A_1634 = arith.constant 160 : i32
      %get3A_1635 = arith.index_cast %get3A_1634 : i32 to index
      %get3A_1636 = arith.index_cast %mul3A_37 : i32 to index
      %get3A_1637 = tpu.vector_load %arg5[%get3A_1635, %get3A_1636] {strides = array<i32>} : memref<200x256xf32, #tpu.memory_space<vmem>>, vector<16xf32>,
      %bitcast3A_1638 = vector.bitcast %get3A_1637 : vector<16xf32> to vector<16xi32>
      %shift_left3A_1639 = arith.constant 1 : i32
      %shift_left3A_1640 = vector.broadcast %shift_left3A_1639 : i32 to vector<16xi32>
      %shift_left3A_1641 = arith.shli %bitcast3A_1638, %shift_left3A_1640 : vector<16xi32>
      %min3A_1642 = arith.minui %shift_left3A_1641, %broadcast_in_dim3A_16 : vector<16xi32>
      %add3A_1643 = arith.addi %add3A_1603, %min3A_1642 : vector<16xi32>
      %get3A_1644 = arith.constant 161 : i32
      %get3A_1645 = arith.index_cast %get3A_1644 : i32 to index
      %get3A_1646 = arith.index_cast %mul3A_37 : i32 to index
      %get3A_1647 = tpu.vector_load %arg5[%get3A_1645, %get3A_1646] {strides = array<i32>} : memref<200x256xf32, #tpu.memory_space<vmem>>, vector<16xf32>,
      %bitcast3A_1648 = vector.bitcast %get3A_1647 : vector<16xf32> to vector<16xi32>
      %shift_left3A_1649 = arith.constant 1 : i32
      %shift_left3A_1650 = vector.broadcast %shift_left3A_1649 : i32 to vector<16xi32>
      %shift_left3A_1651 = arith.shli %bitcast3A_1648, %shift_left3A_1650 : vector<16xi32>
      %min3A_1652 = arith.minui %shift_left3A_1651, %broadcast_in_dim3A_16 : vector<16xi32>
      %add3A_1653 = arith.addi %add3A_1613, %min3A_1652 : vector<16xi32>
      %get3A_1654 = arith.constant 162 : i32
      %get3A_1655 = arith.index_cast %get3A_1654 : i32 to index
      %get3A_1656 = arith.index_cast %mul3A_37 : i32 to index
      %get3A_1657 = tpu.vector_load %arg5[%get3A_1655, %get3A_1656] {strides = array<i32>} : memref<200x256xf32, #tpu.memory_space<vmem>>, vector<16xf32>,
      %bitcast3A_1658 = vector.bitcast %get3A_1657 : vector<16xf32> to vector<16xi32>
      %shift_left3A_1659 = arith.constant 1 : i32
      %shift_left3A_1660 = vector.broadcast %shift_left3A_1659 : i32 to vector<16xi32>
      %shift_left3A_1661 = arith.shli %bitcast3A_1658, %shift_left3A_1660 : vector<16xi32>
      %min3A_1662 = arith.minui %shift_left3A_1661, %broadcast_in_dim3A_16 : vector<16xi32>
      %add3A_1663 = arith.addi %add3A_1623, %min3A_1662 : vector<16xi32>
      %get3A_1664 = arith.constant 163 : i32
      %get3A_1665 = arith.index_cast %get3A_1664 : i32 to index
      %get3A_1666 = arith.index_cast %mul3A_37 : i32 to index
      %get3A_1667 = tpu.vector_load %arg5[%get3A_1665, %get3A_1666] {strides = array<i32>} : memref<200x256xf32, #tpu.memory_space<vmem>>, vector<16xf32>,
      %bitcast3A_1668 = vector.bitcast %get3A_1667 : vector<16xf32> to vector<16xi32>
      %shift_left3A_1669 = arith.constant 1 : i32
      %shift_left3A_1670 = vector.broadcast %shift_left3A_1669 : i32 to vector<16xi32>
      %shift_left3A_1671 = arith.shli %bitcast3A_1668, %shift_left3A_1670 : vector<16xi32>
      %min3A_1672 = arith.minui %shift_left3A_1671, %broadcast_in_dim3A_16 : vector<16xi32>
      %add3A_1673 = arith.addi %add3A_1633, %min3A_1672 : vector<16xi32>
      %get3A_1674 = arith.constant 164 : i32
      %get3A_1675 = arith.index_cast %get3A_1674 : i32 to index
      %get3A_1676 = arith.index_cast %mul3A_37 : i32 to index
      %get3A_1677 = tpu.vector_load %arg5[%get3A_1675, %get3A_1676] {strides = array<i32>} : memref<200x256xf32, #tpu.memory_space<vmem>>, vector<16xf32>,
      %bitcast3A_1678 = vector.bitcast %get3A_1677 : vector<16xf32> to vector<16xi32>
      %shift_left3A_1679 = arith.constant 1 : i32
      %shift_left3A_1680 = vector.broadcast %shift_left3A_1679 : i32 to vector<16xi32>
      %shift_left3A_1681 = arith.shli %bitcast3A_1678, %shift_left3A_1680 : vector<16xi32>
      %min3A_1682 = arith.minui %shift_left3A_1681, %broadcast_in_dim3A_16 : vector<16xi32>
      %add3A_1683 = arith.addi %add3A_1643, %min3A_1682 : vector<16xi32>
      %get3A_1684 = arith.constant 165 : i32
      %get3A_1685 = arith.index_cast %get3A_1684 : i32 to index
      %get3A_1686 = arith.index_cast %mul3A_37 : i32 to index
      %get3A_1687 = tpu.vector_load %arg5[%get3A_1685, %get3A_1686] {strides = array<i32>} : memref<200x256xf32, #tpu.memory_space<vmem>>, vector<16xf32>,
      %bitcast3A_1688 = vector.bitcast %get3A_1687 : vector<16xf32> to vector<16xi32>
      %shift_left3A_1689 = arith.constant 1 : i32
      %shift_left3A_1690 = vector.broadcast %shift_left3A_1689 : i32 to vector<16xi32>
      %shift_left3A_1691 = arith.shli %bitcast3A_1688, %shift_left3A_1690 : vector<16xi32>
      %min3A_1692 = arith.minui %shift_left3A_1691, %broadcast_in_dim3A_16 : vector<16xi32>
      %add3A_1693 = arith.addi %add3A_1653, %min3A_1692 : vector<16xi32>
      %get3A_1694 = arith.constant 166 : i32
      %get3A_1695 = arith.index_cast %get3A_1694 : i32 to index
      %get3A_1696 = arith.index_cast %mul3A_37 : i32 to index
      %get3A_1697 = tpu.vector_load %arg5[%get3A_1695, %get3A_1696] {strides = array<i32>} : memref<200x256xf32, #tpu.memory_space<vmem>>, vector<16xf32>,
      %bitcast3A_1698 = vector.bitcast %get3A_1697 : vector<16xf32> to vector<16xi32>
      %shift_left3A_1699 = arith.constant 1 : i32
      %shift_left3A_1700 = vector.broadcast %shift_left3A_1699 : i32 to vector<16xi32>
      %shift_left3A_1701 = arith.shli %bitcast3A_1698, %shift_left3A_1700 : vector<16xi32>
      %min3A_1702 = arith.minui %shift_left3A_1701, %broadcast_in_dim3A_16 : vector<16xi32>
      %add3A_1703 = arith.addi %add3A_1663, %min3A_1702 : vector<16xi32>
      %get3A_1704 = arith.constant 167 : i32
      %get3A_1705 = arith.index_cast %get3A_1704 : i32 to index
      %get3A_1706 = arith.index_cast %mul3A_37 : i32 to index
      %get3A_1707 = tpu.vector_load %arg5[%get3A_1705, %get3A_1706] {strides = array<i32>} : memref<200x256xf32, #tpu.memory_space<vmem>>, vector<16xf32>,
      %bitcast3A_1708 = vector.bitcast %get3A_1707 : vector<16xf32> to vector<16xi32>
      %shift_left3A_1709 = arith.constant 1 : i32
      %shift_left3A_1710 = vector.broadcast %shift_left3A_1709 : i32 to vector<16xi32>
      %shift_left3A_1711 = arith.shli %bitcast3A_1708, %shift_left3A_1710 : vector<16xi32>
      %min3A_1712 = arith.minui %shift_left3A_1711, %broadcast_in_dim3A_16 : vector<16xi32>
      %add3A_1713 = arith.addi %add3A_1673, %min3A_1712 : vector<16xi32>
      %get3A_1714 = arith.constant 168 : i32
      %get3A_1715 = arith.index_cast %get3A_1714 : i32 to index
      %get3A_1716 = arith.index_cast %mul3A_37 : i32 to index
      %get3A_1717 = tpu.vector_load %arg5[%get3A_1715, %get3A_1716] {strides = array<i32>} : memref<200x256xf32, #tpu.memory_space<vmem>>, vector<16xf32>,
      %bitcast3A_1718 = vector.bitcast %get3A_1717 : vector<16xf32> to vector<16xi32>
      %shift_left3A_1719 = arith.constant 1 : i32
      %shift_left3A_1720 = vector.broadcast %shift_left3A_1719 : i32 to vector<16xi32>
      %shift_left3A_1721 = arith.shli %bitcast3A_1718, %shift_left3A_1720 : vector<16xi32>
      %min3A_1722 = arith.minui %shift_left3A_1721, %broadcast_in_dim3A_16 : vector<16xi32>
      %add3A_1723 = arith.addi %add3A_1683, %min3A_1722 : vector<16xi32>
      %get3A_1724 = arith.constant 169 : i32
      %get3A_1725 = arith.index_cast %get3A_1724 : i32 to index
      %get3A_1726 = arith.index_cast %mul3A_37 : i32 to index
      %get3A_1727 = tpu.vector_load %arg5[%get3A_1725, %get3A_1726] {strides = array<i32>} : memref<200x256xf32, #tpu.memory_space<vmem>>, vector<16xf32>,
      %bitcast3A_1728 = vector.bitcast %get3A_1727 : vector<16xf32> to vector<16xi32>
      %shift_left3A_1729 = arith.constant 1 : i32
      %shift_left3A_1730 = vector.broadcast %shift_left3A_1729 : i32 to vector<16xi32>
      %shift_left3A_1731 = arith.shli %bitcast3A_1728, %shift_left3A_1730 : vector<16xi32>
      %min3A_1732 = arith.minui %shift_left3A_1731, %broadcast_in_dim3A_16 : vector<16xi32>
      %add3A_1733 = arith.addi %add3A_1693, %min3A_1732 : vector<16xi32>
      %get3A_1734 = arith.constant 170 : i32
      %get3A_1735 = arith.index_cast %get3A_1734 : i32 to index
      %get3A_1736 = arith.index_cast %mul3A_37 : i32 to index
      %get3A_1737 = tpu.vector_load %arg5[%get3A_1735, %get3A_1736] {strides = array<i32>} : memref<200x256xf32, #tpu.memory_space<vmem>>, vector<16xf32>,
      %bitcast3A_1738 = vector.bitcast %get3A_1737 : vector<16xf32> to vector<16xi32>
      %shift_left3A_1739 = arith.constant 1 : i32
      %shift_left3A_1740 = vector.broadcast %shift_left3A_1739 : i32 to vector<16xi32>
      %shift_left3A_1741 = arith.shli %bitcast3A_1738, %shift_left3A_1740 : vector<16xi32>
      %min3A_1742 = arith.minui %shift_left3A_1741, %broadcast_in_dim3A_16 : vector<16xi32>
      %add3A_1743 = arith.addi %add3A_1703, %min3A_1742 : vector<16xi32>
      %get3A_1744 = arith.constant 171 : i32
      %get3A_1745 = arith.index_cast %get3A_1744 : i32 to index
      %get3A_1746 = arith.index_cast %mul3A_37 : i32 to index
      %get3A_1747 = tpu.vector_load %arg5[%get3A_1745, %get3A_1746] {strides = array<i32>} : memref<200x256xf32, #tpu.memory_space<vmem>>, vector<16xf32>,
      %bitcast3A_1748 = vector.bitcast %get3A_1747 : vector<16xf32> to vector<16xi32>
      %shift_left3A_1749 = arith.constant 1 : i32
      %shift_left3A_1750 = vector.broadcast %shift_left3A_1749 : i32 to vector<16xi32>
      %shift_left3A_1751 = arith.shli %bitcast3A_1748, %shift_left3A_1750 : vector<16xi32>
      %min3A_1752 = arith.minui %shift_left3A_1751, %broadcast_in_dim3A_16 : vector<16xi32>
      %add3A_1753 = arith.addi %add3A_1713, %min3A_1752 : vector<16xi32>
      %get3A_1754 = arith.constant 172 : i32
      %get3A_1755 = arith.index_cast %get3A_1754 : i32 to index
      %get3A_1756 = arith.index_cast %mul3A_37 : i32 to index
      %get3A_1757 = tpu.vector_load %arg5[%get3A_1755, %get3A_1756] {strides = array<i32>} : memref<200x256xf32, #tpu.memory_space<vmem>>, vector<16xf32>,
      %bitcast3A_1758 = vector.bitcast %get3A_1757 : vector<16xf32> to vector<16xi32>
      %shift_left3A_1759 = arith.constant 1 : i32
      %shift_left3A_1760 = vector.broadcast %shift_left3A_1759 : i32 to vector<16xi32>
      %shift_left3A_1761 = arith.shli %bitcast3A_1758, %shift_left3A_1760 : vector<16xi32>
      %min3A_1762 = arith.minui %shift_left3A_1761, %broadcast_in_dim3A_16 : vector<16xi32>
      %add3A_1763 = arith.addi %add3A_1723, %min3A_1762 : vector<16xi32>
      %get3A_1764 = arith.constant 173 : i32
      %get3A_1765 = arith.index_cast %get3A_1764 : i32 to index
      %get3A_1766 = arith.index_cast %mul3A_37 : i32 to index
      %get3A_1767 = tpu.vector_load %arg5[%get3A_1765, %get3A_1766] {strides = array<i32>} : memref<200x256xf32, #tpu.memory_space<vmem>>, vector<16xf32>,
      %bitcast3A_1768 = vector.bitcast %get3A_1767 : vector<16xf32> to vector<16xi32>
      %shift_left3A_1769 = arith.constant 1 : i32
      %shift_left3A_1770 = vector.broadcast %shift_left3A_1769 : i32 to vector<16xi32>
      %shift_left3A_1771 = arith.shli %bitcast3A_1768, %shift_left3A_1770 : vector<16xi32>
      %min3A_1772 = arith.minui %shift_left3A_1771, %broadcast_in_dim3A_16 : vector<16xi32>
      %add3A_1773 = arith.addi %add3A_1733, %min3A_1772 : vector<16xi32>
      %get3A_1774 = arith.constant 174 : i32
      %get3A_1775 = arith.index_cast %get3A_1774 : i32 to index
      %get3A_1776 = arith.index_cast %mul3A_37 : i32 to index
      %get3A_1777 = tpu.vector_load %arg5[%get3A_1775, %get3A_1776] {strides = array<i32>} : memref<200x256xf32, #tpu.memory_space<vmem>>, vector<16xf32>,
      %bitcast3A_1778 = vector.bitcast %get3A_1777 : vector<16xf32> to vector<16xi32>
      %shift_left3A_1779 = arith.constant 1 : i32
      %shift_left3A_1780 = vector.broadcast %shift_left3A_1779 : i32 to vector<16xi32>
      %shift_left3A_1781 = arith.shli %bitcast3A_1778, %shift_left3A_1780 : vector<16xi32>
      %min3A_1782 = arith.minui %shift_left3A_1781, %broadcast_in_dim3A_16 : vector<16xi32>
      %add3A_1783 = arith.addi %add3A_1743, %min3A_1782 : vector<16xi32>
      %get3A_1784 = arith.constant 175 : i32
      %get3A_1785 = arith.index_cast %get3A_1784 : i32 to index
      %get3A_1786 = arith.index_cast %mul3A_37 : i32 to index
      %get3A_1787 = tpu.vector_load %arg5[%get3A_1785, %get3A_1786] {strides = array<i32>} : memref<200x256xf32, #tpu.memory_space<vmem>>, vector<16xf32>,
      %bitcast3A_1788 = vector.bitcast %get3A_1787 : vector<16xf32> to vector<16xi32>
      %shift_left3A_1789 = arith.constant 1 : i32
      %shift_left3A_1790 = vector.broadcast %shift_left3A_1789 : i32 to vector<16xi32>
      %shift_left3A_1791 = arith.shli %bitcast3A_1788, %shift_left3A_1790 : vector<16xi32>
      %min3A_1792 = arith.minui %shift_left3A_1791, %broadcast_in_dim3A_16 : vector<16xi32>
      %add3A_1793 = arith.addi %add3A_1753, %min3A_1792 : vector<16xi32>
      %get3A_1794 = arith.constant 176 : i32
      %get3A_1795 = arith.index_cast %get3A_1794 : i32 to index
      %get3A_1796 = arith.index_cast %mul3A_37 : i32 to index
      %get3A_1797 = tpu.vector_load %arg5[%get3A_1795, %get3A_1796] {strides = array<i32>} : memref<200x256xf32, #tpu.memory_space<vmem>>, vector<16xf32>,
      %bitcast3A_1798 = vector.bitcast %get3A_1797 : vector<16xf32> to vector<16xi32>
      %shift_left3A_1799 = arith.constant 1 : i32
      %shift_left3A_1800 = vector.broadcast %shift_left3A_1799 : i32 to vector<16xi32>
      %shift_left3A_1801 = arith.shli %bitcast3A_1798, %shift_left3A_1800 : vector<16xi32>
      %min3A_1802 = arith.minui %shift_left3A_1801, %broadcast_in_dim3A_16 : vector<16xi32>
      %add3A_1803 = arith.addi %add3A_1763, %min3A_1802 : vector<16xi32>
      %get3A_1804 = arith.constant 177 : i32
      %get3A_1805 = arith.index_cast %get3A_1804 : i32 to index
      %get3A_1806 = arith.index_cast %mul3A_37 : i32 to index
      %get3A_1807 = tpu.vector_load %arg5[%get3A_1805, %get3A_1806] {strides = array<i32>} : memref<200x256xf32, #tpu.memory_space<vmem>>, vector<16xf32>,
      %bitcast3A_1808 = vector.bitcast %get3A_1807 : vector<16xf32> to vector<16xi32>
      %shift_left3A_1809 = arith.constant 1 : i32
      %shift_left3A_1810 = vector.broadcast %shift_left3A_1809 : i32 to vector<16xi32>
      %shift_left3A_1811 = arith.shli %bitcast3A_1808, %shift_left3A_1810 : vector<16xi32>
      %min3A_1812 = arith.minui %shift_left3A_1811, %broadcast_in_dim3A_16 : vector<16xi32>
      %add3A_1813 = arith.addi %add3A_1773, %min3A_1812 : vector<16xi32>
      %get3A_1814 = arith.constant 178 : i32
      %get3A_1815 = arith.index_cast %get3A_1814 : i32 to index
      %get3A_1816 = arith.index_cast %mul3A_37 : i32 to index
      %get3A_1817 = tpu.vector_load %arg5[%get3A_1815, %get3A_1816] {strides = array<i32>} : memref<200x256xf32, #tpu.memory_space<vmem>>, vector<16xf32>,
      %bitcast3A_1818 = vector.bitcast %get3A_1817 : vector<16xf32> to vector<16xi32>
      %shift_left3A_1819 = arith.constant 1 : i32
      %shift_left3A_1820 = vector.broadcast %shift_left3A_1819 : i32 to vector<16xi32>
      %shift_left3A_1821 = arith.shli %bitcast3A_1818, %shift_left3A_1820 : vector<16xi32>
      %min3A_1822 = arith.minui %shift_left3A_1821, %broadcast_in_dim3A_16 : vector<16xi32>
      %add3A_1823 = arith.addi %add3A_1783, %min3A_1822 : vector<16xi32>
      %get3A_1824 = arith.constant 179 : i32
      %get3A_1825 = arith.index_cast %get3A_1824 : i32 to index
      %get3A_1826 = arith.index_cast %mul3A_37 : i32 to index
      %get3A_1827 = tpu.vector_load %arg5[%get3A_1825, %get3A_1826] {strides = array<i32>} : memref<200x256xf32, #tpu.memory_space<vmem>>, vector<16xf32>,
      %bitcast3A_1828 = vector.bitcast %get3A_1827 : vector<16xf32> to vector<16xi32>
      %shift_left3A_1829 = arith.constant 1 : i32
      %shift_left3A_1830 = vector.broadcast %shift_left3A_1829 : i32 to vector<16xi32>
      %shift_left3A_1831 = arith.shli %bitcast3A_1828, %shift_left3A_1830 : vector<16xi32>
      %min3A_1832 = arith.minui %shift_left3A_1831, %broadcast_in_dim3A_16 : vector<16xi32>
      %add3A_1833 = arith.addi %add3A_1793, %min3A_1832 : vector<16xi32>
      %get3A_1834 = arith.constant 180 : i32
      %get3A_1835 = arith.index_cast %get3A_1834 : i32 to index
      %get3A_1836 = arith.index_cast %mul3A_37 : i32 to index
      %get3A_1837 = tpu.vector_load %arg5[%get3A_1835, %get3A_1836] {strides = array<i32>} : memref<200x256xf32, #tpu.memory_space<vmem>>, vector<16xf32>,
      %bitcast3A_1838 = vector.bitcast %get3A_1837 : vector<16xf32> to vector<16xi32>
      %shift_left3A_1839 = arith.constant 1 : i32
      %shift_left3A_1840 = vector.broadcast %shift_left3A_1839 : i32 to vector<16xi32>
      %shift_left3A_1841 = arith.shli %bitcast3A_1838, %shift_left3A_1840 : vector<16xi32>
      %min3A_1842 = arith.minui %shift_left3A_1841, %broadcast_in_dim3A_16 : vector<16xi32>
      %add3A_1843 = arith.addi %add3A_1803, %min3A_1842 : vector<16xi32>
      %get3A_1844 = arith.constant 181 : i32
      %get3A_1845 = arith.index_cast %get3A_1844 : i32 to index
      %get3A_1846 = arith.index_cast %mul3A_37 : i32 to index
      %get3A_1847 = tpu.vector_load %arg5[%get3A_1845, %get3A_1846] {strides = array<i32>} : memref<200x256xf32, #tpu.memory_space<vmem>>, vector<16xf32>,
      %bitcast3A_1848 = vector.bitcast %get3A_1847 : vector<16xf32> to vector<16xi32>
      %shift_left3A_1849 = arith.constant 1 : i32
      %shift_left3A_1850 = vector.broadcast %shift_left3A_1849 : i32 to vector<16xi32>
      %shift_left3A_1851 = arith.shli %bitcast3A_1848, %shift_left3A_1850 : vector<16xi32>
      %min3A_1852 = arith.minui %shift_left3A_1851, %broadcast_in_dim3A_16 : vector<16xi32>
      %add3A_1853 = arith.addi %add3A_1813, %min3A_1852 : vector<16xi32>
      %get3A_1854 = arith.constant 182 : i32
      %get3A_1855 = arith.index_cast %get3A_1854 : i32 to index
      %get3A_1856 = arith.index_cast %mul3A_37 : i32 to index
      %get3A_1857 = tpu.vector_load %arg5[%get3A_1855, %get3A_1856] {strides = array<i32>} : memref<200x256xf32, #tpu.memory_space<vmem>>, vector<16xf32>,
      %bitcast3A_1858 = vector.bitcast %get3A_1857 : vector<16xf32> to vector<16xi32>
      %shift_left3A_1859 = arith.constant 1 : i32
      %shift_left3A_1860 = vector.broadcast %shift_left3A_1859 : i32 to vector<16xi32>
      %shift_left3A_1861 = arith.shli %bitcast3A_1858, %shift_left3A_1860 : vector<16xi32>
      %min3A_1862 = arith.minui %shift_left3A_1861, %broadcast_in_dim3A_16 : vector<16xi32>
      %add3A_1863 = arith.addi %add3A_1823, %min3A_1862 : vector<16xi32>
      %get3A_1864 = arith.constant 183 : i32
      %get3A_1865 = arith.index_cast %get3A_1864 : i32 to index
      %get3A_1866 = arith.index_cast %mul3A_37 : i32 to index
      %get3A_1867 = tpu.vector_load %arg5[%get3A_1865, %get3A_1866] {strides = array<i32>} : memref<200x256xf32, #tpu.memory_space<vmem>>, vector<16xf32>,
      %bitcast3A_1868 = vector.bitcast %get3A_1867 : vector<16xf32> to vector<16xi32>
      %shift_left3A_1869 = arith.constant 1 : i32
      %shift_left3A_1870 = vector.broadcast %shift_left3A_1869 : i32 to vector<16xi32>
      %shift_left3A_1871 = arith.shli %bitcast3A_1868, %shift_left3A_1870 : vector<16xi32>
      %min3A_1872 = arith.minui %shift_left3A_1871, %broadcast_in_dim3A_16 : vector<16xi32>
      %add3A_1873 = arith.addi %add3A_1833, %min3A_1872 : vector<16xi32>
      %get3A_1874 = arith.constant 184 : i32
      %get3A_1875 = arith.index_cast %get3A_1874 : i32 to index
      %get3A_1876 = arith.index_cast %mul3A_37 : i32 to index
      %get3A_1877 = tpu.vector_load %arg5[%get3A_1875, %get3A_1876] {strides = array<i32>} : memref<200x256xf32, #tpu.memory_space<vmem>>, vector<16xf32>,
      %bitcast3A_1878 = vector.bitcast %get3A_1877 : vector<16xf32> to vector<16xi32>
      %shift_left3A_1879 = arith.constant 1 : i32
      %shift_left3A_1880 = vector.broadcast %shift_left3A_1879 : i32 to vector<16xi32>
      %shift_left3A_1881 = arith.shli %bitcast3A_1878, %shift_left3A_1880 : vector<16xi32>
      %min3A_1882 = arith.minui %shift_left3A_1881, %broadcast_in_dim3A_16 : vector<16xi32>
      %add3A_1883 = arith.addi %add3A_1843, %min3A_1882 : vector<16xi32>
      %get3A_1884 = arith.constant 185 : i32
      %get3A_1885 = arith.index_cast %get3A_1884 : i32 to index
      %get3A_1886 = arith.index_cast %mul3A_37 : i32 to index
      %get3A_1887 = tpu.vector_load %arg5[%get3A_1885, %get3A_1886] {strides = array<i32>} : memref<200x256xf32, #tpu.memory_space<vmem>>, vector<16xf32>,
      %bitcast3A_1888 = vector.bitcast %get3A_1887 : vector<16xf32> to vector<16xi32>
      %shift_left3A_1889 = arith.constant 1 : i32
      %shift_left3A_1890 = vector.broadcast %shift_left3A_1889 : i32 to vector<16xi32>
      %shift_left3A_1891 = arith.shli %bitcast3A_1888, %shift_left3A_1890 : vector<16xi32>
      %min3A_1892 = arith.minui %shift_left3A_1891, %broadcast_in_dim3A_16 : vector<16xi32>
      %add3A_1893 = arith.addi %add3A_1853, %min3A_1892 : vector<16xi32>
      %get3A_1894 = arith.constant 186 : i32
      %get3A_1895 = arith.index_cast %get3A_1894 : i32 to index
      %get3A_1896 = arith.index_cast %mul3A_37 : i32 to index
      %get3A_1897 = tpu.vector_load %arg5[%get3A_1895, %get3A_1896] {strides = array<i32>} : memref<200x256xf32, #tpu.memory_space<vmem>>, vector<16xf32>,
      %bitcast3A_1898 = vector.bitcast %get3A_1897 : vector<16xf32> to vector<16xi32>
      %shift_left3A_1899 = arith.constant 1 : i32
      %shift_left3A_1900 = vector.broadcast %shift_left3A_1899 : i32 to vector<16xi32>
      %shift_left3A_1901 = arith.shli %bitcast3A_1898, %shift_left3A_1900 : vector<16xi32>
      %min3A_1902 = arith.minui %shift_left3A_1901, %broadcast_in_dim3A_16 : vector<16xi32>
      %add3A_1903 = arith.addi %add3A_1863, %min3A_1902 : vector<16xi32>
      %get3A_1904 = arith.constant 187 : i32
      %get3A_1905 = arith.index_cast %get3A_1904 : i32 to index
      %get3A_1906 = arith.index_cast %mul3A_37 : i32 to index
      %get3A_1907 = tpu.vector_load %arg5[%get3A_1905, %get3A_1906] {strides = array<i32>} : memref<200x256xf32, #tpu.memory_space<vmem>>, vector<16xf32>,
      %bitcast3A_1908 = vector.bitcast %get3A_1907 : vector<16xf32> to vector<16xi32>
      %shift_left3A_1909 = arith.constant 1 : i32
      %shift_left3A_1910 = vector.broadcast %shift_left3A_1909 : i32 to vector<16xi32>
      %shift_left3A_1911 = arith.shli %bitcast3A_1908, %shift_left3A_1910 : vector<16xi32>
      %min3A_1912 = arith.minui %shift_left3A_1911, %broadcast_in_dim3A_16 : vector<16xi32>
      %add3A_1913 = arith.addi %add3A_1873, %min3A_1912 : vector<16xi32>
      %get3A_1914 = arith.constant 188 : i32
      %get3A_1915 = arith.index_cast %get3A_1914 : i32 to index
      %get3A_1916 = arith.index_cast %mul3A_37 : i32 to index
      %get3A_1917 = tpu.vector_load %arg5[%get3A_1915, %get3A_1916] {strides = array<i32>} : memref<200x256xf32, #tpu.memory_space<vmem>>, vector<16xf32>,
      %bitcast3A_1918 = vector.bitcast %get3A_1917 : vector<16xf32> to vector<16xi32>
      %shift_left3A_1919 = arith.constant 1 : i32
      %shift_left3A_1920 = vector.broadcast %shift_left3A_1919 : i32 to vector<16xi32>
      %shift_left3A_1921 = arith.shli %bitcast3A_1918, %shift_left3A_1920 : vector<16xi32>
      %min3A_1922 = arith.minui %shift_left3A_1921, %broadcast_in_dim3A_16 : vector<16xi32>
      %add3A_1923 = arith.addi %add3A_1883, %min3A_1922 : vector<16xi32>
      %get3A_1924 = arith.constant 189 : i32
      %get3A_1925 = arith.index_cast %get3A_1924 : i32 to index
      %get3A_1926 = arith.index_cast %mul3A_37 : i32 to index
      %get3A_1927 = tpu.vector_load %arg5[%get3A_1925, %get3A_1926] {strides = array<i32>} : memref<200x256xf32, #tpu.memory_space<vmem>>, vector<16xf32>,
      %bitcast3A_1928 = vector.bitcast %get3A_1927 : vector<16xf32> to vector<16xi32>
      %shift_left3A_1929 = arith.constant 1 : i32
      %shift_left3A_1930 = vector.broadcast %shift_left3A_1929 : i32 to vector<16xi32>
      %shift_left3A_1931 = arith.shli %bitcast3A_1928, %shift_left3A_1930 : vector<16xi32>
      %min3A_1932 = arith.minui %shift_left3A_1931, %broadcast_in_dim3A_16 : vector<16xi32>
      %add3A_1933 = arith.addi %add3A_1893, %min3A_1932 : vector<16xi32>
      %get3A_1934 = arith.constant 190 : i32
      %get3A_1935 = arith.index_cast %get3A_1934 : i32 to index
      %get3A_1936 = arith.index_cast %mul3A_37 : i32 to index
      %get3A_1937 = tpu.vector_load %arg5[%get3A_1935, %get3A_1936] {strides = array<i32>} : memref<200x256xf32, #tpu.memory_space<vmem>>, vector<16xf32>,
      %bitcast3A_1938 = vector.bitcast %get3A_1937 : vector<16xf32> to vector<16xi32>
      %shift_left3A_1939 = arith.constant 1 : i32
      %shift_left3A_1940 = vector.broadcast %shift_left3A_1939 : i32 to vector<16xi32>
      %shift_left3A_1941 = arith.shli %bitcast3A_1938, %shift_left3A_1940 : vector<16xi32>
      %min3A_1942 = arith.minui %shift_left3A_1941, %broadcast_in_dim3A_16 : vector<16xi32>
      %add3A_1943 = arith.addi %add3A_1903, %min3A_1942 : vector<16xi32>
      %get3A_1944 = arith.constant 191 : i32
      %get3A_1945 = arith.index_cast %get3A_1944 : i32 to index
      %get3A_1946 = arith.index_cast %mul3A_37 : i32 to index
      %get3A_1947 = tpu.vector_load %arg5[%get3A_1945, %get3A_1946] {strides = array<i32>} : memref<200x256xf32, #tpu.memory_space<vmem>>, vector<16xf32>,
      %bitcast3A_1948 = vector.bitcast %get3A_1947 : vector<16xf32> to vector<16xi32>
      %shift_left3A_1949 = arith.constant 1 : i32
      %shift_left3A_1950 = vector.broadcast %shift_left3A_1949 : i32 to vector<16xi32>
      %shift_left3A_1951 = arith.shli %bitcast3A_1948, %shift_left3A_1950 : vector<16xi32>
      %min3A_1952 = arith.minui %shift_left3A_1951, %broadcast_in_dim3A_16 : vector<16xi32>
      %add3A_1953 = arith.addi %add3A_1913, %min3A_1952 : vector<16xi32>
      %get3A_1954 = arith.constant 192 : i32
      %get3A_1955 = arith.index_cast %get3A_1954 : i32 to index
      %get3A_1956 = arith.index_cast %mul3A_37 : i32 to index
      %get3A_1957 = tpu.vector_load %arg5[%get3A_1955, %get3A_1956] {strides = array<i32>} : memref<200x256xf32, #tpu.memory_space<vmem>>, vector<16xf32>,
      %bitcast3A_1958 = vector.bitcast %get3A_1957 : vector<16xf32> to vector<16xi32>
      %shift_left3A_1959 = arith.constant 1 : i32
      %shift_left3A_1960 = vector.broadcast %shift_left3A_1959 : i32 to vector<16xi32>
      %shift_left3A_1961 = arith.shli %bitcast3A_1958, %shift_left3A_1960 : vector<16xi32>
      %min3A_1962 = arith.minui %shift_left3A_1961, %broadcast_in_dim3A_16 : vector<16xi32>
      %add3A_1963 = arith.addi %add3A_1923, %min3A_1962 : vector<16xi32>
      %get3A_1964 = arith.constant 193 : i32
      %get3A_1965 = arith.index_cast %get3A_1964 : i32 to index
      %get3A_1966 = arith.index_cast %mul3A_37 : i32 to index
      %get3A_1967 = tpu.vector_load %arg5[%get3A_1965, %get3A_1966] {strides = array<i32>} : memref<200x256xf32, #tpu.memory_space<vmem>>, vector<16xf32>,
      %bitcast3A_1968 = vector.bitcast %get3A_1967 : vector<16xf32> to vector<16xi32>
      %shift_left3A_1969 = arith.constant 1 : i32
      %shift_left3A_1970 = vector.broadcast %shift_left3A_1969 : i32 to vector<16xi32>
      %shift_left3A_1971 = arith.shli %bitcast3A_1968, %shift_left3A_1970 : vector<16xi32>
      %min3A_1972 = arith.minui %shift_left3A_1971, %broadcast_in_dim3A_16 : vector<16xi32>
      %add3A_1973 = arith.addi %add3A_1933, %min3A_1972 : vector<16xi32>
      %get3A_1974 = arith.constant 194 : i32
      %get3A_1975 = arith.index_cast %get3A_1974 : i32 to index
      %get3A_1976 = arith.index_cast %mul3A_37 : i32 to index
      %get3A_1977 = tpu.vector_load %arg5[%get3A_1975, %get3A_1976] {strides = array<i32>} : memref<200x256xf32, #tpu.memory_space<vmem>>, vector<16xf32>,
      %bitcast3A_1978 = vector.bitcast %get3A_1977 : vector<16xf32> to vector<16xi32>
      %shift_left3A_1979 = arith.constant 1 : i32
      %shift_left3A_1980 = vector.broadcast %shift_left3A_1979 : i32 to vector<16xi32>
      %shift_left3A_1981 = arith.shli %bitcast3A_1978, %shift_left3A_1980 : vector<16xi32>
      %min3A_1982 = arith.minui %shift_left3A_1981, %broadcast_in_dim3A_16 : vector<16xi32>
      %add3A_1983 = arith.addi %add3A_1943, %min3A_1982 : vector<16xi32>
      %get3A_1984 = arith.constant 195 : i32
      %get3A_1985 = arith.index_cast %get3A_1984 : i32 to index
      %get3A_1986 = arith.index_cast %mul3A_37 : i32 to index
      %get3A_1987 = tpu.vector_load %arg5[%get3A_1985, %get3A_1986] {strides = array<i32>} : memref<200x256xf32, #tpu.memory_space<vmem>>, vector<16xf32>,
      %bitcast3A_1988 = vector.bitcast %get3A_1987 : vector<16xf32> to vector<16xi32>
      %shift_left3A_1989 = arith.constant 1 : i32
      %shift_left3A_1990 = vector.broadcast %shift_left3A_1989 : i32 to vector<16xi32>
      %shift_left3A_1991 = arith.shli %bitcast3A_1988, %shift_left3A_1990 : vector<16xi32>
      %min3A_1992 = arith.minui %shift_left3A_1991, %broadcast_in_dim3A_16 : vector<16xi32>
      %add3A_1993 = arith.addi %add3A_1953, %min3A_1992 : vector<16xi32>
      %get3A_1994 = arith.constant 196 : i32
      %get3A_1995 = arith.index_cast %get3A_1994 : i32 to index
      %get3A_1996 = arith.index_cast %mul3A_37 : i32 to index
      %get3A_1997 = tpu.vector_load %arg5[%get3A_1995, %get3A_1996] {strides = array<i32>} : memref<200x256xf32, #tpu.memory_space<vmem>>, vector<16xf32>,
      %bitcast3A_1998 = vector.bitcast %get3A_1997 : vector<16xf32> to vector<16xi32>
      %shift_left3A_1999 = arith.constant 1 : i32
      %shift_left3A_2000 = vector.broadcast %shift_left3A_1999 : i32 to vector<16xi32>
      %shift_left3A_2001 = arith.shli %bitcast3A_1998, %shift_left3A_2000 : vector<16xi32>
      %min3A_2002 = arith.minui %shift_left3A_2001, %broadcast_in_dim3A_16 : vector<16xi32>
      %add3A_2003 = arith.addi %add3A_1963, %min3A_2002 : vector<16xi32>
      %get3A_2004 = arith.constant 197 : i32
      %get3A_2005 = arith.index_cast %get3A_2004 : i32 to index
      %get3A_2006 = arith.index_cast %mul3A_37 : i32 to index
      %get3A_2007 = tpu.vector_load %arg5[%get3A_2005, %get3A_2006] {strides = array<i32>} : memref<200x256xf32, #tpu.memory_space<vmem>>, vector<16xf32>,
      %bitcast3A_2008 = vector.bitcast %get3A_2007 : vector<16xf32> to vector<16xi32>
      %shift_left3A_2009 = arith.constant 1 : i32
      %shift_left3A_2010 = vector.broadcast %shift_left3A_2009 : i32 to vector<16xi32>
      %shift_left3A_2011 = arith.shli %bitcast3A_2008, %shift_left3A_2010 : vector<16xi32>
      %min3A_2012 = arith.minui %shift_left3A_2011, %broadcast_in_dim3A_16 : vector<16xi32>
      %add3A_2013 = arith.addi %add3A_1973, %min3A_2012 : vector<16xi32>
      %get3A_2014 = arith.constant 198 : i32
      %get3A_2015 = arith.index_cast %get3A_2014 : i32 to index
      %get3A_2016 = arith.index_cast %mul3A_37 : i32 to index
      %get3A_2017 = tpu.vector_load %arg5[%get3A_2015, %get3A_2016] {strides = array<i32>} : memref<200x256xf32, #tpu.memory_space<vmem>>, vector<16xf32>,
      %bitcast3A_2018 = vector.bitcast %get3A_2017 : vector<16xf32> to vector<16xi32>
      %shift_left3A_2019 = arith.constant 1 : i32
      %shift_left3A_2020 = vector.broadcast %shift_left3A_2019 : i32 to vector<16xi32>
      %shift_left3A_2021 = arith.shli %bitcast3A_2018, %shift_left3A_2020 : vector<16xi32>
      %min3A_2022 = arith.minui %shift_left3A_2021, %broadcast_in_dim3A_16 : vector<16xi32>
      %add3A_2023 = arith.addi %add3A_1983, %min3A_2022 : vector<16xi32>
      %get3A_2024 = arith.constant 199 : i32
      %get3A_2025 = arith.index_cast %get3A_2024 : i32 to index
      %get3A_2026 = arith.index_cast %mul3A_37 : i32 to index
      %get3A_2027 = tpu.vector_load %arg5[%get3A_2025, %get3A_2026] {strides = array<i32>} : memref<200x256xf32, #tpu.memory_space<vmem>>, vector<16xf32>,
      %bitcast3A_2028 = vector.bitcast %get3A_2027 : vector<16xf32> to vector<16xi32>
      %shift_left3A_2029 = arith.constant 1 : i32
      %shift_left3A_2030 = vector.broadcast %shift_left3A_2029 : i32 to vector<16xi32>
      %shift_left3A_2031 = arith.shli %bitcast3A_2028, %shift_left3A_2030 : vector<16xi32>
      %min3A_2032 = arith.minui %shift_left3A_2031, %broadcast_in_dim3A_16 : vector<16xi32>
      %add3A_2033 = arith.addi %add3A_1993, %min3A_2032 : vector<16xi32>
      %add3A_2034 = arith.addi %add3A_2003, %add3A_2013 : vector<16xi32>
      %add3A_2035 = arith.addi %add3A_2023, %add3A_2033 : vector<16xi32>
      %add3A_2036 = arith.addi %add3A_2034, %add3A_2035 : vector<16xi32>
      %bitcast3A_2037 = vector.bitcast %add3A_2036 : vector<16xi32> to vector<16xi32>
      %sub3A = arith.constant 1 : i32
      %sub3A_2038 = vector.broadcast %sub3A : i32 to vector<16xi32>
      %sub3A_2039 = arith.subi %bitcast3A_2037, %sub3A_2038 : vector<16xi32>
      %max3A = arith.constant 0 : i32
      %max3A_2040 = vector.broadcast %max3A : i32 to vector<16xi32>
      %max3A_2041 = arith.maxsi %sub3A_2039, %max3A_2040 : vector<16xi32>
      %add3A_2042 = vector.broadcast %mul3A_37 : i32 to vector<16xi32>
      %add3A_2043 = arith.addi %add3A_2042, %iota3A : vector<16xi32>
      %gather3A = tpu.vector_load_idx %arg5[%max3A_2041, %add3A_2043] : memref<200x256xf32, #tpu.memory_space<vmem>>[vector<16xi32>, vector<16xi32>], vector<16xf32>,
      %add3A_2044 = arith.constant 256 : i32
      %add3A_2045 = arith.addi %add3A_2044, %mul3A_37 : i32
      %swap3A = arith.index_cast %add3A_2045 : i32 to index
      %swap3A_2046 = tpu.vector_load %arg6[%swap3A] {strides = array<i32>} : memref<512xf32, #tpu.memory_space<vmem>>, vector<16xf32>,
      tpu.vector_store %arg6[%swap3A], %gather3A {strides = array<i32>} : memref<512xf32, #tpu.memory_space<vmem>>, vector<16xf32>,
    }
    %scan3A_34 = arith.constant 16 : i32
    "tpu.region"() ({
      %run_scoped3A = tpu.sem_alloc : memref<!tpu.dma_semaphore, #tpu.memory_space<semaphore_mem>>
      %dma_start3A_35 = tpu.memref_slice %arg3[%mul3A_2] : memref<16384xf32, #tpu.memory_space<hbm>> -> memref<512xf32, #tpu.memory_space<hbm>>
      %dma_start3A_36 = tpu.memref_slice %arg3[%mul3A_2] : memref<16384xf32, #tpu.memory_space<hbm>> -> memref<512xf32, #tpu.memory_space<hbm>>
      tpu.enqueue_dma source(%arg6 : memref<512xf32, #tpu.memory_space<vmem>>) target(%dma_start3A_36 : memref<512xf32, #tpu.memory_space<hbm>>) target_semaphore(%run_scoped3A : memref<!tpu.dma_semaphore, #tpu.memory_space<semaphore_mem>>)
      %dma_wait3A_37 = tpu.memref_slice %arg3[%mul3A_2] : memref<16384xf32, #tpu.memory_space<hbm>> -> memref<512xf32, #tpu.memory_space<hbm>>
      %dma_wait3A_38 = tpu.memref_slice %arg3[%mul3A_2] : memref<16384xf32, #tpu.memory_space<hbm>> -> memref<512xf32, #tpu.memory_space<hbm>>
      tpu.wait_dma2 semaphore(%run_scoped3A : memref<!tpu.dma_semaphore, #tpu.memory_space<semaphore_mem>>) src(%arg6 : memref<512xf32, #tpu.memory_space<vmem>>) dst(%dma_wait3A_38 : memref<512xf32, #tpu.memory_space<hbm>>)
      tpu.yield
    }) : () -> ()
    return
  }
}

</mosaic_0001>

<sc_bundles>
// kernel: kernel.3.cloned.1.call-start
scs
__scs_entry_jumppad:
0x0: {  	(pc) =	sbr.rel $0x88, $3  }
0x1: {  	(tag) =	ssettag $0x0;
	lr =	simm.s32 $0x1  }
0x2: {  	[smem:$0x3FA0] =	sst lr;
	_ =	strace $0xD0000000  }
0x3: {  	_ = 	snop  }
0x4: {  	_ = 	snop  }
0x5: {  	_ = 	snop  }
0x6: {  	_ = 	snop  }
0x7: {  	_ = 	snop  }
__scs_overlays_trampoline_lowered:
0x8: {  	[smem:$0x3FAF] =	sst s0  }
0x9: {  	[smem:$0x3FB0] =	sst s1  }
0xa: {  	[smem:$0x3FB1] =	sst s2  }
0xb: {  	[smem:$0x3FB2] =	sst s3  }
0xc: {  	[smem:$0x3FB3] =	sst s4  }
0xd: {  	[smem:$0x3FB4] =	sst s5  }
0xe: {  	[smem:$0x3FB5] =	sst s6  }
0xf: {  	[smem:$0x3FB6] =	sst s7  }
0x10: {  	[smem:$0x3FB7] =	sst s8  }
0x11: {  	[smem:$0x3FB8] =	sst s9;
	s0 =	simm.s32 @!p0 $0x0  }
0x12: {  	s1 =	sld [smem:$0x3F9E];
	s0 =	simm.s32 @p0 $0x1  }
0x13: {  	[smem:$0x3FB9] =	sst s0;
	s0 =	simm.s32 @!p1 $0x0  }
0x14: {  	s2 =	sld [smem:$0x3F9D];
	s0 =	simm.s32 @p1 $0x1  }
0x15: {  	[smem:$0x3FBA] =	sst s0;
	s0 =	simm.s32 @!p2 $0x0  }
0x16: {  	s3 =	sld [smem:$0x3FDB];
	s0 =	simm.s32 @p2 $0x1  }
0x17: {  	s4 =	simm.s32 $0x1BF5;
	[smem:$0x3FBC] =	sst s0  }
0x18: {  	s0 =	sld [smem:$0x3F9F];
	_ =	swait.ge [sflag:s4], $0x0  }
0x19: {  	s7 =	sld [smem:$0x3FA0]  }
0x1a: {  	s8 =	sadd.s32 $0xFFFFE003, lr  }
0x1b: {  	s9 =	sadd.s32 $0xFFFFFEF7, lr;
	s5 =	simm.s32 $0xFFFFFFFF;
	p2 =	slt.u32 s8, $0xFFFFF086  }
0x1c: {  	p1 =	slt.u32 s9, $0xF7A;
	s5 =	simm.s32 @!p2 $0x0  }
0x1d: {  	s5 =	simm.s32 @p1 $0x1;
	p0 =	seq.s32 s7, s2  }
0x1e: {  	s7 =	smul.u32 @!p0 $0xF7A, s2;
	p2 =	seq.s32 @!p0 s5, $0x0  }
0x1f: {  	s9 =	smul.u32 $0xF7A, s1;
	s8 =	simm.s32 @!p0 $0x1BF5;
	p2 =	por !p2, p0  }
0x20: {  	[sflag:s8] =	ssyncset.s32 @!p0 $0xFFFFF086;
	s6 =	sadd.s32 @!p0 s3, s7;
	s7 =	simm.s32 @!p0 $0x108  }
0x21: {  	s3 =	sadd.s32 s3, s9;
	s6 =	sadd.s32 @!p0 $0x88, s6;
	s7 =	simm.s32 @p2 $0x1082  }
0x22: {  	[simem:s7], [sflag:s8] =	dma.local @!p0 [hbm:s6], $0xF7A  }
0x23: {  	s9 =	sor.u32 $0xD0000000, s2;
	s6 =	simm.s32 $0x108;
	_ =	swait.ge @!p0 [sflag:s8], $0x0  }
0x24: {  	s3 =	sadd.s32 $0x88, s3;
	s6 =	simm.s32 @!p1 $0x1082;
	[sflag:s4] =	ssyncset.s32 $0xFFFFF086  }
0x25: {  	[simem:s6], [sflag:s4] =	dma.local [hbm:s3], $0xF7A  }
0x26: {  	[smem:$0x3FA0] =	sst s1;
	(tag) =	ssettag s2;
	_ =	strace s9  }
0x27: {  	s1 =	sld [smem:$0x3FB0]  }
0x28: {  	s2 =	sld [smem:$0x3FB1]  }
0x29: {  	s4 =	sld [smem:$0x3FB3]  }
0x2a: {  	p0 =	seq.s32 s5, $0x0;
	s5 =	sld [smem:$0x3FB4]  }
0x2b: {  	s6 =	sld [smem:$0x3FB5]  }
0x2c: {  	s7 =	sld [smem:$0x3FB6]  }
0x2d: {  	s3 =	simm.s32 $0x108;
	s8 =	sld [smem:$0x3FB7]  }
0x2e: {  	s3 =	simm.s32 @!p0 $0x1082;
	s9 =	sld [smem:$0x3FB8]  }
0x2f: {  	lr =	sadd.s32 s0, s3;
	s0 =	sld [smem:$0x3FAF]  }
0x30: {  	s3 =	sld [smem:$0x3FB2]  }
0x31: {  	[smem:$0x3FBB] =	sst s10  }
0x32: {  	s10 =	sld [smem:$0x3FB9];
	_ =	sdelay $0x3  }
0x33: {  	p0 =	seq.s32 s10, $0x1;
	s10 =	sld [smem:$0x3FBB];
	_ =	sdelay $0x3  }
0x34: {  	[smem:$0x3FBB] =	sst s10  }
0x35: {  	s10 =	sld [smem:$0x3FBA];
	_ =	sdelay $0x3  }
0x36: {  	p1 =	seq.s32 s10, $0x1;
	s10 =	sld [smem:$0x3FBB];
	_ =	sdelay $0x3  }
0x37: {  	[smem:$0x3FBB] =	sst s10  }
0x38: {  	s10 =	sld [smem:$0x3FBC]  }
0x39: {  	_ = 	snop;
	(pc) =	sbr.ind lr, $3  }
0x3a: {  	_ = 	snop  }
0x3b: {  	_ = 	snop  }
0x3c: {  	p2 =	seq.s32 s10, $0x1;
	s10 =	sld [smem:$0x3FBB]  }
0x3d: {  	_ =	shalt  }
0x3e: {  	_ =	shalt  }
0x3f: {  	_ =	shalt  }
0x40: {  	_ =	shalt  }
0x41: {  	_ =	shalt  }
0x42: {  	_ =	shalt  }
0x43: {  	_ =	shalt  }
0x44: {  	_ =	shalt  }
0x45: {  	_ =	shalt  }
0x46: {  	_ =	shalt  }
0x47: {  	_ =	shalt  }
0x48: {  	_ =	shalt  }
0x49: {  	_ =	shalt  }
0x4a: {  	_ =	shalt  }
0x4b: {  	_ =	shalt  }
0x4c: {  	_ =	shalt  }
0x4d: {  	_ =	shalt  }
0x4e: {  	_ =	shalt  }
0x4f: {  	_ =	shalt  }
0x50: {  	_ =	shalt  }
0x51: {  	_ =	shalt  }
0x52: {  	_ =	shalt  }
0x53: {  	_ =	shalt  }
0x54: {  	_ =	shalt  }
0x55: {  	_ =	shalt  }
0x56: {  	_ =	shalt  }
0x57: {  	_ =	shalt  }
0x58: {  	_ =	shalt  }
0x59: {  	_ =	shalt  }
0x5a: {  	_ =	shalt  }
0x5b: {  	_ =	shalt  }
0x5c: {  	_ =	shalt  }
0x5d: {  	_ =	shalt  }
0x5e: {  	_ =	shalt  }
0x5f: {  	_ =	shalt  }
0x60: {  	_ =	shalt  }
0x61: {  	_ =	shalt  }
0x62: {  	_ =	shalt  }
0x63: {  	_ =	shalt  }
0x64: {  	_ =	shalt  }
0x65: {  	_ =	shalt  }
0x66: {  	_ =	shalt  }
0x67: {  	_ =	shalt  }
0x68: {  	_ =	shalt  }
0x69: {  	_ =	shalt  }
0x6a: {  	_ =	shalt  }
0x6b: {  	_ =	shalt  }
0x6c: {  	_ =	shalt  }
0x6d: {  	_ =	shalt  }
0x6e: {  	_ =	shalt  }
0x6f: {  	_ =	shalt  }
0x70: {  	_ =	shalt  }
0x71: {  	_ =	shalt  }
0x72: {  	_ =	shalt  }
0x73: {  	_ =	shalt  }
0x74: {  	_ =	shalt  }
0x75: {  	_ =	shalt  }
0x76: {  	_ =	shalt  }
0x77: {  	_ =	shalt  }
0x78: {  	_ =	shalt  }
0x79: {  	_ =	shalt  }
0x7a: {  	_ =	shalt  }
0x7b: {  	_ =	shalt  }
0x7c: {  	_ =	shalt  }
0x7d: {  	_ =	shalt  }
0x7e: {  	_ =	shalt  }
0x7f: {  	_ =	shalt  }
0x80: {  	_ =	shalt  }
0x81: {  	_ =	shalt  }
0x82: {  	_ =	shalt  }
0x83: {  	_ =	shalt  }
0x84: {  	_ =	shalt  }
0x85: {  	_ =	shalt  }
0x86: {  	_ =	shalt  }
0x87: {  	_ =	shalt  }
.Lfunc_end0:
.L_simem_size_0:
called_computation_lowered:
.L_overlay_start_0:
0x88: {  	s2 =	sld [smem:$0x3FD9]  }
0x89: {  	s3 =	sld [smem:$0x3FFE];
	_ =	sdelay $0x1  }
0x8a: {  	s1 =	srdreg.scid  }
0x8b: {  	s0 =	sand.u32 $0x1, s1  }
0x8c: {  	s18 =	sshll.u32 s0, $0xA;
	s2 =	sadd.s32 s3, s2  }
0x8d: {  	s2 =	sadd.s32 s2, s18  }
0x8e: {  	[smem:$0x3FC7] =	sst s2  }
0x8f: {  	_ = 	snop  }
0x90: {  	s2 =	sld [smem:$0x3FC9]  }
0x91: {  	s19 =	sld [smem:$0x3FD0];
	(tm) =	ssettm $0x1  }
0x92: {  	s4 =	sld [smem:$0x3FFB];
	_ =	sdelay $0x3  }
0x93: {  	_ =	strace s4  }
0x94: {  	s4 =	sld [smem:$0x3FFC];
	_ =	sdelay $0x3  }
0x95: {  	_ =	strace s4  }
0x96: {  	s4 =	sld [smem:$0x3FFD];
	_ =	sdelay $0x3  }
0x97: {  	_ =	strace s4  }
0x98: {  	_ =	strace $0x8FFFFFFF  }
0x99: {  	s20 =	sld [smem:$0x3FDB];
	_ =	sdelay $0x1  }
0x9a: {  	s5 =	simm.s32 $_scs_section_size  }
0x9b: {  	s6 =	simm.s32 $_size__tile_overlayer_lowered;
	s7 =	simm.s32 $_tile_overlayer_lowered  }
0x9c: {  	s23 =	simm.s32 $0x1BFF;
	s22 =	sshll.u32 s7, $0x1;
	s4 =	sadd.s32 s5, s20  }
0x9d: {  	s8 =	simm.s32 $0x0;
	s21 =	sshll.u32 s6, $0x1;
	s6 =	sadd.s32 s22, s4  }
0x9e: {  	[timem:s8], [sflag:s23] =	dma.local [hbm:s6], s21  }
0x9f: {  	_ =	swait.ge [sflag:s23], s21  }
0xa0: {  	s5 =	ssub.s32 $0x0, s21;
	[sflag:s23] =	ssyncset.done $0x0  }
0xa1: {  	[sflag:s23] =	ssyncadd.s32 s5;
	_ =	sdelay $0x1  }
0xa2: {  	s24 =	simm.s32 $0x1B8B  }
0xa3: {  	_ =	swait.ge [sflag:s24], $0x1  }
0xa4: {  	[sflag:s24] =	ssyncset.done $0x0  }
0xa5: {  	s25 =	simm.s32 $0x1B8E;
	[sflag:s24] =	ssyncadd.s32 $0xFFFFFFFF  }
0xa6: {  	s26 =	simm.s32 $execute0_lowered;
	[smem:$0x3FD2] =	sst s25  }
0xa7: {  	s5 =	sshll.u32 s26, $0x1;
	_ =	strace $0x80000046;
	[dreg:$0x1] =	wrdreg $0xFFFFFFFF  }
0xa8: {  	s28 =	simm.s32 $_size_execute0_lowered;
	s4 =	sadd.s32 s4, s5;
	[dreg:$0x0] =	wrdreg $0x0  }
0xa9: {  	s5 =	sshll.u32 s28, $0x1;
	[dreg:$0x2] =	wrdreg s4  }
0xaa: {  	[dreg:$0x3] =	wrdreg s5  }
0xab: {  	[dreg:$0x4] =	wrdreg $0xC0  }
0xac: {  	_ =	task [dreg:s8], $0x5FFFF  }
0xad: {  	[dreg:$0x1] =	wrdreg $0xFFFFFFFF  }
0xae: {  	[dreg:$0x0] =	wrdreg $0x60  }
0xaf: {  	[dreg:$0x2] =	wrdreg s2  }
0xb0: {  	[dreg:$0x3] =	wrdreg s19  }
0xb1: {  	[dreg:$0x4] =	wrdreg $0x9  }
0xb2: {  	_ =	task.clear_ibuf [dreg:s8], $0x5FFFF;
	_ =	strace $0x90000046  }
0xb3: {  	s29 =	simm.s32 $0x9;
	_ =	strace $0x80000048  }
0xb4: {  	_ =	swait.ge [sflag:s29], $0x1  }
0xb5: {  	[sflag:s29] =	ssyncadd.s32 $0xFFFFFFFF  }
0xb6: {  	_ =	strace $0x90000048  }
0xb7: {  	_ =	sfence  }
0xb8: {  	s30 =	sld [smem:$0x0];
	_ =	sdelay $0x2  }
0xb9: {  	s31 =	sshll.u32 s1, $0xD;
	s1 =	sshrl.u32 s1, $0x2  }
0xba: {  	s3 =	sand.u32 $0x4000, s31;
	s1 =	sadd.s32 s1, s30  }
0xbb: {  	s0 =	sor.u32 s3, s0;
	s1 =	sshll.u32 s1, $0x11  }
0xbc: {  	s0 =	sor.u32 s1, s0  }
0xbd: {  	s0 =	sadd.s32 $0x8F2B, s0  }
0xbe: {  	[sflag:s0] =	ssyncadd.remote.s32 $0x1  }
0xbf: {  	_ =	sfence.sel $0xFFFF  }
0xc0: {  	[dreg:$0x0] =	wrdreg $0xFFFFFFFF;
	(pc) =	sbr.abs _section_cstart, $3  }
0xc1: {  	[dreg:$0x1] =	wrdreg $0xFFFFFFFF  }
0xc2: {  	_ =	task.clear_ibuf [dreg:s8], $0x2FFFF;
	_ =	strace $0x9FFFFFFF  }
0xc3: {  	(tm) =	ssettm $0x7FFFFFFF  }
tec
execute0_lowered:
.L_overlay_start_1:
0x0: {  	(tag) =	ssettag $0x1  }
0x1: {  	s3 =	rddreg [dreg:$0x0]  }
0x2: {  	s5 =	rddreg [dreg:$0x1]  }
0x3: {  	s0 =	rddreg [dreg:$0x2];
	s4 =	srdreg.scid  }
0x4: {  	s2 =	simm.s32 $0x0;
	s1 =	stileid.u32;
	s8 =	simm.s32 $0x20000  }
0x5: {  	s9 =	simm.s32 $0xC800;
	s10 =	simm.s32 $0x1;
	s11 =	simm.s32 $0x2  }
0x6: {  	s12 =	simm.s32 $0x19000;
	s13 =	simm.s32 $0x3;
	s4 =	sand.u32 $0x1, s4  }
0x7: {  	s14 =	simm.s32 $0x0;
	s6 =	sshll.u32 s1, $0xA;
	s7 =	sshll.u32 s4, $0x9  }
0x8: {  	[smem:$0x7FF] =	sst s2;
	s4 =	ssub.s32 $0x2, s4;
	s6 =	sor.u32 s7, s6  }
0x9: {  	_ =	strace $0x80000047;
	s31 =	sshrl.u32 s4, $0x1;
	s3 =	sadd.s32 s3, s6  }
0xa: {  	s6 =	sshrl.u32 s6, $0x3;
	s7 =	ssub.s32 s4, s31;
	s4 =	sadd.s32 $0x100, s3  }
0xb: {  	v0 =	vimm.s32 $0x0;
	v1 =	vlaneseq.u32;
	s5 =	sadd.s32 s5, s6;
	s6 =	smax.u32 s7, $0x1;
	s7 =	simm.s32 $0x800  }
.LBB2_1:
0xc: {  	[tilespmem:s2], [sflag:$0x1] =	stream.strided.gather [hbm4b:s3+s7], $0xC800, s8, s7, $0x38;
	[tilespmem:$0x19200] =	vst v63  }
0xd: {  	_ = 	snop  }
0xe: {  	[tilespmem:s9], [sflag:$0x2] =	stream.strided.gather [hbm4b:s4+s7], $0xC800, s8, s7, $0x38;
	[tilespmem:$0x19200] =	vst v63  }
0xf: {  	_ =	swait.ge [sflag:s10], $0xC800  }
0x10: {  	s15 =	simm.s32 $0x19000;
	[sflag:s10] =	ssyncset.done $0x0  }
0x11: {  	s16 =	simm.s32 $0x0;
	s17 =	simm.s32 $0x0;
	[sflag:s10] =	ssyncadd.s32 $0xFFFF3800  }
.LBB2_2:
0x12: {  	s18 =	sand.u32 $0x70, s17;
	s19 =	sand.u32 $0x400, s16  }
0x13: {  	s18 =	sor.u32 s18, s19  }
0x14: {  	v2 =	vld [tilespmem:s18+$0x0]  }
0x15: {  	v3 =	vld [tilespmem:s18+$0x80]  }
0x16: {  	v4 =	vld [tilespmem:s18+$0x100]  }
0x17: {  	v5 =	vld [tilespmem:s18+$0x180]  }
0x18: {  	v6 =	vld [tilespmem:s18+$0x200]  }
0x19: {  	v8 =	vld [tilespmem:s18+$0x300]  }
0x1a: {  	v55 =	vld [tilespmem:s18+$0x380]  }
0x1b: {  	v59 =	vld [tilespmem:s18+$0x800]  }
0x1c: {  	v61 =	vld [tilespmem:s18+$0x880]  }
0x1d: {  	v62 =	vld [tilespmem:s18+$0x900];
	v2 =	vand.u32 $0x7FFFFFFF, v2  }
0x1e: {  	v3 =	vand.u32 $0x7FFFFFFF, v3;
	v4 =	vand.u32 $0x7FFFFFFF, v4;
	vm0 =	vne.s32 v2, $0x0;
	v2 =	vld [tilespmem:s18+$0x280]  }
0x1f: {  	v20 =	vld [tilespmem:s18+$0xB00];
	v54 =	vand.u32 $0x7FFFFFFF, v5;
	v57 =	vand.u32 $0x7FFFFFFF, v6;
	vm1 =	vne.s32 v3, $0x0  }
0x20: {  	v22 =	vld [tilespmem:s18+$0xB80];
	vm9 =	vne.s32 v4, $0x0;
	v3 =	vsel vm0, $0x1, v0;
	v7 =	vsel vm1, $0x1, v0  }
0x21: {  	v23 =	vld [tilespmem:s18+$0x1000];
	vm10 =	vne.s32 v54, $0x0;
	v56 =	vsel vm9, $0x1, v0;
	v3 =	vadd.s32 v3, v7  }
0x22: {  	v35 =	vld [tilespmem:s18+$0x1280];
	vm11 =	vne.s32 v57, $0x0;
	v58 =	vsel vm10, $0x1, v0;
	v3 =	vadd.s32 v56, v3  }
0x23: {  	v36 =	vld [tilespmem:s18+$0x1300];
	v60 =	vsel vm11, $0x1, v0;
	v3 =	vadd.s32 v58, v3;
	v2 =	vand.u32 $0x7FFFFFFF, v2  }
0x24: {  	v48 =	vld [tilespmem:s18+$0x1980];
	v3 =	vadd.s32 v60, v3;
	vm12 =	vne.s32 v2, $0x0;
	v2 =	vand.u32 $0x7FFFFFFF, v8  }
0x25: {  	v49 =	vld [tilespmem:s18+$0x1A00];
	v63 =	vsel vm12, $0x1, v0;
	vm13 =	vne.s32 v2, $0x0;
	v2 =	vand.u32 $0x7FFFFFFF, v55  }
0x26: {  	v15 =	vand.u32 $0x7FFFFFFF, v61;
	vm14 =	vne.s32 v2, $0x0;
	v2 =	vadd.s32 v63, v3;
	v3 =	vld [tilespmem:s18+$0x980]  }
0x27: {  	v14 =	vld [tilespmem:s18+$0xA00];
	v18 =	vand.u32 $0x7FFFFFFF, v62;
	v28 =	vand.u32 $0x7FFFFFFF, v22;
	v31 =	vand.u32 $0x7FFFFFFF, v23  }
0x28: {  	v16 =	vld [tilespmem:s18+$0xA80];
	v41 =	vand.u32 $0x7FFFFFFF, v35;
	v44 =	vand.u32 $0x7FFFFFFF, v36;
	v4 =	vand.u32 $0x7FFFFFFF, v59  }
0x29: {  	vm4 =	vne.s32 v15, $0x0;
	vm5 =	vne.s32 v18, $0x0;
	v54 =	vand.u32 $0x7FFFFFFF, v48  }
0x2a: {  	v27 =	vld [tilespmem:s18+$0x1100];
	v57 =	vand.u32 $0x7FFFFFFF, v49;
	vm15 =	vne.s32 v4, $0x0;
	v19 =	vsel vm4, $0x1, v0  }
0x2b: {  	v33 =	vld [tilespmem:s18+$0x1200];
	v21 =	vsel vm5, $0x1, v0;
	v4 =	vand.u32 $0x7FFFFFFF, v20;
	v3 =	vand.u32 $0x7FFFFFFF, v3  }
0x2c: {  	v29 =	vld [tilespmem:s18+$0x1180];
	vm10 =	vne.s32 v28, $0x0;
	vm6 =	vne.s32 v3, $0x0;
	v3 =	vand.u32 $0x7FFFFFFF, v14  }
0x2d: {  	v46 =	vld [tilespmem:s18+$0x1900];
	vm11 =	vne.s32 v31, $0x0;
	vm7 =	vne.s32 v3, $0x0;
	v3 =	vand.u32 $0x7FFFFFFF, v16  }
0x2e: {  	vm4 =	vne.s32 v41, $0x0;
	vm5 =	vne.s32 v44, $0x0;
	vm8 =	vne.s32 v3, $0x0;
	v3 =	vld [tilespmem:s18+$0x1080]  }
0x2f: {  	v61 =	vld [tilespmem:s18+$0x2080];
	v17 =	vsel vm15, $0x1, v0;
	vm9 =	vne.s32 v4, $0x0;
	v32 =	vsel vm10, $0x1, v0  }
0x30: {  	v62 =	vld [tilespmem:s18+$0x2100];
	v34 =	vsel vm11, $0x1, v0;
	v4 =	vand.u32 $0x7FFFFFFF, v33;
	v45 =	vsel vm4, $0x1, v0  }
0x31: {  	v22 =	vld [tilespmem:s18+$0x2380];
	v47 =	vsel vm5, $0x1, v0;
	vm10 =	vne.s32 v54, $0x0;
	vm11 =	vne.s32 v57, $0x0  }
0x32: {  	v23 =	vld [tilespmem:s18+$0x2800];
	v30 =	vsel vm9, $0x1, v0;
	vm15 =	vne.s32 v4, $0x0;
	v4 =	vand.u32 $0x7FFFFFFF, v46  }
0x33: {  	v35 =	vld [tilespmem:s18+$0x2A80];
	v43 =	vsel vm15, $0x1, v0;
	vm9 =	vne.s32 v4, $0x0;
	v3 =	vand.u32 $0x7FFFFFFF, v3  }
0x34: {  	v36 =	vld [tilespmem:s18+$0x2B00];
	v58 =	vsel vm10, $0x1, v0;
	vm12 =	vne.s32 v3, $0x0;
	v3 =	vand.u32 $0x7FFFFFFF, v27  }
0x35: {  	v59 =	vld [tilespmem:s18+$0x2000];
	v12 =	vsel vm13, $0x1, v0;
	vm13 =	vne.s32 v3, $0x0;
	v3 =	vand.u32 $0x7FFFFFFF, v29  }
0x36: {  	v15 =	vand.u32 $0x7FFFFFFF, v61;
	v13 =	vsel vm14, $0x1, v0;
	vm14 =	vne.s32 v3, $0x0;
	v3 =	vld [tilespmem:s18+$0x1380]  }
0x37: {  	v40 =	vld [tilespmem:s18+$0x1800];
	v18 =	vand.u32 $0x7FFFFFFF, v62;
	v28 =	vand.u32 $0x7FFFFFFF, v22;
	v2 =	vadd.s32 v12, v2  }
0x38: {  	v42 =	vld [tilespmem:s18+$0x1880];
	v31 =	vand.u32 $0x7FFFFFFF, v23;
	v41 =	vand.u32 $0x7FFFFFFF, v35;
	v2 =	vadd.s32 v13, v2  }
0x39: {  	v53 =	vld [tilespmem:s18+$0x1B00];
	v44 =	vand.u32 $0x7FFFFFFF, v36;
	v56 =	vsel vm9, $0x1, v0;
	v2 =	vadd.s32 v17, v2  }
0x3a: {  	v48 =	vld [tilespmem:s18+$0x3180];
	v60 =	vsel vm11, $0x1, v0;
	v4 =	vand.u32 $0x7FFFFFFF, v59;
	v2 =	vadd.s32 v19, v2  }
0x3b: {  	v49 =	vld [tilespmem:s18+$0x3200];
	vm4 =	vne.s32 v15, $0x0;
	v2 =	vadd.s32 v21, v2;
	v3 =	vand.u32 $0x7FFFFFFF, v3  }
0x3c: {  	v20 =	vld [tilespmem:s18+$0x2300];
	v24 =	vsel vm6, $0x1, v0;
	vm6 =	vne.s32 v3, $0x0;
	v3 =	vand.u32 $0x7FFFFFFF, v40  }
0x3d: {  	v33 =	vld [tilespmem:s18+$0x2A00];
	v25 =	vsel vm7, $0x1, v0;
	vm7 =	vne.s32 v3, $0x0;
	v3 =	vand.u32 $0x7FFFFFFF, v42  }
0x3e: {  	v2 =	vadd.s32 v24, v2;
	v26 =	vsel vm8, $0x1, v0;
	vm8 =	vne.s32 v3, $0x0;
	v3 =	vld [tilespmem:s18+$0x1A80]  }
0x3f: {  	v61 =	vld [tilespmem:s18+$0x3880];
	vm5 =	vne.s32 v18, $0x0;
	vm10 =	vne.s32 v28, $0x0;
	v2 =	vadd.s32 v25, v2  }
0x40: {  	vm11 =	vne.s32 v31, $0x0;
	v54 =	vand.u32 $0x7FFFFFFF, v48;
	v55 =	vld [tilespmem:s18+$0x1B80];
	v2 =	vadd.s32 v26, v2  }
0x41: {  	v62 =	vld [tilespmem:s18+$0x3900];
	vm15 =	vne.s32 v4, $0x0;
	v4 =	vand.u32 $0x7FFFFFFF, v20;
	v2 =	vadd.s32 v30, v2  }
0x42: {  	v22 =	vld [tilespmem:s18+$0x3B80];
	v57 =	vand.u32 $0x7FFFFFFF, v49;
	vm9 =	vne.s32 v4, $0x0;
	v2 =	vadd.s32 v32, v2  }
0x43: {  	v23 =	vld [tilespmem:s18+$0x4000];
	v4 =	vand.u32 $0x7FFFFFFF, v33;
	v2 =	vadd.s32 v34, v2;
	v3 =	vand.u32 $0x7FFFFFFF, v3  }
0x44: {  	v37 =	vsel vm12, $0x1, v0;
	vm12 =	vne.s32 v3, $0x0;
	v3 =	vand.u32 $0x7FFFFFFF, v53  }
0x45: {  	v46 =	vld [tilespmem:s18+$0x3100];
	v38 =	vsel vm13, $0x1, v0;
	vm13 =	vne.s32 v3, $0x0;
	v3 =	vand.u32 $0x7FFFFFFF, v55  }
0x46: {  	v2 =	vadd.s32 v37, v2;
	v39 =	vsel vm14, $0x1, v0;
	vm14 =	vne.s32 v3, $0x0;
	v3 =	vld [tilespmem:s18+$0x2180]  }
0x47: {  	v15 =	vand.u32 $0x7FFFFFFF, v61;
	v18 =	vand.u32 $0x7FFFFFFF, v62;
	v14 =	vld [tilespmem:s18+$0x2200];
	v2 =	vadd.s32 v38, v2  }
0x48: {  	v28 =	vand.u32 $0x7FFFFFFF, v22;
	v31 =	vand.u32 $0x7FFFFFFF, v23;
	v16 =	vld [tilespmem:s18+$0x2280];
	v2 =	vadd.s32 v39, v2  }
0x49: {  	v17 =	vsel vm15, $0x1, v0;
	vm15 =	vne.s32 v4, $0x0;
	v2 =	vadd.s32 v43, v2  }
0x4a: {  	v35 =	vld [tilespmem:s18+$0x4280];
	v4 =	vand.u32 $0x7FFFFFFF, v46;
	v19 =	vsel vm4, $0x1, v0;
	v2 =	vadd.s32 v45, v2  }
0x4b: {  	v36 =	vld [tilespmem:s18+$0x4300];
	vm4 =	vne.s32 v41, $0x0;
	v2 =	vadd.s32 v47, v2;
	v3 =	vand.u32 $0x7FFFFFFF, v3  }
0x4c: {  	v50 =	vsel vm6, $0x1, v0;
	vm6 =	vne.s32 v3, $0x0;
	v3 =	vand.u32 $0x7FFFFFFF, v14  }
0x4d: {  	v59 =	vld [tilespmem:s18+$0x3800];
	v51 =	vsel vm7, $0x1, v0;
	vm7 =	vne.s32 v3, $0x0;
	v3 =	vand.u32 $0x7FFFFFFF, v16  }
0x4e: {  	v2 =	vadd.s32 v50, v2;
	v52 =	vsel vm8, $0x1, v0;
	vm8 =	vne.s32 v3, $0x0;
	v3 =	vld [tilespmem:s18+$0x2880]  }
0x4f: {  	v41 =	vand.u32 $0x7FFFFFFF, v35;
	v21 =	vsel vm5, $0x1, v0;
	v27 =	vld [tilespmem:s18+$0x2900];
	v2 =	vadd.s32 v51, v2  }
0x50: {  	vm5 =	vne.s32 v44, $0x0;
	v44 =	vand.u32 $0x7FFFFFFF, v36;
	v29 =	vld [tilespmem:s18+$0x2980];
	v2 =	vadd.s32 v52, v2  }
0x51: {  	v30 =	vsel vm9, $0x1, v0;
	vm9 =	vne.s32 v4, $0x0;
	v2 =	vadd.s32 v56, v2  }
0x52: {  	v48 =	vld [tilespmem:s18+$0x4980];
	v4 =	vand.u32 $0x7FFFFFFF, v59;
	v32 =	vsel vm10, $0x1, v0;
	v2 =	vadd.s32 v58, v2  }
0x53: {  	v49 =	vld [tilespmem:s18+$0x4A00];
	vm10 =	vne.s32 v54, $0x0;
	v2 =	vadd.s32 v60, v2;
	v3 =	vand.u32 $0x7FFFFFFF, v3  }
0x54: {  	v63 =	vsel vm12, $0x1, v0;
	vm12 =	vne.s32 v3, $0x0;
	v3 =	vand.u32 $0x7FFFFFFF, v27  }
0x55: {  	v20 =	vld [tilespmem:s18+$0x3B00];
	v12 =	vsel vm13, $0x1, v0;
	vm13 =	vne.s32 v3, $0x0;
	v3 =	vand.u32 $0x7FFFFFFF, v29  }
0x56: {  	v2 =	vadd.s32 v63, v2;
	v13 =	vsel vm14, $0x1, v0;
	vm14 =	vne.s32 v3, $0x0;
	v3 =	vld [tilespmem:s18+$0x2B80]  }
0x57: {  	v54 =	vand.u32 $0x7FFFFFFF, v48;
	v34 =	vsel vm11, $0x1, v0;
	v40 =	vld [tilespmem:s18+$0x3000];
	v2 =	vadd.s32 v12, v2  }
0x58: {  	vm11 =	vne.s32 v57, $0x0;
	v57 =	vand.u32 $0x7FFFFFFF, v49;
	v42 =	vld [tilespmem:s18+$0x3080];
	v2 =	vadd.s32 v13, v2  }
0x59: {  	v43 =	vsel vm15, $0x1, v0;
	vm15 =	vne.s32 v4, $0x0;
	v2 =	vadd.s32 v17, v2  }
0x5a: {  	v61 =	vld [tilespmem:s18+$0x5080];
	v4 =	vand.u32 $0x7FFFFFFF, v20;
	v45 =	vsel vm4, $0x1, v0;
	v2 =	vadd.s32 v19, v2  }
0x5b: {  	v62 =	vld [tilespmem:s18+$0x5100];
	vm4 =	vne.s32 v15, $0x0;
	v2 =	vadd.s32 v21, v2;
	v3 =	vand.u32 $0x7FFFFFFF, v3  }
0x5c: {  	v24 =	vsel vm6, $0x1, v0;
	vm6 =	vne.s32 v3, $0x0;
	v3 =	vand.u32 $0x7FFFFFFF, v40  }
0x5d: {  	v33 =	vld [tilespmem:s18+$0x4200];
	v25 =	vsel vm7, $0x1, v0;
	vm7 =	vne.s32 v3, $0x0;
	v3 =	vand.u32 $0x7FFFFFFF, v42  }
0x5e: {  	v2 =	vadd.s32 v24, v2;
	v26 =	vsel vm8, $0x1, v0;
	vm8 =	vne.s32 v3, $0x0;
	v3 =	vld [tilespmem:s18+$0x3280]  }
0x5f: {  	v15 =	vand.u32 $0x7FFFFFFF, v61;
	v47 =	vsel vm5, $0x1, v0;
	v53 =	vld [tilespmem:s18+$0x3300];
	v2 =	vadd.s32 v25, v2  }
0x60: {  	vm5 =	vne.s32 v18, $0x0;
	v18 =	vand.u32 $0x7FFFFFFF, v62;
	v55 =	vld [tilespmem:s18+$0x3380];
	v2 =	vadd.s32 v26, v2  }
0x61: {  	v56 =	vsel vm9, $0x1, v0;
	vm9 =	vne.s32 v4, $0x0;
	v2 =	vadd.s32 v30, v2  }
0x62: {  	v22 =	vld [tilespmem:s18+$0x5380];
	v4 =	vand.u32 $0x7FFFFFFF, v33;
	v58 =	vsel vm10, $0x1, v0;
	v2 =	vadd.s32 v32, v2  }
0x63: {  	v23 =	vld [tilespmem:s18+$0x5800];
	vm10 =	vne.s32 v28, $0x0;
	v2 =	vadd.s32 v34, v2;
	v3 =	vand.u32 $0x7FFFFFFF, v3  }
0x64: {  	v37 =	vsel vm12, $0x1, v0;
	vm12 =	vne.s32 v3, $0x0;
	v3 =	vand.u32 $0x7FFFFFFF, v53  }
0x65: {  	v46 =	vld [tilespmem:s18+$0x4900];
	v38 =	vsel vm13, $0x1, v0;
	vm13 =	vne.s32 v3, $0x0;
	v3 =	vand.u32 $0x7FFFFFFF, v55  }
0x66: {  	v2 =	vadd.s32 v37, v2;
	v39 =	vsel vm14, $0x1, v0;
	vm14 =	vne.s32 v3, $0x0;
	v3 =	vld [tilespmem:s18+$0x3980]  }
0x67: {  	v28 =	vand.u32 $0x7FFFFFFF, v22;
	v60 =	vsel vm11, $0x1, v0;
	v14 =	vld [tilespmem:s18+$0x3A00];
	v2 =	vadd.s32 v38, v2  }
0x68: {  	vm11 =	vne.s32 v31, $0x0;
	v31 =	vand.u32 $0x7FFFFFFF, v23;
	v16 =	vld [tilespmem:s18+$0x3A80];
	v2 =	vadd.s32 v39, v2  }
0x69: {  	v17 =	vsel vm15, $0x1, v0;
	vm15 =	vne.s32 v4, $0x0;
	v2 =	vadd.s32 v43, v2  }
0x6a: {  	v35 =	vld [tilespmem:s18+$0x5A80];
	v4 =	vand.u32 $0x7FFFFFFF, v46;
	v19 =	vsel vm4, $0x1, v0;
	v2 =	vadd.s32 v45, v2  }
0x6b: {  	v36 =	vld [tilespmem:s18+$0x5B00];
	vm4 =	vne.s32 v41, $0x0;
	v2 =	vadd.s32 v47, v2;
	v3 =	vand.u32 $0x7FFFFFFF, v3  }
0x6c: {  	v50 =	vsel vm6, $0x1, v0;
	vm6 =	vne.s32 v3, $0x0;
	v3 =	vand.u32 $0x7FFFFFFF, v14  }
0x6d: {  	v59 =	vld [tilespmem:s18+$0x5000];
	v51 =	vsel vm7, $0x1, v0;
	vm7 =	vne.s32 v3, $0x0;
	v3 =	vand.u32 $0x7FFFFFFF, v16  }
0x6e: {  	v2 =	vadd.s32 v50, v2;
	v52 =	vsel vm8, $0x1, v0;
	vm8 =	vne.s32 v3, $0x0;
	v3 =	vld [tilespmem:s18+$0x4080]  }
0x6f: {  	v41 =	vand.u32 $0x7FFFFFFF, v35;
	v21 =	vsel vm5, $0x1, v0;
	v27 =	vld [tilespmem:s18+$0x4100];
	v2 =	vadd.s32 v51, v2  }
0x70: {  	vm5 =	vne.s32 v44, $0x0;
	v44 =	vand.u32 $0x7FFFFFFF, v36;
	v29 =	vld [tilespmem:s18+$0x4180];
	v2 =	vadd.s32 v52, v2  }
0x71: {  	v30 =	vsel vm9, $0x1, v0;
	vm9 =	vne.s32 v4, $0x0;
	v2 =	vadd.s32 v56, v2  }
0x72: {  	v48 =	vld [tilespmem:s18+$0x6180];
	v4 =	vand.u32 $0x7FFFFFFF, v59;
	v32 =	vsel vm10, $0x1, v0;
	v2 =	vadd.s32 v58, v2  }
0x73: {  	v49 =	vld [tilespmem:s18+$0x6200];
	vm10 =	vne.s32 v54, $0x0;
	v2 =	vadd.s32 v60, v2;
	v3 =	vand.u32 $0x7FFFFFFF, v3  }
0x74: {  	v63 =	vsel vm12, $0x1, v0;
	vm12 =	vne.s32 v3, $0x0;
	v3 =	vand.u32 $0x7FFFFFFF, v27  }
0x75: {  	v20 =	vld [tilespmem:s18+$0x5300];
	v12 =	vsel vm13, $0x1, v0;
	vm13 =	vne.s32 v3, $0x0;
	v3 =	vand.u32 $0x7FFFFFFF, v29  }
0x76: {  	v2 =	vadd.s32 v63, v2;
	v13 =	vsel vm14, $0x1, v0;
	vm14 =	vne.s32 v3, $0x0;
	v3 =	vld [tilespmem:s18+$0x4380]  }
0x77: {  	v54 =	vand.u32 $0x7FFFFFFF, v48;
	v34 =	vsel vm11, $0x1, v0;
	v40 =	vld [tilespmem:s18+$0x4800];
	v2 =	vadd.s32 v12, v2  }
0x78: {  	vm11 =	vne.s32 v57, $0x0;
	v57 =	vand.u32 $0x7FFFFFFF, v49;
	v42 =	vld [tilespmem:s18+$0x4880];
	v2 =	vadd.s32 v13, v2  }
0x79: {  	v43 =	vsel vm15, $0x1, v0;
	vm15 =	vne.s32 v4, $0x0;
	v2 =	vadd.s32 v17, v2  }
0x7a: {  	v61 =	vld [tilespmem:s18+$0x6880];
	v4 =	vand.u32 $0x7FFFFFFF, v20;
	v45 =	vsel vm4, $0x1, v0;
	v2 =	vadd.s32 v19, v2  }
0x7b: {  	v62 =	vld [tilespmem:s18+$0x6900];
	vm4 =	vne.s32 v15, $0x0;
	v2 =	vadd.s32 v21, v2;
	v3 =	vand.u32 $0x7FFFFFFF, v3  }
0x7c: {  	v24 =	vsel vm6, $0x1, v0;
	vm6 =	vne.s32 v3, $0x0;
	v3 =	vand.u32 $0x7FFFFFFF, v40  }
0x7d: {  	v33 =	vld [tilespmem:s18+$0x5A00];
	v25 =	vsel vm7, $0x1, v0;
	vm7 =	vne.s32 v3, $0x0;
	v3 =	vand.u32 $0x7FFFFFFF, v42  }
0x7e: {  	v2 =	vadd.s32 v24, v2;
	v26 =	vsel vm8, $0x1, v0;
	vm8 =	vne.s32 v3, $0x0;
	v3 =	vld [tilespmem:s18+$0x4A80]  }
0x7f: {  	v15 =	vand.u32 $0x7FFFFFFF, v61;
	v47 =	vsel vm5, $0x1, v0;
	v53 =	vld [tilespmem:s18+$0x4B00];
	v2 =	vadd.s32 v25, v2  }
0x80: {  	vm5 =	vne.s32 v18, $0x0;
	v18 =	vand.u32 $0x7FFFFFFF, v62;
	v55 =	vld [tilespmem:s18+$0x4B80];
	v2 =	vadd.s32 v26, v2  }
0x81: {  	v56 =	vsel vm9, $0x1, v0;
	vm9 =	vne.s32 v4, $0x0;
	v2 =	vadd.s32 v30, v2  }
0x82: {  	v22 =	vld [tilespmem:s18+$0x6B80];
	v4 =	vand.u32 $0x7FFFFFFF, v33;
	v58 =	vsel vm10, $0x1, v0;
	v2 =	vadd.s32 v32, v2  }
0x83: {  	v23 =	vld [tilespmem:s18+$0x7000];
	vm10 =	vne.s32 v28, $0x0;
	v2 =	vadd.s32 v34, v2;
	v3 =	vand.u32 $0x7FFFFFFF, v3  }
0x84: {  	v37 =	vsel vm12, $0x1, v0;
	vm12 =	vne.s32 v3, $0x0;
	v3 =	vand.u32 $0x7FFFFFFF, v53  }
0x85: {  	v46 =	vld [tilespmem:s18+$0x6100];
	v38 =	vsel vm13, $0x1, v0;
	vm13 =	vne.s32 v3, $0x0;
	v3 =	vand.u32 $0x7FFFFFFF, v55  }
0x86: {  	v2 =	vadd.s32 v37, v2;
	v39 =	vsel vm14, $0x1, v0;
	vm14 =	vne.s32 v3, $0x0;
	v3 =	vld [tilespmem:s18+$0x5180]  }
0x87: {  	v28 =	vand.u32 $0x7FFFFFFF, v22;
	v60 =	vsel vm11, $0x1, v0;
	v14 =	vld [tilespmem:s18+$0x5200];
	v2 =	vadd.s32 v38, v2  }
0x88: {  	vm11 =	vne.s32 v31, $0x0;
	v31 =	vand.u32 $0x7FFFFFFF, v23;
	v16 =	vld [tilespmem:s18+$0x5280];
	v2 =	vadd.s32 v39, v2  }
0x89: {  	v17 =	vsel vm15, $0x1, v0;
	vm15 =	vne.s32 v4, $0x0;
	v2 =	vadd.s32 v43, v2  }
0x8a: {  	v35 =	vld [tilespmem:s18+$0x7280];
	v4 =	vand.u32 $0x7FFFFFFF, v46;
	v19 =	vsel vm4, $0x1, v0;
	v2 =	vadd.s32 v45, v2  }
0x8b: {  	v36 =	vld [tilespmem:s18+$0x7300];
	vm4 =	vne.s32 v41, $0x0;
	v2 =	vadd.s32 v47, v2;
	v3 =	vand.u32 $0x7FFFFFFF, v3  }
0x8c: {  	v50 =	vsel vm6, $0x1, v0;
	vm6 =	vne.s32 v3, $0x0;
	v3 =	vand.u32 $0x7FFFFFFF, v14  }
0x8d: {  	v59 =	vld [tilespmem:s18+$0x6800];
	v51 =	vsel vm7, $0x1, v0;
	vm7 =	vne.s32 v3, $0x0;
	v3 =	vand.u32 $0x7FFFFFFF, v16  }
0x8e: {  	v2 =	vadd.s32 v50, v2;
	v52 =	vsel vm8, $0x1, v0;
	vm8 =	vne.s32 v3, $0x0;
	v3 =	vld [tilespmem:s18+$0x5880]  }
0x8f: {  	v41 =	vand.u32 $0x7FFFFFFF, v35;
	v21 =	vsel vm5, $0x1, v0;
	v27 =	vld [tilespmem:s18+$0x5900];
	v2 =	vadd.s32 v51, v2  }
0x90: {  	vm5 =	vne.s32 v44, $0x0;
	v44 =	vand.u32 $0x7FFFFFFF, v36;
	v29 =	vld [tilespmem:s18+$0x5980];
	v2 =	vadd.s32 v52, v2  }
0x91: {  	v30 =	vsel vm9, $0x1, v0;
	vm9 =	vne.s32 v4, $0x0;
	v2 =	vadd.s32 v56, v2  }
0x92: {  	v48 =	vld [tilespmem:s18+$0x7980];
	v4 =	vand.u32 $0x7FFFFFFF, v59;
	v32 =	vsel vm10, $0x1, v0;
	v2 =	vadd.s32 v58, v2  }
0x93: {  	v49 =	vld [tilespmem:s18+$0x7A00];
	vm10 =	vne.s32 v54, $0x0;
	v2 =	vadd.s32 v60, v2;
	v3 =	vand.u32 $0x7FFFFFFF, v3  }
0x94: {  	v63 =	vsel vm12, $0x1, v0;
	vm12 =	vne.s32 v3, $0x0;
	v3 =	vand.u32 $0x7FFFFFFF, v27  }
0x95: {  	v20 =	vld [tilespmem:s18+$0x6B00];
	v12 =	vsel vm13, $0x1, v0;
	vm13 =	vne.s32 v3, $0x0;
	v3 =	vand.u32 $0x7FFFFFFF, v29  }
0x96: {  	v2 =	vadd.s32 v63, v2;
	v13 =	vsel vm14, $0x1, v0;
	vm14 =	vne.s32 v3, $0x0;
	v3 =	vld [tilespmem:s18+$0x5B80]  }
0x97: {  	v54 =	vand.u32 $0x7FFFFFFF, v48;
	v34 =	vsel vm11, $0x1, v0;
	v40 =	vld [tilespmem:s18+$0x6000];
	v2 =	vadd.s32 v12, v2  }
0x98: {  	vm11 =	vne.s32 v57, $0x0;
	v57 =	vand.u32 $0x7FFFFFFF, v49;
	v42 =	vld [tilespmem:s18+$0x6080];
	v2 =	vadd.s32 v13, v2  }
0x99: {  	v43 =	vsel vm15, $0x1, v0;
	vm15 =	vne.s32 v4, $0x0;
	v2 =	vadd.s32 v17, v2  }
0x9a: {  	v61 =	vld [tilespmem:s18+$0x8080];
	v4 =	vand.u32 $0x7FFFFFFF, v20;
	v45 =	vsel vm4, $0x1, v0;
	v2 =	vadd.s32 v19, v2  }
0x9b: {  	v62 =	vld [tilespmem:s18+$0x8100];
	vm4 =	vne.s32 v15, $0x0;
	v2 =	vadd.s32 v21, v2;
	v3 =	vand.u32 $0x7FFFFFFF, v3  }
0x9c: {  	v24 =	vsel vm6, $0x1, v0;
	vm6 =	vne.s32 v3, $0x0;
	v3 =	vand.u32 $0x7FFFFFFF, v40  }
0x9d: {  	v33 =	vld [tilespmem:s18+$0x7200];
	v25 =	vsel vm7, $0x1, v0;
	vm7 =	vne.s32 v3, $0x0;
	v3 =	vand.u32 $0x7FFFFFFF, v42  }
0x9e: {  	v2 =	vadd.s32 v24, v2;
	v26 =	vsel vm8, $0x1, v0;
	vm8 =	vne.s32 v3, $0x0;
	v3 =	vld [tilespmem:s18+$0x6280]  }
0x9f: {  	v15 =	vand.u32 $0x7FFFFFFF, v61;
	v47 =	vsel vm5, $0x1, v0;
	v53 =	vld [tilespmem:s18+$0x6300];
	v2 =	vadd.s32 v25, v2  }
0xa0: {  	vm5 =	vne.s32 v18, $0x0;
	v18 =	vand.u32 $0x7FFFFFFF, v62;
	v55 =	vld [tilespmem:s18+$0x6380];
	v2 =	vadd.s32 v26, v2  }
0xa1: {  	v56 =	vsel vm9, $0x1, v0;
	vm9 =	vne.s32 v4, $0x0;
	v2 =	vadd.s32 v30, v2  }
0xa2: {  	v22 =	vld [tilespmem:s18+$0x8380];
	v4 =	vand.u32 $0x7FFFFFFF, v33;
	v58 =	vsel vm10, $0x1, v0;
	v2 =	vadd.s32 v32, v2  }
0xa3: {  	v23 =	vld [tilespmem:s18+$0x8800];
	vm10 =	vne.s32 v28, $0x0;
	v2 =	vadd.s32 v34, v2;
	v3 =	vand.u32 $0x7FFFFFFF, v3  }
0xa4: {  	v37 =	vsel vm12, $0x1, v0;
	vm12 =	vne.s32 v3, $0x0;
	v3 =	vand.u32 $0x7FFFFFFF, v53  }
0xa5: {  	v46 =	vld [tilespmem:s18+$0x7900];
	v38 =	vsel vm13, $0x1, v0;
	vm13 =	vne.s32 v3, $0x0;
	v3 =	vand.u32 $0x7FFFFFFF, v55  }
0xa6: {  	v2 =	vadd.s32 v37, v2;
	v39 =	vsel vm14, $0x1, v0;
	vm14 =	vne.s32 v3, $0x0;
	v3 =	vld [tilespmem:s18+$0x6980]  }
0xa7: {  	v28 =	vand.u32 $0x7FFFFFFF, v22;
	v60 =	vsel vm11, $0x1, v0;
	v14 =	vld [tilespmem:s18+$0x6A00];
	v2 =	vadd.s32 v38, v2  }
0xa8: {  	vm11 =	vne.s32 v31, $0x0;
	v31 =	vand.u32 $0x7FFFFFFF, v23;
	v16 =	vld [tilespmem:s18+$0x6A80];
	v2 =	vadd.s32 v39, v2  }
0xa9: {  	v17 =	vsel vm15, $0x1, v0;
	vm15 =	vne.s32 v4, $0x0;
	v2 =	vadd.s32 v43, v2  }
0xaa: {  	v35 =	vld [tilespmem:s18+$0x8A80];
	v4 =	vand.u32 $0x7FFFFFFF, v46;
	v19 =	vsel vm4, $0x1, v0;
	v2 =	vadd.s32 v45, v2  }
0xab: {  	v36 =	vld [tilespmem:s18+$0x8B00];
	vm4 =	vne.s32 v41, $0x0;
	v2 =	vadd.s32 v47, v2;
	v3 =	vand.u32 $0x7FFFFFFF, v3  }
0xac: {  	v50 =	vsel vm6, $0x1, v0;
	vm6 =	vne.s32 v3, $0x0;
	v3 =	vand.u32 $0x7FFFFFFF, v14  }
0xad: {  	v59 =	vld [tilespmem:s18+$0x8000];
	v51 =	vsel vm7, $0x1, v0;
	vm7 =	vne.s32 v3, $0x0;
	v3 =	vand.u32 $0x7FFFFFFF, v16  }
0xae: {  	v2 =	vadd.s32 v50, v2;
	v52 =	vsel vm8, $0x1, v0;
	vm8 =	vne.s32 v3, $0x0;
	v3 =	vld [tilespmem:s18+$0x7080]  }
0xaf: {  	v41 =	vand.u32 $0x7FFFFFFF, v35;
	v21 =	vsel vm5, $0x1, v0;
	v27 =	vld [tilespmem:s18+$0x7100];
	v2 =	vadd.s32 v51, v2  }
0xb0: {  	vm5 =	vne.s32 v44, $0x0;
	v44 =	vand.u32 $0x7FFFFFFF, v36;
	v29 =	vld [tilespmem:s18+$0x7180];
	v2 =	vadd.s32 v52, v2  }
0xb1: {  	v30 =	vsel vm9, $0x1, v0;
	vm9 =	vne.s32 v4, $0x0;
	v2 =	vadd.s32 v56, v2  }
0xb2: {  	v48 =	vld [tilespmem:s18+$0x9180];
	v4 =	vand.u32 $0x7FFFFFFF, v59;
	v32 =	vsel vm10, $0x1, v0;
	v2 =	vadd.s32 v58, v2  }
0xb3: {  	v49 =	vld [tilespmem:s18+$0x9200];
	vm10 =	vne.s32 v54, $0x0;
	v2 =	vadd.s32 v60, v2;
	v3 =	vand.u32 $0x7FFFFFFF, v3  }
0xb4: {  	v63 =	vsel vm12, $0x1, v0;
	vm12 =	vne.s32 v3, $0x0;
	v3 =	vand.u32 $0x7FFFFFFF, v27  }
0xb5: {  	v20 =	vld [tilespmem:s18+$0x8300];
	v12 =	vsel vm13, $0x1, v0;
	vm13 =	vne.s32 v3, $0x0;
	v3 =	vand.u32 $0x7FFFFFFF, v29  }
0xb6: {  	v2 =	vadd.s32 v63, v2;
	v13 =	vsel vm14, $0x1, v0;
	vm14 =	vne.s32 v3, $0x0;
	v3 =	vld [tilespmem:s18+$0x7380]  }
0xb7: {  	v54 =	vand.u32 $0x7FFFFFFF, v48;
	v34 =	vsel vm11, $0x1, v0;
	v40 =	vld [tilespmem:s18+$0x7800];
	v2 =	vadd.s32 v12, v2  }
0xb8: {  	vm11 =	vne.s32 v57, $0x0;
	v57 =	vand.u32 $0x7FFFFFFF, v49;
	v42 =	vld [tilespmem:s18+$0x7880];
	v2 =	vadd.s32 v13, v2  }
0xb9: {  	v43 =	vsel vm15, $0x1, v0;
	vm15 =	vne.s32 v4, $0x0;
	v2 =	vadd.s32 v17, v2  }
0xba: {  	v61 =	vld [tilespmem:s18+$0x9880];
	v4 =	vand.u32 $0x7FFFFFFF, v20;
	v45 =	vsel vm4, $0x1, v0;
	v2 =	vadd.s32 v19, v2  }
0xbb: {  	v62 =	vld [tilespmem:s18+$0x9900];
	vm4 =	vne.s32 v15, $0x0;
	v2 =	vadd.s32 v21, v2;
	v3 =	vand.u32 $0x7FFFFFFF, v3  }
0xbc: {  	v24 =	vsel vm6, $0x1, v0;
	vm6 =	vne.s32 v3, $0x0;
	v3 =	vand.u32 $0x7FFFFFFF, v40  }
0xbd: {  	v33 =	vld [tilespmem:s18+$0x8A00];
	v25 =	vsel vm7, $0x1, v0;
	vm7 =	vne.s32 v3, $0x0;
	v3 =	vand.u32 $0x7FFFFFFF, v42  }
0xbe: {  	v2 =	vadd.s32 v24, v2;
	v26 =	vsel vm8, $0x1, v0;
	vm8 =	vne.s32 v3, $0x0;
	v3 =	vld [tilespmem:s18+$0x7A80]  }
0xbf: {  	v15 =	vand.u32 $0x7FFFFFFF, v61;
	v47 =	vsel vm5, $0x1, v0;
	v53 =	vld [tilespmem:s18+$0x7B00];
	v2 =	vadd.s32 v25, v2  }
0xc0: {  	vm5 =	vne.s32 v18, $0x0;
	v18 =	vand.u32 $0x7FFFFFFF, v62;
	v55 =	vld [tilespmem:s18+$0x7B80];
	v2 =	vadd.s32 v26, v2  }
0xc1: {  	v56 =	vsel vm9, $0x1, v0;
	vm9 =	vne.s32 v4, $0x0;
	v2 =	vadd.s32 v30, v2  }
0xc2: {  	v22 =	vld [tilespmem:s18+$0x9B80];
	v4 =	vand.u32 $0x7FFFFFFF, v33;
	v58 =	vsel vm10, $0x1, v0;
	v2 =	vadd.s32 v32, v2  }
0xc3: {  	v23 =	vld [tilespmem:s18+$0xA000];
	vm10 =	vne.s32 v28, $0x0;
	v2 =	vadd.s32 v34, v2;
	v3 =	vand.u32 $0x7FFFFFFF, v3  }
0xc4: {  	v37 =	vsel vm12, $0x1, v0;
	vm12 =	vne.s32 v3, $0x0;
	v3 =	vand.u32 $0x7FFFFFFF, v53  }
0xc5: {  	v46 =	vld [tilespmem:s18+$0x9100];
	v38 =	vsel vm13, $0x1, v0;
	vm13 =	vne.s32 v3, $0x0;
	v3 =	vand.u32 $0x7FFFFFFF, v55  }
0xc6: {  	v2 =	vadd.s32 v37, v2;
	v39 =	vsel vm14, $0x1, v0;
	vm14 =	vne.s32 v3, $0x0;
	v3 =	vld [tilespmem:s18+$0x8180]  }
0xc7: {  	v28 =	vand.u32 $0x7FFFFFFF, v22;
	v60 =	vsel vm11, $0x1, v0;
	v14 =	vld [tilespmem:s18+$0x8200];
	v2 =	vadd.s32 v38, v2  }
0xc8: {  	vm11 =	vne.s32 v31, $0x0;
	v31 =	vand.u32 $0x7FFFFFFF, v23;
	v16 =	vld [tilespmem:s18+$0x8280];
	v2 =	vadd.s32 v39, v2  }
0xc9: {  	v17 =	vsel vm15, $0x1, v0;
	vm15 =	vne.s32 v4, $0x0;
	v2 =	vadd.s32 v43, v2  }
0xca: {  	v35 =	vld [tilespmem:s18+$0xA280];
	v4 =	vand.u32 $0x7FFFFFFF, v46;
	v19 =	vsel vm4, $0x1, v0;
	v2 =	vadd.s32 v45, v2  }
0xcb: {  	v36 =	vld [tilespmem:s18+$0xA300];
	vm4 =	vne.s32 v41, $0x0;
	v2 =	vadd.s32 v47, v2;
	v3 =	vand.u32 $0x7FFFFFFF, v3  }
0xcc: {  	v50 =	vsel vm6, $0x1, v0;
	vm6 =	vne.s32 v3, $0x0;
	v3 =	vand.u32 $0x7FFFFFFF, v14  }
0xcd: {  	v49 =	vld [tilespmem:s18+$0xAA00];
	v51 =	vsel vm7, $0x1, v0;
	vm7 =	vne.s32 v3, $0x0;
	v3 =	vand.u32 $0x7FFFFFFF, v16  }
0xce: {  	v2 =	vadd.s32 v50, v2;
	v52 =	vsel vm8, $0x1, v0;
	vm8 =	vne.s32 v3, $0x0;
	v3 =	vld [tilespmem:s18+$0x8880]  }
0xcf: {  	v41 =	vand.u32 $0x7FFFFFFF, v35;
	v21 =	vsel vm5, $0x1, v0;
	v27 =	vld [tilespmem:s18+$0x8900];
	v2 =	vadd.s32 v51, v2  }
0xd0: {  	vm5 =	vne.s32 v44, $0x0;
	v44 =	vand.u32 $0x7FFFFFFF, v36;
	v29 =	vld [tilespmem:s18+$0x8980];
	v2 =	vadd.s32 v52, v2  }
0xd1: {  	v30 =	vsel vm9, $0x1, v0;
	vm9 =	vne.s32 v4, $0x0;
	v2 =	vadd.s32 v56, v2  }
0xd2: {  	v59 =	vld [tilespmem:s18+$0x9800];
	v34 =	vsel vm11, $0x1, v0;
	vm11 =	vne.s32 v57, $0x0;
	v2 =	vadd.s32 v58, v2  }
0xd3: {  	v48 =	vld [tilespmem:s18+$0xA980];
	v57 =	vand.u32 $0x7FFFFFFF, v49;
	v2 =	vadd.s32 v60, v2;
	v3 =	vand.u32 $0x7FFFFFFF, v3  }
0xd4: {  	v49 =	vld [tilespmem:s18+$0xC200];
	v63 =	vsel vm12, $0x1, v0;
	vm12 =	vne.s32 v3, $0x0;
	v3 =	vand.u32 $0x7FFFFFFF, v27  }
0xd5: {  	v20 =	vld [tilespmem:s18+$0x9B00];
	v12 =	vsel vm13, $0x1, v0;
	vm13 =	vne.s32 v3, $0x0;
	v3 =	vand.u32 $0x7FFFFFFF, v29  }
0xd6: {  	v2 =	vadd.s32 v63, v2;
	v13 =	vsel vm14, $0x1, v0;
	vm14 =	vne.s32 v3, $0x0;
	v3 =	vld [tilespmem:s18+$0x8B80]  }
0xd7: {  	v4 =	vand.u32 $0x7FFFFFFF, v59;
	v32 =	vsel vm10, $0x1, v0;
	v40 =	vld [tilespmem:s18+$0x9000];
	v2 =	vadd.s32 v12, v2  }
0xd8: {  	vm10 =	vne.s32 v54, $0x0;
	v54 =	vand.u32 $0x7FFFFFFF, v48;
	v42 =	vld [tilespmem:s18+$0x9080];
	v2 =	vadd.s32 v13, v2  }
0xd9: {  	v5 =	vand.u32 $0x7FFFFFFF, v49;
	v43 =	vsel vm15, $0x1, v0;
	v2 =	vadd.s32 v17, v2  }
0xda: {  	v61 =	vld [tilespmem:s18+$0xB080];
	vm15 =	vne.s32 v4, $0x0;
	v4 =	vand.u32 $0x7FFFFFFF, v20;
	v2 =	vadd.s32 v19, v2  }
0xdb: {  	v45 =	vsel vm4, $0x1, v0;
	v2 =	vadd.s32 v21, v2;
	v3 =	vand.u32 $0x7FFFFFFF, v3  }
0xdc: {  	v62 =	vld [tilespmem:s18+$0xB100];
	v24 =	vsel vm6, $0x1, v0;
	vm6 =	vne.s32 v3, $0x0;
	v3 =	vand.u32 $0x7FFFFFFF, v40  }
0xdd: {  	v33 =	vld [tilespmem:s18+$0xA200];
	v25 =	vsel vm7, $0x1, v0;
	vm7 =	vne.s32 v3, $0x0;
	v3 =	vand.u32 $0x7FFFFFFF, v42  }
0xde: {  	v2 =	vadd.s32 v24, v2;
	v26 =	vsel vm8, $0x1, v0;
	vm8 =	vne.s32 v3, $0x0;
	v3 =	vld [tilespmem:s18+$0x9280]  }
0xdf: {  	vm4 =	vne.s32 v15, $0x0;
	v15 =	vand.u32 $0x7FFFFFFF, v61;
	v53 =	vld [tilespmem:s18+$0x9300];
	v2 =	vadd.s32 v25, v2  }
0xe0: {  	v47 =	vsel vm5, $0x1, v0;
	vm5 =	vne.s32 v18, $0x0;
	v55 =	vld [tilespmem:s18+$0x9380];
	v2 =	vadd.s32 v26, v2  }
0xe1: {  	v18 =	vand.u32 $0x7FFFFFFF, v62;
	v56 =	vsel vm9, $0x1, v0;
	v2 =	vadd.s32 v30, v2  }
0xe2: {  	v22 =	vld [tilespmem:s18+$0xB380];
	vm9 =	vne.s32 v4, $0x0;
	v4 =	vand.u32 $0x7FFFFFFF, v33;
	v2 =	vadd.s32 v32, v2  }
0xe3: {  	v58 =	vsel vm10, $0x1, v0;
	v2 =	vadd.s32 v34, v2;
	v3 =	vand.u32 $0x7FFFFFFF, v3  }
0xe4: {  	v23 =	vld [tilespmem:s18+$0xB800];
	v37 =	vsel vm12, $0x1, v0;
	vm12 =	vne.s32 v3, $0x0;
	v3 =	vand.u32 $0x7FFFFFFF, v53  }
0xe5: {  	v46 =	vld [tilespmem:s18+$0xA900];
	v38 =	vsel vm13, $0x1, v0;
	vm13 =	vne.s32 v3, $0x0;
	v3 =	vand.u32 $0x7FFFFFFF, v55  }
0xe6: {  	v2 =	vadd.s32 v37, v2;
	v39 =	vsel vm14, $0x1, v0;
	vm14 =	vne.s32 v3, $0x0;
	v3 =	vld [tilespmem:s18+$0x9980]  }
0xe7: {  	vm10 =	vne.s32 v28, $0x0;
	v28 =	vand.u32 $0x7FFFFFFF, v22;
	v14 =	vld [tilespmem:s18+$0x9A00];
	v2 =	vadd.s32 v38, v2  }
0xe8: {  	v60 =	vsel vm11, $0x1, v0;
	vm11 =	vne.s32 v31, $0x0;
	v16 =	vld [tilespmem:s18+$0x9A80];
	v2 =	vadd.s32 v39, v2  }
0xe9: {  	v31 =	vand.u32 $0x7FFFFFFF, v23;
	v17 =	vsel vm15, $0x1, v0;
	v2 =	vadd.s32 v43, v2  }
0xea: {  	vm15 =	vne.s32 v4, $0x0;
	v4 =	vand.u32 $0x7FFFFFFF, v46;
	v2 =	vadd.s32 v45, v2  }
0xeb: {  	v35 =	vld [tilespmem:s18+$0xBA80];
	v2 =	vadd.s32 v47, v2;
	v50 =	vsel vm6, $0x1, v0;
	v3 =	vand.u32 $0x7FFFFFFF, v3  }
0xec: {  	v36 =	vld [tilespmem:s18+$0xBB00];
	v51 =	vsel vm7, $0x1, v0;
	vm6 =	vne.s32 v3, $0x0;
	v3 =	vand.u32 $0x7FFFFFFF, v14  }
0xed: {  	v2 =	vadd.s32 v50, v2;
	vm7 =	vne.s32 v3, $0x0;
	v3 =	vand.u32 $0x7FFFFFFF, v16  }
0xee: {  	v52 =	vsel vm8, $0x1, v0;
	v2 =	vadd.s32 v51, v2;
	vm8 =	vne.s32 v3, $0x0;
	v3 =	vld [tilespmem:s18+$0xA080]  }
0xef: {  	v19 =	vsel vm4, $0x1, v0;
	vm4 =	vne.s32 v41, $0x0;
	v27 =	vld [tilespmem:s18+$0xA100];
	v2 =	vadd.s32 v52, v2  }
0xf0: {  	v41 =	vand.u32 $0x7FFFFFFF, v35;
	v21 =	vsel vm5, $0x1, v0;
	v29 =	vld [tilespmem:s18+$0xA180];
	v2 =	vadd.s32 v56, v2  }
0xf1: {  	vm5 =	vne.s32 v44, $0x0;
	v44 =	vand.u32 $0x7FFFFFFF, v36;
	v2 =	vadd.s32 v58, v2  }
0xf2: {  	v59 =	vld [tilespmem:s18+$0xB000];
	v2 =	vadd.s32 v60, v2;
	v63 =	vsel vm12, $0x1, v0;
	v12 =	vsel vm13, $0x1, v0  }
0xf3: {  	v2 =	vadd.s32 v63, v2;
	v13 =	vsel vm14, $0x1, v0;
	v3 =	vand.u32 $0x7FFFFFFF, v3  }
0xf4: {  	v2 =	vadd.s32 v12, v2;
	vm12 =	vne.s32 v3, $0x0;
	v3 =	vand.u32 $0x7FFFFFFF, v27  }
0xf5: {  	v48 =	vld [tilespmem:s18+$0xC180];
	v2 =	vadd.s32 v13, v2;
	vm13 =	vne.s32 v3, $0x0;
	v3 =	vand.u32 $0x7FFFFFFF, v29  }
0xf6: {  	v30 =	vsel vm9, $0x1, v0;
	v2 =	vadd.s32 v17, v2;
	vm14 =	vne.s32 v3, $0x0;
	v3 =	vld [tilespmem:s18+$0xA380]  }
0xf7: {  	vm9 =	vne.s32 v4, $0x0;
	v4 =	vand.u32 $0x7FFFFFFF, v59;
	v40 =	vld [tilespmem:s18+$0xA800];
	v2 =	vadd.s32 v19, v2  }
0xf8: {  	v32 =	vsel vm10, $0x1, v0;
	v42 =	vld [tilespmem:s18+$0xA880];
	v2 =	vadd.s32 v21, v2;
	v24 =	vsel vm6, $0x1, v0  }
0xf9: {  	vm10 =	vne.s32 v54, $0x0;
	v25 =	vsel vm7, $0x1, v0;
	v2 =	vadd.s32 v24, v2  }
0xfa: {  	v54 =	vand.u32 $0x7FFFFFFF, v48;
	v26 =	vsel vm8, $0x1, v0;
	v2 =	vadd.s32 v25, v2  }
0xfb: {  	v34 =	vsel vm11, $0x1, v0;
	v2 =	vadd.s32 v26, v2;
	v3 =	vand.u32 $0x7FFFFFFF, v3  }
0xfc: {  	v20 =	vld [tilespmem:s18+$0xB300];
	v2 =	vadd.s32 v30, v2;
	vm6 =	vne.s32 v3, $0x0;
	v3 =	vand.u32 $0x7FFFFFFF, v40  }
0xfd: {  	v2 =	vadd.s32 v32, v2;
	vm7 =	vne.s32 v3, $0x0;
	v3 =	vand.u32 $0x7FFFFFFF, v42  }
0xfe: {  	v2 =	vadd.s32 v34, v2;
	v37 =	vsel vm12, $0x1, v0;
	vm8 =	vne.s32 v3, $0x0;
	v3 =	vld [tilespmem:s18+$0xAA80]  }
0xff: {  	vm11 =	vne.s32 v57, $0x0;
	v53 =	vld [tilespmem:s18+$0xAB00];
	v38 =	vsel vm13, $0x1, v0;
	v2 =	vadd.s32 v37, v2  }
0x100: {  	v43 =	vsel vm15, $0x1, v0;
	v55 =	vld [tilespmem:s18+$0xAB80];
	v39 =	vsel vm14, $0x1, v0;
	v2 =	vadd.s32 v38, v2  }
0x101: {  	vm15 =	vne.s32 v4, $0x0;
	v4 =	vand.u32 $0x7FFFFFFF, v20;
	v2 =	vadd.s32 v39, v2  }
0x102: {  	v45 =	vsel vm4, $0x1, v0;
	vm4 =	vne.s32 v15, $0x0;
	v2 =	vadd.s32 v43, v2  }
0x103: {  	v47 =	vsel vm5, $0x1, v0;
	v2 =	vadd.s32 v45, v2;
	v3 =	vand.u32 $0x7FFFFFFF, v3  }
0x104: {  	v33 =	vld [tilespmem:s18+$0xBA00];
	v2 =	vadd.s32 v47, v2;
	vm12 =	vne.s32 v3, $0x0;
	v3 =	vand.u32 $0x7FFFFFFF, v53  }
0x105: {  	v50 =	vsel vm6, $0x1, v0;
	vm13 =	vne.s32 v3, $0x0;
	v3 =	vand.u32 $0x7FFFFFFF, v55  }
0x106: {  	v51 =	vsel vm7, $0x1, v0;
	v2 =	vadd.s32 v50, v2;
	vm14 =	vne.s32 v3, $0x0;
	v3 =	vld [tilespmem:s18+$0xB180]  }
0x107: {  	vm5 =	vne.s32 v18, $0x0;
	v14 =	vld [tilespmem:s18+$0xB200];
	v52 =	vsel vm8, $0x1, v0;
	v2 =	vadd.s32 v51, v2  }
0x108: {  	v56 =	vsel vm9, $0x1, v0;
	vm9 =	vne.s32 v4, $0x0;
	v16 =	vld [tilespmem:s18+$0xB280];
	v2 =	vadd.s32 v52, v2  }
0x109: {  	v4 =	vand.u32 $0x7FFFFFFF, v33;
	v58 =	vsel vm10, $0x1, v0;
	v2 =	vadd.s32 v56, v2  }
0x10a: {  	vm10 =	vne.s32 v28, $0x0;
	v60 =	vsel vm11, $0x1, v0;
	v2 =	vadd.s32 v58, v2  }
0x10b: {  	v2 =	vadd.s32 v60, v2;
	v63 =	vsel vm12, $0x1, v0;
	v3 =	vand.u32 $0x7FFFFFFF, v3  }
0x10c: {  	v12 =	vsel vm13, $0x1, v0;
	vm6 =	vne.s32 v3, $0x0;
	v3 =	vand.u32 $0x7FFFFFFF, v14  }
0x10d: {  	v2 =	vadd.s32 v63, v2;
	vm7 =	vne.s32 v3, $0x0;
	v3 =	vand.u32 $0x7FFFFFFF, v16  }
0x10e: {  	v13 =	vsel vm14, $0x1, v0;
	v2 =	vadd.s32 v12, v2;
	vm8 =	vne.s32 v3, $0x0;
	v3 =	vld [tilespmem:s18+$0xB880]  }
0x10f: {  	vm11 =	vne.s32 v31, $0x0;
	v17 =	vsel vm15, $0x1, v0;
	v27 =	vld [tilespmem:s18+$0xB900];
	v2 =	vadd.s32 v13, v2  }
0x110: {  	vm15 =	vne.s32 v4, $0x0;
	v19 =	vsel vm4, $0x1, v0;
	v29 =	vld [tilespmem:s18+$0xB980];
	v2 =	vadd.s32 v17, v2  }
0x111: {  	v21 =	vsel vm5, $0x1, v0;
	v30 =	vsel vm9, $0x1, v0;
	v2 =	vadd.s32 v19, v2  }
0x112: {  	v2 =	vadd.s32 v21, v2;
	v24 =	vsel vm6, $0x1, v0;
	v25 =	vsel vm7, $0x1, v0  }
0x113: {  	v2 =	vadd.s32 v24, v2;
	v26 =	vsel vm8, $0x1, v0;
	v3 =	vand.u32 $0x7FFFFFFF, v3  }
0x114: {  	v2 =	vadd.s32 v25, v2;
	vm12 =	vne.s32 v3, $0x0;
	v3 =	vand.u32 $0x7FFFFFFF, v27  }
0x115: {  	v2 =	vadd.s32 v26, v2;
	vm13 =	vne.s32 v3, $0x0;
	v3 =	vand.u32 $0x7FFFFFFF, v29  }
0x116: {  	v32 =	vsel vm10, $0x1, v0;
	v2 =	vadd.s32 v30, v2;
	vm14 =	vne.s32 v3, $0x0;
	v3 =	vld [tilespmem:s18+$0xBB80]  }
0x117: {  	vm4 =	vne.s32 v41, $0x0;
	v34 =	vsel vm11, $0x1, v0;
	v40 =	vld [tilespmem:s18+$0xC000];
	v2 =	vadd.s32 v32, v2  }
0x118: {  	vm5 =	vne.s32 v44, $0x0;
	v42 =	vld [tilespmem:s18+$0xC080];
	v2 =	vadd.s32 v34, v2;
	v37 =	vsel vm12, $0x1, v0  }
0x119: {  	v43 =	vsel vm15, $0x1, v0;
	v38 =	vsel vm13, $0x1, v0;
	v2 =	vadd.s32 v37, v2  }
0x11a: {  	v46 =	vld [tilespmem:s18+$0xC100];
	v45 =	vsel vm4, $0x1, v0;
	v39 =	vsel vm14, $0x1, v0;
	v2 =	vadd.s32 v38, v2  }
0x11b: {  	v47 =	vsel vm5, $0x1, v0;
	v2 =	vadd.s32 v39, v2;
	v3 =	vand.u32 $0x7FFFFFFF, v3  }
0x11c: {  	v2 =	vadd.s32 v43, v2;
	vm6 =	vne.s32 v3, $0x0;
	v3 =	vand.u32 $0x7FFFFFFF, v40  }
0x11d: {  	v2 =	vadd.s32 v45, v2;
	vm7 =	vne.s32 v3, $0x0;
	v3 =	vand.u32 $0x7FFFFFFF, v42  }
0x11e: {  	v2 =	vadd.s32 v47, v2;
	v50 =	vsel vm6, $0x1, v0;
	vm8 =	vne.s32 v3, $0x0;
	v3 =	vld [tilespmem:s18+$0xC280]  }
0x11f: {  	v4 =	vand.u32 $0x7FFFFFFF, v46;
	v53 =	vld [tilespmem:s18+$0xC300];
	v51 =	vsel vm7, $0x1, v0;
	v2 =	vadd.s32 v50, v2  }
0x120: {  	vm9 =	vne.s32 v4, $0x0;
	v55 =	vld [tilespmem:s18+$0xC380];
	v52 =	vsel vm8, $0x1, v0;
	v2 =	vadd.s32 v51, v2  }
0x121: {  	vm10 =	vne.s32 v54, $0x0;
	v56 =	vsel vm9, $0x1, v0;
	v2 =	vadd.s32 v52, v2  }
0x122: {  	vm11 =	vne.s32 v5, $0x0;
	v57 =	vsel vm10, $0x1, v0;
	v2 =	vadd.s32 v56, v2  }
0x123: {  	v58 =	vsel vm11, $0x1, v0;
	v2 =	vadd.s32 v57, v2;
	v3 =	vand.u32 $0x7FFFFFFF, v3  }
0x124: {  	v2 =	vadd.s32 v58, v2;
	vm12 =	vne.s32 v3, $0x0;
	v3 =	vand.u32 $0x7FFFFFFF, v53  }
0x125: {  	v59 =	vsel vm12, $0x1, v0;
	vm13 =	vne.s32 v3, $0x0;
	v3 =	vand.u32 $0x7FFFFFFF, v55  }
0x126: {  	v60 =	vsel vm13, $0x1, v0;
	vm14 =	vne.s32 v3, $0x0;
	v2 =	vadd.s32 v59, v2  }
0x127: {  	v3 =	vsel vm14, $0x1, v0;
	v2 =	vadd.s32 v60, v2  }
0x128: {  	v2 =	vadd.s32 v3, v2  }
0x129: {  	vm15 =	vgt.s32 v2, $0x1  }
0x12a: {  	v3 =	vmov s17;
	v2 =	vnsel vm15, $0x1, v2  }
0x12b: {  	v61 =	vor.u32 s17, v1;
	v3 =	vshll.u32 v3, $0x3;
	v2 =	vadd.s32 $0xFFFFFFFF, v2  }
0x12c: {  	v4 =	vand.u32 $0x7F, v61;
	v3 =	vand.u32 $0x400, v3;
	v62 =	vshll.u32 v2, $0x8  }
0x12d: {  	v3 =	vor.u32 v3, v4;
	v2 =	vshll.u32 v2, $0x7;
	v63 =	vand.u32 $0x7FFFF800, v62  }
0x12e: {  	v2 =	vand.u32 $0x380, v2;
	v3 =	vor.u32 v63, v3  }
0x12f: {  	v2 =	vor.u32 v2, v3;
	_ =	sdelay $0x4  }
0x130: {  	p0 =	sne.s32 s17, $0xF0;
	v2 =	vld.idx.msk [tilespmem:v2+s2+$0x0], $0xffff  }
.Ltmp0:
0x131: {  	_ = 	snop;
	(pc) =	sbr.rel @p0 .LBB2_2-.Ltmp0, $2  }
0x132: {  	_ =	sdelay $0x2  }
0x133: {  	s16 =	sadd.s32 $0x80, s16;
	s17 =	sadd.s32 $0x10, s17;
	[tilespmem:s15+$0x0] =	vst v2;
	s15 =	sadd.s32 $0x10, s15  }
0x134: {  	_ =	swait.ge [sflag:s11], $0xC800  }
0x135: {  	[sflag:s11] =	ssyncset.done $0x0  }
0x136: {  	s15 =	simm.s32 $0x0;
	s16 =	simm.s32 $0x0;
	[sflag:s11] =	ssyncadd.s32 $0xFFFF3800  }
.LBB2_4:
0x137: {  	s17 =	sand.u32 $0x70, s16;
	s18 =	sand.u32 $0x400, s15  }
0x138: {  	s17 =	sor.u32 s17, s18  }
0x139: {  	v2 =	vld [tilespmem:s17+$0xC800]  }
0x13a: {  	v3 =	vld [tilespmem:s17+$0xC880]  }
0x13b: {  	v4 =	vld [tilespmem:s17+$0xC900]  }
0x13c: {  	v5 =	vld [tilespmem:s17+$0xC980]  }
0x13d: {  	s30 =	sor.u32 s15, s16;
	v6 =	vld [tilespmem:s17+$0xCA00]  }
0x13e: {  	s18 =	sor.u32 $0x380, s30;
	v8 =	vld [tilespmem:s17+$0xCB00]  }
0x13f: {  	v55 =	vld [tilespmem:s18+$0xC800]  }
0x140: {  	v59 =	vld [tilespmem:s17+$0xD000]  }
0x141: {  	v61 =	vld [tilespmem:s17+$0xD080]  }
0x142: {  	v62 =	vld [tilespmem:s17+$0xD100];
	v2 =	vand.u32 $0x7FFFFFFF, v2  }
0x143: {  	v3 =	vand.u32 $0x7FFFFFFF, v3;
	v4 =	vand.u32 $0x7FFFFFFF, v4;
	vm0 =	vne.s32 v2, $0x0;
	v2 =	vld [tilespmem:s17+$0xCA80]  }
0x144: {  	v20 =	vld [tilespmem:s17+$0xD300];
	v54 =	vand.u32 $0x7FFFFFFF, v5;
	v57 =	vand.u32 $0x7FFFFFFF, v6;
	vm1 =	vne.s32 v3, $0x0  }
0x145: {  	v22 =	vld [tilespmem:s17+$0xD380];
	vm9 =	vne.s32 v4, $0x0;
	v3 =	vsel vm0, $0x1, v0;
	v7 =	vsel vm1, $0x1, v0  }
0x146: {  	v23 =	vld [tilespmem:s17+$0xD800];
	vm10 =	vne.s32 v54, $0x0;
	v56 =	vsel vm9, $0x1, v0;
	v3 =	vadd.s32 v3, v7  }
0x147: {  	v35 =	vld [tilespmem:s17+$0xDA80];
	vm11 =	vne.s32 v57, $0x0;
	v58 =	vsel vm10, $0x1, v0;
	v3 =	vadd.s32 v56, v3  }
0x148: {  	v36 =	vld [tilespmem:s17+$0xDB00];
	v60 =	vsel vm11, $0x1, v0;
	v3 =	vadd.s32 v58, v3;
	v2 =	vand.u32 $0x7FFFFFFF, v2  }
0x149: {  	v48 =	vld [tilespmem:s17+$0xE180];
	v3 =	vadd.s32 v60, v3;
	vm12 =	vne.s32 v2, $0x0;
	v2 =	vand.u32 $0x7FFFFFFF, v8  }
0x14a: {  	v49 =	vld [tilespmem:s17+$0xE200];
	v63 =	vsel vm12, $0x1, v0;
	vm13 =	vne.s32 v2, $0x0;
	v2 =	vand.u32 $0x7FFFFFFF, v55  }
0x14b: {  	v15 =	vand.u32 $0x7FFFFFFF, v61;
	vm14 =	vne.s32 v2, $0x0;
	v2 =	vadd.s32 v63, v3;
	v3 =	vld [tilespmem:s17+$0xD180]  }
0x14c: {  	v14 =	vld [tilespmem:s17+$0xD200];
	v18 =	vand.u32 $0x7FFFFFFF, v62;
	v28 =	vand.u32 $0x7FFFFFFF, v22;
	v31 =	vand.u32 $0x7FFFFFFF, v23  }
0x14d: {  	v16 =	vld [tilespmem:s17+$0xD280];
	v41 =	vand.u32 $0x7FFFFFFF, v35;
	v44 =	vand.u32 $0x7FFFFFFF, v36;
	v4 =	vand.u32 $0x7FFFFFFF, v59  }
0x14e: {  	vm4 =	vne.s32 v15, $0x0;
	vm5 =	vne.s32 v18, $0x0;
	v54 =	vand.u32 $0x7FFFFFFF, v48  }
0x14f: {  	v27 =	vld [tilespmem:s17+$0xD900];
	v57 =	vand.u32 $0x7FFFFFFF, v49;
	vm15 =	vne.s32 v4, $0x0;
	v19 =	vsel vm4, $0x1, v0  }
0x150: {  	v33 =	vld [tilespmem:s17+$0xDA00];
	v21 =	vsel vm5, $0x1, v0;
	v4 =	vand.u32 $0x7FFFFFFF, v20;
	v3 =	vand.u32 $0x7FFFFFFF, v3  }
0x151: {  	v29 =	vld [tilespmem:s17+$0xD980];
	vm10 =	vne.s32 v28, $0x0;
	vm6 =	vne.s32 v3, $0x0;
	v3 =	vand.u32 $0x7FFFFFFF, v14  }
0x152: {  	v46 =	vld [tilespmem:s17+$0xE100];
	vm11 =	vne.s32 v31, $0x0;
	vm7 =	vne.s32 v3, $0x0;
	v3 =	vand.u32 $0x7FFFFFFF, v16  }
0x153: {  	vm4 =	vne.s32 v41, $0x0;
	vm5 =	vne.s32 v44, $0x0;
	vm8 =	vne.s32 v3, $0x0;
	v3 =	vld [tilespmem:s17+$0xD880]  }
0x154: {  	v61 =	vld [tilespmem:s17+$0xE880];
	v17 =	vsel vm15, $0x1, v0;
	vm9 =	vne.s32 v4, $0x0;
	v32 =	vsel vm10, $0x1, v0  }
0x155: {  	v62 =	vld [tilespmem:s17+$0xE900];
	v34 =	vsel vm11, $0x1, v0;
	v4 =	vand.u32 $0x7FFFFFFF, v33;
	v45 =	vsel vm4, $0x1, v0  }
0x156: {  	v22 =	vld [tilespmem:s17+$0xEB80];
	v47 =	vsel vm5, $0x1, v0;
	vm10 =	vne.s32 v54, $0x0;
	vm11 =	vne.s32 v57, $0x0  }
0x157: {  	v23 =	vld [tilespmem:s17+$0xF000];
	v30 =	vsel vm9, $0x1, v0;
	vm15 =	vne.s32 v4, $0x0;
	v4 =	vand.u32 $0x7FFFFFFF, v46  }
0x158: {  	v35 =	vld [tilespmem:s17+$0xF280];
	v43 =	vsel vm15, $0x1, v0;
	vm9 =	vne.s32 v4, $0x0;
	v3 =	vand.u32 $0x7FFFFFFF, v3  }
0x159: {  	v36 =	vld [tilespmem:s17+$0xF300];
	v58 =	vsel vm10, $0x1, v0;
	vm12 =	vne.s32 v3, $0x0;
	v3 =	vand.u32 $0x7FFFFFFF, v27  }
0x15a: {  	v59 =	vld [tilespmem:s17+$0xE800];
	v12 =	vsel vm13, $0x1, v0;
	vm13 =	vne.s32 v3, $0x0;
	v3 =	vand.u32 $0x7FFFFFFF, v29  }
0x15b: {  	v15 =	vand.u32 $0x7FFFFFFF, v61;
	v13 =	vsel vm14, $0x1, v0;
	vm14 =	vne.s32 v3, $0x0;
	v3 =	vld [tilespmem:s17+$0xDB80]  }
0x15c: {  	v40 =	vld [tilespmem:s17+$0xE000];
	v18 =	vand.u32 $0x7FFFFFFF, v62;
	v28 =	vand.u32 $0x7FFFFFFF, v22;
	v2 =	vadd.s32 v12, v2  }
0x15d: {  	v42 =	vld [tilespmem:s17+$0xE080];
	v31 =	vand.u32 $0x7FFFFFFF, v23;
	v41 =	vand.u32 $0x7FFFFFFF, v35;
	v2 =	vadd.s32 v13, v2  }
0x15e: {  	v53 =	vld [tilespmem:s17+$0xE300];
	v44 =	vand.u32 $0x7FFFFFFF, v36;
	v56 =	vsel vm9, $0x1, v0;
	v2 =	vadd.s32 v17, v2  }
0x15f: {  	v48 =	vld [tilespmem:s17+$0xF980];
	v60 =	vsel vm11, $0x1, v0;
	v4 =	vand.u32 $0x7FFFFFFF, v59;
	v2 =	vadd.s32 v19, v2  }
0x160: {  	v49 =	vld [tilespmem:s17+$0xFA00];
	vm4 =	vne.s32 v15, $0x0;
	v2 =	vadd.s32 v21, v2;
	v3 =	vand.u32 $0x7FFFFFFF, v3  }
0x161: {  	v20 =	vld [tilespmem:s17+$0xEB00];
	v24 =	vsel vm6, $0x1, v0;
	vm6 =	vne.s32 v3, $0x0;
	v3 =	vand.u32 $0x7FFFFFFF, v40  }
0x162: {  	v33 =	vld [tilespmem:s17+$0xF200];
	v25 =	vsel vm7, $0x1, v0;
	vm7 =	vne.s32 v3, $0x0;
	v3 =	vand.u32 $0x7FFFFFFF, v42  }
0x163: {  	v2 =	vadd.s32 v24, v2;
	v26 =	vsel vm8, $0x1, v0;
	vm8 =	vne.s32 v3, $0x0;
	v3 =	vld [tilespmem:s17+$0xE280]  }
0x164: {  	v61 =	vld [tilespmem:s17+$0x10080];
	vm5 =	vne.s32 v18, $0x0;
	vm10 =	vne.s32 v28, $0x0;
	v2 =	vadd.s32 v25, v2  }
0x165: {  	vm11 =	vne.s32 v31, $0x0;
	v54 =	vand.u32 $0x7FFFFFFF, v48;
	v55 =	vld [tilespmem:s17+$0xE380];
	v2 =	vadd.s32 v26, v2  }
0x166: {  	v62 =	vld [tilespmem:s17+$0x10100];
	vm15 =	vne.s32 v4, $0x0;
	v4 =	vand.u32 $0x7FFFFFFF, v20;
	v2 =	vadd.s32 v30, v2  }
0x167: {  	v22 =	vld [tilespmem:s17+$0x10380];
	v57 =	vand.u32 $0x7FFFFFFF, v49;
	vm9 =	vne.s32 v4, $0x0;
	v2 =	vadd.s32 v32, v2  }
0x168: {  	v23 =	vld [tilespmem:s17+$0x10800];
	v4 =	vand.u32 $0x7FFFFFFF, v33;
	v2 =	vadd.s32 v34, v2;
	v3 =	vand.u32 $0x7FFFFFFF, v3  }
0x169: {  	v37 =	vsel vm12, $0x1, v0;
	vm12 =	vne.s32 v3, $0x0;
	v3 =	vand.u32 $0x7FFFFFFF, v53  }
0x16a: {  	v46 =	vld [tilespmem:s17+$0xF900];
	v38 =	vsel vm13, $0x1, v0;
	vm13 =	vne.s32 v3, $0x0;
	v3 =	vand.u32 $0x7FFFFFFF, v55  }
0x16b: {  	v2 =	vadd.s32 v37, v2;
	v39 =	vsel vm14, $0x1, v0;
	vm14 =	vne.s32 v3, $0x0;
	v3 =	vld [tilespmem:s17+$0xE980]  }
0x16c: {  	v15 =	vand.u32 $0x7FFFFFFF, v61;
	v18 =	vand.u32 $0x7FFFFFFF, v62;
	v14 =	vld [tilespmem:s17+$0xEA00];
	v2 =	vadd.s32 v38, v2  }
0x16d: {  	v28 =	vand.u32 $0x7FFFFFFF, v22;
	v31 =	vand.u32 $0x7FFFFFFF, v23;
	v16 =	vld [tilespmem:s17+$0xEA80];
	v2 =	vadd.s32 v39, v2  }
0x16e: {  	v17 =	vsel vm15, $0x1, v0;
	vm15 =	vne.s32 v4, $0x0;
	v2 =	vadd.s32 v43, v2  }
0x16f: {  	v35 =	vld [tilespmem:s17+$0x10A80];
	v4 =	vand.u32 $0x7FFFFFFF, v46;
	v19 =	vsel vm4, $0x1, v0;
	v2 =	vadd.s32 v45, v2  }
0x170: {  	v36 =	vld [tilespmem:s17+$0x10B00];
	vm4 =	vne.s32 v41, $0x0;
	v2 =	vadd.s32 v47, v2;
	v3 =	vand.u32 $0x7FFFFFFF, v3  }
0x171: {  	v50 =	vsel vm6, $0x1, v0;
	vm6 =	vne.s32 v3, $0x0;
	v3 =	vand.u32 $0x7FFFFFFF, v14  }
0x172: {  	v59 =	vld [tilespmem:s17+$0x10000];
	v51 =	vsel vm7, $0x1, v0;
	vm7 =	vne.s32 v3, $0x0;
	v3 =	vand.u32 $0x7FFFFFFF, v16  }
0x173: {  	v2 =	vadd.s32 v50, v2;
	v52 =	vsel vm8, $0x1, v0;
	vm8 =	vne.s32 v3, $0x0;
	v3 =	vld [tilespmem:s17+$0xF080]  }
0x174: {  	v41 =	vand.u32 $0x7FFFFFFF, v35;
	v21 =	vsel vm5, $0x1, v0;
	v27 =	vld [tilespmem:s17+$0xF100];
	v2 =	vadd.s32 v51, v2  }
0x175: {  	vm5 =	vne.s32 v44, $0x0;
	v44 =	vand.u32 $0x7FFFFFFF, v36;
	v29 =	vld [tilespmem:s17+$0xF180];
	v2 =	vadd.s32 v52, v2  }
0x176: {  	v30 =	vsel vm9, $0x1, v0;
	vm9 =	vne.s32 v4, $0x0;
	v2 =	vadd.s32 v56, v2  }
0x177: {  	v48 =	vld [tilespmem:s17+$0x11180];
	v4 =	vand.u32 $0x7FFFFFFF, v59;
	v32 =	vsel vm10, $0x1, v0;
	v2 =	vadd.s32 v58, v2  }
0x178: {  	v49 =	vld [tilespmem:s17+$0x11200];
	vm10 =	vne.s32 v54, $0x0;
	v2 =	vadd.s32 v60, v2;
	v3 =	vand.u32 $0x7FFFFFFF, v3  }
0x179: {  	v63 =	vsel vm12, $0x1, v0;
	vm12 =	vne.s32 v3, $0x0;
	v3 =	vand.u32 $0x7FFFFFFF, v27  }
0x17a: {  	v20 =	vld [tilespmem:s17+$0x10300];
	v12 =	vsel vm13, $0x1, v0;
	vm13 =	vne.s32 v3, $0x0;
	v3 =	vand.u32 $0x7FFFFFFF, v29  }
0x17b: {  	v2 =	vadd.s32 v63, v2;
	v13 =	vsel vm14, $0x1, v0;
	vm14 =	vne.s32 v3, $0x0;
	v3 =	vld [tilespmem:s17+$0xF380]  }
0x17c: {  	v54 =	vand.u32 $0x7FFFFFFF, v48;
	v34 =	vsel vm11, $0x1, v0;
	v40 =	vld [tilespmem:s17+$0xF800];
	v2 =	vadd.s32 v12, v2  }
0x17d: {  	vm11 =	vne.s32 v57, $0x0;
	v57 =	vand.u32 $0x7FFFFFFF, v49;
	v42 =	vld [tilespmem:s17+$0xF880];
	v2 =	vadd.s32 v13, v2  }
0x17e: {  	v43 =	vsel vm15, $0x1, v0;
	vm15 =	vne.s32 v4, $0x0;
	v2 =	vadd.s32 v17, v2  }
0x17f: {  	v61 =	vld [tilespmem:s17+$0x11880];
	v4 =	vand.u32 $0x7FFFFFFF, v20;
	v45 =	vsel vm4, $0x1, v0;
	v2 =	vadd.s32 v19, v2  }
0x180: {  	v62 =	vld [tilespmem:s17+$0x11900];
	vm4 =	vne.s32 v15, $0x0;
	v2 =	vadd.s32 v21, v2;
	v3 =	vand.u32 $0x7FFFFFFF, v3  }
0x181: {  	v24 =	vsel vm6, $0x1, v0;
	vm6 =	vne.s32 v3, $0x0;
	v3 =	vand.u32 $0x7FFFFFFF, v40  }
0x182: {  	v33 =	vld [tilespmem:s17+$0x10A00];
	v25 =	vsel vm7, $0x1, v0;
	vm7 =	vne.s32 v3, $0x0;
	v3 =	vand.u32 $0x7FFFFFFF, v42  }
0x183: {  	v2 =	vadd.s32 v24, v2;
	v26 =	vsel vm8, $0x1, v0;
	vm8 =	vne.s32 v3, $0x0;
	v3 =	vld [tilespmem:s17+$0xFA80]  }
0x184: {  	v15 =	vand.u32 $0x7FFFFFFF, v61;
	v47 =	vsel vm5, $0x1, v0;
	v53 =	vld [tilespmem:s17+$0xFB00];
	v2 =	vadd.s32 v25, v2  }
0x185: {  	vm5 =	vne.s32 v18, $0x0;
	v18 =	vand.u32 $0x7FFFFFFF, v62;
	v55 =	vld [tilespmem:s17+$0xFB80];
	v2 =	vadd.s32 v26, v2  }
0x186: {  	v56 =	vsel vm9, $0x1, v0;
	vm9 =	vne.s32 v4, $0x0;
	v2 =	vadd.s32 v30, v2  }
0x187: {  	v22 =	vld [tilespmem:s17+$0x11B80];
	v4 =	vand.u32 $0x7FFFFFFF, v33;
	v58 =	vsel vm10, $0x1, v0;
	v2 =	vadd.s32 v32, v2  }
0x188: {  	v23 =	vld [tilespmem:s17+$0x12000];
	vm10 =	vne.s32 v28, $0x0;
	v2 =	vadd.s32 v34, v2;
	v3 =	vand.u32 $0x7FFFFFFF, v3  }
0x189: {  	v37 =	vsel vm12, $0x1, v0;
	vm12 =	vne.s32 v3, $0x0;
	v3 =	vand.u32 $0x7FFFFFFF, v53  }
0x18a: {  	v46 =	vld [tilespmem:s17+$0x11100];
	v38 =	vsel vm13, $0x1, v0;
	vm13 =	vne.s32 v3, $0x0;
	v3 =	vand.u32 $0x7FFFFFFF, v55  }
0x18b: {  	v2 =	vadd.s32 v37, v2;
	v39 =	vsel vm14, $0x1, v0;
	vm14 =	vne.s32 v3, $0x0;
	v3 =	vld [tilespmem:s17+$0x10180]  }
0x18c: {  	v28 =	vand.u32 $0x7FFFFFFF, v22;
	v60 =	vsel vm11, $0x1, v0;
	v14 =	vld [tilespmem:s17+$0x10200];
	v2 =	vadd.s32 v38, v2  }
0x18d: {  	vm11 =	vne.s32 v31, $0x0;
	v31 =	vand.u32 $0x7FFFFFFF, v23;
	v16 =	vld [tilespmem:s17+$0x10280];
	v2 =	vadd.s32 v39, v2  }
0x18e: {  	v17 =	vsel vm15, $0x1, v0;
	vm15 =	vne.s32 v4, $0x0;
	v2 =	vadd.s32 v43, v2  }
0x18f: {  	v35 =	vld [tilespmem:s17+$0x12280];
	v4 =	vand.u32 $0x7FFFFFFF, v46;
	v19 =	vsel vm4, $0x1, v0;
	v2 =	vadd.s32 v45, v2  }
0x190: {  	v36 =	vld [tilespmem:s17+$0x12300];
	vm4 =	vne.s32 v41, $0x0;
	v2 =	vadd.s32 v47, v2;
	v3 =	vand.u32 $0x7FFFFFFF, v3  }
0x191: {  	v50 =	vsel vm6, $0x1, v0;
	vm6 =	vne.s32 v3, $0x0;
	v3 =	vand.u32 $0x7FFFFFFF, v14  }
0x192: {  	v59 =	vld [tilespmem:s17+$0x11800];
	v51 =	vsel vm7, $0x1, v0;
	vm7 =	vne.s32 v3, $0x0;
	v3 =	vand.u32 $0x7FFFFFFF, v16  }
0x193: {  	v2 =	vadd.s32 v50, v2;
	v52 =	vsel vm8, $0x1, v0;
	vm8 =	vne.s32 v3, $0x0;
	v3 =	vld [tilespmem:s17+$0x10880]  }
0x194: {  	v41 =	vand.u32 $0x7FFFFFFF, v35;
	v21 =	vsel vm5, $0x1, v0;
	v27 =	vld [tilespmem:s17+$0x10900];
	v2 =	vadd.s32 v51, v2  }
0x195: {  	vm5 =	vne.s32 v44, $0x0;
	v44 =	vand.u32 $0x7FFFFFFF, v36;
	v29 =	vld [tilespmem:s17+$0x10980];
	v2 =	vadd.s32 v52, v2  }
0x196: {  	v30 =	vsel vm9, $0x1, v0;
	vm9 =	vne.s32 v4, $0x0;
	v2 =	vadd.s32 v56, v2  }
0x197: {  	v48 =	vld [tilespmem:s17+$0x12980];
	v4 =	vand.u32 $0x7FFFFFFF, v59;
	v32 =	vsel vm10, $0x1, v0;
	v2 =	vadd.s32 v58, v2  }
0x198: {  	v49 =	vld [tilespmem:s17+$0x12A00];
	vm10 =	vne.s32 v54, $0x0;
	v2 =	vadd.s32 v60, v2;
	v3 =	vand.u32 $0x7FFFFFFF, v3  }
0x199: {  	v63 =	vsel vm12, $0x1, v0;
	vm12 =	vne.s32 v3, $0x0;
	v3 =	vand.u32 $0x7FFFFFFF, v27  }
0x19a: {  	v20 =	vld [tilespmem:s17+$0x11B00];
	v12 =	vsel vm13, $0x1, v0;
	vm13 =	vne.s32 v3, $0x0;
	v3 =	vand.u32 $0x7FFFFFFF, v29  }
0x19b: {  	v2 =	vadd.s32 v63, v2;
	v13 =	vsel vm14, $0x1, v0;
	vm14 =	vne.s32 v3, $0x0;
	v3 =	vld [tilespmem:s17+$0x10B80]  }
0x19c: {  	v54 =	vand.u32 $0x7FFFFFFF, v48;
	v34 =	vsel vm11, $0x1, v0;
	v40 =	vld [tilespmem:s17+$0x11000];
	v2 =	vadd.s32 v12, v2  }
0x19d: {  	vm11 =	vne.s32 v57, $0x0;
	v57 =	vand.u32 $0x7FFFFFFF, v49;
	v42 =	vld [tilespmem:s17+$0x11080];
	v2 =	vadd.s32 v13, v2  }
0x19e: {  	v43 =	vsel vm15, $0x1, v0;
	vm15 =	vne.s32 v4, $0x0;
	v2 =	vadd.s32 v17, v2  }
0x19f: {  	v61 =	vld [tilespmem:s17+$0x13080];
	v4 =	vand.u32 $0x7FFFFFFF, v20;
	v45 =	vsel vm4, $0x1, v0;
	v2 =	vadd.s32 v19, v2  }
0x1a0: {  	v62 =	vld [tilespmem:s17+$0x13100];
	vm4 =	vne.s32 v15, $0x0;
	v2 =	vadd.s32 v21, v2;
	v3 =	vand.u32 $0x7FFFFFFF, v3  }
0x1a1: {  	v24 =	vsel vm6, $0x1, v0;
	vm6 =	vne.s32 v3, $0x0;
	v3 =	vand.u32 $0x7FFFFFFF, v40  }
0x1a2: {  	v33 =	vld [tilespmem:s17+$0x12200];
	v25 =	vsel vm7, $0x1, v0;
	vm7 =	vne.s32 v3, $0x0;
	v3 =	vand.u32 $0x7FFFFFFF, v42  }
0x1a3: {  	v2 =	vadd.s32 v24, v2;
	v26 =	vsel vm8, $0x1, v0;
	vm8 =	vne.s32 v3, $0x0;
	v3 =	vld [tilespmem:s17+$0x11280]  }
0x1a4: {  	v15 =	vand.u32 $0x7FFFFFFF, v61;
	v47 =	vsel vm5, $0x1, v0;
	v53 =	vld [tilespmem:s17+$0x11300];
	v2 =	vadd.s32 v25, v2  }
0x1a5: {  	vm5 =	vne.s32 v18, $0x0;
	v18 =	vand.u32 $0x7FFFFFFF, v62;
	v55 =	vld [tilespmem:s17+$0x11380];
	v2 =	vadd.s32 v26, v2  }
0x1a6: {  	v56 =	vsel vm9, $0x1, v0;
	vm9 =	vne.s32 v4, $0x0;
	v2 =	vadd.s32 v30, v2  }
0x1a7: {  	v22 =	vld [tilespmem:s17+$0x13380];
	v4 =	vand.u32 $0x7FFFFFFF, v33;
	v58 =	vsel vm10, $0x1, v0;
	v2 =	vadd.s32 v32, v2  }
0x1a8: {  	v23 =	vld [tilespmem:s17+$0x13800];
	vm10 =	vne.s32 v28, $0x0;
	v2 =	vadd.s32 v34, v2;
	v3 =	vand.u32 $0x7FFFFFFF, v3  }
0x1a9: {  	v37 =	vsel vm12, $0x1, v0;
	vm12 =	vne.s32 v3, $0x0;
	v3 =	vand.u32 $0x7FFFFFFF, v53  }
0x1aa: {  	v46 =	vld [tilespmem:s17+$0x12900];
	v38 =	vsel vm13, $0x1, v0;
	vm13 =	vne.s32 v3, $0x0;
	v3 =	vand.u32 $0x7FFFFFFF, v55  }
0x1ab: {  	v2 =	vadd.s32 v37, v2;
	v39 =	vsel vm14, $0x1, v0;
	vm14 =	vne.s32 v3, $0x0;
	v3 =	vld [tilespmem:s17+$0x11980]  }
0x1ac: {  	v28 =	vand.u32 $0x7FFFFFFF, v22;
	v60 =	vsel vm11, $0x1, v0;
	v14 =	vld [tilespmem:s17+$0x11A00];
	v2 =	vadd.s32 v38, v2  }
0x1ad: {  	vm11 =	vne.s32 v31, $0x0;
	v31 =	vand.u32 $0x7FFFFFFF, v23;
	v16 =	vld [tilespmem:s17+$0x11A80];
	v2 =	vadd.s32 v39, v2  }
0x1ae: {  	v17 =	vsel vm15, $0x1, v0;
	vm15 =	vne.s32 v4, $0x0;
	v2 =	vadd.s32 v43, v2  }
0x1af: {  	v35 =	vld [tilespmem:s17+$0x13A80];
	v4 =	vand.u32 $0x7FFFFFFF, v46;
	v19 =	vsel vm4, $0x1, v0;
	v2 =	vadd.s32 v45, v2  }
0x1b0: {  	v36 =	vld [tilespmem:s17+$0x13B00];
	vm4 =	vne.s32 v41, $0x0;
	v2 =	vadd.s32 v47, v2;
	v3 =	vand.u32 $0x7FFFFFFF, v3  }
0x1b1: {  	v50 =	vsel vm6, $0x1, v0;
	vm6 =	vne.s32 v3, $0x0;
	v3 =	vand.u32 $0x7FFFFFFF, v14  }
0x1b2: {  	v59 =	vld [tilespmem:s17+$0x13000];
	v51 =	vsel vm7, $0x1, v0;
	vm7 =	vne.s32 v3, $0x0;
	v3 =	vand.u32 $0x7FFFFFFF, v16  }
0x1b3: {  	v2 =	vadd.s32 v50, v2;
	v52 =	vsel vm8, $0x1, v0;
	vm8 =	vne.s32 v3, $0x0;
	v3 =	vld [tilespmem:s17+$0x12080]  }
0x1b4: {  	v41 =	vand.u32 $0x7FFFFFFF, v35;
	v21 =	vsel vm5, $0x1, v0;
	v27 =	vld [tilespmem:s17+$0x12100];
	v2 =	vadd.s32 v51, v2  }
0x1b5: {  	vm5 =	vne.s32 v44, $0x0;
	v44 =	vand.u32 $0x7FFFFFFF, v36;
	v29 =	vld [tilespmem:s17+$0x12180];
	v2 =	vadd.s32 v52, v2  }
0x1b6: {  	v30 =	vsel vm9, $0x1, v0;
	vm9 =	vne.s32 v4, $0x0;
	v2 =	vadd.s32 v56, v2  }
0x1b7: {  	v48 =	vld [tilespmem:s17+$0x14180];
	v4 =	vand.u32 $0x7FFFFFFF, v59;
	v32 =	vsel vm10, $0x1, v0;
	v2 =	vadd.s32 v58, v2  }
0x1b8: {  	v49 =	vld [tilespmem:s17+$0x14200];
	vm10 =	vne.s32 v54, $0x0;
	v2 =	vadd.s32 v60, v2;
	v3 =	vand.u32 $0x7FFFFFFF, v3  }
0x1b9: {  	v63 =	vsel vm12, $0x1, v0;
	vm12 =	vne.s32 v3, $0x0;
	v3 =	vand.u32 $0x7FFFFFFF, v27  }
0x1ba: {  	v20 =	vld [tilespmem:s17+$0x13300];
	v12 =	vsel vm13, $0x1, v0;
	vm13 =	vne.s32 v3, $0x0;
	v3 =	vand.u32 $0x7FFFFFFF, v29  }
0x1bb: {  	v2 =	vadd.s32 v63, v2;
	v13 =	vsel vm14, $0x1, v0;
	vm14 =	vne.s32 v3, $0x0;
	v3 =	vld [tilespmem:s17+$0x12380]  }
0x1bc: {  	v54 =	vand.u32 $0x7FFFFFFF, v48;
	v34 =	vsel vm11, $0x1, v0;
	v40 =	vld [tilespmem:s17+$0x12800];
	v2 =	vadd.s32 v12, v2  }
0x1bd: {  	vm11 =	vne.s32 v57, $0x0;
	v57 =	vand.u32 $0x7FFFFFFF, v49;
	v42 =	vld [tilespmem:s17+$0x12880];
	v2 =	vadd.s32 v13, v2  }
0x1be: {  	v43 =	vsel vm15, $0x1, v0;
	vm15 =	vne.s32 v4, $0x0;
	v2 =	vadd.s32 v17, v2  }
0x1bf: {  	v61 =	vld [tilespmem:s17+$0x14880];
	v4 =	vand.u32 $0x7FFFFFFF, v20;
	v45 =	vsel vm4, $0x1, v0;
	v2 =	vadd.s32 v19, v2  }
0x1c0: {  	v62 =	vld [tilespmem:s17+$0x14900];
	vm4 =	vne.s32 v15, $0x0;
	v2 =	vadd.s32 v21, v2;
	v3 =	vand.u32 $0x7FFFFFFF, v3  }
0x1c1: {  	v24 =	vsel vm6, $0x1, v0;
	vm6 =	vne.s32 v3, $0x0;
	v3 =	vand.u32 $0x7FFFFFFF, v40  }
0x1c2: {  	v33 =	vld [tilespmem:s17+$0x13A00];
	v25 =	vsel vm7, $0x1, v0;
	vm7 =	vne.s32 v3, $0x0;
	v3 =	vand.u32 $0x7FFFFFFF, v42  }
0x1c3: {  	v2 =	vadd.s32 v24, v2;
	v26 =	vsel vm8, $0x1, v0;
	vm8 =	vne.s32 v3, $0x0;
	v3 =	vld [tilespmem:s17+$0x12A80]  }
0x1c4: {  	v15 =	vand.u32 $0x7FFFFFFF, v61;
	v47 =	vsel vm5, $0x1, v0;
	v53 =	vld [tilespmem:s17+$0x12B00];
	v2 =	vadd.s32 v25, v2  }
0x1c5: {  	vm5 =	vne.s32 v18, $0x0;
	v18 =	vand.u32 $0x7FFFFFFF, v62;
	v55 =	vld [tilespmem:s17+$0x12B80];
	v2 =	vadd.s32 v26, v2  }
0x1c6: {  	v56 =	vsel vm9, $0x1, v0;
	vm9 =	vne.s32 v4, $0x0;
	v2 =	vadd.s32 v30, v2  }
0x1c7: {  	v22 =	vld [tilespmem:s17+$0x14B80];
	v4 =	vand.u32 $0x7FFFFFFF, v33;
	v58 =	vsel vm10, $0x1, v0;
	v2 =	vadd.s32 v32, v2  }
0x1c8: {  	v23 =	vld [tilespmem:s17+$0x15000];
	vm10 =	vne.s32 v28, $0x0;
	v2 =	vadd.s32 v34, v2;
	v3 =	vand.u32 $0x7FFFFFFF, v3  }
0x1c9: {  	v37 =	vsel vm12, $0x1, v0;
	vm12 =	vne.s32 v3, $0x0;
	v3 =	vand.u32 $0x7FFFFFFF, v53  }
0x1ca: {  	v46 =	vld [tilespmem:s17+$0x14100];
	v38 =	vsel vm13, $0x1, v0;
	vm13 =	vne.s32 v3, $0x0;
	v3 =	vand.u32 $0x7FFFFFFF, v55  }
0x1cb: {  	v2 =	vadd.s32 v37, v2;
	v39 =	vsel vm14, $0x1, v0;
	vm14 =	vne.s32 v3, $0x0;
	v3 =	vld [tilespmem:s17+$0x13180]  }
0x1cc: {  	v28 =	vand.u32 $0x7FFFFFFF, v22;
	v60 =	vsel vm11, $0x1, v0;
	v14 =	vld [tilespmem:s17+$0x13200];
	v2 =	vadd.s32 v38, v2  }
0x1cd: {  	vm11 =	vne.s32 v31, $0x0;
	v31 =	vand.u32 $0x7FFFFFFF, v23;
	v16 =	vld [tilespmem:s17+$0x13280];
	v2 =	vadd.s32 v39, v2  }
0x1ce: {  	v17 =	vsel vm15, $0x1, v0;
	vm15 =	vne.s32 v4, $0x0;
	v2 =	vadd.s32 v43, v2  }
0x1cf: {  	v35 =	vld [tilespmem:s17+$0x15280];
	v4 =	vand.u32 $0x7FFFFFFF, v46;
	v19 =	vsel vm4, $0x1, v0;
	v2 =	vadd.s32 v45, v2  }
0x1d0: {  	v36 =	vld [tilespmem:s17+$0x15300];
	vm4 =	vne.s32 v41, $0x0;
	v2 =	vadd.s32 v47, v2;
	v3 =	vand.u32 $0x7FFFFFFF, v3  }
0x1d1: {  	v50 =	vsel vm6, $0x1, v0;
	vm6 =	vne.s32 v3, $0x0;
	v3 =	vand.u32 $0x7FFFFFFF, v14  }
0x1d2: {  	v59 =	vld [tilespmem:s17+$0x14800];
	v51 =	vsel vm7, $0x1, v0;
	vm7 =	vne.s32 v3, $0x0;
	v3 =	vand.u32 $0x7FFFFFFF, v16  }
0x1d3: {  	v2 =	vadd.s32 v50, v2;
	v52 =	vsel vm8, $0x1, v0;
	vm8 =	vne.s32 v3, $0x0;
	v3 =	vld [tilespmem:s17+$0x13880]  }
0x1d4: {  	v41 =	vand.u32 $0x7FFFFFFF, v35;
	v21 =	vsel vm5, $0x1, v0;
	v27 =	vld [tilespmem:s17+$0x13900];
	v2 =	vadd.s32 v51, v2  }
0x1d5: {  	vm5 =	vne.s32 v44, $0x0;
	v44 =	vand.u32 $0x7FFFFFFF, v36;
	v29 =	vld [tilespmem:s17+$0x13980];
	v2 =	vadd.s32 v52, v2  }
0x1d6: {  	v30 =	vsel vm9, $0x1, v0;
	vm9 =	vne.s32 v4, $0x0;
	v2 =	vadd.s32 v56, v2  }
0x1d7: {  	v48 =	vld [tilespmem:s17+$0x15980];
	v4 =	vand.u32 $0x7FFFFFFF, v59;
	v32 =	vsel vm10, $0x1, v0;
	v2 =	vadd.s32 v58, v2  }
0x1d8: {  	v49 =	vld [tilespmem:s17+$0x15A00];
	vm10 =	vne.s32 v54, $0x0;
	v2 =	vadd.s32 v60, v2;
	v3 =	vand.u32 $0x7FFFFFFF, v3  }
0x1d9: {  	v63 =	vsel vm12, $0x1, v0;
	vm12 =	vne.s32 v3, $0x0;
	v3 =	vand.u32 $0x7FFFFFFF, v27  }
0x1da: {  	v20 =	vld [tilespmem:s17+$0x14B00];
	v12 =	vsel vm13, $0x1, v0;
	vm13 =	vne.s32 v3, $0x0;
	v3 =	vand.u32 $0x7FFFFFFF, v29  }
0x1db: {  	v2 =	vadd.s32 v63, v2;
	v13 =	vsel vm14, $0x1, v0;
	vm14 =	vne.s32 v3, $0x0;
	v3 =	vld [tilespmem:s17+$0x13B80]  }
0x1dc: {  	v54 =	vand.u32 $0x7FFFFFFF, v48;
	v34 =	vsel vm11, $0x1, v0;
	v40 =	vld [tilespmem:s17+$0x14000];
	v2 =	vadd.s32 v12, v2  }
0x1dd: {  	vm11 =	vne.s32 v57, $0x0;
	v57 =	vand.u32 $0x7FFFFFFF, v49;
	v42 =	vld [tilespmem:s17+$0x14080];
	v2 =	vadd.s32 v13, v2  }
0x1de: {  	v43 =	vsel vm15, $0x1, v0;
	vm15 =	vne.s32 v4, $0x0;
	v2 =	vadd.s32 v17, v2  }
0x1df: {  	v61 =	vld [tilespmem:s17+$0x16080];
	v4 =	vand.u32 $0x7FFFFFFF, v20;
	v45 =	vsel vm4, $0x1, v0;
	v2 =	vadd.s32 v19, v2  }
0x1e0: {  	v62 =	vld [tilespmem:s17+$0x16100];
	vm4 =	vne.s32 v15, $0x0;
	v2 =	vadd.s32 v21, v2;
	v3 =	vand.u32 $0x7FFFFFFF, v3  }
0x1e1: {  	v24 =	vsel vm6, $0x1, v0;
	vm6 =	vne.s32 v3, $0x0;
	v3 =	vand.u32 $0x7FFFFFFF, v40  }
0x1e2: {  	v33 =	vld [tilespmem:s17+$0x15200];
	v25 =	vsel vm7, $0x1, v0;
	vm7 =	vne.s32 v3, $0x0;
	v3 =	vand.u32 $0x7FFFFFFF, v42  }
0x1e3: {  	v2 =	vadd.s32 v24, v2;
	v26 =	vsel vm8, $0x1, v0;
	vm8 =	vne.s32 v3, $0x0;
	v3 =	vld [tilespmem:s17+$0x14280]  }
0x1e4: {  	v15 =	vand.u32 $0x7FFFFFFF, v61;
	v47 =	vsel vm5, $0x1, v0;
	v53 =	vld [tilespmem:s17+$0x14300];
	v2 =	vadd.s32 v25, v2  }
0x1e5: {  	vm5 =	vne.s32 v18, $0x0;
	v18 =	vand.u32 $0x7FFFFFFF, v62;
	v55 =	vld [tilespmem:s17+$0x14380];
	v2 =	vadd.s32 v26, v2  }
0x1e6: {  	v56 =	vsel vm9, $0x1, v0;
	vm9 =	vne.s32 v4, $0x0;
	v2 =	vadd.s32 v30, v2  }
0x1e7: {  	v22 =	vld [tilespmem:s17+$0x16380];
	v4 =	vand.u32 $0x7FFFFFFF, v33;
	v58 =	vsel vm10, $0x1, v0;
	v2 =	vadd.s32 v32, v2  }
0x1e8: {  	v23 =	vld [tilespmem:s17+$0x16800];
	vm10 =	vne.s32 v28, $0x0;
	v2 =	vadd.s32 v34, v2;
	v3 =	vand.u32 $0x7FFFFFFF, v3  }
0x1e9: {  	v37 =	vsel vm12, $0x1, v0;
	vm12 =	vne.s32 v3, $0x0;
	v3 =	vand.u32 $0x7FFFFFFF, v53  }
0x1ea: {  	v46 =	vld [tilespmem:s17+$0x15900];
	v38 =	vsel vm13, $0x1, v0;
	vm13 =	vne.s32 v3, $0x0;
	v3 =	vand.u32 $0x7FFFFFFF, v55  }
0x1eb: {  	v2 =	vadd.s32 v37, v2;
	v39 =	vsel vm14, $0x1, v0;
	vm14 =	vne.s32 v3, $0x0;
	v3 =	vld [tilespmem:s17+$0x14980]  }
0x1ec: {  	v28 =	vand.u32 $0x7FFFFFFF, v22;
	v60 =	vsel vm11, $0x1, v0;
	v14 =	vld [tilespmem:s17+$0x14A00];
	v2 =	vadd.s32 v38, v2  }
0x1ed: {  	vm11 =	vne.s32 v31, $0x0;
	v31 =	vand.u32 $0x7FFFFFFF, v23;
	v16 =	vld [tilespmem:s17+$0x14A80];
	v2 =	vadd.s32 v39, v2  }
0x1ee: {  	v17 =	vsel vm15, $0x1, v0;
	vm15 =	vne.s32 v4, $0x0;
	v2 =	vadd.s32 v43, v2  }
0x1ef: {  	v35 =	vld [tilespmem:s17+$0x16A80];
	v4 =	vand.u32 $0x7FFFFFFF, v46;
	v19 =	vsel vm4, $0x1, v0;
	v2 =	vadd.s32 v45, v2  }
0x1f0: {  	v36 =	vld [tilespmem:s17+$0x16B00];
	vm4 =	vne.s32 v41, $0x0;
	v2 =	vadd.s32 v47, v2;
	v3 =	vand.u32 $0x7FFFFFFF, v3  }
0x1f1: {  	v50 =	vsel vm6, $0x1, v0;
	vm6 =	vne.s32 v3, $0x0;
	v3 =	vand.u32 $0x7FFFFFFF, v14  }
0x1f2: {  	v49 =	vld [tilespmem:s17+$0x17200];
	v51 =	vsel vm7, $0x1, v0;
	vm7 =	vne.s32 v3, $0x0;
	v3 =	vand.u32 $0x7FFFFFFF, v16  }
0x1f3: {  	v2 =	vadd.s32 v50, v2;
	v52 =	vsel vm8, $0x1, v0;
	vm8 =	vne.s32 v3, $0x0;
	v3 =	vld [tilespmem:s17+$0x15080]  }
0x1f4: {  	v41 =	vand.u32 $0x7FFFFFFF, v35;
	v21 =	vsel vm5, $0x1, v0;
	v27 =	vld [tilespmem:s17+$0x15100];
	v2 =	vadd.s32 v51, v2  }
0x1f5: {  	vm5 =	vne.s32 v44, $0x0;
	v44 =	vand.u32 $0x7FFFFFFF, v36;
	v29 =	vld [tilespmem:s17+$0x15180];
	v2 =	vadd.s32 v52, v2  }
0x1f6: {  	v30 =	vsel vm9, $0x1, v0;
	vm9 =	vne.s32 v4, $0x0;
	v2 =	vadd.s32 v56, v2  }
0x1f7: {  	v59 =	vld [tilespmem:s17+$0x16000];
	v34 =	vsel vm11, $0x1, v0;
	vm11 =	vne.s32 v57, $0x0;
	v2 =	vadd.s32 v58, v2  }
0x1f8: {  	v48 =	vld [tilespmem:s17+$0x17180];
	v57 =	vand.u32 $0x7FFFFFFF, v49;
	v2 =	vadd.s32 v60, v2;
	v3 =	vand.u32 $0x7FFFFFFF, v3  }
0x1f9: {  	v49 =	vld [tilespmem:s17+$0x18A00];
	v63 =	vsel vm12, $0x1, v0;
	vm12 =	vne.s32 v3, $0x0;
	v3 =	vand.u32 $0x7FFFFFFF, v27  }
0x1fa: {  	v20 =	vld [tilespmem:s17+$0x16300];
	v12 =	vsel vm13, $0x1, v0;
	vm13 =	vne.s32 v3, $0x0;
	v3 =	vand.u32 $0x7FFFFFFF, v29  }
0x1fb: {  	v2 =	vadd.s32 v63, v2;
	v13 =	vsel vm14, $0x1, v0;
	vm14 =	vne.s32 v3, $0x0;
	v3 =	vld [tilespmem:s17+$0x15380]  }
0x1fc: {  	v4 =	vand.u32 $0x7FFFFFFF, v59;
	v32 =	vsel vm10, $0x1, v0;
	v40 =	vld [tilespmem:s17+$0x15800];
	v2 =	vadd.s32 v12, v2  }
0x1fd: {  	vm10 =	vne.s32 v54, $0x0;
	v54 =	vand.u32 $0x7FFFFFFF, v48;
	v42 =	vld [tilespmem:s17+$0x15880];
	v2 =	vadd.s32 v13, v2  }
0x1fe: {  	v5 =	vand.u32 $0x7FFFFFFF, v49;
	v43 =	vsel vm15, $0x1, v0;
	v2 =	vadd.s32 v17, v2  }
0x1ff: {  	v61 =	vld [tilespmem:s17+$0x17880];
	vm15 =	vne.s32 v4, $0x0;
	v4 =	vand.u32 $0x7FFFFFFF, v20;
	v2 =	vadd.s32 v19, v2  }
0x200: {  	v45 =	vsel vm4, $0x1, v0;
	v2 =	vadd.s32 v21, v2;
	v3 =	vand.u32 $0x7FFFFFFF, v3  }
0x201: {  	v62 =	vld [tilespmem:s17+$0x17900];
	v24 =	vsel vm6, $0x1, v0;
	vm6 =	vne.s32 v3, $0x0;
	v3 =	vand.u32 $0x7FFFFFFF, v40  }
0x202: {  	v33 =	vld [tilespmem:s17+$0x16A00];
	v25 =	vsel vm7, $0x1, v0;
	vm7 =	vne.s32 v3, $0x0;
	v3 =	vand.u32 $0x7FFFFFFF, v42  }
0x203: {  	v2 =	vadd.s32 v24, v2;
	v26 =	vsel vm8, $0x1, v0;
	vm8 =	vne.s32 v3, $0x0;
	v3 =	vld [tilespmem:s17+$0x15A80]  }
0x204: {  	vm4 =	vne.s32 v15, $0x0;
	v15 =	vand.u32 $0x7FFFFFFF, v61;
	v53 =	vld [tilespmem:s17+$0x15B00];
	v2 =	vadd.s32 v25, v2  }
0x205: {  	v47 =	vsel vm5, $0x1, v0;
	vm5 =	vne.s32 v18, $0x0;
	v55 =	vld [tilespmem:s17+$0x15B80];
	v2 =	vadd.s32 v26, v2  }
0x206: {  	v18 =	vand.u32 $0x7FFFFFFF, v62;
	v56 =	vsel vm9, $0x1, v0;
	v2 =	vadd.s32 v30, v2  }
0x207: {  	v22 =	vld [tilespmem:s17+$0x17B80];
	vm9 =	vne.s32 v4, $0x0;
	v4 =	vand.u32 $0x7FFFFFFF, v33;
	v2 =	vadd.s32 v32, v2  }
0x208: {  	v58 =	vsel vm10, $0x1, v0;
	v2 =	vadd.s32 v34, v2;
	v3 =	vand.u32 $0x7FFFFFFF, v3  }
0x209: {  	v23 =	vld [tilespmem:s17+$0x18000];
	v37 =	vsel vm12, $0x1, v0;
	vm12 =	vne.s32 v3, $0x0;
	v3 =	vand.u32 $0x7FFFFFFF, v53  }
0x20a: {  	v46 =	vld [tilespmem:s17+$0x17100];
	v38 =	vsel vm13, $0x1, v0;
	vm13 =	vne.s32 v3, $0x0;
	v3 =	vand.u32 $0x7FFFFFFF, v55  }
0x20b: {  	v2 =	vadd.s32 v37, v2;
	v39 =	vsel vm14, $0x1, v0;
	vm14 =	vne.s32 v3, $0x0;
	v3 =	vld [tilespmem:s17+$0x16180]  }
0x20c: {  	vm10 =	vne.s32 v28, $0x0;
	v28 =	vand.u32 $0x7FFFFFFF, v22;
	v14 =	vld [tilespmem:s17+$0x16200];
	v2 =	vadd.s32 v38, v2  }
0x20d: {  	v60 =	vsel vm11, $0x1, v0;
	vm11 =	vne.s32 v31, $0x0;
	v16 =	vld [tilespmem:s17+$0x16280];
	v2 =	vadd.s32 v39, v2  }
0x20e: {  	v31 =	vand.u32 $0x7FFFFFFF, v23;
	v17 =	vsel vm15, $0x1, v0;
	v2 =	vadd.s32 v43, v2  }
0x20f: {  	vm15 =	vne.s32 v4, $0x0;
	v4 =	vand.u32 $0x7FFFFFFF, v46;
	v2 =	vadd.s32 v45, v2  }
0x210: {  	v35 =	vld [tilespmem:s17+$0x18280];
	v2 =	vadd.s32 v47, v2;
	v50 =	vsel vm6, $0x1, v0;
	v3 =	vand.u32 $0x7FFFFFFF, v3  }
0x211: {  	v36 =	vld [tilespmem:s17+$0x18300];
	v51 =	vsel vm7, $0x1, v0;
	vm6 =	vne.s32 v3, $0x0;
	v3 =	vand.u32 $0x7FFFFFFF, v14  }
0x212: {  	v2 =	vadd.s32 v50, v2;
	vm7 =	vne.s32 v3, $0x0;
	v3 =	vand.u32 $0x7FFFFFFF, v16  }
0x213: {  	v52 =	vsel vm8, $0x1, v0;
	v2 =	vadd.s32 v51, v2;
	vm8 =	vne.s32 v3, $0x0;
	v3 =	vld [tilespmem:s17+$0x16880]  }
0x214: {  	v19 =	vsel vm4, $0x1, v0;
	vm4 =	vne.s32 v41, $0x0;
	v27 =	vld [tilespmem:s17+$0x16900];
	v2 =	vadd.s32 v52, v2  }
0x215: {  	v41 =	vand.u32 $0x7FFFFFFF, v35;
	v21 =	vsel vm5, $0x1, v0;
	v29 =	vld [tilespmem:s17+$0x16980];
	v2 =	vadd.s32 v56, v2  }
0x216: {  	vm5 =	vne.s32 v44, $0x0;
	v44 =	vand.u32 $0x7FFFFFFF, v36;
	v2 =	vadd.s32 v58, v2  }
0x217: {  	v59 =	vld [tilespmem:s17+$0x17800];
	v2 =	vadd.s32 v60, v2;
	v63 =	vsel vm12, $0x1, v0;
	v12 =	vsel vm13, $0x1, v0  }
0x218: {  	v2 =	vadd.s32 v63, v2;
	v13 =	vsel vm14, $0x1, v0;
	v3 =	vand.u32 $0x7FFFFFFF, v3  }
0x219: {  	v2 =	vadd.s32 v12, v2;
	vm12 =	vne.s32 v3, $0x0;
	v3 =	vand.u32 $0x7FFFFFFF, v27  }
0x21a: {  	v48 =	vld [tilespmem:s17+$0x18980];
	v2 =	vadd.s32 v13, v2;
	vm13 =	vne.s32 v3, $0x0;
	v3 =	vand.u32 $0x7FFFFFFF, v29  }
0x21b: {  	v30 =	vsel vm9, $0x1, v0;
	v2 =	vadd.s32 v17, v2;
	vm14 =	vne.s32 v3, $0x0;
	v3 =	vld [tilespmem:s17+$0x16B80]  }
0x21c: {  	vm9 =	vne.s32 v4, $0x0;
	v4 =	vand.u32 $0x7FFFFFFF, v59;
	v40 =	vld [tilespmem:s17+$0x17000];
	v2 =	vadd.s32 v19, v2  }
0x21d: {  	v32 =	vsel vm10, $0x1, v0;
	v42 =	vld [tilespmem:s17+$0x17080];
	v2 =	vadd.s32 v21, v2;
	v24 =	vsel vm6, $0x1, v0  }
0x21e: {  	vm10 =	vne.s32 v54, $0x0;
	v25 =	vsel vm7, $0x1, v0;
	v2 =	vadd.s32 v24, v2  }
0x21f: {  	v54 =	vand.u32 $0x7FFFFFFF, v48;
	v26 =	vsel vm8, $0x1, v0;
	v2 =	vadd.s32 v25, v2  }
0x220: {  	v34 =	vsel vm11, $0x1, v0;
	v2 =	vadd.s32 v26, v2;
	v3 =	vand.u32 $0x7FFFFFFF, v3  }
0x221: {  	v20 =	vld [tilespmem:s17+$0x17B00];
	v2 =	vadd.s32 v30, v2;
	vm6 =	vne.s32 v3, $0x0;
	v3 =	vand.u32 $0x7FFFFFFF, v40  }
0x222: {  	v2 =	vadd.s32 v32, v2;
	vm7 =	vne.s32 v3, $0x0;
	v3 =	vand.u32 $0x7FFFFFFF, v42  }
0x223: {  	v2 =	vadd.s32 v34, v2;
	v37 =	vsel vm12, $0x1, v0;
	vm8 =	vne.s32 v3, $0x0;
	v3 =	vld [tilespmem:s17+$0x17280]  }
0x224: {  	vm11 =	vne.s32 v57, $0x0;
	v53 =	vld [tilespmem:s17+$0x17300];
	v38 =	vsel vm13, $0x1, v0;
	v2 =	vadd.s32 v37, v2  }
0x225: {  	v43 =	vsel vm15, $0x1, v0;
	v55 =	vld [tilespmem:s17+$0x17380];
	v39 =	vsel vm14, $0x1, v0;
	v2 =	vadd.s32 v38, v2  }
0x226: {  	vm15 =	vne.s32 v4, $0x0;
	v4 =	vand.u32 $0x7FFFFFFF, v20;
	v2 =	vadd.s32 v39, v2  }
0x227: {  	v45 =	vsel vm4, $0x1, v0;
	vm4 =	vne.s32 v15, $0x0;
	v2 =	vadd.s32 v43, v2  }
0x228: {  	v47 =	vsel vm5, $0x1, v0;
	v2 =	vadd.s32 v45, v2;
	v3 =	vand.u32 $0x7FFFFFFF, v3  }
0x229: {  	v33 =	vld [tilespmem:s17+$0x18200];
	v2 =	vadd.s32 v47, v2;
	vm12 =	vne.s32 v3, $0x0;
	v3 =	vand.u32 $0x7FFFFFFF, v53  }
0x22a: {  	v50 =	vsel vm6, $0x1, v0;
	vm13 =	vne.s32 v3, $0x0;
	v3 =	vand.u32 $0x7FFFFFFF, v55  }
0x22b: {  	v51 =	vsel vm7, $0x1, v0;
	v2 =	vadd.s32 v50, v2;
	vm14 =	vne.s32 v3, $0x0;
	v3 =	vld [tilespmem:s17+$0x17980]  }
0x22c: {  	vm5 =	vne.s32 v18, $0x0;
	v14 =	vld [tilespmem:s17+$0x17A00];
	v52 =	vsel vm8, $0x1, v0;
	v2 =	vadd.s32 v51, v2  }
0x22d: {  	v56 =	vsel vm9, $0x1, v0;
	vm9 =	vne.s32 v4, $0x0;
	v16 =	vld [tilespmem:s17+$0x17A80];
	v2 =	vadd.s32 v52, v2  }
0x22e: {  	v4 =	vand.u32 $0x7FFFFFFF, v33;
	v58 =	vsel vm10, $0x1, v0;
	v2 =	vadd.s32 v56, v2  }
0x22f: {  	vm10 =	vne.s32 v28, $0x0;
	v60 =	vsel vm11, $0x1, v0;
	v2 =	vadd.s32 v58, v2  }
0x230: {  	v2 =	vadd.s32 v60, v2;
	v63 =	vsel vm12, $0x1, v0;
	v3 =	vand.u32 $0x7FFFFFFF, v3  }
0x231: {  	v12 =	vsel vm13, $0x1, v0;
	vm6 =	vne.s32 v3, $0x0;
	v3 =	vand.u32 $0x7FFFFFFF, v14  }
0x232: {  	v2 =	vadd.s32 v63, v2;
	vm7 =	vne.s32 v3, $0x0;
	v3 =	vand.u32 $0x7FFFFFFF, v16  }
0x233: {  	v13 =	vsel vm14, $0x1, v0;
	v2 =	vadd.s32 v12, v2;
	vm8 =	vne.s32 v3, $0x0;
	v3 =	vld [tilespmem:s17+$0x18080]  }
0x234: {  	vm11 =	vne.s32 v31, $0x0;
	v17 =	vsel vm15, $0x1, v0;
	v27 =	vld [tilespmem:s17+$0x18100];
	v2 =	vadd.s32 v13, v2  }
0x235: {  	vm15 =	vne.s32 v4, $0x0;
	v19 =	vsel vm4, $0x1, v0;
	v29 =	vld [tilespmem:s17+$0x18180];
	v2 =	vadd.s32 v17, v2  }
0x236: {  	v21 =	vsel vm5, $0x1, v0;
	v30 =	vsel vm9, $0x1, v0;
	v2 =	vadd.s32 v19, v2  }
0x237: {  	v2 =	vadd.s32 v21, v2;
	v24 =	vsel vm6, $0x1, v0;
	v25 =	vsel vm7, $0x1, v0  }
0x238: {  	v2 =	vadd.s32 v24, v2;
	v26 =	vsel vm8, $0x1, v0;
	v3 =	vand.u32 $0x7FFFFFFF, v3  }
0x239: {  	v2 =	vadd.s32 v25, v2;
	vm12 =	vne.s32 v3, $0x0;
	v3 =	vand.u32 $0x7FFFFFFF, v27  }
0x23a: {  	v2 =	vadd.s32 v26, v2;
	vm13 =	vne.s32 v3, $0x0;
	v3 =	vand.u32 $0x7FFFFFFF, v29  }
0x23b: {  	v32 =	vsel vm10, $0x1, v0;
	v2 =	vadd.s32 v30, v2;
	vm14 =	vne.s32 v3, $0x0;
	v3 =	vld [tilespmem:s17+$0x18380]  }
0x23c: {  	vm4 =	vne.s32 v41, $0x0;
	v34 =	vsel vm11, $0x1, v0;
	v40 =	vld [tilespmem:s17+$0x18800];
	v2 =	vadd.s32 v32, v2  }
0x23d: {  	vm5 =	vne.s32 v44, $0x0;
	v42 =	vld [tilespmem:s17+$0x18880];
	v2 =	vadd.s32 v34, v2;
	v37 =	vsel vm12, $0x1, v0  }
0x23e: {  	v43 =	vsel vm15, $0x1, v0;
	v38 =	vsel vm13, $0x1, v0;
	v2 =	vadd.s32 v37, v2  }
0x23f: {  	v46 =	vld [tilespmem:s17+$0x18900];
	v45 =	vsel vm4, $0x1, v0;
	v39 =	vsel vm14, $0x1, v0;
	v2 =	vadd.s32 v38, v2  }
0x240: {  	v47 =	vsel vm5, $0x1, v0;
	v2 =	vadd.s32 v39, v2;
	v3 =	vand.u32 $0x7FFFFFFF, v3  }
0x241: {  	v2 =	vadd.s32 v43, v2;
	vm6 =	vne.s32 v3, $0x0;
	v3 =	vand.u32 $0x7FFFFFFF, v40  }
0x242: {  	v2 =	vadd.s32 v45, v2;
	vm7 =	vne.s32 v3, $0x0;
	v3 =	vand.u32 $0x7FFFFFFF, v42  }
0x243: {  	v2 =	vadd.s32 v47, v2;
	v50 =	vsel vm6, $0x1, v0;
	vm8 =	vne.s32 v3, $0x0;
	v3 =	vld [tilespmem:s17+$0x18A80]  }
0x244: {  	v4 =	vand.u32 $0x7FFFFFFF, v46;
	v53 =	vld [tilespmem:s17+$0x18B00];
	v51 =	vsel vm7, $0x1, v0;
	v2 =	vadd.s32 v50, v2  }
0x245: {  	vm9 =	vne.s32 v4, $0x0;
	v55 =	vld [tilespmem:s17+$0x18B80];
	v52 =	vsel vm8, $0x1, v0;
	v2 =	vadd.s32 v51, v2  }
0x246: {  	vm10 =	vne.s32 v54, $0x0;
	v56 =	vsel vm9, $0x1, v0;
	v2 =	vadd.s32 v52, v2  }
0x247: {  	vm11 =	vne.s32 v5, $0x0;
	v57 =	vsel vm10, $0x1, v0;
	v2 =	vadd.s32 v56, v2  }
0x248: {  	v58 =	vsel vm11, $0x1, v0;
	v2 =	vadd.s32 v57, v2;
	v3 =	vand.u32 $0x7FFFFFFF, v3  }
0x249: {  	v2 =	vadd.s32 v58, v2;
	vm12 =	vne.s32 v3, $0x0;
	v3 =	vand.u32 $0x7FFFFFFF, v53  }
0x24a: {  	v59 =	vsel vm12, $0x1, v0;
	vm13 =	vne.s32 v3, $0x0;
	v3 =	vand.u32 $0x7FFFFFFF, v55  }
0x24b: {  	v60 =	vsel vm13, $0x1, v0;
	vm14 =	vne.s32 v3, $0x0;
	v2 =	vadd.s32 v59, v2  }
0x24c: {  	v3 =	vsel vm14, $0x1, v0;
	v2 =	vadd.s32 v60, v2  }
0x24d: {  	v2 =	vadd.s32 v3, v2  }
0x24e: {  	vm15 =	vgt.s32 v2, $0x1  }
0x24f: {  	v3 =	vmov s16;
	v2 =	vnsel vm15, $0x1, v2  }
0x250: {  	v61 =	vor.u32 s16, v1;
	v3 =	vshll.u32 v3, $0x3;
	v2 =	vadd.s32 $0xFFFFFFFF, v2  }
0x251: {  	v4 =	vand.u32 $0x7F, v61;
	v3 =	vand.u32 $0x400, v3;
	v62 =	vshll.u32 v2, $0x8  }
0x252: {  	v3 =	vor.u32 v3, v4;
	v2 =	vshll.u32 v2, $0x7;
	v63 =	vand.u32 $0x7FFFF800, v62  }
0x253: {  	v2 =	vand.u32 $0x380, v2;
	v3 =	vor.u32 v63, v3  }
0x254: {  	v2 =	vor.u32 v2, v3;
	_ =	sdelay $0x4  }
0x255: {  	p0 =	sne.s32 s16, $0xF0;
	v2 =	vld.idx.msk [tilespmem:v2+s9+$0x0], $0xffff  }
.Ltmp1:
0x256: {  	_ = 	snop;
	(pc) =	sbr.rel @p0 .LBB2_4-.Ltmp1, $3  }
0x257: {  	_ =	sdelay $0x1  }
0x258: {  	s31 =	sand.u32 $0xF0, s16  }
0x259: {  	s15 =	sadd.s32 $0x80, s15;
	s16 =	sadd.s32 $0x10, s16;
	[tilespmem:s31+$0x19100] =	vst v2  }
0x25a: {  	s14 =	sadd.s32 $0x1, s14  }
0x25b: {  	p0 =	sne.s32 s14, s6  }
.Ltmp2:
0x25c: {  	_ = 	snop;
	(pc) =	sbr.rel @p0 .LBB2_1-.Ltmp2, $4  }
0x25d: {  	[hbm4b:s5+s2] =	stream.linear.scatter [tilespmem:s12], [sflag:$0x3], $0x200, $0x38;
	[tilespmem:$0x19200] =	vst v63  }
0x25e: {  	_ =	swait.ge [sflag:s13], $0x200  }
0x25f: {  	[sflag:s13] =	ssyncset.done $0x0  }
0x260: {  	[sflag:s13] =	ssyncadd.s32 $0xFFFFFE00  }
0x261: {  	_ =	sfence.sel $0x180000  }
0x262: {  	[bflag:$0x0] =	sbarrier.arrive $0xFFFF  }
0x263: {  	p0 =	sne.s32 s1, $0x0;
	_ =	strace $0x90000047  }
0x264: {  	s0 =	sadd.s32 @!p0 $0x100000, s0;
	[bflag:$0x2] =	sbarrier.arrive $0xFFFF  }
0x265: {  	[sflag:s0] =	ssyncadd.tile.s32 @!p0 $0x1;
	_ =	shalt  }
.Lfunc_end2:
_tile_overlayer_lowered:
.L_overlay_start_2:
0x266: {  	(tag) =	ssettag $0x2  }
0x267: {  	s0 =	rddreg [dreg:$0x0];
	s2 =	stileid.u32  }
0x268: {  	s1 =	rddreg [dreg:$0x1];
	p0 =	sne.s32 s2, $0x0  }
0x269: {  	s3 =	rddreg [dreg:$0x2];
	[bflag:$0x3] =	sbarrier.arrive $0xFFFF;
	s2 =	simm.s32 @!p0 $0x1C03  }
0x26a: {  	[timem:s3], [sflag:s2] =	dma.local @!p0 [hbm:s0], s1  }
0x26b: {  	s0 =	simm.s32 @!p0 $0x3  }
0x26c: {  	_ =	swait.ge @!p0 [sflag:s0], s1  }
0x26d: {  	s1 =	ssub.s32 @!p0 $0x0, s1;
	[sflag:s0] =	ssyncset.done @!p0 $0x0  }
0x26e: {  	[sflag:s0] =	ssyncadd.s32 @!p0 s1  }
0x26f: {  	[bflag:$0x3] =	sbarrier.arrive $0xFFFF  }
0x270: {  	_ =	shalt  }

</sc_bundles>
